<compile_context>
chip_gen: v7x
topology: tpu7x:2x2x1
jax: 0.10.2.dev20260603
libtpu: 0.0.44.dev20260713+nightly
codegen_flags: <defaults>
</compile_context>

<pallas_src>
import functools
import jax
import jax.numpy as jnp
from jax import lax
from jax.experimental import pallas as pl
from jax.experimental.pallas import tpu as pltpu
from jax.experimental.pallas import tpu_sc as plsc

N = 10000
D = 128
E = 320000

NC = 2
NS = 16
NW = NC * NS
L = 16

NP = 10240
CH = 128
NCH = 80
G = 16
NG = NCH // G
EPT = CH * NCH
EP = EPT * NW
SEG = NP // NS

CH2 = 128
TCH = EP // CH2
C0 = 144
C1 = (TCH // NS) - C0

_mesh = plsc.VectorSubcoreMesh(core_axis_name="c", subcore_axis_name="s",
                               num_cores=NC, num_subcores=NS)
_sc_params = pltpu.CompilerParams(needs_layout_passes=False)


def _zero16():
    return jnp.zeros((L,), jnp.float32)


def _newton_rsqrt(x):
    xm = jnp.maximum(x, 1e-12)
    i = plsc.bitcast(xm, jnp.int32)
    i = jnp.int32(0x5F3759DF) - lax.shift_right_logical(i, 1)
    y = plsc.bitcast(i, jnp.float32)
    for _ in range(3):
        y = y * (1.5 - 0.5 * xm * y * y)
    return jnp.where(x > 0.0, y, 0.0)


@functools.partial(
    pl.kernel,
    out_type=jax.ShapeDtypeStruct((NW, NCH, CH), jnp.float32),
    mesh=_mesh,
    scratch_types=[
        pltpu.VMEM((G, CH), jnp.int32),
        pltpu.VMEM((G, CH), jnp.float32),
        pltpu.VMEM((SEG,), jnp.float32),
        pltpu.VMEM((NP,), jnp.float32),
        pltpu.VMEM((G, CH), jnp.int32),
        pltpu.VMEM((G, CH), jnp.float32),
        pltpu.VMEM_SHARED((NP,), jnp.float32),
    ],
    compiler_params=_sc_params,
)
def _norm_kernel(src_hbm, dst_hbm, w_hbm, norm_out,
                 dstg, wg, degv, dinv_v, srcg, normg, deg_sh):
    cid = lax.axis_index("c")
    sid = lax.axis_index("s")
    wid = cid * NS + sid

    for j in range(SEG // L):
        degv[pl.ds(j * L, L)] = _zero16()
    pltpu.sync_copy(degv, deg_sh.at[pl.ds(sid * SEG, SEG)])
    plsc.subcore_barrier()

    def deg_group(arg, _):
        wblk, g = arg // NG, arg % NG
        pltpu.sync_copy(dst_hbm.at[wblk * NS + sid, pl.ds(g * G, G), :], dstg)
        pltpu.sync_copy(w_hbm.at[wblk * NS + sid, pl.ds(g * G, G), :], wg)

        def deg_chunk(k, _):
            pltpu.sync_copy(wg.at[k], deg_sh.at[dstg.at[k]], add=True)
            return 0
        lax.fori_loop(0, G, deg_chunk, 0)
        return 0
    lax.fori_loop(0, NC * NG, deg_group, 0)
    plsc.subcore_barrier()

    pltpu.sync_copy(deg_sh.at[pl.ds(sid * SEG, SEG)], degv)
    def dinv_body(j, _):
        degv[pl.ds(j * L, L)] = _newton_rsqrt(degv[pl.ds(j * L, L)])
        return 0
    lax.fori_loop(0, SEG // L, dinv_body, 0)
    pltpu.sync_copy(degv, deg_sh.at[pl.ds(sid * SEG, SEG)])
    plsc.subcore_barrier()

    pltpu.sync_copy(deg_sh, dinv_v)
    def norm_group(g, _):
        pltpu.sync_copy(src_hbm.at[wid, pl.ds(g * G, G), :], srcg)
        pltpu.sync_copy(dst_hbm.at[wid, pl.ds(g * G, G), :], dstg)
        pltpu.sync_copy(w_hbm.at[wid, pl.ds(g * G, G), :], wg)

        def norm_chunk(k, _):
            for j in range(CH // L):
                sv = srcg[k, pl.ds(j * L, L)]
                dv = dstg[k, pl.ds(j * L, L)]
                we = wg[k, pl.ds(j * L, L)]
                normg[k, pl.ds(j * L, L)] = (
                    plsc.load_gather(dinv_v, [sv]) * we *
                    plsc.load_gather(dinv_v, [dv]))
            return 0
        lax.fori_loop(0, G, norm_chunk, 0)
        pltpu.sync_copy(normg, norm_out.at[wid, pl.ds(g * G, G), :])
        return 0
    lax.fori_loop(0, NG, norm_group, 0)


@functools.partial(
    pl.kernel,
    out_type=jax.ShapeDtypeStruct((NC, NP, D), jnp.float32),
    mesh=_mesh,
    scratch_types=[
        pltpu.VMEM((2, G, CH2), jnp.int32),
        pltpu.VMEM((2, G, CH2), jnp.int32),
        pltpu.VMEM((2, G, CH2), jnp.float32),
        pltpu.VMEM((2, CH2, D), jnp.float32),
        pltpu.VMEM_SHARED((NP, D), jnp.float32),
        pltpu.SemaphoreType.DMA,
        pltpu.SemaphoreType.DMA,
        pltpu.SemaphoreType.DMA,
        pltpu.SemaphoreType.DMA,
        pltpu.SemaphoreType.DMA,
    ],
    compiler_params=_sc_params,
)
def _scatter_kernel(src_hbm, dst_hbm, norm_hbm, x_hbm, p_out,
                    srcg, dstg, normg, rows, p_sh,
                    gsem0, gsem1, ssem0, ssem1, stsem):
    cid = lax.axis_index("c")
    sid = lax.axis_index("s")
    gsem = (gsem0, gsem1)
    ssem = (ssem0, ssem1)

    nch = jnp.where(cid == 0, C0, C1)
    ng = nch // G
    base = jnp.where(cid == 0, sid * C0, NS * C0 + sid * C1)

    def gbk(c):
        return (c // G) % 2, c % G

    def stage_group(g, gb):
        pltpu.async_copy(src_hbm.at[pl.ds(base + g * G, G), :],
                         srcg.at[gb], stsem)
        pltpu.async_copy(dst_hbm.at[pl.ds(base + g * G, G), :],
                         dstg.at[gb], stsem)
        pltpu.async_copy(norm_hbm.at[pl.ds(base + g * G, G), :],
                         normg.at[gb], stsem)

    def wait_stage(gb):
        pltpu.make_async_copy(src_hbm.at[pl.ds(0, G), :],
                              srcg.at[gb], stsem).wait()
        pltpu.make_async_copy(dst_hbm.at[pl.ds(0, G), :],
                              dstg.at[gb], stsem).wait()
        pltpu.make_async_copy(norm_hbm.at[pl.ds(0, G), :],
                              normg.at[gb], stsem).wait()

    def issue_gather(c, b):
        gb, k = gbk(c)
        pltpu.async_copy(x_hbm.at[srcg.at[gb, k]], rows.at[b], gsem[b])

    def wait_gather(c, b):
        gb, k = gbk(c)
        pltpu.make_async_copy(x_hbm.at[srcg.at[gb, k]], rows.at[b],
                              gsem[b]).wait()

    def issue_scatter(c, b):
        gb, k = gbk(c)
        pltpu.async_copy(rows.at[b], p_sh.at[dstg.at[gb, k]], ssem[b],
                         add=True)

    def wait_scatter(c, b):
        gb, k = gbk(c)
        pltpu.make_async_copy(rows.at[b], p_sh.at[dstg.at[gb, k]],
                              ssem[b]).wait()

    def scale(c, b):
        gb, k = gbk(c)

        def ebody(i, _):
            for e in (2 * i, 2 * i + 1):
                nrep = plsc.load_gather(
                    normg, [jnp.full((L,), gb, jnp.int32),
                            jnp.full((L,), k, jnp.int32),
                            jnp.full((L,), e, jnp.int32)])
                for j in range(D // L):
                    rows[b, e, pl.ds(j * L, L)] = (
                        rows[b, e, pl.ds(j * L, L)] * nrep)
            return 0
        lax.fori_loop(0, CH2 // 2, ebody, 0)

    def zbody(i, _):
        for j in range(D // L):
            rows[0, i, pl.ds(j * L, L)] = _zero16()
        return 0
    lax.fori_loop(0, CH2, zbody, 0)
    for k in range(SEG // CH2):
        pltpu.sync_copy(rows.at[0],
                        p_sh.at[pl.ds(sid * SEG + k * CH2, CH2), :])

    pltpu.sync_copy(src_hbm.at[pl.ds(base, G), :], srcg.at[0])
    pltpu.sync_copy(dst_hbm.at[pl.ds(base, G), :], dstg.at[0])
    pltpu.sync_copy(norm_hbm.at[pl.ds(base, G), :], normg.at[0])
    issue_gather(0, 0)
    plsc.subcore_barrier()

    def pair(t, _):
        for q in range(2):
            i = 2 * t + q

            wait_gather(i, q)

            @pl.when(i > 0)
            def _():
                wait_scatter(i - 1, 1 - q)

            @pl.when((i % G == 0) & (i // G + 1 < ng))
            def _():
                stage_group(i // G + 1, (i // G + 1) % 2)

            @pl.when(i + 1 < nch)
            def _():
                @pl.when((i + 1) % G == 0)
                def _():
                    wait_stage(((i + 1) // G) % 2)
                issue_gather(i + 1, 1 - q)

            scale(i, q)
            issue_scatter(i, q)
        return 0
    lax.fori_loop(0, nch // 2, pair, 0)
    wait_scatter(nch - 1, 1)
    plsc.subcore_barrier()
    pltpu.sync_copy(p_sh.at[pl.ds(sid * SEG, SEG), :],
                    p_out.at[cid, pl.ds(sid * SEG, SEG), :])


def _gates_body(x_ref, p_ref, wxz_ref, vxz_ref, wxh_ref, vxh_ref,
                bxz_ref, bhz_ref, bxh_ref, bhh_ref, out_ref):
    x = x_ref[...]
    p = p_ref[0] + p_ref[1]
    az = (jnp.dot(x, vxz_ref[...], preferred_element_type=jnp.float32)
          - jnp.dot(p, wxz_ref[...], preferred_element_type=jnp.float32)
          + bxz_ref[...])
    ah = (jnp.dot(x, vxh_ref[...], preferred_element_type=jnp.float32)
          - jnp.dot(p, wxh_ref[...], preferred_element_type=jnp.float32)
          + bxh_ref[...])
    z = jax.nn.sigmoid(jax.nn.relu(az) + jax.nn.relu(bhz_ref[...]))
    ht = jnp.tanh(jax.nn.relu(ah) + jax.nn.relu(bhh_ref[...]))
    out_ref[...] = z * ht


_RB = 2000


def _gates(X, p_part, Wxz, Vxz, Wxh, Vxh, bxz, bhz, bxh, bhh):
    wspec = pl.BlockSpec((D, D), lambda i: (0, 0))
    bspec = pl.BlockSpec((1, D), lambda i: (0, 0))
    return pl.pallas_call(
        _gates_body,
        grid=(N // _RB,),
        in_specs=[
            pl.BlockSpec((_RB, D), lambda i: (i, 0)),
            pl.BlockSpec((NC, _RB, D), lambda i: (0, i, 0)),
            wspec, wspec, wspec, wspec,
            bspec, bspec, bspec, bspec,
        ],
        out_specs=pl.BlockSpec((_RB, D), lambda i: (i, 0)),
        out_shape=jax.ShapeDtypeStruct((N, D), jnp.float32),
    )(X, p_part, Wxz, Vxz, Wxh, Vxh,
      bxz.reshape(1, D), bhz.reshape(1, D),
      bxh.reshape(1, D), bhh.reshape(1, D))


def kernel(X, edge_index, edge_weight, Wxz, Vxz, bxz, Whz, Vhz, bhz,
           Wxr, Vxr, bxr, Whr, Vhr, bhr, Wxh, Vxh, bxh, Whh, Vhh, bhh):
    pad = EP - E
    src = jnp.concatenate([edge_index[0], jnp.zeros((pad,), jnp.int32)])
    dst = jnp.concatenate([edge_index[1], jnp.zeros((pad,), jnp.int32)])
    w = jnp.concatenate([edge_weight, jnp.zeros((pad,), jnp.float32)])
    src3 = src.reshape(NW, NCH, CH)
    dst3 = dst.reshape(NW, NCH, CH)
    w3 = w.reshape(NW, NCH, CH)

    norm3 = _norm_kernel(src3, dst3, w3)
    p_part = _scatter_kernel(src.reshape(TCH, CH2), dst.reshape(TCH, CH2),
                             norm3.reshape(TCH, CH2), X)
    return _gates(X, p_part, Wxz, Vxz, Wxh, Vxh, bxz, bhz, bxh, bhh)

# --- scband reference (transcript-rebuilt; emitter-appended) ---
"""Pipeline reference for scband-rec-gru-w-42691974922285 (READ-ONLY COPY).

The authoritative reference and input builder live on the scoring server;
editing this copy changes nothing except your own understanding.
"""

import jax, jax.numpy as jnp
import numpy as np

N = 10000
E = 320000
D = 128
NUM_STACKS = 1
LAMBDA_MAX = 2.0

PARAM_NAMES = ["Wxz", "Vxz", "bxz", "Whz", "Vhz", "bhz", "Wxr", "Vxr", "bxr", "Whr", "Vhr", "bhr", "Wxh", "Vxh", "bxh", "Whh", "Vhh", "bhh"]


def setup_inputs(seed: int = 0) -> dict:
    key = jax.random.key(seed)
    ks = jax.random.split(key, 3 + len(PARAM_NAMES))
    inp = {}
    inp["X"] = jax.random.normal(ks[0], (N, D), dtype=jnp.float32)
    inp["edge_index"] = jax.random.randint(ks[1], (2, E), 0, N, dtype=jnp.int32)
    inp["edge_weight"] = jax.random.uniform(ks[2], (E,), dtype=jnp.float32)
    for i, nm in enumerate(PARAM_NAMES):
        if nm.startswith("b"):
            inp[nm] = jnp.zeros((D,), dtype=jnp.float32)
        else:
            inp[nm] = jax.random.normal(ks[3 + i], (D, D), dtype=jnp.float32) * (1.0 / np.sqrt(D))
    return inp


def _norm_weights(edge_index, edge_weight):
    # symmetric normalization: norm_e = d_dst^{-1/2} * w_e * d_src^{-1/2}
    src = edge_index[0]
    dst = edge_index[1]
    deg = jax.ops.segment_sum(edge_weight, dst, num_segments=N)
    dinv = jnp.where(deg > 0, jax.lax.rsqrt(jnp.maximum(deg, 1e-12)), 0.0)
    norm = dinv[src] * edge_weight * dinv[dst]
    return src, dst, norm


def _recg_up(x0, src, dst, norm, W, V, b):
    # Recursive spectral graph filter (ARMA/Cheb-style, num_stacks fixed-point steps).
    # L_hat h = (2/lambda_max) * (h - A_norm h) - h  (scaled Laplacian, lambda_max=2)
    h = x0
    for _ in range(NUM_STACKS):
        prop = jax.ops.segment_sum(norm[:, None] * h[src], dst, num_segments=N)
        lhat = (2.0 / LAMBDA_MAX) * (h - prop) - h
        h = jax.nn.relu(lhat @ W + x0 @ V + b)
    return h


def reference(X, edge_index, edge_weight, Wxz, Vxz, bxz, Whz, Vhz, bhz, Wxr, Vxr, bxr, Whr, Vhr, bhr, Wxh, Vxh, bxh, Whh, Vhh, bhh):
    src, dst, norm = _norm_weights(edge_index, edge_weight)
    H = jnp.zeros((N, D), dtype=X.dtype)
    Z = jax.nn.sigmoid(_recg_up(X, src, dst, norm, Wxz, Vxz, bxz) + _recg_up(H, src, dst, norm, Whz, Vhz, bhz))
    R = jax.nn.sigmoid(_recg_up(X, src, dst, norm, Wxr, Vxr, bxr) + _recg_up(H, src, dst, norm, Whr, Vhr, bhr))
    H_tilde = jnp.tanh(_recg_up(X, src, dst, norm, Wxh, Vxh, bxh) + _recg_up(H * R, src, dst, norm, Whh, Vhh, bhh))
    H_new = Z * H_tilde + (1.0 - Z) * H
    return H_new

if __name__ == "__main__":
    import jax
    _d = setup_inputs()
    print(jax.jit(kernel)(*tuple(_d.values())))

</pallas_src>

<mosaic_0001>
#map = affine_map<(d0, d1) -> (0, 0, 0)>
module attributes {stable_mosaic.version = 14 : i64} {
  func.func @_norm_kernel(%arg0: i32, %arg1: i32, %arg2: memref<32x80x128xi32, #tpu.memory_space<hbm>>, %arg3: memref<32x80x128xi32, #tpu.memory_space<hbm>>, %arg4: memref<32x80x128xf32, #tpu.memory_space<hbm>>, %arg5: memref<32x80x128xf32, #tpu.memory_space<hbm>>, %arg6: memref<16x128xi32, #tpu.memory_space<vmem>>, %arg7: memref<16x128xf32, #tpu.memory_space<vmem>>, %arg8: memref<640xf32, #tpu.memory_space<vmem>>, %arg9: memref<10240xf32, #tpu.memory_space<vmem>>, %arg10: memref<16x128xi32, #tpu.memory_space<vmem>>, %arg11: memref<16x128xf32, #tpu.memory_space<vmem>>, %arg12: memref<10240xf32, #tpu.memory_space<vmem_shared>>) attributes {dimension_semantics = [#tpu.dimension_semantics<core_parallel>, #tpu.dimension_semantics<subcore_parallel>], iteration_bounds = array<i64: 2, 16>, scalar_prefetch = 0 : i64, scratch_operands = 7 : i64, tpu.core_type = #tpu.core_type<sc_vector_subcore>, window_params = [{transform_indices = #map}, {transform_indices = #map}, {transform_indices = #map}, {transform_indices = #map}]} {
    %mul3A = arith.constant 16 : i32
    %mul3A_0 = arith.muli %arg0, %mul3A : i32
    %add3A = arith.addi %mul3A_0, %arg1 : i32
    %broadcast_in_dim3A = arith.constant 0.000000e+00 : f32
    %broadcast_in_dim3A_1 = vector.broadcast %broadcast_in_dim3A : f32 to vector<16xf32>
    %swap3A = arith.constant 0 : index
    %swap3A_2 = tpu.vector_load %arg8[%swap3A] {strides = array<i32>} : memref<640xf32, #tpu.memory_space<vmem>>, vector<16xf32>,
    tpu.vector_store %arg8[%swap3A], %broadcast_in_dim3A_1 {strides = array<i32>} : memref<640xf32, #tpu.memory_space<vmem>>, vector<16xf32>,
    %broadcast_in_dim3A_3 = arith.constant 0.000000e+00 : f32
    %broadcast_in_dim3A_4 = vector.broadcast %broadcast_in_dim3A_3 : f32 to vector<16xf32>
    %swap3A_5 = arith.constant 16 : index
    %swap3A_6 = tpu.vector_load %arg8[%swap3A_5] {strides = array<i32>} : memref<640xf32, #tpu.memory_space<vmem>>, vector<16xf32>,
    tpu.vector_store %arg8[%swap3A_5], %broadcast_in_dim3A_4 {strides = array<i32>} : memref<640xf32, #tpu.memory_space<vmem>>, vector<16xf32>,
    %broadcast_in_dim3A_7 = arith.constant 0.000000e+00 : f32
    %broadcast_in_dim3A_8 = vector.broadcast %broadcast_in_dim3A_7 : f32 to vector<16xf32>
    %swap3A_9 = arith.constant 32 : index
    %swap3A_10 = tpu.vector_load %arg8[%swap3A_9] {strides = array<i32>} : memref<640xf32, #tpu.memory_space<vmem>>, vector<16xf32>,
    tpu.vector_store %arg8[%swap3A_9], %broadcast_in_dim3A_8 {strides = array<i32>} : memref<640xf32, #tpu.memory_space<vmem>>, vector<16xf32>,
    %broadcast_in_dim3A_11 = arith.constant 0.000000e+00 : f32
    %broadcast_in_dim3A_12 = vector.broadcast %broadcast_in_dim3A_11 : f32 to vector<16xf32>
    %swap3A_13 = arith.constant 48 : index
    %swap3A_14 = tpu.vector_load %arg8[%swap3A_13] {strides = array<i32>} : memref<640xf32, #tpu.memory_space<vmem>>, vector<16xf32>,
    tpu.vector_store %arg8[%swap3A_13], %broadcast_in_dim3A_12 {strides = array<i32>} : memref<640xf32, #tpu.memory_space<vmem>>, vector<16xf32>,
    %broadcast_in_dim3A_15 = arith.constant 0.000000e+00 : f32
    %broadcast_in_dim3A_16 = vector.broadcast %broadcast_in_dim3A_15 : f32 to vector<16xf32>
    %swap3A_17 = arith.constant 64 : index
    %swap3A_18 = tpu.vector_load %arg8[%swap3A_17] {strides = array<i32>} : memref<640xf32, #tpu.memory_space<vmem>>, vector<16xf32>,
    tpu.vector_store %arg8[%swap3A_17], %broadcast_in_dim3A_16 {strides = array<i32>} : memref<640xf32, #tpu.memory_space<vmem>>, vector<16xf32>,
    %broadcast_in_dim3A_19 = arith.constant 0.000000e+00 : f32
    %broadcast_in_dim3A_20 = vector.broadcast %broadcast_in_dim3A_19 : f32 to vector<16xf32>
    %swap3A_21 = arith.constant 80 : index
    %swap3A_22 = tpu.vector_load %arg8[%swap3A_21] {strides = array<i32>} : memref<640xf32, #tpu.memory_space<vmem>>, vector<16xf32>,
    tpu.vector_store %arg8[%swap3A_21], %broadcast_in_dim3A_20 {strides = array<i32>} : memref<640xf32, #tpu.memory_space<vmem>>, vector<16xf32>,
    %broadcast_in_dim3A_23 = arith.constant 0.000000e+00 : f32
    %broadcast_in_dim3A_24 = vector.broadcast %broadcast_in_dim3A_23 : f32 to vector<16xf32>
    %swap3A_25 = arith.constant 96 : index
    %swap3A_26 = tpu.vector_load %arg8[%swap3A_25] {strides = array<i32>} : memref<640xf32, #tpu.memory_space<vmem>>, vector<16xf32>,
    tpu.vector_store %arg8[%swap3A_25], %broadcast_in_dim3A_24 {strides = array<i32>} : memref<640xf32, #tpu.memory_space<vmem>>, vector<16xf32>,
    %broadcast_in_dim3A_27 = arith.constant 0.000000e+00 : f32
    %broadcast_in_dim3A_28 = vector.broadcast %broadcast_in_dim3A_27 : f32 to vector<16xf32>
    %swap3A_29 = arith.constant 112 : index
    %swap3A_30 = tpu.vector_load %arg8[%swap3A_29] {strides = array<i32>} : memref<640xf32, #tpu.memory_space<vmem>>, vector<16xf32>,
    tpu.vector_store %arg8[%swap3A_29], %broadcast_in_dim3A_28 {strides = array<i32>} : memref<640xf32, #tpu.memory_space<vmem>>, vector<16xf32>,
    %broadcast_in_dim3A_31 = arith.constant 0.000000e+00 : f32
    %broadcast_in_dim3A_32 = vector.broadcast %broadcast_in_dim3A_31 : f32 to vector<16xf32>
    %swap3A_33 = arith.constant 128 : index
    %swap3A_34 = tpu.vector_load %arg8[%swap3A_33] {strides = array<i32>} : memref<640xf32, #tpu.memory_space<vmem>>, vector<16xf32>,
    tpu.vector_store %arg8[%swap3A_33], %broadcast_in_dim3A_32 {strides = array<i32>} : memref<640xf32, #tpu.memory_space<vmem>>, vector<16xf32>,
    %broadcast_in_dim3A_35 = arith.constant 0.000000e+00 : f32
    %broadcast_in_dim3A_36 = vector.broadcast %broadcast_in_dim3A_35 : f32 to vector<16xf32>
    %swap3A_37 = arith.constant 144 : index
    %swap3A_38 = tpu.vector_load %arg8[%swap3A_37] {strides = array<i32>} : memref<640xf32, #tpu.memory_space<vmem>>, vector<16xf32>,
    tpu.vector_store %arg8[%swap3A_37], %broadcast_in_dim3A_36 {strides = array<i32>} : memref<640xf32, #tpu.memory_space<vmem>>, vector<16xf32>,
    %broadcast_in_dim3A_39 = arith.constant 0.000000e+00 : f32
    %broadcast_in_dim3A_40 = vector.broadcast %broadcast_in_dim3A_39 : f32 to vector<16xf32>
    %swap3A_41 = arith.constant 160 : index
    %swap3A_42 = tpu.vector_load %arg8[%swap3A_41] {strides = array<i32>} : memref<640xf32, #tpu.memory_space<vmem>>, vector<16xf32>,
    tpu.vector_store %arg8[%swap3A_41], %broadcast_in_dim3A_40 {strides = array<i32>} : memref<640xf32, #tpu.memory_space<vmem>>, vector<16xf32>,
    %broadcast_in_dim3A_43 = arith.constant 0.000000e+00 : f32
    %broadcast_in_dim3A_44 = vector.broadcast %broadcast_in_dim3A_43 : f32 to vector<16xf32>
    %swap3A_45 = arith.constant 176 : index
    %swap3A_46 = tpu.vector_load %arg8[%swap3A_45] {strides = array<i32>} : memref<640xf32, #tpu.memory_space<vmem>>, vector<16xf32>,
    tpu.vector_store %arg8[%swap3A_45], %broadcast_in_dim3A_44 {strides = array<i32>} : memref<640xf32, #tpu.memory_space<vmem>>, vector<16xf32>,
    %broadcast_in_dim3A_47 = arith.constant 0.000000e+00 : f32
    %broadcast_in_dim3A_48 = vector.broadcast %broadcast_in_dim3A_47 : f32 to vector<16xf32>
    %swap3A_49 = arith.constant 192 : index
    %swap3A_50 = tpu.vector_load %arg8[%swap3A_49] {strides = array<i32>} : memref<640xf32, #tpu.memory_space<vmem>>, vector<16xf32>,
    tpu.vector_store %arg8[%swap3A_49], %broadcast_in_dim3A_48 {strides = array<i32>} : memref<640xf32, #tpu.memory_space<vmem>>, vector<16xf32>,
    %broadcast_in_dim3A_51 = arith.constant 0.000000e+00 : f32
    %broadcast_in_dim3A_52 = vector.broadcast %broadcast_in_dim3A_51 : f32 to vector<16xf32>
    %swap3A_53 = arith.constant 208 : index
    %swap3A_54 = tpu.vector_load %arg8[%swap3A_53] {strides = array<i32>} : memref<640xf32, #tpu.memory_space<vmem>>, vector<16xf32>,
    tpu.vector_store %arg8[%swap3A_53], %broadcast_in_dim3A_52 {strides = array<i32>} : memref<640xf32, #tpu.memory_space<vmem>>, vector<16xf32>,
    %broadcast_in_dim3A_55 = arith.constant 0.000000e+00 : f32
    %broadcast_in_dim3A_56 = vector.broadcast %broadcast_in_dim3A_55 : f32 to vector<16xf32>
    %swap3A_57 = arith.constant 224 : index
    %swap3A_58 = tpu.vector_load %arg8[%swap3A_57] {strides = array<i32>} : memref<640xf32, #tpu.memory_space<vmem>>, vector<16xf32>,
    tpu.vector_store %arg8[%swap3A_57], %broadcast_in_dim3A_56 {strides = array<i32>} : memref<640xf32, #tpu.memory_space<vmem>>, vector<16xf32>,
    %broadcast_in_dim3A_59 = arith.constant 0.000000e+00 : f32
    %broadcast_in_dim3A_60 = vector.broadcast %broadcast_in_dim3A_59 : f32 to vector<16xf32>
    %swap3A_61 = arith.constant 240 : index
    %swap3A_62 = tpu.vector_load %arg8[%swap3A_61] {strides = array<i32>} : memref<640xf32, #tpu.memory_space<vmem>>, vector<16xf32>,
    tpu.vector_store %arg8[%swap3A_61], %broadcast_in_dim3A_60 {strides = array<i32>} : memref<640xf32, #tpu.memory_space<vmem>>, vector<16xf32>,
    %broadcast_in_dim3A_63 = arith.constant 0.000000e+00 : f32
    %broadcast_in_dim3A_64 = vector.broadcast %broadcast_in_dim3A_63 : f32 to vector<16xf32>
    %swap3A_65 = arith.constant 256 : index
    %swap3A_66 = tpu.vector_load %arg8[%swap3A_65] {strides = array<i32>} : memref<640xf32, #tpu.memory_space<vmem>>, vector<16xf32>,
    tpu.vector_store %arg8[%swap3A_65], %broadcast_in_dim3A_64 {strides = array<i32>} : memref<640xf32, #tpu.memory_space<vmem>>, vector<16xf32>,
    %broadcast_in_dim3A_67 = arith.constant 0.000000e+00 : f32
    %broadcast_in_dim3A_68 = vector.broadcast %broadcast_in_dim3A_67 : f32 to vector<16xf32>
    %swap3A_69 = arith.constant 272 : index
    %swap3A_70 = tpu.vector_load %arg8[%swap3A_69] {strides = array<i32>} : memref<640xf32, #tpu.memory_space<vmem>>, vector<16xf32>,
    tpu.vector_store %arg8[%swap3A_69], %broadcast_in_dim3A_68 {strides = array<i32>} : memref<640xf32, #tpu.memory_space<vmem>>, vector<16xf32>,
    %broadcast_in_dim3A_71 = arith.constant 0.000000e+00 : f32
    %broadcast_in_dim3A_72 = vector.broadcast %broadcast_in_dim3A_71 : f32 to vector<16xf32>
    %swap3A_73 = arith.constant 288 : index
    %swap3A_74 = tpu.vector_load %arg8[%swap3A_73] {strides = array<i32>} : memref<640xf32, #tpu.memory_space<vmem>>, vector<16xf32>,
    tpu.vector_store %arg8[%swap3A_73], %broadcast_in_dim3A_72 {strides = array<i32>} : memref<640xf32, #tpu.memory_space<vmem>>, vector<16xf32>,
    %broadcast_in_dim3A_75 = arith.constant 0.000000e+00 : f32
    %broadcast_in_dim3A_76 = vector.broadcast %broadcast_in_dim3A_75 : f32 to vector<16xf32>
    %swap3A_77 = arith.constant 304 : index
    %swap3A_78 = tpu.vector_load %arg8[%swap3A_77] {strides = array<i32>} : memref<640xf32, #tpu.memory_space<vmem>>, vector<16xf32>,
    tpu.vector_store %arg8[%swap3A_77], %broadcast_in_dim3A_76 {strides = array<i32>} : memref<640xf32, #tpu.memory_space<vmem>>, vector<16xf32>,
    %broadcast_in_dim3A_79 = arith.constant 0.000000e+00 : f32
    %broadcast_in_dim3A_80 = vector.broadcast %broadcast_in_dim3A_79 : f32 to vector<16xf32>
    %swap3A_81 = arith.constant 320 : index
    %swap3A_82 = tpu.vector_load %arg8[%swap3A_81] {strides = array<i32>} : memref<640xf32, #tpu.memory_space<vmem>>, vector<16xf32>,
    tpu.vector_store %arg8[%swap3A_81], %broadcast_in_dim3A_80 {strides = array<i32>} : memref<640xf32, #tpu.memory_space<vmem>>, vector<16xf32>,
    %broadcast_in_dim3A_83 = arith.constant 0.000000e+00 : f32
    %broadcast_in_dim3A_84 = vector.broadcast %broadcast_in_dim3A_83 : f32 to vector<16xf32>
    %swap3A_85 = arith.constant 336 : index
    %swap3A_86 = tpu.vector_load %arg8[%swap3A_85] {strides = array<i32>} : memref<640xf32, #tpu.memory_space<vmem>>, vector<16xf32>,
    tpu.vector_store %arg8[%swap3A_85], %broadcast_in_dim3A_84 {strides = array<i32>} : memref<640xf32, #tpu.memory_space<vmem>>, vector<16xf32>,
    %broadcast_in_dim3A_87 = arith.constant 0.000000e+00 : f32
    %broadcast_in_dim3A_88 = vector.broadcast %broadcast_in_dim3A_87 : f32 to vector<16xf32>
    %swap3A_89 = arith.constant 352 : index
    %swap3A_90 = tpu.vector_load %arg8[%swap3A_89] {strides = array<i32>} : memref<640xf32, #tpu.memory_space<vmem>>, vector<16xf32>,
    tpu.vector_store %arg8[%swap3A_89], %broadcast_in_dim3A_88 {strides = array<i32>} : memref<640xf32, #tpu.memory_space<vmem>>, vector<16xf32>,
    %broadcast_in_dim3A_91 = arith.constant 0.000000e+00 : f32
    %broadcast_in_dim3A_92 = vector.broadcast %broadcast_in_dim3A_91 : f32 to vector<16xf32>
    %swap3A_93 = arith.constant 368 : index
    %swap3A_94 = tpu.vector_load %arg8[%swap3A_93] {strides = array<i32>} : memref<640xf32, #tpu.memory_space<vmem>>, vector<16xf32>,
    tpu.vector_store %arg8[%swap3A_93], %broadcast_in_dim3A_92 {strides = array<i32>} : memref<640xf32, #tpu.memory_space<vmem>>, vector<16xf32>,
    %broadcast_in_dim3A_95 = arith.constant 0.000000e+00 : f32
    %broadcast_in_dim3A_96 = vector.broadcast %broadcast_in_dim3A_95 : f32 to vector<16xf32>
    %swap3A_97 = arith.constant 384 : index
    %swap3A_98 = tpu.vector_load %arg8[%swap3A_97] {strides = array<i32>} : memref<640xf32, #tpu.memory_space<vmem>>, vector<16xf32>,
    tpu.vector_store %arg8[%swap3A_97], %broadcast_in_dim3A_96 {strides = array<i32>} : memref<640xf32, #tpu.memory_space<vmem>>, vector<16xf32>,
    %broadcast_in_dim3A_99 = arith.constant 0.000000e+00 : f32
    %broadcast_in_dim3A_100 = vector.broadcast %broadcast_in_dim3A_99 : f32 to vector<16xf32>
    %swap3A_101 = arith.constant 400 : index
    %swap3A_102 = tpu.vector_load %arg8[%swap3A_101] {strides = array<i32>} : memref<640xf32, #tpu.memory_space<vmem>>, vector<16xf32>,
    tpu.vector_store %arg8[%swap3A_101], %broadcast_in_dim3A_100 {strides = array<i32>} : memref<640xf32, #tpu.memory_space<vmem>>, vector<16xf32>,
    %broadcast_in_dim3A_103 = arith.constant 0.000000e+00 : f32
    %broadcast_in_dim3A_104 = vector.broadcast %broadcast_in_dim3A_103 : f32 to vector<16xf32>
    %swap3A_105 = arith.constant 416 : index
    %swap3A_106 = tpu.vector_load %arg8[%swap3A_105] {strides = array<i32>} : memref<640xf32, #tpu.memory_space<vmem>>, vector<16xf32>,
    tpu.vector_store %arg8[%swap3A_105], %broadcast_in_dim3A_104 {strides = array<i32>} : memref<640xf32, #tpu.memory_space<vmem>>, vector<16xf32>,
    %broadcast_in_dim3A_107 = arith.constant 0.000000e+00 : f32
    %broadcast_in_dim3A_108 = vector.broadcast %broadcast_in_dim3A_107 : f32 to vector<16xf32>
    %swap3A_109 = arith.constant 432 : index
    %swap3A_110 = tpu.vector_load %arg8[%swap3A_109] {strides = array<i32>} : memref<640xf32, #tpu.memory_space<vmem>>, vector<16xf32>,
    tpu.vector_store %arg8[%swap3A_109], %broadcast_in_dim3A_108 {strides = array<i32>} : memref<640xf32, #tpu.memory_space<vmem>>, vector<16xf32>,
    %broadcast_in_dim3A_111 = arith.constant 0.000000e+00 : f32
    %broadcast_in_dim3A_112 = vector.broadcast %broadcast_in_dim3A_111 : f32 to vector<16xf32>
    %swap3A_113 = arith.constant 448 : index
    %swap3A_114 = tpu.vector_load %arg8[%swap3A_113] {strides = array<i32>} : memref<640xf32, #tpu.memory_space<vmem>>, vector<16xf32>,
    tpu.vector_store %arg8[%swap3A_113], %broadcast_in_dim3A_112 {strides = array<i32>} : memref<640xf32, #tpu.memory_space<vmem>>, vector<16xf32>,
    %broadcast_in_dim3A_115 = arith.constant 0.000000e+00 : f32
    %broadcast_in_dim3A_116 = vector.broadcast %broadcast_in_dim3A_115 : f32 to vector<16xf32>
    %swap3A_117 = arith.constant 464 : index
    %swap3A_118 = tpu.vector_load %arg8[%swap3A_117] {strides = array<i32>} : memref<640xf32, #tpu.memory_space<vmem>>, vector<16xf32>,
    tpu.vector_store %arg8[%swap3A_117], %broadcast_in_dim3A_116 {strides = array<i32>} : memref<640xf32, #tpu.memory_space<vmem>>, vector<16xf32>,
    %broadcast_in_dim3A_119 = arith.constant 0.000000e+00 : f32
    %broadcast_in_dim3A_120 = vector.broadcast %broadcast_in_dim3A_119 : f32 to vector<16xf32>
    %swap3A_121 = arith.constant 480 : index
    %swap3A_122 = tpu.vector_load %arg8[%swap3A_121] {strides = array<i32>} : memref<640xf32, #tpu.memory_space<vmem>>, vector<16xf32>,
    tpu.vector_store %arg8[%swap3A_121], %broadcast_in_dim3A_120 {strides = array<i32>} : memref<640xf32, #tpu.memory_space<vmem>>, vector<16xf32>,
    %broadcast_in_dim3A_123 = arith.constant 0.000000e+00 : f32
    %broadcast_in_dim3A_124 = vector.broadcast %broadcast_in_dim3A_123 : f32 to vector<16xf32>
    %swap3A_125 = arith.constant 496 : index
    %swap3A_126 = tpu.vector_load %arg8[%swap3A_125] {strides = array<i32>} : memref<640xf32, #tpu.memory_space<vmem>>, vector<16xf32>,
    tpu.vector_store %arg8[%swap3A_125], %broadcast_in_dim3A_124 {strides = array<i32>} : memref<640xf32, #tpu.memory_space<vmem>>, vector<16xf32>,
    %broadcast_in_dim3A_127 = arith.constant 0.000000e+00 : f32
    %broadcast_in_dim3A_128 = vector.broadcast %broadcast_in_dim3A_127 : f32 to vector<16xf32>
    %swap3A_129 = arith.constant 512 : index
    %swap3A_130 = tpu.vector_load %arg8[%swap3A_129] {strides = array<i32>} : memref<640xf32, #tpu.memory_space<vmem>>, vector<16xf32>,
    tpu.vector_store %arg8[%swap3A_129], %broadcast_in_dim3A_128 {strides = array<i32>} : memref<640xf32, #tpu.memory_space<vmem>>, vector<16xf32>,
    %broadcast_in_dim3A_131 = arith.constant 0.000000e+00 : f32
    %broadcast_in_dim3A_132 = vector.broadcast %broadcast_in_dim3A_131 : f32 to vector<16xf32>
    %swap3A_133 = arith.constant 528 : index
    %swap3A_134 = tpu.vector_load %arg8[%swap3A_133] {strides = array<i32>} : memref<640xf32, #tpu.memory_space<vmem>>, vector<16xf32>,
    tpu.vector_store %arg8[%swap3A_133], %broadcast_in_dim3A_132 {strides = array<i32>} : memref<640xf32, #tpu.memory_space<vmem>>, vector<16xf32>,
    %broadcast_in_dim3A_135 = arith.constant 0.000000e+00 : f32
    %broadcast_in_dim3A_136 = vector.broadcast %broadcast_in_dim3A_135 : f32 to vector<16xf32>
    %swap3A_137 = arith.constant 544 : index
    %swap3A_138 = tpu.vector_load %arg8[%swap3A_137] {strides = array<i32>} : memref<640xf32, #tpu.memory_space<vmem>>, vector<16xf32>,
    tpu.vector_store %arg8[%swap3A_137], %broadcast_in_dim3A_136 {strides = array<i32>} : memref<640xf32, #tpu.memory_space<vmem>>, vector<16xf32>,
    %broadcast_in_dim3A_139 = arith.constant 0.000000e+00 : f32
    %broadcast_in_dim3A_140 = vector.broadcast %broadcast_in_dim3A_139 : f32 to vector<16xf32>
    %swap3A_141 = arith.constant 560 : index
    %swap3A_142 = tpu.vector_load %arg8[%swap3A_141] {strides = array<i32>} : memref<640xf32, #tpu.memory_space<vmem>>, vector<16xf32>,
    tpu.vector_store %arg8[%swap3A_141], %broadcast_in_dim3A_140 {strides = array<i32>} : memref<640xf32, #tpu.memory_space<vmem>>, vector<16xf32>,
    %broadcast_in_dim3A_143 = arith.constant 0.000000e+00 : f32
    %broadcast_in_dim3A_144 = vector.broadcast %broadcast_in_dim3A_143 : f32 to vector<16xf32>
    %swap3A_145 = arith.constant 576 : index
    %swap3A_146 = tpu.vector_load %arg8[%swap3A_145] {strides = array<i32>} : memref<640xf32, #tpu.memory_space<vmem>>, vector<16xf32>,
    tpu.vector_store %arg8[%swap3A_145], %broadcast_in_dim3A_144 {strides = array<i32>} : memref<640xf32, #tpu.memory_space<vmem>>, vector<16xf32>,
    %broadcast_in_dim3A_147 = arith.constant 0.000000e+00 : f32
    %broadcast_in_dim3A_148 = vector.broadcast %broadcast_in_dim3A_147 : f32 to vector<16xf32>
    %swap3A_149 = arith.constant 592 : index
    %swap3A_150 = tpu.vector_load %arg8[%swap3A_149] {strides = array<i32>} : memref<640xf32, #tpu.memory_space<vmem>>, vector<16xf32>,
    tpu.vector_store %arg8[%swap3A_149], %broadcast_in_dim3A_148 {strides = array<i32>} : memref<640xf32, #tpu.memory_space<vmem>>, vector<16xf32>,
    %broadcast_in_dim3A_151 = arith.constant 0.000000e+00 : f32
    %broadcast_in_dim3A_152 = vector.broadcast %broadcast_in_dim3A_151 : f32 to vector<16xf32>
    %swap3A_153 = arith.constant 608 : index
    %swap3A_154 = tpu.vector_load %arg8[%swap3A_153] {strides = array<i32>} : memref<640xf32, #tpu.memory_space<vmem>>, vector<16xf32>,
    tpu.vector_store %arg8[%swap3A_153], %broadcast_in_dim3A_152 {strides = array<i32>} : memref<640xf32, #tpu.memory_space<vmem>>, vector<16xf32>,
    %broadcast_in_dim3A_155 = arith.constant 0.000000e+00 : f32
    %broadcast_in_dim3A_156 = vector.broadcast %broadcast_in_dim3A_155 : f32 to vector<16xf32>
    %swap3A_157 = arith.constant 624 : index
    %swap3A_158 = tpu.vector_load %arg8[%swap3A_157] {strides = array<i32>} : memref<640xf32, #tpu.memory_space<vmem>>, vector<16xf32>,
    tpu.vector_store %arg8[%swap3A_157], %broadcast_in_dim3A_156 {strides = array<i32>} : memref<640xf32, #tpu.memory_space<vmem>>, vector<16xf32>,
    %mul3A_159 = arith.constant 640 : i32
    %mul3A_160 = arith.muli %arg1, %mul3A_159 : i32
    "tpu.region"() ({
      %run_scoped3A = tpu.sem_alloc : memref<!tpu.dma_semaphore, #tpu.memory_space<semaphore_mem>>
      %dma_start3A = tpu.memref_slice %arg12[%mul3A_160] : memref<10240xf32, #tpu.memory_space<vmem_shared>> -> memref<640xf32, #tpu.memory_space<vmem_shared>>
      %dma_start3A_187 = tpu.memref_slice %arg12[%mul3A_160] : memref<10240xf32, #tpu.memory_space<vmem_shared>> -> memref<640xf32, #tpu.memory_space<vmem_shared>>
      tpu.enqueue_dma source(%arg8 : memref<640xf32, #tpu.memory_space<vmem>>) target(%dma_start3A_187 : memref<640xf32, #tpu.memory_space<vmem_shared>>) target_semaphore(%run_scoped3A : memref<!tpu.dma_semaphore, #tpu.memory_space<semaphore_mem>>)
      %dma_wait3A = tpu.memref_slice %arg12[%mul3A_160] : memref<10240xf32, #tpu.memory_space<vmem_shared>> -> memref<640xf32, #tpu.memory_space<vmem_shared>>
      %dma_wait3A_188 = tpu.memref_slice %arg12[%mul3A_160] : memref<10240xf32, #tpu.memory_space<vmem_shared>> -> memref<640xf32, #tpu.memory_space<vmem_shared>>
      tpu.wait_dma2 semaphore(%run_scoped3A : memref<!tpu.dma_semaphore, #tpu.memory_space<semaphore_mem>>) src(%arg8 : memref<640xf32, #tpu.memory_space<vmem>>) dst(%dma_wait3A_188 : memref<640xf32, #tpu.memory_space<vmem_shared>>)
      tpu.yield
    }) : () -> ()
    %barrier3A = arith.constant 0 : index
    tpu.barrier barrier_id(%barrier3A)
    %scan3A = arith.constant 0 : i32
    %scan3A_161 = arith.constant 0 : i32
    %scan3A_162 = arith.constant 10 : i32
    %scan3A_163 = arith.addi %scan3A_161, %scan3A_162 : i32
    %scan3A_164 = arith.constant 1 : i32
    %scan3A_165 = scf.for %scan3A_187 = %scan3A_161 to %scan3A_163 step %scan3A_164 iter_args(%scan3A_188 = %scan3A) -> (i32)  : i32 {
      %jit3A = arith.constant 5 : i32
      %div3A = arith.divsi %scan3A_187, %jit3A : i32
      %sign3A = arith.constant 0 : i32
      %sign3A_189 = arith.cmpi sgt, %scan3A_187, %sign3A : i32
      %sign3A_190 = arith.extui %sign3A_189 : i1 to i32
      %sign3A_191 = arith.constant 0 : i32
      %sign3A_192 = arith.cmpi slt, %scan3A_187, %sign3A_191 : i32
      %sign3A_193 = arith.extui %sign3A_192 : i1 to i32
      %sign3A_194 = arith.subi %sign3A_190, %sign3A_193 : i32
      %sign3A_195 = arith.constant 0 : i32
      %sign3A_196 = arith.cmpi sgt, %jit3A, %sign3A_195 : i32
      %sign3A_197 = arith.extui %sign3A_196 : i1 to i32
      %sign3A_198 = arith.constant 0 : i32
      %sign3A_199 = arith.cmpi slt, %jit3A, %sign3A_198 : i32
      %sign3A_200 = arith.extui %sign3A_199 : i1 to i32
      %sign3A_201 = arith.subi %sign3A_197, %sign3A_200 : i32
      %ne3A = arith.cmpi ne, %sign3A_194, %sign3A_201 : i32
      %rem3A = arith.remsi %scan3A_187, %jit3A : i32
      %ne3A_202 = arith.constant 0 : i32
      %ne3A_203 = arith.cmpi ne, %rem3A, %ne3A_202 : i32
      %and3A = arith.andi %ne3A, %ne3A_203 : i1
      %sub3A = arith.constant 1 : i32
      %sub3A_204 = arith.subi %div3A, %sub3A : i32
      %select_n3A = arith.select %and3A, %sub3A_204, %div3A : i32
      %jit3A_205 = arith.constant 5 : i32
      %eq3A = arith.constant 0 : i32
      %eq3A_206 = arith.cmpi eq, %jit3A_205, %eq3A : i32
      %jit3A_207 = arith.constant 1 : i32
      %select_n3A_208 = arith.select %eq3A_206, %jit3A_207, %jit3A_205 : i32
      %rem3A_209 = arith.remsi %scan3A_187, %select_n3A_208 : i32
      %ne3A_210 = arith.constant 0 : i32
      %ne3A_211 = arith.cmpi ne, %rem3A_209, %ne3A_210 : i32
      %lt3A = arith.constant 0 : i32
      %lt3A_212 = arith.cmpi slt, %rem3A_209, %lt3A : i32
      %lt3A_213 = arith.constant 0 : i32
      %lt3A_214 = arith.cmpi slt, %select_n3A_208, %lt3A_213 : i32
      %ne3A_215 = arith.xori %lt3A_212, %lt3A_214 : i1
      %and3A_216 = arith.andi %ne3A_215, %ne3A_211 : i1
      %add3A_217 = arith.addi %rem3A_209, %select_n3A_208 : i32
      %select_n3A_218 = arith.select %and3A_216, %add3A_217, %rem3A_209 : i32
      %mul3A_219 = arith.constant 16 : i32
      %mul3A_220 = arith.muli %select_n3A, %mul3A_219 : i32
      %add3A_221 = arith.addi %mul3A_220, %arg1 : i32
      %mul3A_222 = arith.constant 16 : i32
      %mul3A_223 = arith.muli %select_n3A_218, %mul3A_222 : i32
      "tpu.region"() ({
        %run_scoped3A = tpu.sem_alloc : memref<!tpu.dma_semaphore, #tpu.memory_space<semaphore_mem>>
        %dma_start3A = arith.constant 0 : i32
        %dma_start3A_237 = tpu.memref_slice %arg3[%add3A_221, %mul3A_223, %dma_start3A] : memref<32x80x128xi32, #tpu.memory_space<hbm>> -> memref<1x16x128xi32, #tpu.memory_space<hbm>>
        %dma_start3A_238 = tpu.memref_squeeze %dma_start3A_237 : memref<1x16x128xi32, #tpu.memory_space<hbm>> -> memref<16x128xi32, #tpu.memory_space<hbm>>
        %dma_start3A_239 = arith.constant 0 : i32
        %dma_start3A_240 = tpu.memref_slice %arg3[%add3A_221, %mul3A_223, %dma_start3A_239] : memref<32x80x128xi32, #tpu.memory_space<hbm>> -> memref<1x16x128xi32, #tpu.memory_space<hbm>>
        %dma_start3A_241 = tpu.memref_squeeze %dma_start3A_240 : memref<1x16x128xi32, #tpu.memory_space<hbm>> -> memref<16x128xi32, #tpu.memory_space<hbm>>
        tpu.enqueue_dma source(%dma_start3A_241 : memref<16x128xi32, #tpu.memory_space<hbm>>) target(%arg6 : memref<16x128xi32, #tpu.memory_space<vmem>>) target_semaphore(%run_scoped3A : memref<!tpu.dma_semaphore, #tpu.memory_space<semaphore_mem>>)
        %dma_wait3A = arith.constant 0 : i32
        %dma_wait3A_242 = tpu.memref_slice %arg3[%add3A_221, %mul3A_223, %dma_wait3A] : memref<32x80x128xi32, #tpu.memory_space<hbm>> -> memref<1x16x128xi32, #tpu.memory_space<hbm>>
        %dma_wait3A_243 = tpu.memref_squeeze %dma_wait3A_242 : memref<1x16x128xi32, #tpu.memory_space<hbm>> -> memref<16x128xi32, #tpu.memory_space<hbm>>
        %dma_wait3A_244 = arith.constant 0 : i32
        %dma_wait3A_245 = tpu.memref_slice %arg3[%add3A_221, %mul3A_223, %dma_wait3A_244] : memref<32x80x128xi32, #tpu.memory_space<hbm>> -> memref<1x16x128xi32, #tpu.memory_space<hbm>>
        %dma_wait3A_246 = tpu.memref_squeeze %dma_wait3A_245 : memref<1x16x128xi32, #tpu.memory_space<hbm>> -> memref<16x128xi32, #tpu.memory_space<hbm>>
        tpu.wait_dma2 semaphore(%run_scoped3A : memref<!tpu.dma_semaphore, #tpu.memory_space<semaphore_mem>>) src(%dma_wait3A_246 : memref<16x128xi32, #tpu.memory_space<hbm>>) dst(%arg6 : memref<16x128xi32, #tpu.memory_space<vmem>>)
        tpu.yield
      }) : () -> ()
      %mul3A_224 = arith.constant 16 : i32
      %mul3A_225 = arith.muli %select_n3A, %mul3A_224 : i32
      %add3A_226 = arith.addi %mul3A_225, %arg1 : i32
      %mul3A_227 = arith.constant 16 : i32
      %mul3A_228 = arith.muli %select_n3A_218, %mul3A_227 : i32
      "tpu.region"() ({
        %run_scoped3A = tpu.sem_alloc : memref<!tpu.dma_semaphore, #tpu.memory_space<semaphore_mem>>
        %dma_start3A = arith.constant 0 : i32
        %dma_start3A_237 = tpu.memref_slice %arg4[%add3A_226, %mul3A_228, %dma_start3A] : memref<32x80x128xf32, #tpu.memory_space<hbm>> -> memref<1x16x128xf32, #tpu.memory_space<hbm>>
        %dma_start3A_238 = tpu.memref_squeeze %dma_start3A_237 : memref<1x16x128xf32, #tpu.memory_space<hbm>> -> memref<16x128xf32, #tpu.memory_space<hbm>>
        %dma_start3A_239 = arith.constant 0 : i32
        %dma_start3A_240 = tpu.memref_slice %arg4[%add3A_226, %mul3A_228, %dma_start3A_239] : memref<32x80x128xf32, #tpu.memory_space<hbm>> -> memref<1x16x128xf32, #tpu.memory_space<hbm>>
        %dma_start3A_241 = tpu.memref_squeeze %dma_start3A_240 : memref<1x16x128xf32, #tpu.memory_space<hbm>> -> memref<16x128xf32, #tpu.memory_space<hbm>>
        tpu.enqueue_dma source(%dma_start3A_241 : memref<16x128xf32, #tpu.memory_space<hbm>>) target(%arg7 : memref<16x128xf32, #tpu.memory_space<vmem>>) target_semaphore(%run_scoped3A : memref<!tpu.dma_semaphore, #tpu.memory_space<semaphore_mem>>)
        %dma_wait3A = arith.constant 0 : i32
        %dma_wait3A_242 = tpu.memref_slice %arg4[%add3A_226, %mul3A_228, %dma_wait3A] : memref<32x80x128xf32, #tpu.memory_space<hbm>> -> memref<1x16x128xf32, #tpu.memory_space<hbm>>
        %dma_wait3A_243 = tpu.memref_squeeze %dma_wait3A_242 : memref<1x16x128xf32, #tpu.memory_space<hbm>> -> memref<16x128xf32, #tpu.memory_space<hbm>>
        %dma_wait3A_244 = arith.constant 0 : i32
        %dma_wait3A_245 = tpu.memref_slice %arg4[%add3A_226, %mul3A_228, %dma_wait3A_244] : memref<32x80x128xf32, #tpu.memory_space<hbm>> -> memref<1x16x128xf32, #tpu.memory_space<hbm>>
        %dma_wait3A_246 = tpu.memref_squeeze %dma_wait3A_245 : memref<1x16x128xf32, #tpu.memory_space<hbm>> -> memref<16x128xf32, #tpu.memory_space<hbm>>
        tpu.wait_dma2 semaphore(%run_scoped3A : memref<!tpu.dma_semaphore, #tpu.memory_space<semaphore_mem>>) src(%dma_wait3A_246 : memref<16x128xf32, #tpu.memory_space<hbm>>) dst(%arg7 : memref<16x128xf32, #tpu.memory_space<vmem>>)
        tpu.yield
      }) : () -> ()
      %scan3A_229 = arith.constant 0 : i32
      %scan3A_230 = arith.constant 0 : i32
      %scan3A_231 = arith.constant 16 : i32
      %scan3A_232 = arith.addi %scan3A_230, %scan3A_231 : i32
      %scan3A_233 = arith.constant 1 : i32
      %scan3A_234 = scf.for %scan3A_237 = %scan3A_230 to %scan3A_232 step %scan3A_233 iter_args(%scan3A_238 = %scan3A_229) -> (i32)  : i32 {
        "tpu.region"() ({
          %run_scoped3A = tpu.sem_alloc : memref<!tpu.dma_semaphore, #tpu.memory_space<semaphore_mem>>
          %dma_start3A = arith.constant 0 : i32
          %dma_start3A_240 = tpu.memref_slice %arg7[%scan3A_237, %dma_start3A] : memref<16x128xf32, #tpu.memory_space<vmem>> -> memref<1x128xf32, #tpu.memory_space<vmem>>
          %dma_start3A_241 = tpu.memref_squeeze %dma_start3A_240 : memref<1x128xf32, #tpu.memory_space<vmem>> -> memref<128xf32, #tpu.memory_space<vmem>>
          %dma_start3A_242 = arith.constant 0 : i32
          %dma_start3A_243 = tpu.memref_slice %arg6[%scan3A_237, %dma_start3A_242] : memref<16x128xi32, #tpu.memory_space<vmem>> -> memref<1x128xi32, #tpu.memory_space<vmem>>
          %dma_start3A_244 = tpu.memref_squeeze %dma_start3A_243 : memref<1x128xi32, #tpu.memory_space<vmem>> -> memref<128xi32, #tpu.memory_space<vmem>>
          %dma_start3A_245 = arith.constant 0 : i32
          %dma_start3A_246 = tpu.memref_slice %arg12[%dma_start3A_245] : memref<10240xf32, #tpu.memory_space<vmem_shared>> -> memref<10240xf32, #tpu.memory_space<vmem_shared>>
          tpu.enqueue_indirect_dma source(%dma_start3A_241 : memref<128xf32, #tpu.memory_space<vmem>>) target(%dma_start3A_246 : memref<10240xf32, #tpu.memory_space<vmem_shared>>) offsets(%dma_start3A_244 : memref<128xi32, #tpu.memory_space<vmem>>) semaphore(%run_scoped3A : memref<!tpu.dma_semaphore, #tpu.memory_space<semaphore_mem>>) {add = true}
          %dma_wait3A = arith.constant 0 : i32
          %dma_wait3A_247 = tpu.memref_slice %arg7[%scan3A_237, %dma_wait3A] : memref<16x128xf32, #tpu.memory_space<vmem>> -> memref<1x128xf32, #tpu.memory_space<vmem>>
          %dma_wait3A_248 = tpu.memref_squeeze %dma_wait3A_247 : memref<1x128xf32, #tpu.memory_space<vmem>> -> memref<128xf32, #tpu.memory_space<vmem>>
          %dma_wait3A_249 = arith.constant 0 : i32
          %dma_wait3A_250 = tpu.memref_slice %arg6[%scan3A_237, %dma_wait3A_249] : memref<16x128xi32, #tpu.memory_space<vmem>> -> memref<1x128xi32, #tpu.memory_space<vmem>>
          %dma_wait3A_251 = tpu.memref_squeeze %dma_wait3A_250 : memref<1x128xi32, #tpu.memory_space<vmem>> -> memref<128xi32, #tpu.memory_space<vmem>>
          %dma_wait3A_252 = arith.constant 0 : i32
          %dma_wait3A_253 = tpu.memref_slice %arg12[%dma_wait3A_252] : memref<10240xf32, #tpu.memory_space<vmem_shared>> -> memref<10240xf32, #tpu.memory_space<vmem_shared>>
          tpu.wait_indirect_dma semaphore(%run_scoped3A : memref<!tpu.dma_semaphore, #tpu.memory_space<semaphore_mem>>) src(%dma_wait3A_248 : memref<128xf32, #tpu.memory_space<vmem>>) dst(%dma_wait3A_253 : memref<10240xf32, #tpu.memory_space<vmem_shared>>)
          tpu.yield
        }) : () -> ()
        %scan3A_239 = arith.constant 0 : i32
        scf.yield %scan3A_239 : i32
      }
      %scan3A_235 = arith.constant 16 : i32
      %scan3A_236 = arith.constant 0 : i32
      scf.yield %scan3A_236 : i32
    }
    %scan3A_166 = arith.constant 10 : i32
    %barrier3A_167 = arith.constant 0 : index
    tpu.barrier barrier_id(%barrier3A_167)
    %mul3A_168 = arith.constant 640 : i32
    %mul3A_169 = arith.muli %arg1, %mul3A_168 : i32
    "tpu.region"() ({
      %run_scoped3A = tpu.sem_alloc : memref<!tpu.dma_semaphore, #tpu.memory_space<semaphore_mem>>
      %dma_start3A = tpu.memref_slice %arg12[%mul3A_169] : memref<10240xf32, #tpu.memory_space<vmem_shared>> -> memref<640xf32, #tpu.memory_space<vmem_shared>>
      %dma_start3A_187 = tpu.memref_slice %arg12[%mul3A_169] : memref<10240xf32, #tpu.memory_space<vmem_shared>> -> memref<640xf32, #tpu.memory_space<vmem_shared>>
      tpu.enqueue_dma source(%dma_start3A_187 : memref<640xf32, #tpu.memory_space<vmem_shared>>) target(%arg8 : memref<640xf32, #tpu.memory_space<vmem>>) target_semaphore(%run_scoped3A : memref<!tpu.dma_semaphore, #tpu.memory_space<semaphore_mem>>)
      %dma_wait3A = tpu.memref_slice %arg12[%mul3A_169] : memref<10240xf32, #tpu.memory_space<vmem_shared>> -> memref<640xf32, #tpu.memory_space<vmem_shared>>
      %dma_wait3A_188 = tpu.memref_slice %arg12[%mul3A_169] : memref<10240xf32, #tpu.memory_space<vmem_shared>> -> memref<640xf32, #tpu.memory_space<vmem_shared>>
      tpu.wait_dma2 semaphore(%run_scoped3A : memref<!tpu.dma_semaphore, #tpu.memory_space<semaphore_mem>>) src(%dma_wait3A_188 : memref<640xf32, #tpu.memory_space<vmem_shared>>) dst(%arg8 : memref<640xf32, #tpu.memory_space<vmem>>)
      tpu.yield
    }) : () -> ()
    %scan3A_170 = arith.constant 0 : i32
    %scan3A_171 = arith.constant 0 : i32
    %scan3A_172 = arith.constant 40 : i32
    %scan3A_173 = arith.addi %scan3A_171, %scan3A_172 : i32
    %scan3A_174 = arith.constant 1 : i32
    %scan3A_175 = scf.for %scan3A_187 = %scan3A_171 to %scan3A_173 step %scan3A_174 iter_args(%scan3A_188 = %scan3A_170) -> (i32)  : i32 {
      %mul3A_189 = arith.constant 16 : i32
      %mul3A_190 = arith.muli %scan3A_187, %mul3A_189 : i32
      %get3A = arith.index_cast %mul3A_190 : i32 to index
      %get3A_191 = tpu.vector_load %arg8[%get3A] {strides = array<i32>} : memref<640xf32, #tpu.memory_space<vmem>>, vector<16xf32>,
      %max3A = arith.constant 9.99999996E-13 : f32
      %max3A_192 = vector.broadcast %max3A : f32 to vector<16xf32>
      %max3A_193 = arith.maximumf %get3A_191, %max3A_192 : vector<16xf32>
      %bitcast3A = vector.bitcast %max3A_193 : vector<16xf32> to vector<16xi32>
      %shift_right_logical3A = arith.constant 1 : i32
      %shift_right_logical3A_194 = vector.broadcast %shift_right_logical3A : i32 to vector<16xi32>
      %shift_right_logical3A_195 = arith.shrui %bitcast3A, %shift_right_logical3A_194 : vector<16xi32>
      %sub3A = arith.constant 1597463007 : i32
      %sub3A_196 = vector.broadcast %sub3A : i32 to vector<16xi32>
      %sub3A_197 = arith.subi %sub3A_196, %shift_right_logical3A_195 : vector<16xi32>
      %bitcast3A_198 = vector.bitcast %sub3A_197 : vector<16xi32> to vector<16xf32>
      %mul3A_199 = arith.constant 5.000000e-01 : f32
      %mul3A_200 = vector.broadcast %mul3A_199 : f32 to vector<16xf32>
      %mul3A_201 = arith.mulf %mul3A_200, %max3A_193 : vector<16xf32>
      %mul3A_202 = arith.mulf %mul3A_201, %bitcast3A_198 : vector<16xf32>
      %mul3A_203 = arith.mulf %mul3A_202, %bitcast3A_198 : vector<16xf32>
      %sub3A_204 = arith.constant 1.500000e+00 : f32
      %sub3A_205 = vector.broadcast %sub3A_204 : f32 to vector<16xf32>
      %sub3A_206 = arith.subf %sub3A_205, %mul3A_203 : vector<16xf32>
      %mul3A_207 = arith.mulf %bitcast3A_198, %sub3A_206 : vector<16xf32>
      %mul3A_208 = arith.constant 5.000000e-01 : f32
      %mul3A_209 = vector.broadcast %mul3A_208 : f32 to vector<16xf32>
      %mul3A_210 = arith.mulf %mul3A_209, %max3A_193 : vector<16xf32>
      %mul3A_211 = arith.mulf %mul3A_210, %mul3A_207 : vector<16xf32>
      %mul3A_212 = arith.mulf %mul3A_211, %mul3A_207 : vector<16xf32>
      %sub3A_213 = arith.constant 1.500000e+00 : f32
      %sub3A_214 = vector.broadcast %sub3A_213 : f32 to vector<16xf32>
      %sub3A_215 = arith.subf %sub3A_214, %mul3A_212 : vector<16xf32>
      %mul3A_216 = arith.mulf %mul3A_207, %sub3A_215 : vector<16xf32>
      %mul3A_217 = arith.constant 5.000000e-01 : f32
      %mul3A_218 = vector.broadcast %mul3A_217 : f32 to vector<16xf32>
      %mul3A_219 = arith.mulf %mul3A_218, %max3A_193 : vector<16xf32>
      %mul3A_220 = arith.mulf %mul3A_219, %mul3A_216 : vector<16xf32>
      %mul3A_221 = arith.mulf %mul3A_220, %mul3A_216 : vector<16xf32>
      %sub3A_222 = arith.constant 1.500000e+00 : f32
      %sub3A_223 = vector.broadcast %sub3A_222 : f32 to vector<16xf32>
      %sub3A_224 = arith.subf %sub3A_223, %mul3A_221 : vector<16xf32>
      %mul3A_225 = arith.mulf %mul3A_216, %sub3A_224 : vector<16xf32>
      %gt3A = arith.constant 0.000000e+00 : f32
      %gt3A_226 = vector.broadcast %gt3A : f32 to vector<16xf32>
      %gt3A_227 = arith.cmpf ogt, %get3A_191, %gt3A_226 : vector<16xf32>
      %jit3A = arith.constant 0.000000e+00 : f32
      %broadcast_in_dim3A_228 = vector.broadcast %jit3A : f32 to vector<16xf32>
      %select_n3A = arith.select %gt3A_227, %mul3A_225, %broadcast_in_dim3A_228 : vector<16xi1>, vector<16xf32>
      %mul3A_229 = arith.constant 16 : i32
      %mul3A_230 = arith.muli %scan3A_187, %mul3A_229 : i32
      %swap3A_231 = arith.index_cast %mul3A_230 : i32 to index
      %swap3A_232 = tpu.vector_load %arg8[%swap3A_231] {strides = array<i32>} : memref<640xf32, #tpu.memory_space<vmem>>, vector<16xf32>,
      tpu.vector_store %arg8[%swap3A_231], %select_n3A {strides = array<i32>} : memref<640xf32, #tpu.memory_space<vmem>>, vector<16xf32>,
      %scan3A_233 = arith.constant 0 : i32
      scf.yield %scan3A_233 : i32
    }
    %scan3A_176 = arith.constant 40 : i32
    %mul3A_177 = arith.constant 640 : i32
    %mul3A_178 = arith.muli %arg1, %mul3A_177 : i32
    "tpu.region"() ({
      %run_scoped3A = tpu.sem_alloc : memref<!tpu.dma_semaphore, #tpu.memory_space<semaphore_mem>>
      %dma_start3A = tpu.memref_slice %arg12[%mul3A_178] : memref<10240xf32, #tpu.memory_space<vmem_shared>> -> memref<640xf32, #tpu.memory_space<vmem_shared>>
      %dma_start3A_187 = tpu.memref_slice %arg12[%mul3A_178] : memref<10240xf32, #tpu.memory_space<vmem_shared>> -> memref<640xf32, #tpu.memory_space<vmem_shared>>
      tpu.enqueue_dma source(%arg8 : memref<640xf32, #tpu.memory_space<vmem>>) target(%dma_start3A_187 : memref<640xf32, #tpu.memory_space<vmem_shared>>) target_semaphore(%run_scoped3A : memref<!tpu.dma_semaphore, #tpu.memory_space<semaphore_mem>>)
      %dma_wait3A = tpu.memref_slice %arg12[%mul3A_178] : memref<10240xf32, #tpu.memory_space<vmem_shared>> -> memref<640xf32, #tpu.memory_space<vmem_shared>>
      %dma_wait3A_188 = tpu.memref_slice %arg12[%mul3A_178] : memref<10240xf32, #tpu.memory_space<vmem_shared>> -> memref<640xf32, #tpu.memory_space<vmem_shared>>
      tpu.wait_dma2 semaphore(%run_scoped3A : memref<!tpu.dma_semaphore, #tpu.memory_space<semaphore_mem>>) src(%arg8 : memref<640xf32, #tpu.memory_space<vmem>>) dst(%dma_wait3A_188 : memref<640xf32, #tpu.memory_space<vmem_shared>>)
      tpu.yield
    }) : () -> ()
    %barrier3A_179 = arith.constant 0 : index
    tpu.barrier barrier_id(%barrier3A_179)
    "tpu.region"() ({
      %run_scoped3A = tpu.sem_alloc : memref<!tpu.dma_semaphore, #tpu.memory_space<semaphore_mem>>
      tpu.enqueue_dma source(%arg12 : memref<10240xf32, #tpu.memory_space<vmem_shared>>) target(%arg9 : memref<10240xf32, #tpu.memory_space<vmem>>) target_semaphore(%run_scoped3A : memref<!tpu.dma_semaphore, #tpu.memory_space<semaphore_mem>>)
      tpu.wait_dma2 semaphore(%run_scoped3A : memref<!tpu.dma_semaphore, #tpu.memory_space<semaphore_mem>>) src(%arg12 : memref<10240xf32, #tpu.memory_space<vmem_shared>>) dst(%arg9 : memref<10240xf32, #tpu.memory_space<vmem>>)
      tpu.yield
    }) : () -> ()
    %scan3A_180 = arith.constant 0 : i32
    %scan3A_181 = arith.constant 0 : i32
    %scan3A_182 = arith.constant 5 : i32
    %scan3A_183 = arith.addi %scan3A_181, %scan3A_182 : i32
    %scan3A_184 = arith.constant 1 : i32
    %scan3A_185 = scf.for %scan3A_187 = %scan3A_181 to %scan3A_183 step %scan3A_184 iter_args(%scan3A_188 = %scan3A_180) -> (i32)  : i32 {
      %mul3A_189 = arith.constant 16 : i32
      %mul3A_190 = arith.muli %scan3A_187, %mul3A_189 : i32
      "tpu.region"() ({
        %run_scoped3A = tpu.sem_alloc : memref<!tpu.dma_semaphore, #tpu.memory_space<semaphore_mem>>
        %dma_start3A = arith.constant 0 : i32
        %dma_start3A_205 = tpu.memref_slice %arg2[%add3A, %mul3A_190, %dma_start3A] : memref<32x80x128xi32, #tpu.memory_space<hbm>> -> memref<1x16x128xi32, #tpu.memory_space<hbm>>
        %dma_start3A_206 = tpu.memref_squeeze %dma_start3A_205 : memref<1x16x128xi32, #tpu.memory_space<hbm>> -> memref<16x128xi32, #tpu.memory_space<hbm>>
        %dma_start3A_207 = arith.constant 0 : i32
        %dma_start3A_208 = tpu.memref_slice %arg2[%add3A, %mul3A_190, %dma_start3A_207] : memref<32x80x128xi32, #tpu.memory_space<hbm>> -> memref<1x16x128xi32, #tpu.memory_space<hbm>>
        %dma_start3A_209 = tpu.memref_squeeze %dma_start3A_208 : memref<1x16x128xi32, #tpu.memory_space<hbm>> -> memref<16x128xi32, #tpu.memory_space<hbm>>
        tpu.enqueue_dma source(%dma_start3A_209 : memref<16x128xi32, #tpu.memory_space<hbm>>) target(%arg10 : memref<16x128xi32, #tpu.memory_space<vmem>>) target_semaphore(%run_scoped3A : memref<!tpu.dma_semaphore, #tpu.memory_space<semaphore_mem>>)
        %dma_wait3A = arith.constant 0 : i32
        %dma_wait3A_210 = tpu.memref_slice %arg2[%add3A, %mul3A_190, %dma_wait3A] : memref<32x80x128xi32, #tpu.memory_space<hbm>> -> memref<1x16x128xi32, #tpu.memory_space<hbm>>
        %dma_wait3A_211 = tpu.memref_squeeze %dma_wait3A_210 : memref<1x16x128xi32, #tpu.memory_space<hbm>> -> memref<16x128xi32, #tpu.memory_space<hbm>>
        %dma_wait3A_212 = arith.constant 0 : i32
        %dma_wait3A_213 = tpu.memref_slice %arg2[%add3A, %mul3A_190, %dma_wait3A_212] : memref<32x80x128xi32, #tpu.memory_space<hbm>> -> memref<1x16x128xi32, #tpu.memory_space<hbm>>
        %dma_wait3A_214 = tpu.memref_squeeze %dma_wait3A_213 : memref<1x16x128xi32, #tpu.memory_space<hbm>> -> memref<16x128xi32, #tpu.memory_space<hbm>>
        tpu.wait_dma2 semaphore(%run_scoped3A : memref<!tpu.dma_semaphore, #tpu.memory_space<semaphore_mem>>) src(%dma_wait3A_214 : memref<16x128xi32, #tpu.memory_space<hbm>>) dst(%arg10 : memref<16x128xi32, #tpu.memory_space<vmem>>)
        tpu.yield
      }) : () -> ()
      %mul3A_191 = arith.constant 16 : i32
      %mul3A_192 = arith.muli %scan3A_187, %mul3A_191 : i32
      "tpu.region"() ({
        %run_scoped3A = tpu.sem_alloc : memref<!tpu.dma_semaphore, #tpu.memory_space<semaphore_mem>>
        %dma_start3A = arith.constant 0 : i32
        %dma_start3A_205 = tpu.memref_slice %arg3[%add3A, %mul3A_192, %dma_start3A] : memref<32x80x128xi32, #tpu.memory_space<hbm>> -> memref<1x16x128xi32, #tpu.memory_space<hbm>>
        %dma_start3A_206 = tpu.memref_squeeze %dma_start3A_205 : memref<1x16x128xi32, #tpu.memory_space<hbm>> -> memref<16x128xi32, #tpu.memory_space<hbm>>
        %dma_start3A_207 = arith.constant 0 : i32
        %dma_start3A_208 = tpu.memref_slice %arg3[%add3A, %mul3A_192, %dma_start3A_207] : memref<32x80x128xi32, #tpu.memory_space<hbm>> -> memref<1x16x128xi32, #tpu.memory_space<hbm>>
        %dma_start3A_209 = tpu.memref_squeeze %dma_start3A_208 : memref<1x16x128xi32, #tpu.memory_space<hbm>> -> memref<16x128xi32, #tpu.memory_space<hbm>>
        tpu.enqueue_dma source(%dma_start3A_209 : memref<16x128xi32, #tpu.memory_space<hbm>>) target(%arg6 : memref<16x128xi32, #tpu.memory_space<vmem>>) target_semaphore(%run_scoped3A : memref<!tpu.dma_semaphore, #tpu.memory_space<semaphore_mem>>)
        %dma_wait3A = arith.constant 0 : i32
        %dma_wait3A_210 = tpu.memref_slice %arg3[%add3A, %mul3A_192, %dma_wait3A] : memref<32x80x128xi32, #tpu.memory_space<hbm>> -> memref<1x16x128xi32, #tpu.memory_space<hbm>>
        %dma_wait3A_211 = tpu.memref_squeeze %dma_wait3A_210 : memref<1x16x128xi32, #tpu.memory_space<hbm>> -> memref<16x128xi32, #tpu.memory_space<hbm>>
        %dma_wait3A_212 = arith.constant 0 : i32
        %dma_wait3A_213 = tpu.memref_slice %arg3[%add3A, %mul3A_192, %dma_wait3A_212] : memref<32x80x128xi32, #tpu.memory_space<hbm>> -> memref<1x16x128xi32, #tpu.memory_space<hbm>>
        %dma_wait3A_214 = tpu.memref_squeeze %dma_wait3A_213 : memref<1x16x128xi32, #tpu.memory_space<hbm>> -> memref<16x128xi32, #tpu.memory_space<hbm>>
        tpu.wait_dma2 semaphore(%run_scoped3A : memref<!tpu.dma_semaphore, #tpu.memory_space<semaphore_mem>>) src(%dma_wait3A_214 : memref<16x128xi32, #tpu.memory_space<hbm>>) dst(%arg6 : memref<16x128xi32, #tpu.memory_space<vmem>>)
        tpu.yield
      }) : () -> ()
      %mul3A_193 = arith.constant 16 : i32
      %mul3A_194 = arith.muli %scan3A_187, %mul3A_193 : i32
      "tpu.region"() ({
        %run_scoped3A = tpu.sem_alloc : memref<!tpu.dma_semaphore, #tpu.memory_space<semaphore_mem>>
        %dma_start3A = arith.constant 0 : i32
        %dma_start3A_205 = tpu.memref_slice %arg4[%add3A, %mul3A_194, %dma_start3A] : memref<32x80x128xf32, #tpu.memory_space<hbm>> -> memref<1x16x128xf32, #tpu.memory_space<hbm>>
        %dma_start3A_206 = tpu.memref_squeeze %dma_start3A_205 : memref<1x16x128xf32, #tpu.memory_space<hbm>> -> memref<16x128xf32, #tpu.memory_space<hbm>>
        %dma_start3A_207 = arith.constant 0 : i32
        %dma_start3A_208 = tpu.memref_slice %arg4[%add3A, %mul3A_194, %dma_start3A_207] : memref<32x80x128xf32, #tpu.memory_space<hbm>> -> memref<1x16x128xf32, #tpu.memory_space<hbm>>
        %dma_start3A_209 = tpu.memref_squeeze %dma_start3A_208 : memref<1x16x128xf32, #tpu.memory_space<hbm>> -> memref<16x128xf32, #tpu.memory_space<hbm>>
        tpu.enqueue_dma source(%dma_start3A_209 : memref<16x128xf32, #tpu.memory_space<hbm>>) target(%arg7 : memref<16x128xf32, #tpu.memory_space<vmem>>) target_semaphore(%run_scoped3A : memref<!tpu.dma_semaphore, #tpu.memory_space<semaphore_mem>>)
        %dma_wait3A = arith.constant 0 : i32
        %dma_wait3A_210 = tpu.memref_slice %arg4[%add3A, %mul3A_194, %dma_wait3A] : memref<32x80x128xf32, #tpu.memory_space<hbm>> -> memref<1x16x128xf32, #tpu.memory_space<hbm>>
        %dma_wait3A_211 = tpu.memref_squeeze %dma_wait3A_210 : memref<1x16x128xf32, #tpu.memory_space<hbm>> -> memref<16x128xf32, #tpu.memory_space<hbm>>
        %dma_wait3A_212 = arith.constant 0 : i32
        %dma_wait3A_213 = tpu.memref_slice %arg4[%add3A, %mul3A_194, %dma_wait3A_212] : memref<32x80x128xf32, #tpu.memory_space<hbm>> -> memref<1x16x128xf32, #tpu.memory_space<hbm>>
        %dma_wait3A_214 = tpu.memref_squeeze %dma_wait3A_213 : memref<1x16x128xf32, #tpu.memory_space<hbm>> -> memref<16x128xf32, #tpu.memory_space<hbm>>
        tpu.wait_dma2 semaphore(%run_scoped3A : memref<!tpu.dma_semaphore, #tpu.memory_space<semaphore_mem>>) src(%dma_wait3A_214 : memref<16x128xf32, #tpu.memory_space<hbm>>) dst(%arg7 : memref<16x128xf32, #tpu.memory_space<vmem>>)
        tpu.yield
      }) : () -> ()
      %scan3A_195 = arith.constant 0 : i32
      %scan3A_196 = arith.constant 0 : i32
      %scan3A_197 = arith.constant 16 : i32
      %scan3A_198 = arith.addi %scan3A_196, %scan3A_197 : i32
      %scan3A_199 = arith.constant 1 : i32
      %scan3A_200 = scf.for %scan3A_205 = %scan3A_196 to %scan3A_198 step %scan3A_199 iter_args(%scan3A_206 = %scan3A_195) -> (i32)  : i32 {
        %get3A = arith.index_cast %scan3A_205 : i32 to index
        %get3A_207 = arith.constant 0 : index
        %get3A_208 = tpu.vector_load %arg10[%get3A, %get3A_207] {strides = array<i32>} : memref<16x128xi32, #tpu.memory_space<vmem>>, vector<16xi32>,
        %get3A_209 = arith.index_cast %scan3A_205 : i32 to index
        %get3A_210 = arith.constant 0 : index
        %get3A_211 = tpu.vector_load %arg6[%get3A_209, %get3A_210] {strides = array<i32>} : memref<16x128xi32, #tpu.memory_space<vmem>>, vector<16xi32>,
        %get3A_212 = arith.index_cast %scan3A_205 : i32 to index
        %get3A_213 = arith.constant 0 : index
        %get3A_214 = tpu.vector_load %arg7[%get3A_212, %get3A_213] {strides = array<i32>} : memref<16x128xf32, #tpu.memory_space<vmem>>, vector<16xf32>,
        %gather3A = tpu.vector_load_idx %arg9[%get3A_208] : memref<10240xf32, #tpu.memory_space<vmem>>[vector<16xi32>], vector<16xf32>,
        %mul3A_215 = arith.mulf %gather3A, %get3A_214 : vector<16xf32>
        %gather3A_216 = tpu.vector_load_idx %arg9[%get3A_211] : memref<10240xf32, #tpu.memory_space<vmem>>[vector<16xi32>], vector<16xf32>,
        %mul3A_217 = arith.mulf %mul3A_215, %gather3A_216 : vector<16xf32>
        %swap3A_218 = arith.index_cast %scan3A_205 : i32 to index
        %swap3A_219 = arith.constant 0 : index
        %swap3A_220 = tpu.vector_load %arg11[%swap3A_218, %swap3A_219] {strides = array<i32>} : memref<16x128xf32, #tpu.memory_space<vmem>>, vector<16xf32>,
        tpu.vector_store %arg11[%swap3A_218, %swap3A_219], %mul3A_217 {strides = array<i32>} : memref<16x128xf32, #tpu.memory_space<vmem>>, vector<16xf32>,
        %get3A_221 = arith.index_cast %scan3A_205 : i32 to index
        %get3A_222 = arith.constant 16 : index
        %get3A_223 = tpu.vector_load %arg10[%get3A_221, %get3A_222] {strides = array<i32>} : memref<16x128xi32, #tpu.memory_space<vmem>>, vector<16xi32>,
        %get3A_224 = arith.index_cast %scan3A_205 : i32 to index
        %get3A_225 = arith.constant 16 : index
        %get3A_226 = tpu.vector_load %arg6[%get3A_224, %get3A_225] {strides = array<i32>} : memref<16x128xi32, #tpu.memory_space<vmem>>, vector<16xi32>,
        %get3A_227 = arith.index_cast %scan3A_205 : i32 to index
        %get3A_228 = arith.constant 16 : index
        %get3A_229 = tpu.vector_load %arg7[%get3A_227, %get3A_228] {strides = array<i32>} : memref<16x128xf32, #tpu.memory_space<vmem>>, vector<16xf32>,
        %gather3A_230 = tpu.vector_load_idx %arg9[%get3A_223] : memref<10240xf32, #tpu.memory_space<vmem>>[vector<16xi32>], vector<16xf32>,
        %mul3A_231 = arith.mulf %gather3A_230, %get3A_229 : vector<16xf32>
        %gather3A_232 = tpu.vector_load_idx %arg9[%get3A_226] : memref<10240xf32, #tpu.memory_space<vmem>>[vector<16xi32>], vector<16xf32>,
        %mul3A_233 = arith.mulf %mul3A_231, %gather3A_232 : vector<16xf32>
        %swap3A_234 = arith.index_cast %scan3A_205 : i32 to index
        %swap3A_235 = arith.constant 16 : index
        %swap3A_236 = tpu.vector_load %arg11[%swap3A_234, %swap3A_235] {strides = array<i32>} : memref<16x128xf32, #tpu.memory_space<vmem>>, vector<16xf32>,
        tpu.vector_store %arg11[%swap3A_234, %swap3A_235], %mul3A_233 {strides = array<i32>} : memref<16x128xf32, #tpu.memory_space<vmem>>, vector<16xf32>,
        %get3A_237 = arith.index_cast %scan3A_205 : i32 to index
        %get3A_238 = arith.constant 32 : index
        %get3A_239 = tpu.vector_load %arg10[%get3A_237, %get3A_238] {strides = array<i32>} : memref<16x128xi32, #tpu.memory_space<vmem>>, vector<16xi32>,
        %get3A_240 = arith.index_cast %scan3A_205 : i32 to index
        %get3A_241 = arith.constant 32 : index
        %get3A_242 = tpu.vector_load %arg6[%get3A_240, %get3A_241] {strides = array<i32>} : memref<16x128xi32, #tpu.memory_space<vmem>>, vector<16xi32>,
        %get3A_243 = arith.index_cast %scan3A_205 : i32 to index
        %get3A_244 = arith.constant 32 : index
        %get3A_245 = tpu.vector_load %arg7[%get3A_243, %get3A_244] {strides = array<i32>} : memref<16x128xf32, #tpu.memory_space<vmem>>, vector<16xf32>,
        %gather3A_246 = tpu.vector_load_idx %arg9[%get3A_239] : memref<10240xf32, #tpu.memory_space<vmem>>[vector<16xi32>], vector<16xf32>,
        %mul3A_247 = arith.mulf %gather3A_246, %get3A_245 : vector<16xf32>
        %gather3A_248 = tpu.vector_load_idx %arg9[%get3A_242] : memref<10240xf32, #tpu.memory_space<vmem>>[vector<16xi32>], vector<16xf32>,
        %mul3A_249 = arith.mulf %mul3A_247, %gather3A_248 : vector<16xf32>
        %swap3A_250 = arith.index_cast %scan3A_205 : i32 to index
        %swap3A_251 = arith.constant 32 : index
        %swap3A_252 = tpu.vector_load %arg11[%swap3A_250, %swap3A_251] {strides = array<i32>} : memref<16x128xf32, #tpu.memory_space<vmem>>, vector<16xf32>,
        tpu.vector_store %arg11[%swap3A_250, %swap3A_251], %mul3A_249 {strides = array<i32>} : memref<16x128xf32, #tpu.memory_space<vmem>>, vector<16xf32>,
        %get3A_253 = arith.index_cast %scan3A_205 : i32 to index
        %get3A_254 = arith.constant 48 : index
        %get3A_255 = tpu.vector_load %arg10[%get3A_253, %get3A_254] {strides = array<i32>} : memref<16x128xi32, #tpu.memory_space<vmem>>, vector<16xi32>,
        %get3A_256 = arith.index_cast %scan3A_205 : i32 to index
        %get3A_257 = arith.constant 48 : index
        %get3A_258 = tpu.vector_load %arg6[%get3A_256, %get3A_257] {strides = array<i32>} : memref<16x128xi32, #tpu.memory_space<vmem>>, vector<16xi32>,
        %get3A_259 = arith.index_cast %scan3A_205 : i32 to index
        %get3A_260 = arith.constant 48 : index
        %get3A_261 = tpu.vector_load %arg7[%get3A_259, %get3A_260] {strides = array<i32>} : memref<16x128xf32, #tpu.memory_space<vmem>>, vector<16xf32>,
        %gather3A_262 = tpu.vector_load_idx %arg9[%get3A_255] : memref<10240xf32, #tpu.memory_space<vmem>>[vector<16xi32>], vector<16xf32>,
        %mul3A_263 = arith.mulf %gather3A_262, %get3A_261 : vector<16xf32>
        %gather3A_264 = tpu.vector_load_idx %arg9[%get3A_258] : memref<10240xf32, #tpu.memory_space<vmem>>[vector<16xi32>], vector<16xf32>,
        %mul3A_265 = arith.mulf %mul3A_263, %gather3A_264 : vector<16xf32>
        %swap3A_266 = arith.index_cast %scan3A_205 : i32 to index
        %swap3A_267 = arith.constant 48 : index
        %swap3A_268 = tpu.vector_load %arg11[%swap3A_266, %swap3A_267] {strides = array<i32>} : memref<16x128xf32, #tpu.memory_space<vmem>>, vector<16xf32>,
        tpu.vector_store %arg11[%swap3A_266, %swap3A_267], %mul3A_265 {strides = array<i32>} : memref<16x128xf32, #tpu.memory_space<vmem>>, vector<16xf32>,
        %get3A_269 = arith.index_cast %scan3A_205 : i32 to index
        %get3A_270 = arith.constant 64 : index
        %get3A_271 = tpu.vector_load %arg10[%get3A_269, %get3A_270] {strides = array<i32>} : memref<16x128xi32, #tpu.memory_space<vmem>>, vector<16xi32>,
        %get3A_272 = arith.index_cast %scan3A_205 : i32 to index
        %get3A_273 = arith.constant 64 : index
        %get3A_274 = tpu.vector_load %arg6[%get3A_272, %get3A_273] {strides = array<i32>} : memref<16x128xi32, #tpu.memory_space<vmem>>, vector<16xi32>,
        %get3A_275 = arith.index_cast %scan3A_205 : i32 to index
        %get3A_276 = arith.constant 64 : index
        %get3A_277 = tpu.vector_load %arg7[%get3A_275, %get3A_276] {strides = array<i32>} : memref<16x128xf32, #tpu.memory_space<vmem>>, vector<16xf32>,
        %gather3A_278 = tpu.vector_load_idx %arg9[%get3A_271] : memref<10240xf32, #tpu.memory_space<vmem>>[vector<16xi32>], vector<16xf32>,
        %mul3A_279 = arith.mulf %gather3A_278, %get3A_277 : vector<16xf32>
        %gather3A_280 = tpu.vector_load_idx %arg9[%get3A_274] : memref<10240xf32, #tpu.memory_space<vmem>>[vector<16xi32>], vector<16xf32>,
        %mul3A_281 = arith.mulf %mul3A_279, %gather3A_280 : vector<16xf32>
        %swap3A_282 = arith.index_cast %scan3A_205 : i32 to index
        %swap3A_283 = arith.constant 64 : index
        %swap3A_284 = tpu.vector_load %arg11[%swap3A_282, %swap3A_283] {strides = array<i32>} : memref<16x128xf32, #tpu.memory_space<vmem>>, vector<16xf32>,
        tpu.vector_store %arg11[%swap3A_282, %swap3A_283], %mul3A_281 {strides = array<i32>} : memref<16x128xf32, #tpu.memory_space<vmem>>, vector<16xf32>,
        %get3A_285 = arith.index_cast %scan3A_205 : i32 to index
        %get3A_286 = arith.constant 80 : index
        %get3A_287 = tpu.vector_load %arg10[%get3A_285, %get3A_286] {strides = array<i32>} : memref<16x128xi32, #tpu.memory_space<vmem>>, vector<16xi32>,
        %get3A_288 = arith.index_cast %scan3A_205 : i32 to index
        %get3A_289 = arith.constant 80 : index
        %get3A_290 = tpu.vector_load %arg6[%get3A_288, %get3A_289] {strides = array<i32>} : memref<16x128xi32, #tpu.memory_space<vmem>>, vector<16xi32>,
        %get3A_291 = arith.index_cast %scan3A_205 : i32 to index
        %get3A_292 = arith.constant 80 : index
        %get3A_293 = tpu.vector_load %arg7[%get3A_291, %get3A_292] {strides = array<i32>} : memref<16x128xf32, #tpu.memory_space<vmem>>, vector<16xf32>,
        %gather3A_294 = tpu.vector_load_idx %arg9[%get3A_287] : memref<10240xf32, #tpu.memory_space<vmem>>[vector<16xi32>], vector<16xf32>,
        %mul3A_295 = arith.mulf %gather3A_294, %get3A_293 : vector<16xf32>
        %gather3A_296 = tpu.vector_load_idx %arg9[%get3A_290] : memref<10240xf32, #tpu.memory_space<vmem>>[vector<16xi32>], vector<16xf32>,
        %mul3A_297 = arith.mulf %mul3A_295, %gather3A_296 : vector<16xf32>
        %swap3A_298 = arith.index_cast %scan3A_205 : i32 to index
        %swap3A_299 = arith.constant 80 : index
        %swap3A_300 = tpu.vector_load %arg11[%swap3A_298, %swap3A_299] {strides = array<i32>} : memref<16x128xf32, #tpu.memory_space<vmem>>, vector<16xf32>,
        tpu.vector_store %arg11[%swap3A_298, %swap3A_299], %mul3A_297 {strides = array<i32>} : memref<16x128xf32, #tpu.memory_space<vmem>>, vector<16xf32>,
        %get3A_301 = arith.index_cast %scan3A_205 : i32 to index
        %get3A_302 = arith.constant 96 : index
        %get3A_303 = tpu.vector_load %arg10[%get3A_301, %get3A_302] {strides = array<i32>} : memref<16x128xi32, #tpu.memory_space<vmem>>, vector<16xi32>,
        %get3A_304 = arith.index_cast %scan3A_205 : i32 to index
        %get3A_305 = arith.constant 96 : index
        %get3A_306 = tpu.vector_load %arg6[%get3A_304, %get3A_305] {strides = array<i32>} : memref<16x128xi32, #tpu.memory_space<vmem>>, vector<16xi32>,
        %get3A_307 = arith.index_cast %scan3A_205 : i32 to index
        %get3A_308 = arith.constant 96 : index
        %get3A_309 = tpu.vector_load %arg7[%get3A_307, %get3A_308] {strides = array<i32>} : memref<16x128xf32, #tpu.memory_space<vmem>>, vector<16xf32>,
        %gather3A_310 = tpu.vector_load_idx %arg9[%get3A_303] : memref<10240xf32, #tpu.memory_space<vmem>>[vector<16xi32>], vector<16xf32>,
        %mul3A_311 = arith.mulf %gather3A_310, %get3A_309 : vector<16xf32>
        %gather3A_312 = tpu.vector_load_idx %arg9[%get3A_306] : memref<10240xf32, #tpu.memory_space<vmem>>[vector<16xi32>], vector<16xf32>,
        %mul3A_313 = arith.mulf %mul3A_311, %gather3A_312 : vector<16xf32>
        %swap3A_314 = arith.index_cast %scan3A_205 : i32 to index
        %swap3A_315 = arith.constant 96 : index
        %swap3A_316 = tpu.vector_load %arg11[%swap3A_314, %swap3A_315] {strides = array<i32>} : memref<16x128xf32, #tpu.memory_space<vmem>>, vector<16xf32>,
        tpu.vector_store %arg11[%swap3A_314, %swap3A_315], %mul3A_313 {strides = array<i32>} : memref<16x128xf32, #tpu.memory_space<vmem>>, vector<16xf32>,
        %get3A_317 = arith.index_cast %scan3A_205 : i32 to index
        %get3A_318 = arith.constant 112 : index
        %get3A_319 = tpu.vector_load %arg10[%get3A_317, %get3A_318] {strides = array<i32>} : memref<16x128xi32, #tpu.memory_space<vmem>>, vector<16xi32>,
        %get3A_320 = arith.index_cast %scan3A_205 : i32 to index
        %get3A_321 = arith.constant 112 : index
        %get3A_322 = tpu.vector_load %arg6[%get3A_320, %get3A_321] {strides = array<i32>} : memref<16x128xi32, #tpu.memory_space<vmem>>, vector<16xi32>,
        %get3A_323 = arith.index_cast %scan3A_205 : i32 to index
        %get3A_324 = arith.constant 112 : index
        %get3A_325 = tpu.vector_load %arg7[%get3A_323, %get3A_324] {strides = array<i32>} : memref<16x128xf32, #tpu.memory_space<vmem>>, vector<16xf32>,
        %gather3A_326 = tpu.vector_load_idx %arg9[%get3A_319] : memref<10240xf32, #tpu.memory_space<vmem>>[vector<16xi32>], vector<16xf32>,
        %mul3A_327 = arith.mulf %gather3A_326, %get3A_325 : vector<16xf32>
        %gather3A_328 = tpu.vector_load_idx %arg9[%get3A_322] : memref<10240xf32, #tpu.memory_space<vmem>>[vector<16xi32>], vector<16xf32>,
        %mul3A_329 = arith.mulf %mul3A_327, %gather3A_328 : vector<16xf32>
        %swap3A_330 = arith.index_cast %scan3A_205 : i32 to index
        %swap3A_331 = arith.constant 112 : index
        %swap3A_332 = tpu.vector_load %arg11[%swap3A_330, %swap3A_331] {strides = array<i32>} : memref<16x128xf32, #tpu.memory_space<vmem>>, vector<16xf32>,
        tpu.vector_store %arg11[%swap3A_330, %swap3A_331], %mul3A_329 {strides = array<i32>} : memref<16x128xf32, #tpu.memory_space<vmem>>, vector<16xf32>,
        %scan3A_333 = arith.constant 0 : i32
        scf.yield %scan3A_333 : i32
      }
      %scan3A_201 = arith.constant 16 : i32
      %mul3A_202 = arith.constant 16 : i32
      %mul3A_203 = arith.muli %scan3A_187, %mul3A_202 : i32
      "tpu.region"() ({
        %run_scoped3A = tpu.sem_alloc : memref<!tpu.dma_semaphore, #tpu.memory_space<semaphore_mem>>
        %dma_start3A = arith.constant 0 : i32
        %dma_start3A_205 = tpu.memref_slice %arg5[%add3A, %mul3A_203, %dma_start3A] : memref<32x80x128xf32, #tpu.memory_space<hbm>> -> memref<1x16x128xf32, #tpu.memory_space<hbm>>
        %dma_start3A_206 = tpu.memref_squeeze %dma_start3A_205 : memref<1x16x128xf32, #tpu.memory_space<hbm>> -> memref<16x128xf32, #tpu.memory_space<hbm>>
        %dma_start3A_207 = arith.constant 0 : i32
        %dma_start3A_208 = tpu.memref_slice %arg5[%add3A, %mul3A_203, %dma_start3A_207] : memref<32x80x128xf32, #tpu.memory_space<hbm>> -> memref<1x16x128xf32, #tpu.memory_space<hbm>>
        %dma_start3A_209 = tpu.memref_squeeze %dma_start3A_208 : memref<1x16x128xf32, #tpu.memory_space<hbm>> -> memref<16x128xf32, #tpu.memory_space<hbm>>
        tpu.enqueue_dma source(%arg11 : memref<16x128xf32, #tpu.memory_space<vmem>>) target(%dma_start3A_209 : memref<16x128xf32, #tpu.memory_space<hbm>>) target_semaphore(%run_scoped3A : memref<!tpu.dma_semaphore, #tpu.memory_space<semaphore_mem>>)
        %dma_wait3A = arith.constant 0 : i32
        %dma_wait3A_210 = tpu.memref_slice %arg5[%add3A, %mul3A_203, %dma_wait3A] : memref<32x80x128xf32, #tpu.memory_space<hbm>> -> memref<1x16x128xf32, #tpu.memory_space<hbm>>
        %dma_wait3A_211 = tpu.memref_squeeze %dma_wait3A_210 : memref<1x16x128xf32, #tpu.memory_space<hbm>> -> memref<16x128xf32, #tpu.memory_space<hbm>>
        %dma_wait3A_212 = arith.constant 0 : i32
        %dma_wait3A_213 = tpu.memref_slice %arg5[%add3A, %mul3A_203, %dma_wait3A_212] : memref<32x80x128xf32, #tpu.memory_space<hbm>> -> memref<1x16x128xf32, #tpu.memory_space<hbm>>
        %dma_wait3A_214 = tpu.memref_squeeze %dma_wait3A_213 : memref<1x16x128xf32, #tpu.memory_space<hbm>> -> memref<16x128xf32, #tpu.memory_space<hbm>>
        tpu.wait_dma2 semaphore(%run_scoped3A : memref<!tpu.dma_semaphore, #tpu.memory_space<semaphore_mem>>) src(%arg11 : memref<16x128xf32, #tpu.memory_space<vmem>>) dst(%dma_wait3A_214 : memref<16x128xf32, #tpu.memory_space<hbm>>)
        tpu.yield
      }) : () -> ()
      %scan3A_204 = arith.constant 0 : i32
      scf.yield %scan3A_204 : i32
    }
    %scan3A_186 = arith.constant 5 : i32
    return
  }
}

#map = affine_map<(d0, d1) -> (0, 0)>
#map1 = affine_map<(d0, d1) -> (0, 0, 0)>
module attributes {stable_mosaic.version = 14 : i64} {
  func.func @_scatter_kernel(%arg0: i32, %arg1: i32, %arg2: memref<2560x128xi32, #tpu.memory_space<hbm>>, %arg3: memref<2560x128xi32, #tpu.memory_space<hbm>>, %arg4: memref<2560x128xf32, #tpu.memory_space<hbm>>, %arg5: memref<10000x128xf32, #tpu.memory_space<hbm>>, %arg6: memref<2x10240x128xf32, #tpu.memory_space<hbm>>, %arg7: memref<2x16x128xi32, #tpu.memory_space<vmem>>, %arg8: memref<2x16x128xi32, #tpu.memory_space<vmem>>, %arg9: memref<2x16x128xf32, #tpu.memory_space<vmem>>, %arg10: memref<2x128x128xf32, #tpu.memory_space<vmem>>, %arg11: memref<10240x128xf32, #tpu.memory_space<vmem_shared>>, %arg12: memref<!tpu.dma_semaphore, #tpu.memory_space<semaphore_mem>>, %arg13: memref<!tpu.dma_semaphore, #tpu.memory_space<semaphore_mem>>, %arg14: memref<!tpu.dma_semaphore, #tpu.memory_space<semaphore_mem>>, %arg15: memref<!tpu.dma_semaphore, #tpu.memory_space<semaphore_mem>>, %arg16: memref<!tpu.dma_semaphore, #tpu.memory_space<semaphore_mem>>) attributes {dimension_semantics = [#tpu.dimension_semantics<core_parallel>, #tpu.dimension_semantics<subcore_parallel>], iteration_bounds = array<i64: 2, 16>, scalar_prefetch = 0 : i64, scratch_operands = 10 : i64, tpu.core_type = #tpu.core_type<sc_vector_subcore>, window_params = [{transform_indices = #map}, {transform_indices = #map}, {transform_indices = #map}, {transform_indices = #map}, {transform_indices = #map1}]} {
    %eq3A = arith.constant 0 : i32
    %eq3A_0 = arith.cmpi eq, %arg0, %eq3A : i32
    %jit3A = arith.constant 144 : i32
    %jit3A_1 = arith.constant 16 : i32
    %select_n3A = arith.select %eq3A_0, %jit3A, %jit3A_1 : i32
    %jit3A_2 = arith.constant 16 : i32
    %div3A = arith.divsi %select_n3A, %jit3A_2 : i32
    %sign3A = arith.constant 0 : i32
    %sign3A_3 = arith.cmpi sgt, %select_n3A, %sign3A : i32
    %sign3A_4 = arith.extui %sign3A_3 : i1 to i32
    %sign3A_5 = arith.constant 0 : i32
    %sign3A_6 = arith.cmpi slt, %select_n3A, %sign3A_5 : i32
    %sign3A_7 = arith.extui %sign3A_6 : i1 to i32
    %sign3A_8 = arith.subi %sign3A_4, %sign3A_7 : i32
    %sign3A_9 = arith.constant 0 : i32
    %sign3A_10 = arith.cmpi sgt, %jit3A_2, %sign3A_9 : i32
    %sign3A_11 = arith.extui %sign3A_10 : i1 to i32
    %sign3A_12 = arith.constant 0 : i32
    %sign3A_13 = arith.cmpi slt, %jit3A_2, %sign3A_12 : i32
    %sign3A_14 = arith.extui %sign3A_13 : i1 to i32
    %sign3A_15 = arith.subi %sign3A_11, %sign3A_14 : i32
    %ne3A = arith.cmpi ne, %sign3A_8, %sign3A_15 : i32
    %rem3A = arith.remsi %select_n3A, %jit3A_2 : i32
    %ne3A_16 = arith.constant 0 : i32
    %ne3A_17 = arith.cmpi ne, %rem3A, %ne3A_16 : i32
    %and3A = arith.andi %ne3A, %ne3A_17 : i1
    %sub3A = arith.constant 1 : i32
    %sub3A_18 = arith.subi %div3A, %sub3A : i32
    %select_n3A_19 = arith.select %and3A, %sub3A_18, %div3A : i32
    %eq3A_20 = arith.constant 0 : i32
    %eq3A_21 = arith.cmpi eq, %arg0, %eq3A_20 : i32
    %mul3A = arith.constant 144 : i32
    %mul3A_22 = arith.muli %arg1, %mul3A : i32
    %mul3A_23 = arith.constant 16 : i32
    %mul3A_24 = arith.muli %arg1, %mul3A_23 : i32
    %add3A = arith.constant 2304 : i32
    %add3A_25 = arith.addi %add3A, %mul3A_24 : i32
    %select_n3A_26 = arith.select %eq3A_21, %mul3A_22, %add3A_25 : i32
    %scan3A = arith.constant 0 : i32
    %scan3A_27 = arith.constant 0 : i32
    %scan3A_28 = arith.constant 128 : i32
    %scan3A_29 = arith.addi %scan3A_27, %scan3A_28 : i32
    %scan3A_30 = arith.constant 1 : i32
    %scan3A_31 = scf.for %scan3A_179 = %scan3A_27 to %scan3A_29 step %scan3A_30 iter_args(%scan3A_180 = %scan3A) -> (i32)  : i32 {
      %broadcast_in_dim3A = arith.constant 0.000000e+00 : f32
      %broadcast_in_dim3A_181 = vector.broadcast %broadcast_in_dim3A : f32 to vector<16xf32>
      %swap3A = arith.constant 0 : i32
      %swap3A_182 = arith.index_cast %swap3A : i32 to index
      %swap3A_183 = arith.index_cast %scan3A_179 : i32 to index
      %swap3A_184 = arith.constant 0 : index
      %swap3A_185 = tpu.vector_load %arg10[%swap3A_182, %swap3A_183, %swap3A_184] {strides = array<i32>} : memref<2x128x128xf32, #tpu.memory_space<vmem>>, vector<16xf32>,
      tpu.vector_store %arg10[%swap3A_182, %swap3A_183, %swap3A_184], %broadcast_in_dim3A_181 {strides = array<i32>} : memref<2x128x128xf32, #tpu.memory_space<vmem>>, vector<16xf32>,
      %broadcast_in_dim3A_186 = arith.constant 0.000000e+00 : f32
      %broadcast_in_dim3A_187 = vector.broadcast %broadcast_in_dim3A_186 : f32 to vector<16xf32>
      %swap3A_188 = arith.constant 0 : i32
      %swap3A_189 = arith.index_cast %swap3A_188 : i32 to index
      %swap3A_190 = arith.index_cast %scan3A_179 : i32 to index
      %swap3A_191 = arith.constant 16 : index
      %swap3A_192 = tpu.vector_load %arg10[%swap3A_189, %swap3A_190, %swap3A_191] {strides = array<i32>} : memref<2x128x128xf32, #tpu.memory_space<vmem>>, vector<16xf32>,
      tpu.vector_store %arg10[%swap3A_189, %swap3A_190, %swap3A_191], %broadcast_in_dim3A_187 {strides = array<i32>} : memref<2x128x128xf32, #tpu.memory_space<vmem>>, vector<16xf32>,
      %broadcast_in_dim3A_193 = arith.constant 0.000000e+00 : f32
      %broadcast_in_dim3A_194 = vector.broadcast %broadcast_in_dim3A_193 : f32 to vector<16xf32>
      %swap3A_195 = arith.constant 0 : i32
      %swap3A_196 = arith.index_cast %swap3A_195 : i32 to index
      %swap3A_197 = arith.index_cast %scan3A_179 : i32 to index
      %swap3A_198 = arith.constant 32 : index
      %swap3A_199 = tpu.vector_load %arg10[%swap3A_196, %swap3A_197, %swap3A_198] {strides = array<i32>} : memref<2x128x128xf32, #tpu.memory_space<vmem>>, vector<16xf32>,
      tpu.vector_store %arg10[%swap3A_196, %swap3A_197, %swap3A_198], %broadcast_in_dim3A_194 {strides = array<i32>} : memref<2x128x128xf32, #tpu.memory_space<vmem>>, vector<16xf32>,
      %broadcast_in_dim3A_200 = arith.constant 0.000000e+00 : f32
      %broadcast_in_dim3A_201 = vector.broadcast %broadcast_in_dim3A_200 : f32 to vector<16xf32>
      %swap3A_202 = arith.constant 0 : i32
      %swap3A_203 = arith.index_cast %swap3A_202 : i32 to index
      %swap3A_204 = arith.index_cast %scan3A_179 : i32 to index
      %swap3A_205 = arith.constant 48 : index
      %swap3A_206 = tpu.vector_load %arg10[%swap3A_203, %swap3A_204, %swap3A_205] {strides = array<i32>} : memref<2x128x128xf32, #tpu.memory_space<vmem>>, vector<16xf32>,
      tpu.vector_store %arg10[%swap3A_203, %swap3A_204, %swap3A_205], %broadcast_in_dim3A_201 {strides = array<i32>} : memref<2x128x128xf32, #tpu.memory_space<vmem>>, vector<16xf32>,
      %broadcast_in_dim3A_207 = arith.constant 0.000000e+00 : f32
      %broadcast_in_dim3A_208 = vector.broadcast %broadcast_in_dim3A_207 : f32 to vector<16xf32>
      %swap3A_209 = arith.constant 0 : i32
      %swap3A_210 = arith.index_cast %swap3A_209 : i32 to index
      %swap3A_211 = arith.index_cast %scan3A_179 : i32 to index
      %swap3A_212 = arith.constant 64 : index
      %swap3A_213 = tpu.vector_load %arg10[%swap3A_210, %swap3A_211, %swap3A_212] {strides = array<i32>} : memref<2x128x128xf32, #tpu.memory_space<vmem>>, vector<16xf32>,
      tpu.vector_store %arg10[%swap3A_210, %swap3A_211, %swap3A_212], %broadcast_in_dim3A_208 {strides = array<i32>} : memref<2x128x128xf32, #tpu.memory_space<vmem>>, vector<16xf32>,
      %broadcast_in_dim3A_214 = arith.constant 0.000000e+00 : f32
      %broadcast_in_dim3A_215 = vector.broadcast %broadcast_in_dim3A_214 : f32 to vector<16xf32>
      %swap3A_216 = arith.constant 0 : i32
      %swap3A_217 = arith.index_cast %swap3A_216 : i32 to index
      %swap3A_218 = arith.index_cast %scan3A_179 : i32 to index
      %swap3A_219 = arith.constant 80 : index
      %swap3A_220 = tpu.vector_load %arg10[%swap3A_217, %swap3A_218, %swap3A_219] {strides = array<i32>} : memref<2x128x128xf32, #tpu.memory_space<vmem>>, vector<16xf32>,
      tpu.vector_store %arg10[%swap3A_217, %swap3A_218, %swap3A_219], %broadcast_in_dim3A_215 {strides = array<i32>} : memref<2x128x128xf32, #tpu.memory_space<vmem>>, vector<16xf32>,
      %broadcast_in_dim3A_221 = arith.constant 0.000000e+00 : f32
      %broadcast_in_dim3A_222 = vector.broadcast %broadcast_in_dim3A_221 : f32 to vector<16xf32>
      %swap3A_223 = arith.constant 0 : i32
      %swap3A_224 = arith.index_cast %swap3A_223 : i32 to index
      %swap3A_225 = arith.index_cast %scan3A_179 : i32 to index
      %swap3A_226 = arith.constant 96 : index
      %swap3A_227 = tpu.vector_load %arg10[%swap3A_224, %swap3A_225, %swap3A_226] {strides = array<i32>} : memref<2x128x128xf32, #tpu.memory_space<vmem>>, vector<16xf32>,
      tpu.vector_store %arg10[%swap3A_224, %swap3A_225, %swap3A_226], %broadcast_in_dim3A_222 {strides = array<i32>} : memref<2x128x128xf32, #tpu.memory_space<vmem>>, vector<16xf32>,
      %broadcast_in_dim3A_228 = arith.constant 0.000000e+00 : f32
      %broadcast_in_dim3A_229 = vector.broadcast %broadcast_in_dim3A_228 : f32 to vector<16xf32>
      %swap3A_230 = arith.constant 0 : i32
      %swap3A_231 = arith.index_cast %swap3A_230 : i32 to index
      %swap3A_232 = arith.index_cast %scan3A_179 : i32 to index
      %swap3A_233 = arith.constant 112 : index
      %swap3A_234 = tpu.vector_load %arg10[%swap3A_231, %swap3A_232, %swap3A_233] {strides = array<i32>} : memref<2x128x128xf32, #tpu.memory_space<vmem>>, vector<16xf32>,
      tpu.vector_store %arg10[%swap3A_231, %swap3A_232, %swap3A_233], %broadcast_in_dim3A_229 {strides = array<i32>} : memref<2x128x128xf32, #tpu.memory_space<vmem>>, vector<16xf32>,
      %scan3A_235 = arith.constant 0 : i32
      scf.yield %scan3A_235 : i32
    }
    %scan3A_32 = arith.constant 128 : i32
    %mul3A_33 = arith.constant 640 : i32
    %mul3A_34 = arith.muli %arg1, %mul3A_33 : i32
    %add3A_35 = arith.constant 0 : i32
    %add3A_36 = arith.addi %mul3A_34, %add3A_35 : i32
    %run_scoped3A = arith.constant 0 : i32
    "tpu.region"() ({
      %run_scoped3A_179 = tpu.sem_alloc : memref<!tpu.dma_semaphore, #tpu.memory_space<semaphore_mem>>
      %dma_start3A_180 = arith.constant 0 : i32
      %dma_start3A_181 = arith.constant 0 : i32
      %dma_start3A_182 = tpu.memref_slice %arg10[%run_scoped3A, %dma_start3A_180, %dma_start3A_181] : memref<2x128x128xf32, #tpu.memory_space<vmem>> -> memref<1x128x128xf32, #tpu.memory_space<vmem>>
      %dma_start3A_183 = tpu.memref_squeeze %dma_start3A_182 : memref<1x128x128xf32, #tpu.memory_space<vmem>> -> memref<128x128xf32, #tpu.memory_space<vmem>>
      %dma_start3A_184 = arith.constant 0 : i32
      %dma_start3A_185 = tpu.memref_slice %arg11[%add3A_36, %dma_start3A_184] : memref<10240x128xf32, #tpu.memory_space<vmem_shared>> -> memref<128x128xf32, #tpu.memory_space<vmem_shared>>
      %dma_start3A_186 = arith.constant 0 : i32
      %dma_start3A_187 = tpu.memref_slice %arg11[%add3A_36, %dma_start3A_186] : memref<10240x128xf32, #tpu.memory_space<vmem_shared>> -> memref<128x128xf32, #tpu.memory_space<vmem_shared>>
      %dma_start3A_188 = arith.constant 0 : i32
      %dma_start3A_189 = arith.constant 0 : i32
      %dma_start3A_190 = tpu.memref_slice %arg10[%run_scoped3A, %dma_start3A_188, %dma_start3A_189] : memref<2x128x128xf32, #tpu.memory_space<vmem>> -> memref<1x128x128xf32, #tpu.memory_space<vmem>>
      %dma_start3A_191 = tpu.memref_squeeze %dma_start3A_190 : memref<1x128x128xf32, #tpu.memory_space<vmem>> -> memref<128x128xf32, #tpu.memory_space<vmem>>
      tpu.enqueue_dma source(%dma_start3A_191 : memref<128x128xf32, #tpu.memory_space<vmem>>) target(%dma_start3A_187 : memref<128x128xf32, #tpu.memory_space<vmem_shared>>) target_semaphore(%run_scoped3A_179 : memref<!tpu.dma_semaphore, #tpu.memory_space<semaphore_mem>>)
      %dma_wait3A_192 = arith.constant 0 : i32
      %dma_wait3A_193 = arith.constant 0 : i32
      %dma_wait3A_194 = tpu.memref_slice %arg10[%run_scoped3A, %dma_wait3A_192, %dma_wait3A_193] : memref<2x128x128xf32, #tpu.memory_space<vmem>> -> memref<1x128x128xf32, #tpu.memory_space<vmem>>
      %dma_wait3A_195 = tpu.memref_squeeze %dma_wait3A_194 : memref<1x128x128xf32, #tpu.memory_space<vmem>> -> memref<128x128xf32, #tpu.memory_space<vmem>>
      %dma_wait3A_196 = arith.constant 0 : i32
      %dma_wait3A_197 = tpu.memref_slice %arg11[%add3A_36, %dma_wait3A_196] : memref<10240x128xf32, #tpu.memory_space<vmem_shared>> -> memref<128x128xf32, #tpu.memory_space<vmem_shared>>
      %dma_wait3A_198 = arith.constant 0 : i32
      %dma_wait3A_199 = tpu.memref_slice %arg11[%add3A_36, %dma_wait3A_198] : memref<10240x128xf32, #tpu.memory_space<vmem_shared>> -> memref<128x128xf32, #tpu.memory_space<vmem_shared>>
      %dma_wait3A_200 = arith.constant 0 : i32
      %dma_wait3A_201 = arith.constant 0 : i32
      %dma_wait3A_202 = tpu.memref_slice %arg10[%run_scoped3A, %dma_wait3A_200, %dma_wait3A_201] : memref<2x128x128xf32, #tpu.memory_space<vmem>> -> memref<1x128x128xf32, #tpu.memory_space<vmem>>
      %dma_wait3A_203 = tpu.memref_squeeze %dma_wait3A_202 : memref<1x128x128xf32, #tpu.memory_space<vmem>> -> memref<128x128xf32, #tpu.memory_space<vmem>>
      tpu.wait_dma2 semaphore(%run_scoped3A_179 : memref<!tpu.dma_semaphore, #tpu.memory_space<semaphore_mem>>) src(%dma_wait3A_203 : memref<128x128xf32, #tpu.memory_space<vmem>>) dst(%dma_wait3A_199 : memref<128x128xf32, #tpu.memory_space<vmem_shared>>)
      tpu.yield
    }) : () -> ()
    %mul3A_37 = arith.constant 640 : i32
    %mul3A_38 = arith.muli %arg1, %mul3A_37 : i32
    %add3A_39 = arith.constant 128 : i32
    %add3A_40 = arith.addi %mul3A_38, %add3A_39 : i32
    %run_scoped3A_41 = arith.constant 0 : i32
    "tpu.region"() ({
      %run_scoped3A_179 = tpu.sem_alloc : memref<!tpu.dma_semaphore, #tpu.memory_space<semaphore_mem>>
      %dma_start3A_180 = arith.constant 0 : i32
      %dma_start3A_181 = arith.constant 0 : i32
      %dma_start3A_182 = tpu.memref_slice %arg10[%run_scoped3A_41, %dma_start3A_180, %dma_start3A_181] : memref<2x128x128xf32, #tpu.memory_space<vmem>> -> memref<1x128x128xf32, #tpu.memory_space<vmem>>
      %dma_start3A_183 = tpu.memref_squeeze %dma_start3A_182 : memref<1x128x128xf32, #tpu.memory_space<vmem>> -> memref<128x128xf32, #tpu.memory_space<vmem>>
      %dma_start3A_184 = arith.constant 0 : i32
      %dma_start3A_185 = tpu.memref_slice %arg11[%add3A_40, %dma_start3A_184] : memref<10240x128xf32, #tpu.memory_space<vmem_shared>> -> memref<128x128xf32, #tpu.memory_space<vmem_shared>>
      %dma_start3A_186 = arith.constant 0 : i32
      %dma_start3A_187 = tpu.memref_slice %arg11[%add3A_40, %dma_start3A_186] : memref<10240x128xf32, #tpu.memory_space<vmem_shared>> -> memref<128x128xf32, #tpu.memory_space<vmem_shared>>
      %dma_start3A_188 = arith.constant 0 : i32
      %dma_start3A_189 = arith.constant 0 : i32
      %dma_start3A_190 = tpu.memref_slice %arg10[%run_scoped3A_41, %dma_start3A_188, %dma_start3A_189] : memref<2x128x128xf32, #tpu.memory_space<vmem>> -> memref<1x128x128xf32, #tpu.memory_space<vmem>>
      %dma_start3A_191 = tpu.memref_squeeze %dma_start3A_190 : memref<1x128x128xf32, #tpu.memory_space<vmem>> -> memref<128x128xf32, #tpu.memory_space<vmem>>
      tpu.enqueue_dma source(%dma_start3A_191 : memref<128x128xf32, #tpu.memory_space<vmem>>) target(%dma_start3A_187 : memref<128x128xf32, #tpu.memory_space<vmem_shared>>) target_semaphore(%run_scoped3A_179 : memref<!tpu.dma_semaphore, #tpu.memory_space<semaphore_mem>>)
      %dma_wait3A_192 = arith.constant 0 : i32
      %dma_wait3A_193 = arith.constant 0 : i32
      %dma_wait3A_194 = tpu.memref_slice %arg10[%run_scoped3A_41, %dma_wait3A_192, %dma_wait3A_193] : memref<2x128x128xf32, #tpu.memory_space<vmem>> -> memref<1x128x128xf32, #tpu.memory_space<vmem>>
      %dma_wait3A_195 = tpu.memref_squeeze %dma_wait3A_194 : memref<1x128x128xf32, #tpu.memory_space<vmem>> -> memref<128x128xf32, #tpu.memory_space<vmem>>
      %dma_wait3A_196 = arith.constant 0 : i32
      %dma_wait3A_197 = tpu.memref_slice %arg11[%add3A_40, %dma_wait3A_196] : memref<10240x128xf32, #tpu.memory_space<vmem_shared>> -> memref<128x128xf32, #tpu.memory_space<vmem_shared>>
      %dma_wait3A_198 = arith.constant 0 : i32
      %dma_wait3A_199 = tpu.memref_slice %arg11[%add3A_40, %dma_wait3A_198] : memref<10240x128xf32, #tpu.memory_space<vmem_shared>> -> memref<128x128xf32, #tpu.memory_space<vmem_shared>>
      %dma_wait3A_200 = arith.constant 0 : i32
      %dma_wait3A_201 = arith.constant 0 : i32
      %dma_wait3A_202 = tpu.memref_slice %arg10[%run_scoped3A_41, %dma_wait3A_200, %dma_wait3A_201] : memref<2x128x128xf32, #tpu.memory_space<vmem>> -> memref<1x128x128xf32, #tpu.memory_space<vmem>>
      %dma_wait3A_203 = tpu.memref_squeeze %dma_wait3A_202 : memref<1x128x128xf32, #tpu.memory_space<vmem>> -> memref<128x128xf32, #tpu.memory_space<vmem>>
      tpu.wait_dma2 semaphore(%run_scoped3A_179 : memref<!tpu.dma_semaphore, #tpu.memory_space<semaphore_mem>>) src(%dma_wait3A_203 : memref<128x128xf32, #tpu.memory_space<vmem>>) dst(%dma_wait3A_199 : memref<128x128xf32, #tpu.memory_space<vmem_shared>>)
      tpu.yield
    }) : () -> ()
    %mul3A_42 = arith.constant 640 : i32
    %mul3A_43 = arith.muli %arg1, %mul3A_42 : i32
    %add3A_44 = arith.constant 256 : i32
    %add3A_45 = arith.addi %mul3A_43, %add3A_44 : i32
    %run_scoped3A_46 = arith.constant 0 : i32
    "tpu.region"() ({
      %run_scoped3A_179 = tpu.sem_alloc : memref<!tpu.dma_semaphore, #tpu.memory_space<semaphore_mem>>
      %dma_start3A_180 = arith.constant 0 : i32
      %dma_start3A_181 = arith.constant 0 : i32
      %dma_start3A_182 = tpu.memref_slice %arg10[%run_scoped3A_46, %dma_start3A_180, %dma_start3A_181] : memref<2x128x128xf32, #tpu.memory_space<vmem>> -> memref<1x128x128xf32, #tpu.memory_space<vmem>>
      %dma_start3A_183 = tpu.memref_squeeze %dma_start3A_182 : memref<1x128x128xf32, #tpu.memory_space<vmem>> -> memref<128x128xf32, #tpu.memory_space<vmem>>
      %dma_start3A_184 = arith.constant 0 : i32
      %dma_start3A_185 = tpu.memref_slice %arg11[%add3A_45, %dma_start3A_184] : memref<10240x128xf32, #tpu.memory_space<vmem_shared>> -> memref<128x128xf32, #tpu.memory_space<vmem_shared>>
      %dma_start3A_186 = arith.constant 0 : i32
      %dma_start3A_187 = tpu.memref_slice %arg11[%add3A_45, %dma_start3A_186] : memref<10240x128xf32, #tpu.memory_space<vmem_shared>> -> memref<128x128xf32, #tpu.memory_space<vmem_shared>>
      %dma_start3A_188 = arith.constant 0 : i32
      %dma_start3A_189 = arith.constant 0 : i32
      %dma_start3A_190 = tpu.memref_slice %arg10[%run_scoped3A_46, %dma_start3A_188, %dma_start3A_189] : memref<2x128x128xf32, #tpu.memory_space<vmem>> -> memref<1x128x128xf32, #tpu.memory_space<vmem>>
      %dma_start3A_191 = tpu.memref_squeeze %dma_start3A_190 : memref<1x128x128xf32, #tpu.memory_space<vmem>> -> memref<128x128xf32, #tpu.memory_space<vmem>>
      tpu.enqueue_dma source(%dma_start3A_191 : memref<128x128xf32, #tpu.memory_space<vmem>>) target(%dma_start3A_187 : memref<128x128xf32, #tpu.memory_space<vmem_shared>>) target_semaphore(%run_scoped3A_179 : memref<!tpu.dma_semaphore, #tpu.memory_space<semaphore_mem>>)
      %dma_wait3A_192 = arith.constant 0 : i32
      %dma_wait3A_193 = arith.constant 0 : i32
      %dma_wait3A_194 = tpu.memref_slice %arg10[%run_scoped3A_46, %dma_wait3A_192, %dma_wait3A_193] : memref<2x128x128xf32, #tpu.memory_space<vmem>> -> memref<1x128x128xf32, #tpu.memory_space<vmem>>
      %dma_wait3A_195 = tpu.memref_squeeze %dma_wait3A_194 : memref<1x128x128xf32, #tpu.memory_space<vmem>> -> memref<128x128xf32, #tpu.memory_space<vmem>>
      %dma_wait3A_196 = arith.constant 0 : i32
      %dma_wait3A_197 = tpu.memref_slice %arg11[%add3A_45, %dma_wait3A_196] : memref<10240x128xf32, #tpu.memory_space<vmem_shared>> -> memref<128x128xf32, #tpu.memory_space<vmem_shared>>
      %dma_wait3A_198 = arith.constant 0 : i32
      %dma_wait3A_199 = tpu.memref_slice %arg11[%add3A_45, %dma_wait3A_198] : memref<10240x128xf32, #tpu.memory_space<vmem_shared>> -> memref<128x128xf32, #tpu.memory_space<vmem_shared>>
      %dma_wait3A_200 = arith.constant 0 : i32
      %dma_wait3A_201 = arith.constant 0 : i32
      %dma_wait3A_202 = tpu.memref_slice %arg10[%run_scoped3A_46, %dma_wait3A_200, %dma_wait3A_201] : memref<2x128x128xf32, #tpu.memory_space<vmem>> -> memref<1x128x128xf32, #tpu.memory_space<vmem>>
      %dma_wait3A_203 = tpu.memref_squeeze %dma_wait3A_202 : memref<1x128x128xf32, #tpu.memory_space<vmem>> -> memref<128x128xf32, #tpu.memory_space<vmem>>
      tpu.wait_dma2 semaphore(%run_scoped3A_179 : memref<!tpu.dma_semaphore, #tpu.memory_space<semaphore_mem>>) src(%dma_wait3A_203 : memref<128x128xf32, #tpu.memory_space<vmem>>) dst(%dma_wait3A_199 : memref<128x128xf32, #tpu.memory_space<vmem_shared>>)
      tpu.yield
    }) : () -> ()
    %mul3A_47 = arith.constant 640 : i32
    %mul3A_48 = arith.muli %arg1, %mul3A_47 : i32
    %add3A_49 = arith.constant 384 : i32
    %add3A_50 = arith.addi %mul3A_48, %add3A_49 : i32
    %run_scoped3A_51 = arith.constant 0 : i32
    "tpu.region"() ({
      %run_scoped3A_179 = tpu.sem_alloc : memref<!tpu.dma_semaphore, #tpu.memory_space<semaphore_mem>>
      %dma_start3A_180 = arith.constant 0 : i32
      %dma_start3A_181 = arith.constant 0 : i32
      %dma_start3A_182 = tpu.memref_slice %arg10[%run_scoped3A_51, %dma_start3A_180, %dma_start3A_181] : memref<2x128x128xf32, #tpu.memory_space<vmem>> -> memref<1x128x128xf32, #tpu.memory_space<vmem>>
      %dma_start3A_183 = tpu.memref_squeeze %dma_start3A_182 : memref<1x128x128xf32, #tpu.memory_space<vmem>> -> memref<128x128xf32, #tpu.memory_space<vmem>>
      %dma_start3A_184 = arith.constant 0 : i32
      %dma_start3A_185 = tpu.memref_slice %arg11[%add3A_50, %dma_start3A_184] : memref<10240x128xf32, #tpu.memory_space<vmem_shared>> -> memref<128x128xf32, #tpu.memory_space<vmem_shared>>
      %dma_start3A_186 = arith.constant 0 : i32
      %dma_start3A_187 = tpu.memref_slice %arg11[%add3A_50, %dma_start3A_186] : memref<10240x128xf32, #tpu.memory_space<vmem_shared>> -> memref<128x128xf32, #tpu.memory_space<vmem_shared>>
      %dma_start3A_188 = arith.constant 0 : i32
      %dma_start3A_189 = arith.constant 0 : i32
      %dma_start3A_190 = tpu.memref_slice %arg10[%run_scoped3A_51, %dma_start3A_188, %dma_start3A_189] : memref<2x128x128xf32, #tpu.memory_space<vmem>> -> memref<1x128x128xf32, #tpu.memory_space<vmem>>
      %dma_start3A_191 = tpu.memref_squeeze %dma_start3A_190 : memref<1x128x128xf32, #tpu.memory_space<vmem>> -> memref<128x128xf32, #tpu.memory_space<vmem>>
      tpu.enqueue_dma source(%dma_start3A_191 : memref<128x128xf32, #tpu.memory_space<vmem>>) target(%dma_start3A_187 : memref<128x128xf32, #tpu.memory_space<vmem_shared>>) target_semaphore(%run_scoped3A_179 : memref<!tpu.dma_semaphore, #tpu.memory_space<semaphore_mem>>)
      %dma_wait3A_192 = arith.constant 0 : i32
      %dma_wait3A_193 = arith.constant 0 : i32
      %dma_wait3A_194 = tpu.memref_slice %arg10[%run_scoped3A_51, %dma_wait3A_192, %dma_wait3A_193] : memref<2x128x128xf32, #tpu.memory_space<vmem>> -> memref<1x128x128xf32, #tpu.memory_space<vmem>>
      %dma_wait3A_195 = tpu.memref_squeeze %dma_wait3A_194 : memref<1x128x128xf32, #tpu.memory_space<vmem>> -> memref<128x128xf32, #tpu.memory_space<vmem>>
      %dma_wait3A_196 = arith.constant 0 : i32
      %dma_wait3A_197 = tpu.memref_slice %arg11[%add3A_50, %dma_wait3A_196] : memref<10240x128xf32, #tpu.memory_space<vmem_shared>> -> memref<128x128xf32, #tpu.memory_space<vmem_shared>>
      %dma_wait3A_198 = arith.constant 0 : i32
      %dma_wait3A_199 = tpu.memref_slice %arg11[%add3A_50, %dma_wait3A_198] : memref<10240x128xf32, #tpu.memory_space<vmem_shared>> -> memref<128x128xf32, #tpu.memory_space<vmem_shared>>
      %dma_wait3A_200 = arith.constant 0 : i32
      %dma_wait3A_201 = arith.constant 0 : i32
      %dma_wait3A_202 = tpu.memref_slice %arg10[%run_scoped3A_51, %dma_wait3A_200, %dma_wait3A_201] : memref<2x128x128xf32, #tpu.memory_space<vmem>> -> memref<1x128x128xf32, #tpu.memory_space<vmem>>
      %dma_wait3A_203 = tpu.memref_squeeze %dma_wait3A_202 : memref<1x128x128xf32, #tpu.memory_space<vmem>> -> memref<128x128xf32, #tpu.memory_space<vmem>>
      tpu.wait_dma2 semaphore(%run_scoped3A_179 : memref<!tpu.dma_semaphore, #tpu.memory_space<semaphore_mem>>) src(%dma_wait3A_203 : memref<128x128xf32, #tpu.memory_space<vmem>>) dst(%dma_wait3A_199 : memref<128x128xf32, #tpu.memory_space<vmem_shared>>)
      tpu.yield
    }) : () -> ()
    %mul3A_52 = arith.constant 640 : i32
    %mul3A_53 = arith.muli %arg1, %mul3A_52 : i32
    %add3A_54 = arith.constant 512 : i32
    %add3A_55 = arith.addi %mul3A_53, %add3A_54 : i32
    %run_scoped3A_56 = arith.constant 0 : i32
    "tpu.region"() ({
      %run_scoped3A_179 = tpu.sem_alloc : memref<!tpu.dma_semaphore, #tpu.memory_space<semaphore_mem>>
      %dma_start3A_180 = arith.constant 0 : i32
      %dma_start3A_181 = arith.constant 0 : i32
      %dma_start3A_182 = tpu.memref_slice %arg10[%run_scoped3A_56, %dma_start3A_180, %dma_start3A_181] : memref<2x128x128xf32, #tpu.memory_space<vmem>> -> memref<1x128x128xf32, #tpu.memory_space<vmem>>
      %dma_start3A_183 = tpu.memref_squeeze %dma_start3A_182 : memref<1x128x128xf32, #tpu.memory_space<vmem>> -> memref<128x128xf32, #tpu.memory_space<vmem>>
      %dma_start3A_184 = arith.constant 0 : i32
      %dma_start3A_185 = tpu.memref_slice %arg11[%add3A_55, %dma_start3A_184] : memref<10240x128xf32, #tpu.memory_space<vmem_shared>> -> memref<128x128xf32, #tpu.memory_space<vmem_shared>>
      %dma_start3A_186 = arith.constant 0 : i32
      %dma_start3A_187 = tpu.memref_slice %arg11[%add3A_55, %dma_start3A_186] : memref<10240x128xf32, #tpu.memory_space<vmem_shared>> -> memref<128x128xf32, #tpu.memory_space<vmem_shared>>
      %dma_start3A_188 = arith.constant 0 : i32
      %dma_start3A_189 = arith.constant 0 : i32
      %dma_start3A_190 = tpu.memref_slice %arg10[%run_scoped3A_56, %dma_start3A_188, %dma_start3A_189] : memref<2x128x128xf32, #tpu.memory_space<vmem>> -> memref<1x128x128xf32, #tpu.memory_space<vmem>>
      %dma_start3A_191 = tpu.memref_squeeze %dma_start3A_190 : memref<1x128x128xf32, #tpu.memory_space<vmem>> -> memref<128x128xf32, #tpu.memory_space<vmem>>
      tpu.enqueue_dma source(%dma_start3A_191 : memref<128x128xf32, #tpu.memory_space<vmem>>) target(%dma_start3A_187 : memref<128x128xf32, #tpu.memory_space<vmem_shared>>) target_semaphore(%run_scoped3A_179 : memref<!tpu.dma_semaphore, #tpu.memory_space<semaphore_mem>>)
      %dma_wait3A_192 = arith.constant 0 : i32
      %dma_wait3A_193 = arith.constant 0 : i32
      %dma_wait3A_194 = tpu.memref_slice %arg10[%run_scoped3A_56, %dma_wait3A_192, %dma_wait3A_193] : memref<2x128x128xf32, #tpu.memory_space<vmem>> -> memref<1x128x128xf32, #tpu.memory_space<vmem>>
      %dma_wait3A_195 = tpu.memref_squeeze %dma_wait3A_194 : memref<1x128x128xf32, #tpu.memory_space<vmem>> -> memref<128x128xf32, #tpu.memory_space<vmem>>
      %dma_wait3A_196 = arith.constant 0 : i32
      %dma_wait3A_197 = tpu.memref_slice %arg11[%add3A_55, %dma_wait3A_196] : memref<10240x128xf32, #tpu.memory_space<vmem_shared>> -> memref<128x128xf32, #tpu.memory_space<vmem_shared>>
      %dma_wait3A_198 = arith.constant 0 : i32
      %dma_wait3A_199 = tpu.memref_slice %arg11[%add3A_55, %dma_wait3A_198] : memref<10240x128xf32, #tpu.memory_space<vmem_shared>> -> memref<128x128xf32, #tpu.memory_space<vmem_shared>>
      %dma_wait3A_200 = arith.constant 0 : i32
      %dma_wait3A_201 = arith.constant 0 : i32
      %dma_wait3A_202 = tpu.memref_slice %arg10[%run_scoped3A_56, %dma_wait3A_200, %dma_wait3A_201] : memref<2x128x128xf32, #tpu.memory_space<vmem>> -> memref<1x128x128xf32, #tpu.memory_space<vmem>>
      %dma_wait3A_203 = tpu.memref_squeeze %dma_wait3A_202 : memref<1x128x128xf32, #tpu.memory_space<vmem>> -> memref<128x128xf32, #tpu.memory_space<vmem>>
      tpu.wait_dma2 semaphore(%run_scoped3A_179 : memref<!tpu.dma_semaphore, #tpu.memory_space<semaphore_mem>>) src(%dma_wait3A_203 : memref<128x128xf32, #tpu.memory_space<vmem>>) dst(%dma_wait3A_199 : memref<128x128xf32, #tpu.memory_space<vmem_shared>>)
      tpu.yield
    }) : () -> ()
    %run_scoped3A_57 = arith.constant 0 : i32
    "tpu.region"() ({
      %run_scoped3A_179 = tpu.sem_alloc : memref<!tpu.dma_semaphore, #tpu.memory_space<semaphore_mem>>
      %dma_start3A_180 = arith.constant 0 : i32
      %dma_start3A_181 = arith.constant 0 : i32
      %dma_start3A_182 = tpu.memref_slice %arg7[%run_scoped3A_57, %dma_start3A_180, %dma_start3A_181] : memref<2x16x128xi32, #tpu.memory_space<vmem>> -> memref<1x16x128xi32, #tpu.memory_space<vmem>>
      %dma_start3A_183 = tpu.memref_squeeze %dma_start3A_182 : memref<1x16x128xi32, #tpu.memory_space<vmem>> -> memref<16x128xi32, #tpu.memory_space<vmem>>
      %dma_start3A_184 = arith.constant 0 : i32
      %dma_start3A_185 = tpu.memref_slice %arg2[%select_n3A_26, %dma_start3A_184] : memref<2560x128xi32, #tpu.memory_space<hbm>> -> memref<16x128xi32, #tpu.memory_space<hbm>>
      %dma_start3A_186 = arith.constant 0 : i32
      %dma_start3A_187 = arith.constant 0 : i32
      %dma_start3A_188 = tpu.memref_slice %arg7[%run_scoped3A_57, %dma_start3A_186, %dma_start3A_187] : memref<2x16x128xi32, #tpu.memory_space<vmem>> -> memref<1x16x128xi32, #tpu.memory_space<vmem>>
      %dma_start3A_189 = tpu.memref_squeeze %dma_start3A_188 : memref<1x16x128xi32, #tpu.memory_space<vmem>> -> memref<16x128xi32, #tpu.memory_space<vmem>>
      %dma_start3A_190 = arith.constant 0 : i32
      %dma_start3A_191 = tpu.memref_slice %arg2[%select_n3A_26, %dma_start3A_190] : memref<2560x128xi32, #tpu.memory_space<hbm>> -> memref<16x128xi32, #tpu.memory_space<hbm>>
      tpu.enqueue_dma source(%dma_start3A_191 : memref<16x128xi32, #tpu.memory_space<hbm>>) target(%dma_start3A_189 : memref<16x128xi32, #tpu.memory_space<vmem>>) target_semaphore(%run_scoped3A_179 : memref<!tpu.dma_semaphore, #tpu.memory_space<semaphore_mem>>)
      %dma_wait3A_192 = arith.constant 0 : i32
      %dma_wait3A_193 = arith.constant 0 : i32
      %dma_wait3A_194 = tpu.memref_slice %arg7[%run_scoped3A_57, %dma_wait3A_192, %dma_wait3A_193] : memref<2x16x128xi32, #tpu.memory_space<vmem>> -> memref<1x16x128xi32, #tpu.memory_space<vmem>>
      %dma_wait3A_195 = tpu.memref_squeeze %dma_wait3A_194 : memref<1x16x128xi32, #tpu.memory_space<vmem>> -> memref<16x128xi32, #tpu.memory_space<vmem>>
      %dma_wait3A_196 = arith.constant 0 : i32
      %dma_wait3A_197 = tpu.memref_slice %arg2[%select_n3A_26, %dma_wait3A_196] : memref<2560x128xi32, #tpu.memory_space<hbm>> -> memref<16x128xi32, #tpu.memory_space<hbm>>
      %dma_wait3A_198 = arith.constant 0 : i32
      %dma_wait3A_199 = arith.constant 0 : i32
      %dma_wait3A_200 = tpu.memref_slice %arg7[%run_scoped3A_57, %dma_wait3A_198, %dma_wait3A_199] : memref<2x16x128xi32, #tpu.memory_space<vmem>> -> memref<1x16x128xi32, #tpu.memory_space<vmem>>
      %dma_wait3A_201 = tpu.memref_squeeze %dma_wait3A_200 : memref<1x16x128xi32, #tpu.memory_space<vmem>> -> memref<16x128xi32, #tpu.memory_space<vmem>>
      %dma_wait3A_202 = arith.constant 0 : i32
      %dma_wait3A_203 = tpu.memref_slice %arg2[%select_n3A_26, %dma_wait3A_202] : memref<2560x128xi32, #tpu.memory_space<hbm>> -> memref<16x128xi32, #tpu.memory_space<hbm>>
      tpu.wait_dma2 semaphore(%run_scoped3A_179 : memref<!tpu.dma_semaphore, #tpu.memory_space<semaphore_mem>>) src(%dma_wait3A_203 : memref<16x128xi32, #tpu.memory_space<hbm>>) dst(%dma_wait3A_201 : memref<16x128xi32, #tpu.memory_space<vmem>>)
      tpu.yield
    }) : () -> ()
    %run_scoped3A_58 = arith.constant 0 : i32
    "tpu.region"() ({
      %run_scoped3A_179 = tpu.sem_alloc : memref<!tpu.dma_semaphore, #tpu.memory_space<semaphore_mem>>
      %dma_start3A_180 = arith.constant 0 : i32
      %dma_start3A_181 = arith.constant 0 : i32
      %dma_start3A_182 = tpu.memref_slice %arg8[%run_scoped3A_58, %dma_start3A_180, %dma_start3A_181] : memref<2x16x128xi32, #tpu.memory_space<vmem>> -> memref<1x16x128xi32, #tpu.memory_space<vmem>>
      %dma_start3A_183 = tpu.memref_squeeze %dma_start3A_182 : memref<1x16x128xi32, #tpu.memory_space<vmem>> -> memref<16x128xi32, #tpu.memory_space<vmem>>
      %dma_start3A_184 = arith.constant 0 : i32
      %dma_start3A_185 = tpu.memref_slice %arg3[%select_n3A_26, %dma_start3A_184] : memref<2560x128xi32, #tpu.memory_space<hbm>> -> memref<16x128xi32, #tpu.memory_space<hbm>>
      %dma_start3A_186 = arith.constant 0 : i32
      %dma_start3A_187 = arith.constant 0 : i32
      %dma_start3A_188 = tpu.memref_slice %arg8[%run_scoped3A_58, %dma_start3A_186, %dma_start3A_187] : memref<2x16x128xi32, #tpu.memory_space<vmem>> -> memref<1x16x128xi32, #tpu.memory_space<vmem>>
      %dma_start3A_189 = tpu.memref_squeeze %dma_start3A_188 : memref<1x16x128xi32, #tpu.memory_space<vmem>> -> memref<16x128xi32, #tpu.memory_space<vmem>>
      %dma_start3A_190 = arith.constant 0 : i32
      %dma_start3A_191 = tpu.memref_slice %arg3[%select_n3A_26, %dma_start3A_190] : memref<2560x128xi32, #tpu.memory_space<hbm>> -> memref<16x128xi32, #tpu.memory_space<hbm>>
      tpu.enqueue_dma source(%dma_start3A_191 : memref<16x128xi32, #tpu.memory_space<hbm>>) target(%dma_start3A_189 : memref<16x128xi32, #tpu.memory_space<vmem>>) target_semaphore(%run_scoped3A_179 : memref<!tpu.dma_semaphore, #tpu.memory_space<semaphore_mem>>)
      %dma_wait3A_192 = arith.constant 0 : i32
      %dma_wait3A_193 = arith.constant 0 : i32
      %dma_wait3A_194 = tpu.memref_slice %arg8[%run_scoped3A_58, %dma_wait3A_192, %dma_wait3A_193] : memref<2x16x128xi32, #tpu.memory_space<vmem>> -> memref<1x16x128xi32, #tpu.memory_space<vmem>>
      %dma_wait3A_195 = tpu.memref_squeeze %dma_wait3A_194 : memref<1x16x128xi32, #tpu.memory_space<vmem>> -> memref<16x128xi32, #tpu.memory_space<vmem>>
      %dma_wait3A_196 = arith.constant 0 : i32
      %dma_wait3A_197 = tpu.memref_slice %arg3[%select_n3A_26, %dma_wait3A_196] : memref<2560x128xi32, #tpu.memory_space<hbm>> -> memref<16x128xi32, #tpu.memory_space<hbm>>
      %dma_wait3A_198 = arith.constant 0 : i32
      %dma_wait3A_199 = arith.constant 0 : i32
      %dma_wait3A_200 = tpu.memref_slice %arg8[%run_scoped3A_58, %dma_wait3A_198, %dma_wait3A_199] : memref<2x16x128xi32, #tpu.memory_space<vmem>> -> memref<1x16x128xi32, #tpu.memory_space<vmem>>
      %dma_wait3A_201 = tpu.memref_squeeze %dma_wait3A_200 : memref<1x16x128xi32, #tpu.memory_space<vmem>> -> memref<16x128xi32, #tpu.memory_space<vmem>>
      %dma_wait3A_202 = arith.constant 0 : i32
      %dma_wait3A_203 = tpu.memref_slice %arg3[%select_n3A_26, %dma_wait3A_202] : memref<2560x128xi32, #tpu.memory_space<hbm>> -> memref<16x128xi32, #tpu.memory_space<hbm>>
      tpu.wait_dma2 semaphore(%run_scoped3A_179 : memref<!tpu.dma_semaphore, #tpu.memory_space<semaphore_mem>>) src(%dma_wait3A_203 : memref<16x128xi32, #tpu.memory_space<hbm>>) dst(%dma_wait3A_201 : memref<16x128xi32, #tpu.memory_space<vmem>>)
      tpu.yield
    }) : () -> ()
    %run_scoped3A_59 = arith.constant 0 : i32
    "tpu.region"() ({
      %run_scoped3A_179 = tpu.sem_alloc : memref<!tpu.dma_semaphore, #tpu.memory_space<semaphore_mem>>
      %dma_start3A_180 = arith.constant 0 : i32
      %dma_start3A_181 = arith.constant 0 : i32
      %dma_start3A_182 = tpu.memref_slice %arg9[%run_scoped3A_59, %dma_start3A_180, %dma_start3A_181] : memref<2x16x128xf32, #tpu.memory_space<vmem>> -> memref<1x16x128xf32, #tpu.memory_space<vmem>>
      %dma_start3A_183 = tpu.memref_squeeze %dma_start3A_182 : memref<1x16x128xf32, #tpu.memory_space<vmem>> -> memref<16x128xf32, #tpu.memory_space<vmem>>
      %dma_start3A_184 = arith.constant 0 : i32
      %dma_start3A_185 = tpu.memref_slice %arg4[%select_n3A_26, %dma_start3A_184] : memref<2560x128xf32, #tpu.memory_space<hbm>> -> memref<16x128xf32, #tpu.memory_space<hbm>>
      %dma_start3A_186 = arith.constant 0 : i32
      %dma_start3A_187 = arith.constant 0 : i32
      %dma_start3A_188 = tpu.memref_slice %arg9[%run_scoped3A_59, %dma_start3A_186, %dma_start3A_187] : memref<2x16x128xf32, #tpu.memory_space<vmem>> -> memref<1x16x128xf32, #tpu.memory_space<vmem>>
      %dma_start3A_189 = tpu.memref_squeeze %dma_start3A_188 : memref<1x16x128xf32, #tpu.memory_space<vmem>> -> memref<16x128xf32, #tpu.memory_space<vmem>>
      %dma_start3A_190 = arith.constant 0 : i32
      %dma_start3A_191 = tpu.memref_slice %arg4[%select_n3A_26, %dma_start3A_190] : memref<2560x128xf32, #tpu.memory_space<hbm>> -> memref<16x128xf32, #tpu.memory_space<hbm>>
      tpu.enqueue_dma source(%dma_start3A_191 : memref<16x128xf32, #tpu.memory_space<hbm>>) target(%dma_start3A_189 : memref<16x128xf32, #tpu.memory_space<vmem>>) target_semaphore(%run_scoped3A_179 : memref<!tpu.dma_semaphore, #tpu.memory_space<semaphore_mem>>)
      %dma_wait3A_192 = arith.constant 0 : i32
      %dma_wait3A_193 = arith.constant 0 : i32
      %dma_wait3A_194 = tpu.memref_slice %arg9[%run_scoped3A_59, %dma_wait3A_192, %dma_wait3A_193] : memref<2x16x128xf32, #tpu.memory_space<vmem>> -> memref<1x16x128xf32, #tpu.memory_space<vmem>>
      %dma_wait3A_195 = tpu.memref_squeeze %dma_wait3A_194 : memref<1x16x128xf32, #tpu.memory_space<vmem>> -> memref<16x128xf32, #tpu.memory_space<vmem>>
      %dma_wait3A_196 = arith.constant 0 : i32
      %dma_wait3A_197 = tpu.memref_slice %arg4[%select_n3A_26, %dma_wait3A_196] : memref<2560x128xf32, #tpu.memory_space<hbm>> -> memref<16x128xf32, #tpu.memory_space<hbm>>
      %dma_wait3A_198 = arith.constant 0 : i32
      %dma_wait3A_199 = arith.constant 0 : i32
      %dma_wait3A_200 = tpu.memref_slice %arg9[%run_scoped3A_59, %dma_wait3A_198, %dma_wait3A_199] : memref<2x16x128xf32, #tpu.memory_space<vmem>> -> memref<1x16x128xf32, #tpu.memory_space<vmem>>
      %dma_wait3A_201 = tpu.memref_squeeze %dma_wait3A_200 : memref<1x16x128xf32, #tpu.memory_space<vmem>> -> memref<16x128xf32, #tpu.memory_space<vmem>>
      %dma_wait3A_202 = arith.constant 0 : i32
      %dma_wait3A_203 = tpu.memref_slice %arg4[%select_n3A_26, %dma_wait3A_202] : memref<2560x128xf32, #tpu.memory_space<hbm>> -> memref<16x128xf32, #tpu.memory_space<hbm>>
      tpu.wait_dma2 semaphore(%run_scoped3A_179 : memref<!tpu.dma_semaphore, #tpu.memory_space<semaphore_mem>>) src(%dma_wait3A_203 : memref<16x128xf32, #tpu.memory_space<hbm>>) dst(%dma_wait3A_201 : memref<16x128xf32, #tpu.memory_space<vmem>>)
      tpu.yield
    }) : () -> ()
    %dma_start3A = arith.constant 0 : i32
    %dma_start3A_60 = arith.constant 0 : i32
    %dma_start3A_61 = arith.constant 0 : i32
    %dma_start3A_62 = arith.constant 0 : i32
    %dma_start3A_63 = arith.constant 0 : i32
    %dma_start3A_64 = tpu.memref_slice %arg10[%dma_start3A_61, %dma_start3A_62, %dma_start3A_63] : memref<2x128x128xf32, #tpu.memory_space<vmem>> -> memref<1x128x128xf32, #tpu.memory_space<vmem>>
    %dma_start3A_65 = tpu.memref_squeeze %dma_start3A_64 : memref<1x128x128xf32, #tpu.memory_space<vmem>> -> memref<128x128xf32, #tpu.memory_space<vmem>>
    %dma_start3A_66 = arith.constant 0 : i32
    %dma_start3A_67 = tpu.memref_slice %arg7[%dma_start3A, %dma_start3A_60, %dma_start3A_66] : memref<2x16x128xi32, #tpu.memory_space<vmem>> -> memref<1x1x128xi32, #tpu.memory_space<vmem>>
    %dma_start3A_68 = tpu.memref_squeeze %dma_start3A_67 : memref<1x1x128xi32, #tpu.memory_space<vmem>> -> memref<128xi32, #tpu.memory_space<vmem>>
    %dma_start3A_69 = arith.constant 0 : i32
    %dma_start3A_70 = arith.constant 0 : i32
    %dma_start3A_71 = tpu.memref_slice %arg5[%dma_start3A_69, %dma_start3A_70] : memref<10000x128xf32, #tpu.memory_space<hbm>> -> memref<10000x128xf32, #tpu.memory_space<hbm>>
    tpu.enqueue_indirect_dma source(%dma_start3A_71 : memref<10000x128xf32, #tpu.memory_space<hbm>>) target(%dma_start3A_65 : memref<128x128xf32, #tpu.memory_space<vmem>>) offsets(%dma_start3A_68 : memref<128xi32, #tpu.memory_space<vmem>>) semaphore(%arg12 : memref<!tpu.dma_semaphore, #tpu.memory_space<semaphore_mem>>)
    %barrier3A = arith.constant 0 : index
    tpu.barrier barrier_id(%barrier3A)
    %jit3A_72 = arith.constant 2 : i32
    %div3A_73 = arith.divsi %select_n3A, %jit3A_72 : i32
    %sign3A_74 = arith.constant 0 : i32
    %sign3A_75 = arith.cmpi sgt, %select_n3A, %sign3A_74 : i32
    %sign3A_76 = arith.extui %sign3A_75 : i1 to i32
    %sign3A_77 = arith.constant 0 : i32
    %sign3A_78 = arith.cmpi slt, %select_n3A, %sign3A_77 : i32
    %sign3A_79 = arith.extui %sign3A_78 : i1 to i32
    %sign3A_80 = arith.subi %sign3A_76, %sign3A_79 : i32
    %sign3A_81 = arith.constant 0 : i32
    %sign3A_82 = arith.cmpi sgt, %jit3A_72, %sign3A_81 : i32
    %sign3A_83 = arith.extui %sign3A_82 : i1 to i32
    %sign3A_84 = arith.constant 0 : i32
    %sign3A_85 = arith.cmpi slt, %jit3A_72, %sign3A_84 : i32
    %sign3A_86 = arith.extui %sign3A_85 : i1 to i32
    %sign3A_87 = arith.subi %sign3A_83, %sign3A_86 : i32
    %ne3A_88 = arith.cmpi ne, %sign3A_80, %sign3A_87 : i32
    %rem3A_89 = arith.remsi %select_n3A, %jit3A_72 : i32
    %ne3A_90 = arith.constant 0 : i32
    %ne3A_91 = arith.cmpi ne, %rem3A_89, %ne3A_90 : i32
    %and3A_92 = arith.andi %ne3A_88, %ne3A_91 : i1
    %sub3A_93 = arith.constant 1 : i32
    %sub3A_94 = arith.subi %div3A_73, %sub3A_93 : i32
    %select_n3A_95 = arith.select %and3A_92, %sub3A_94, %div3A_73 : i32
    %while3A = arith.constant 0 : i32
    %while3A_96 = arith.constant 0 : i32
    %while3A_97 = arith.subi %select_n3A_95, %while3A : i32
    %while3A_98 = arith.addi %while3A, %while3A_97 : i32
    %while3A_99 = arith.constant 1 : i32
    %while3A_100 = arith.divsi %while3A_97, %while3A_99 : i32
    %while3A_101 = arith.muli %while3A_100, %while3A_99 : i32
    %while3A_102 = arith.addi %while3A, %while3A_101 : i32
    %while3A_103 = arith.constant 1 : i32
    %while3A_104 = scf.for %while3A_179 = %while3A to %while3A_102 step %while3A_103 iter_args(%while3A_180 = %while3A_96) -> (i32)  : i32 {
      %mul3A_181 = arith.constant 2 : i32
      %mul3A_182 = arith.muli %mul3A_181, %while3A_179 : i32
      %add3A_183 = arith.constant 0 : i32
      %add3A_184 = arith.addi %mul3A_182, %add3A_183 : i32
      %jit3A_185 = arith.constant 16 : i32
      %div3A_186 = arith.divsi %add3A_184, %jit3A_185 : i32
      %sign3A_187 = arith.constant 0 : i32
      %sign3A_188 = arith.cmpi sgt, %add3A_184, %sign3A_187 : i32
      %sign3A_189 = arith.extui %sign3A_188 : i1 to i32
      %sign3A_190 = arith.constant 0 : i32
      %sign3A_191 = arith.cmpi slt, %add3A_184, %sign3A_190 : i32
      %sign3A_192 = arith.extui %sign3A_191 : i1 to i32
      %sign3A_193 = arith.subi %sign3A_189, %sign3A_192 : i32
      %sign3A_194 = arith.constant 0 : i32
      %sign3A_195 = arith.cmpi sgt, %jit3A_185, %sign3A_194 : i32
      %sign3A_196 = arith.extui %sign3A_195 : i1 to i32
      %sign3A_197 = arith.constant 0 : i32
      %sign3A_198 = arith.cmpi slt, %jit3A_185, %sign3A_197 : i32
      %sign3A_199 = arith.extui %sign3A_198 : i1 to i32
      %sign3A_200 = arith.subi %sign3A_196, %sign3A_199 : i32
      %ne3A_201 = arith.cmpi ne, %sign3A_193, %sign3A_200 : i32
      %rem3A_202 = arith.remsi %add3A_184, %jit3A_185 : i32
      %ne3A_203 = arith.constant 0 : i32
      %ne3A_204 = arith.cmpi ne, %rem3A_202, %ne3A_203 : i32
      %and3A_205 = arith.andi %ne3A_201, %ne3A_204 : i1
      %sub3A_206 = arith.constant 1 : i32
      %sub3A_207 = arith.subi %div3A_186, %sub3A_206 : i32
      %select_n3A_208 = arith.select %and3A_205, %sub3A_207, %div3A_186 : i32
      %jit3A_209 = arith.constant 2 : i32
      %eq3A_210 = arith.constant 0 : i32
      %eq3A_211 = arith.cmpi eq, %jit3A_209, %eq3A_210 : i32
      %jit3A_212 = arith.constant 1 : i32
      %select_n3A_213 = arith.select %eq3A_211, %jit3A_212, %jit3A_209 : i32
      %rem3A_214 = arith.remsi %select_n3A_208, %select_n3A_213 : i32
      %ne3A_215 = arith.constant 0 : i32
      %ne3A_216 = arith.cmpi ne, %rem3A_214, %ne3A_215 : i32
      %lt3A_217 = arith.constant 0 : i32
      %lt3A_218 = arith.cmpi slt, %rem3A_214, %lt3A_217 : i32
      %lt3A_219 = arith.constant 0 : i32
      %lt3A_220 = arith.cmpi slt, %select_n3A_213, %lt3A_219 : i32
      %ne3A_221 = arith.xori %lt3A_218, %lt3A_220 : i1
      %and3A_222 = arith.andi %ne3A_221, %ne3A_216 : i1
      %add3A_223 = arith.addi %rem3A_214, %select_n3A_213 : i32
      %select_n3A_224 = arith.select %and3A_222, %add3A_223, %rem3A_214 : i32
      %jit3A_225 = arith.constant 16 : i32
      %eq3A_226 = arith.constant 0 : i32
      %eq3A_227 = arith.cmpi eq, %jit3A_225, %eq3A_226 : i32
      %jit3A_228 = arith.constant 1 : i32
      %select_n3A_229 = arith.select %eq3A_227, %jit3A_228, %jit3A_225 : i32
      %rem3A_230 = arith.remsi %add3A_184, %select_n3A_229 : i32
      %ne3A_231 = arith.constant 0 : i32
      %ne3A_232 = arith.cmpi ne, %rem3A_230, %ne3A_231 : i32
      %lt3A_233 = arith.constant 0 : i32
      %lt3A_234 = arith.cmpi slt, %rem3A_230, %lt3A_233 : i32
      %lt3A_235 = arith.constant 0 : i32
      %lt3A_236 = arith.cmpi slt, %select_n3A_229, %lt3A_235 : i32
      %ne3A_237 = arith.xori %lt3A_234, %lt3A_236 : i1
      %and3A_238 = arith.andi %ne3A_237, %ne3A_232 : i1
      %add3A_239 = arith.addi %rem3A_230, %select_n3A_229 : i32
      %select_n3A_240 = arith.select %and3A_238, %add3A_239, %rem3A_230 : i32
      %dma_wait3A_241 = arith.constant 0 : i32
      %dma_wait3A_242 = arith.constant 0 : i32
      %dma_wait3A_243 = arith.constant 0 : i32
      %dma_wait3A_244 = tpu.memref_slice %arg10[%dma_wait3A_241, %dma_wait3A_242, %dma_wait3A_243] : memref<2x128x128xf32, #tpu.memory_space<vmem>> -> memref<1x128x128xf32, #tpu.memory_space<vmem>>
      %dma_wait3A_245 = tpu.memref_squeeze %dma_wait3A_244 : memref<1x128x128xf32, #tpu.memory_space<vmem>> -> memref<128x128xf32, #tpu.memory_space<vmem>>
      %dma_wait3A_246 = arith.constant 0 : i32
      %dma_wait3A_247 = tpu.memref_slice %arg7[%select_n3A_224, %select_n3A_240, %dma_wait3A_246] : memref<2x16x128xi32, #tpu.memory_space<vmem>> -> memref<1x1x128xi32, #tpu.memory_space<vmem>>
      %dma_wait3A_248 = tpu.memref_squeeze %dma_wait3A_247 : memref<1x1x128xi32, #tpu.memory_space<vmem>> -> memref<128xi32, #tpu.memory_space<vmem>>
      %dma_wait3A_249 = arith.constant 0 : i32
      %dma_wait3A_250 = arith.constant 0 : i32
      %dma_wait3A_251 = tpu.memref_slice %arg5[%dma_wait3A_249, %dma_wait3A_250] : memref<10000x128xf32, #tpu.memory_space<hbm>> -> memref<10000x128xf32, #tpu.memory_space<hbm>>
      tpu.wait_indirect_dma semaphore(%arg12 : memref<!tpu.dma_semaphore, #tpu.memory_space<semaphore_mem>>) src(%dma_wait3A_251 : memref<10000x128xf32, #tpu.memory_space<hbm>>) dst(%dma_wait3A_245 : memref<128x128xf32, #tpu.memory_space<vmem>>)
      %gt3A = arith.constant 0 : i32
      %gt3A_252 = arith.cmpi sgt, %add3A_184, %gt3A : i32
      %convert_element_type3A = arith.extui %gt3A_252 : i1 to i32
      %cond3A = arith.constant 0 : i32
      %cond3A_253 = arith.cmpi ne, %convert_element_type3A, %cond3A : i32
      scf.if %cond3A_253 {
        %sub3A_701 = arith.constant 1 : i32
        %sub3A_702 = arith.subi %add3A_184, %sub3A_701 : i32
        %jit3A_703 = arith.constant 16 : i32
        %div3A_704 = arith.divsi %sub3A_702, %jit3A_703 : i32
        %sign3A_705 = arith.constant 0 : i32
        %sign3A_706 = arith.cmpi sgt, %sub3A_702, %sign3A_705 : i32
        %sign3A_707 = arith.extui %sign3A_706 : i1 to i32
        %sign3A_708 = arith.constant 0 : i32
        %sign3A_709 = arith.cmpi slt, %sub3A_702, %sign3A_708 : i32
        %sign3A_710 = arith.extui %sign3A_709 : i1 to i32
        %sign3A_711 = arith.subi %sign3A_707, %sign3A_710 : i32
        %sign3A_712 = arith.constant 0 : i32
        %sign3A_713 = arith.cmpi sgt, %jit3A_703, %sign3A_712 : i32
        %sign3A_714 = arith.extui %sign3A_713 : i1 to i32
        %sign3A_715 = arith.constant 0 : i32
        %sign3A_716 = arith.cmpi slt, %jit3A_703, %sign3A_715 : i32
        %sign3A_717 = arith.extui %sign3A_716 : i1 to i32
        %sign3A_718 = arith.subi %sign3A_714, %sign3A_717 : i32
        %ne3A_719 = arith.cmpi ne, %sign3A_711, %sign3A_718 : i32
        %rem3A_720 = arith.remsi %sub3A_702, %jit3A_703 : i32
        %ne3A_721 = arith.constant 0 : i32
        %ne3A_722 = arith.cmpi ne, %rem3A_720, %ne3A_721 : i32
        %and3A_723 = arith.andi %ne3A_719, %ne3A_722 : i1
        %sub3A_724 = arith.constant 1 : i32
        %sub3A_725 = arith.subi %div3A_704, %sub3A_724 : i32
        %select_n3A_726 = arith.select %and3A_723, %sub3A_725, %div3A_704 : i32
        %jit3A_727 = arith.constant 2 : i32
        %eq3A_728 = arith.constant 0 : i32
        %eq3A_729 = arith.cmpi eq, %jit3A_727, %eq3A_728 : i32
        %jit3A_730 = arith.constant 1 : i32
        %select_n3A_731 = arith.select %eq3A_729, %jit3A_730, %jit3A_727 : i32
        %rem3A_732 = arith.remsi %select_n3A_726, %select_n3A_731 : i32
        %ne3A_733 = arith.constant 0 : i32
        %ne3A_734 = arith.cmpi ne, %rem3A_732, %ne3A_733 : i32
        %lt3A_735 = arith.constant 0 : i32
        %lt3A_736 = arith.cmpi slt, %rem3A_732, %lt3A_735 : i32
        %lt3A_737 = arith.constant 0 : i32
        %lt3A_738 = arith.cmpi slt, %select_n3A_731, %lt3A_737 : i32
        %ne3A_739 = arith.xori %lt3A_736, %lt3A_738 : i1
        %and3A_740 = arith.andi %ne3A_739, %ne3A_734 : i1
        %add3A_741 = arith.addi %rem3A_732, %select_n3A_731 : i32
        %select_n3A_742 = arith.select %and3A_740, %add3A_741, %rem3A_732 : i32
        %jit3A_743 = arith.constant 16 : i32
        %eq3A_744 = arith.constant 0 : i32
        %eq3A_745 = arith.cmpi eq, %jit3A_743, %eq3A_744 : i32
        %jit3A_746 = arith.constant 1 : i32
        %select_n3A_747 = arith.select %eq3A_745, %jit3A_746, %jit3A_743 : i32
        %rem3A_748 = arith.remsi %sub3A_702, %select_n3A_747 : i32
        %ne3A_749 = arith.constant 0 : i32
        %ne3A_750 = arith.cmpi ne, %rem3A_748, %ne3A_749 : i32
        %lt3A_751 = arith.constant 0 : i32
        %lt3A_752 = arith.cmpi slt, %rem3A_748, %lt3A_751 : i32
        %lt3A_753 = arith.constant 0 : i32
        %lt3A_754 = arith.cmpi slt, %select_n3A_747, %lt3A_753 : i32
        %ne3A_755 = arith.xori %lt3A_752, %lt3A_754 : i1
        %and3A_756 = arith.andi %ne3A_755, %ne3A_750 : i1
        %add3A_757 = arith.addi %rem3A_748, %select_n3A_747 : i32
        %select_n3A_758 = arith.select %and3A_756, %add3A_757, %rem3A_748 : i32
        %dma_wait3A_759 = arith.constant 1 : i32
        %dma_wait3A_760 = arith.constant 0 : i32
        %dma_wait3A_761 = arith.constant 0 : i32
        %dma_wait3A_762 = tpu.memref_slice %arg10[%dma_wait3A_759, %dma_wait3A_760, %dma_wait3A_761] : memref<2x128x128xf32, #tpu.memory_space<vmem>> -> memref<1x128x128xf32, #tpu.memory_space<vmem>>
        %dma_wait3A_763 = tpu.memref_squeeze %dma_wait3A_762 : memref<1x128x128xf32, #tpu.memory_space<vmem>> -> memref<128x128xf32, #tpu.memory_space<vmem>>
        %dma_wait3A_764 = arith.constant 0 : i32
        %dma_wait3A_765 = tpu.memref_slice %arg8[%select_n3A_742, %select_n3A_758, %dma_wait3A_764] : memref<2x16x128xi32, #tpu.memory_space<vmem>> -> memref<1x1x128xi32, #tpu.memory_space<vmem>>
        %dma_wait3A_766 = tpu.memref_squeeze %dma_wait3A_765 : memref<1x1x128xi32, #tpu.memory_space<vmem>> -> memref<128xi32, #tpu.memory_space<vmem>>
        %dma_wait3A_767 = arith.constant 0 : i32
        %dma_wait3A_768 = arith.constant 0 : i32
        %dma_wait3A_769 = tpu.memref_slice %arg11[%dma_wait3A_767, %dma_wait3A_768] : memref<10240x128xf32, #tpu.memory_space<vmem_shared>> -> memref<10240x128xf32, #tpu.memory_space<vmem_shared>>
        tpu.wait_indirect_dma semaphore(%arg15 : memref<!tpu.dma_semaphore, #tpu.memory_space<semaphore_mem>>) src(%dma_wait3A_763 : memref<128x128xf32, #tpu.memory_space<vmem>>) dst(%dma_wait3A_769 : memref<10240x128xf32, #tpu.memory_space<vmem_shared>>)
      } else {
      }
      %jit3A_254 = arith.constant 16 : i32
      %eq3A_255 = arith.constant 0 : i32
      %eq3A_256 = arith.cmpi eq, %jit3A_254, %eq3A_255 : i32
      %jit3A_257 = arith.constant 1 : i32
      %select_n3A_258 = arith.select %eq3A_256, %jit3A_257, %jit3A_254 : i32
      %rem3A_259 = arith.remsi %add3A_184, %select_n3A_258 : i32
      %ne3A_260 = arith.constant 0 : i32
      %ne3A_261 = arith.cmpi ne, %rem3A_259, %ne3A_260 : i32
      %lt3A_262 = arith.constant 0 : i32
      %lt3A_263 = arith.cmpi slt, %rem3A_259, %lt3A_262 : i32
      %lt3A_264 = arith.constant 0 : i32
      %lt3A_265 = arith.cmpi slt, %select_n3A_258, %lt3A_264 : i32
      %ne3A_266 = arith.xori %lt3A_263, %lt3A_265 : i1
      %and3A_267 = arith.andi %ne3A_266, %ne3A_261 : i1
      %add3A_268 = arith.addi %rem3A_259, %select_n3A_258 : i32
      %select_n3A_269 = arith.select %and3A_267, %add3A_268, %rem3A_259 : i32
      %eq3A_270 = arith.constant 0 : i32
      %eq3A_271 = arith.cmpi eq, %select_n3A_269, %eq3A_270 : i32
      %jit3A_272 = arith.constant 16 : i32
      %div3A_273 = arith.divsi %add3A_184, %jit3A_272 : i32
      %sign3A_274 = arith.constant 0 : i32
      %sign3A_275 = arith.cmpi sgt, %add3A_184, %sign3A_274 : i32
      %sign3A_276 = arith.extui %sign3A_275 : i1 to i32
      %sign3A_277 = arith.constant 0 : i32
      %sign3A_278 = arith.cmpi slt, %add3A_184, %sign3A_277 : i32
      %sign3A_279 = arith.extui %sign3A_278 : i1 to i32
      %sign3A_280 = arith.subi %sign3A_276, %sign3A_279 : i32
      %sign3A_281 = arith.constant 0 : i32
      %sign3A_282 = arith.cmpi sgt, %jit3A_272, %sign3A_281 : i32
      %sign3A_283 = arith.extui %sign3A_282 : i1 to i32
      %sign3A_284 = arith.constant 0 : i32
      %sign3A_285 = arith.cmpi slt, %jit3A_272, %sign3A_284 : i32
      %sign3A_286 = arith.extui %sign3A_285 : i1 to i32
      %sign3A_287 = arith.subi %sign3A_283, %sign3A_286 : i32
      %ne3A_288 = arith.cmpi ne, %sign3A_280, %sign3A_287 : i32
      %rem3A_289 = arith.remsi %add3A_184, %jit3A_272 : i32
      %ne3A_290 = arith.constant 0 : i32
      %ne3A_291 = arith.cmpi ne, %rem3A_289, %ne3A_290 : i32
      %and3A_292 = arith.andi %ne3A_288, %ne3A_291 : i1
      %sub3A_293 = arith.constant 1 : i32
      %sub3A_294 = arith.subi %div3A_273, %sub3A_293 : i32
      %select_n3A_295 = arith.select %and3A_292, %sub3A_294, %div3A_273 : i32
      %add3A_296 = arith.constant 1 : i32
      %add3A_297 = arith.addi %select_n3A_295, %add3A_296 : i32
      %lt3A_298 = arith.cmpi slt, %add3A_297, %select_n3A_19 : i32
      %and3A_299 = arith.andi %eq3A_271, %lt3A_298 : i1
      %convert_element_type3A_300 = arith.extui %and3A_299 : i1 to i32
      %cond3A_301 = arith.constant 0 : i32
      %cond3A_302 = arith.cmpi ne, %convert_element_type3A_300, %cond3A_301 : i32
      scf.if %cond3A_302 {
        %jit3A_701 = arith.constant 16 : i32
        %div3A_702 = arith.divsi %add3A_184, %jit3A_701 : i32
        %sign3A_703 = arith.constant 0 : i32
        %sign3A_704 = arith.cmpi sgt, %add3A_184, %sign3A_703 : i32
        %sign3A_705 = arith.extui %sign3A_704 : i1 to i32
        %sign3A_706 = arith.constant 0 : i32
        %sign3A_707 = arith.cmpi slt, %add3A_184, %sign3A_706 : i32
        %sign3A_708 = arith.extui %sign3A_707 : i1 to i32
        %sign3A_709 = arith.subi %sign3A_705, %sign3A_708 : i32
        %sign3A_710 = arith.constant 0 : i32
        %sign3A_711 = arith.cmpi sgt, %jit3A_701, %sign3A_710 : i32
        %sign3A_712 = arith.extui %sign3A_711 : i1 to i32
        %sign3A_713 = arith.constant 0 : i32
        %sign3A_714 = arith.cmpi slt, %jit3A_701, %sign3A_713 : i32
        %sign3A_715 = arith.extui %sign3A_714 : i1 to i32
        %sign3A_716 = arith.subi %sign3A_712, %sign3A_715 : i32
        %ne3A_717 = arith.cmpi ne, %sign3A_709, %sign3A_716 : i32
        %rem3A_718 = arith.remsi %add3A_184, %jit3A_701 : i32
        %ne3A_719 = arith.constant 0 : i32
        %ne3A_720 = arith.cmpi ne, %rem3A_718, %ne3A_719 : i32
        %and3A_721 = arith.andi %ne3A_717, %ne3A_720 : i1
        %sub3A_722 = arith.constant 1 : i32
        %sub3A_723 = arith.subi %div3A_702, %sub3A_722 : i32
        %select_n3A_724 = arith.select %and3A_721, %sub3A_723, %div3A_702 : i32
        %add3A_725 = arith.constant 1 : i32
        %add3A_726 = arith.addi %select_n3A_724, %add3A_725 : i32
        %jit3A_727 = arith.constant 16 : i32
        %div3A_728 = arith.divsi %add3A_184, %jit3A_727 : i32
        %sign3A_729 = arith.constant 0 : i32
        %sign3A_730 = arith.cmpi sgt, %add3A_184, %sign3A_729 : i32
        %sign3A_731 = arith.extui %sign3A_730 : i1 to i32
        %sign3A_732 = arith.constant 0 : i32
        %sign3A_733 = arith.cmpi slt, %add3A_184, %sign3A_732 : i32
        %sign3A_734 = arith.extui %sign3A_733 : i1 to i32
        %sign3A_735 = arith.subi %sign3A_731, %sign3A_734 : i32
        %sign3A_736 = arith.constant 0 : i32
        %sign3A_737 = arith.cmpi sgt, %jit3A_727, %sign3A_736 : i32
        %sign3A_738 = arith.extui %sign3A_737 : i1 to i32
        %sign3A_739 = arith.constant 0 : i32
        %sign3A_740 = arith.cmpi slt, %jit3A_727, %sign3A_739 : i32
        %sign3A_741 = arith.extui %sign3A_740 : i1 to i32
        %sign3A_742 = arith.subi %sign3A_738, %sign3A_741 : i32
        %ne3A_743 = arith.cmpi ne, %sign3A_735, %sign3A_742 : i32
        %rem3A_744 = arith.remsi %add3A_184, %jit3A_727 : i32
        %ne3A_745 = arith.constant 0 : i32
        %ne3A_746 = arith.cmpi ne, %rem3A_744, %ne3A_745 : i32
        %and3A_747 = arith.andi %ne3A_743, %ne3A_746 : i1
        %sub3A_748 = arith.constant 1 : i32
        %sub3A_749 = arith.subi %div3A_728, %sub3A_748 : i32
        %select_n3A_750 = arith.select %and3A_747, %sub3A_749, %div3A_728 : i32
        %add3A_751 = arith.constant 1 : i32
        %add3A_752 = arith.addi %select_n3A_750, %add3A_751 : i32
        %jit3A_753 = arith.constant 2 : i32
        %eq3A_754 = arith.constant 0 : i32
        %eq3A_755 = arith.cmpi eq, %jit3A_753, %eq3A_754 : i32
        %jit3A_756 = arith.constant 1 : i32
        %select_n3A_757 = arith.select %eq3A_755, %jit3A_756, %jit3A_753 : i32
        %rem3A_758 = arith.remsi %add3A_752, %select_n3A_757 : i32
        %ne3A_759 = arith.constant 0 : i32
        %ne3A_760 = arith.cmpi ne, %rem3A_758, %ne3A_759 : i32
        %lt3A_761 = arith.constant 0 : i32
        %lt3A_762 = arith.cmpi slt, %rem3A_758, %lt3A_761 : i32
        %lt3A_763 = arith.constant 0 : i32
        %lt3A_764 = arith.cmpi slt, %select_n3A_757, %lt3A_763 : i32
        %ne3A_765 = arith.xori %lt3A_762, %lt3A_764 : i1
        %and3A_766 = arith.andi %ne3A_765, %ne3A_760 : i1
        %add3A_767 = arith.addi %rem3A_758, %select_n3A_757 : i32
        %select_n3A_768 = arith.select %and3A_766, %add3A_767, %rem3A_758 : i32
        %mul3A_769 = arith.constant 16 : i32
        %mul3A_770 = arith.muli %add3A_726, %mul3A_769 : i32
        %add3A_771 = arith.addi %select_n3A_26, %mul3A_770 : i32
        %dma_start3A_772 = arith.constant 0 : i32
        %dma_start3A_773 = arith.constant 0 : i32
        %dma_start3A_774 = tpu.memref_slice %arg7[%select_n3A_768, %dma_start3A_772, %dma_start3A_773] : memref<2x16x128xi32, #tpu.memory_space<vmem>> -> memref<1x16x128xi32, #tpu.memory_space<vmem>>
        %dma_start3A_775 = tpu.memref_squeeze %dma_start3A_774 : memref<1x16x128xi32, #tpu.memory_space<vmem>> -> memref<16x128xi32, #tpu.memory_space<vmem>>
        %dma_start3A_776 = arith.constant 0 : i32
        %dma_start3A_777 = tpu.memref_slice %arg2[%add3A_771, %dma_start3A_776] : memref<2560x128xi32, #tpu.memory_space<hbm>> -> memref<16x128xi32, #tpu.memory_space<hbm>>
        %dma_start3A_778 = arith.constant 0 : i32
        %dma_start3A_779 = arith.constant 0 : i32
        %dma_start3A_780 = tpu.memref_slice %arg7[%select_n3A_768, %dma_start3A_778, %dma_start3A_779] : memref<2x16x128xi32, #tpu.memory_space<vmem>> -> memref<1x16x128xi32, #tpu.memory_space<vmem>>
        %dma_start3A_781 = tpu.memref_squeeze %dma_start3A_780 : memref<1x16x128xi32, #tpu.memory_space<vmem>> -> memref<16x128xi32, #tpu.memory_space<vmem>>
        %dma_start3A_782 = arith.constant 0 : i32
        %dma_start3A_783 = tpu.memref_slice %arg2[%add3A_771, %dma_start3A_782] : memref<2560x128xi32, #tpu.memory_space<hbm>> -> memref<16x128xi32, #tpu.memory_space<hbm>>
        tpu.enqueue_dma source(%dma_start3A_783 : memref<16x128xi32, #tpu.memory_space<hbm>>) target(%dma_start3A_781 : memref<16x128xi32, #tpu.memory_space<vmem>>) target_semaphore(%arg16 : memref<!tpu.dma_semaphore, #tpu.memory_space<semaphore_mem>>)
        %mul3A_784 = arith.constant 16 : i32
        %mul3A_785 = arith.muli %add3A_726, %mul3A_784 : i32
        %add3A_786 = arith.addi %select_n3A_26, %mul3A_785 : i32
        %dma_start3A_787 = arith.constant 0 : i32
        %dma_start3A_788 = arith.constant 0 : i32
        %dma_start3A_789 = tpu.memref_slice %arg8[%select_n3A_768, %dma_start3A_787, %dma_start3A_788] : memref<2x16x128xi32, #tpu.memory_space<vmem>> -> memref<1x16x128xi32, #tpu.memory_space<vmem>>
        %dma_start3A_790 = tpu.memref_squeeze %dma_start3A_789 : memref<1x16x128xi32, #tpu.memory_space<vmem>> -> memref<16x128xi32, #tpu.memory_space<vmem>>
        %dma_start3A_791 = arith.constant 0 : i32
        %dma_start3A_792 = tpu.memref_slice %arg3[%add3A_786, %dma_start3A_791] : memref<2560x128xi32, #tpu.memory_space<hbm>> -> memref<16x128xi32, #tpu.memory_space<hbm>>
        %dma_start3A_793 = arith.constant 0 : i32
        %dma_start3A_794 = arith.constant 0 : i32
        %dma_start3A_795 = tpu.memref_slice %arg8[%select_n3A_768, %dma_start3A_793, %dma_start3A_794] : memref<2x16x128xi32, #tpu.memory_space<vmem>> -> memref<1x16x128xi32, #tpu.memory_space<vmem>>
        %dma_start3A_796 = tpu.memref_squeeze %dma_start3A_795 : memref<1x16x128xi32, #tpu.memory_space<vmem>> -> memref<16x128xi32, #tpu.memory_space<vmem>>
        %dma_start3A_797 = arith.constant 0 : i32
        %dma_start3A_798 = tpu.memref_slice %arg3[%add3A_786, %dma_start3A_797] : memref<2560x128xi32, #tpu.memory_space<hbm>> -> memref<16x128xi32, #tpu.memory_space<hbm>>
        tpu.enqueue_dma source(%dma_start3A_798 : memref<16x128xi32, #tpu.memory_space<hbm>>) target(%dma_start3A_796 : memref<16x128xi32, #tpu.memory_space<vmem>>) target_semaphore(%arg16 : memref<!tpu.dma_semaphore, #tpu.memory_space<semaphore_mem>>)
        %mul3A_799 = arith.constant 16 : i32
        %mul3A_800 = arith.muli %add3A_726, %mul3A_799 : i32
        %add3A_801 = arith.addi %select_n3A_26, %mul3A_800 : i32
        %dma_start3A_802 = arith.constant 0 : i32
        %dma_start3A_803 = arith.constant 0 : i32
        %dma_start3A_804 = tpu.memref_slice %arg9[%select_n3A_768, %dma_start3A_802, %dma_start3A_803] : memref<2x16x128xf32, #tpu.memory_space<vmem>> -> memref<1x16x128xf32, #tpu.memory_space<vmem>>
        %dma_start3A_805 = tpu.memref_squeeze %dma_start3A_804 : memref<1x16x128xf32, #tpu.memory_space<vmem>> -> memref<16x128xf32, #tpu.memory_space<vmem>>
        %dma_start3A_806 = arith.constant 0 : i32
        %dma_start3A_807 = tpu.memref_slice %arg4[%add3A_801, %dma_start3A_806] : memref<2560x128xf32, #tpu.memory_space<hbm>> -> memref<16x128xf32, #tpu.memory_space<hbm>>
        %dma_start3A_808 = arith.constant 0 : i32
        %dma_start3A_809 = arith.constant 0 : i32
        %dma_start3A_810 = tpu.memref_slice %arg9[%select_n3A_768, %dma_start3A_808, %dma_start3A_809] : memref<2x16x128xf32, #tpu.memory_space<vmem>> -> memref<1x16x128xf32, #tpu.memory_space<vmem>>
        %dma_start3A_811 = tpu.memref_squeeze %dma_start3A_810 : memref<1x16x128xf32, #tpu.memory_space<vmem>> -> memref<16x128xf32, #tpu.memory_space<vmem>>
        %dma_start3A_812 = arith.constant 0 : i32
        %dma_start3A_813 = tpu.memref_slice %arg4[%add3A_801, %dma_start3A_812] : memref<2560x128xf32, #tpu.memory_space<hbm>> -> memref<16x128xf32, #tpu.memory_space<hbm>>
        tpu.enqueue_dma source(%dma_start3A_813 : memref<16x128xf32, #tpu.memory_space<hbm>>) target(%dma_start3A_811 : memref<16x128xf32, #tpu.memory_space<vmem>>) target_semaphore(%arg16 : memref<!tpu.dma_semaphore, #tpu.memory_space<semaphore_mem>>)
      } else {
      }
      %add3A_303 = arith.constant 1 : i32
      %add3A_304 = arith.addi %add3A_184, %add3A_303 : i32
      %lt3A_305 = arith.cmpi slt, %add3A_304, %select_n3A : i32
      %convert_element_type3A_306 = arith.extui %lt3A_305 : i1 to i32
      %cond3A_307 = arith.constant 0 : i32
      %cond3A_308 = arith.cmpi ne, %convert_element_type3A_306, %cond3A_307 : i32
      scf.if %cond3A_308 {
        %add3A_701 = arith.constant 1 : i32
        %add3A_702 = arith.addi %add3A_184, %add3A_701 : i32
        %jit3A_703 = arith.constant 16 : i32
        %eq3A_704 = arith.constant 0 : i32
        %eq3A_705 = arith.cmpi eq, %jit3A_703, %eq3A_704 : i32
        %jit3A_706 = arith.constant 1 : i32
        %select_n3A_707 = arith.select %eq3A_705, %jit3A_706, %jit3A_703 : i32
        %rem3A_708 = arith.remsi %add3A_702, %select_n3A_707 : i32
        %ne3A_709 = arith.constant 0 : i32
        %ne3A_710 = arith.cmpi ne, %rem3A_708, %ne3A_709 : i32
        %lt3A_711 = arith.constant 0 : i32
        %lt3A_712 = arith.cmpi slt, %rem3A_708, %lt3A_711 : i32
        %lt3A_713 = arith.constant 0 : i32
        %lt3A_714 = arith.cmpi slt, %select_n3A_707, %lt3A_713 : i32
        %ne3A_715 = arith.xori %lt3A_712, %lt3A_714 : i1
        %and3A_716 = arith.andi %ne3A_715, %ne3A_710 : i1
        %add3A_717 = arith.addi %rem3A_708, %select_n3A_707 : i32
        %select_n3A_718 = arith.select %and3A_716, %add3A_717, %rem3A_708 : i32
        %eq3A_719 = arith.constant 0 : i32
        %eq3A_720 = arith.cmpi eq, %select_n3A_718, %eq3A_719 : i32
        %convert_element_type3A_721 = arith.extui %eq3A_720 : i1 to i32
        %cond3A_722 = arith.constant 0 : i32
        %cond3A_723 = arith.cmpi ne, %convert_element_type3A_721, %cond3A_722 : i32
        scf.if %cond3A_723 {
          %add3A_793 = arith.constant 1 : i32
          %add3A_794 = arith.addi %add3A_184, %add3A_793 : i32
          %jit3A_795 = arith.constant 16 : i32
          %div3A_796 = arith.divsi %add3A_794, %jit3A_795 : i32
          %sign3A_797 = arith.constant 0 : i32
          %sign3A_798 = arith.cmpi sgt, %add3A_794, %sign3A_797 : i32
          %sign3A_799 = arith.extui %sign3A_798 : i1 to i32
          %sign3A_800 = arith.constant 0 : i32
          %sign3A_801 = arith.cmpi slt, %add3A_794, %sign3A_800 : i32
          %sign3A_802 = arith.extui %sign3A_801 : i1 to i32
          %sign3A_803 = arith.subi %sign3A_799, %sign3A_802 : i32
          %sign3A_804 = arith.constant 0 : i32
          %sign3A_805 = arith.cmpi sgt, %jit3A_795, %sign3A_804 : i32
          %sign3A_806 = arith.extui %sign3A_805 : i1 to i32
          %sign3A_807 = arith.constant 0 : i32
          %sign3A_808 = arith.cmpi slt, %jit3A_795, %sign3A_807 : i32
          %sign3A_809 = arith.extui %sign3A_808 : i1 to i32
          %sign3A_810 = arith.subi %sign3A_806, %sign3A_809 : i32
          %ne3A_811 = arith.cmpi ne, %sign3A_803, %sign3A_810 : i32
          %rem3A_812 = arith.remsi %add3A_794, %jit3A_795 : i32
          %ne3A_813 = arith.constant 0 : i32
          %ne3A_814 = arith.cmpi ne, %rem3A_812, %ne3A_813 : i32
          %and3A_815 = arith.andi %ne3A_811, %ne3A_814 : i1
          %sub3A_816 = arith.constant 1 : i32
          %sub3A_817 = arith.subi %div3A_796, %sub3A_816 : i32
          %select_n3A_818 = arith.select %and3A_815, %sub3A_817, %div3A_796 : i32
          %jit3A_819 = arith.constant 2 : i32
          %eq3A_820 = arith.constant 0 : i32
          %eq3A_821 = arith.cmpi eq, %jit3A_819, %eq3A_820 : i32
          %jit3A_822 = arith.constant 1 : i32
          %select_n3A_823 = arith.select %eq3A_821, %jit3A_822, %jit3A_819 : i32
          %rem3A_824 = arith.remsi %select_n3A_818, %select_n3A_823 : i32
          %ne3A_825 = arith.constant 0 : i32
          %ne3A_826 = arith.cmpi ne, %rem3A_824, %ne3A_825 : i32
          %lt3A_827 = arith.constant 0 : i32
          %lt3A_828 = arith.cmpi slt, %rem3A_824, %lt3A_827 : i32
          %lt3A_829 = arith.constant 0 : i32
          %lt3A_830 = arith.cmpi slt, %select_n3A_823, %lt3A_829 : i32
          %ne3A_831 = arith.xori %lt3A_828, %lt3A_830 : i1
          %and3A_832 = arith.andi %ne3A_831, %ne3A_826 : i1
          %add3A_833 = arith.addi %rem3A_824, %select_n3A_823 : i32
          %select_n3A_834 = arith.select %and3A_832, %add3A_833, %rem3A_824 : i32
          %dma_wait3A_835 = arith.constant 0 : i32
          %dma_wait3A_836 = arith.constant 0 : i32
          %dma_wait3A_837 = tpu.memref_slice %arg7[%select_n3A_834, %dma_wait3A_835, %dma_wait3A_836] : memref<2x16x128xi32, #tpu.memory_space<vmem>> -> memref<1x16x128xi32, #tpu.memory_space<vmem>>
          %dma_wait3A_838 = tpu.memref_squeeze %dma_wait3A_837 : memref<1x16x128xi32, #tpu.memory_space<vmem>> -> memref<16x128xi32, #tpu.memory_space<vmem>>
          %dma_wait3A_839 = arith.constant 0 : i32
          %dma_wait3A_840 = arith.constant 0 : i32
          %dma_wait3A_841 = tpu.memref_slice %arg2[%dma_wait3A_839, %dma_wait3A_840] : memref<2560x128xi32, #tpu.memory_space<hbm>> -> memref<16x128xi32, #tpu.memory_space<hbm>>
          %dma_wait3A_842 = arith.constant 0 : i32
          %dma_wait3A_843 = arith.constant 0 : i32
          %dma_wait3A_844 = tpu.memref_slice %arg7[%select_n3A_834, %dma_wait3A_842, %dma_wait3A_843] : memref<2x16x128xi32, #tpu.memory_space<vmem>> -> memref<1x16x128xi32, #tpu.memory_space<vmem>>
          %dma_wait3A_845 = tpu.memref_squeeze %dma_wait3A_844 : memref<1x16x128xi32, #tpu.memory_space<vmem>> -> memref<16x128xi32, #tpu.memory_space<vmem>>
          %dma_wait3A_846 = arith.constant 0 : i32
          %dma_wait3A_847 = arith.constant 0 : i32
          %dma_wait3A_848 = tpu.memref_slice %arg2[%dma_wait3A_846, %dma_wait3A_847] : memref<2560x128xi32, #tpu.memory_space<hbm>> -> memref<16x128xi32, #tpu.memory_space<hbm>>
          tpu.wait_dma2 semaphore(%arg16 : memref<!tpu.dma_semaphore, #tpu.memory_space<semaphore_mem>>) src(%dma_wait3A_848 : memref<16x128xi32, #tpu.memory_space<hbm>>) dst(%dma_wait3A_845 : memref<16x128xi32, #tpu.memory_space<vmem>>)
          %dma_wait3A_849 = arith.constant 0 : i32
          %dma_wait3A_850 = arith.constant 0 : i32
          %dma_wait3A_851 = tpu.memref_slice %arg8[%select_n3A_834, %dma_wait3A_849, %dma_wait3A_850] : memref<2x16x128xi32, #tpu.memory_space<vmem>> -> memref<1x16x128xi32, #tpu.memory_space<vmem>>
          %dma_wait3A_852 = tpu.memref_squeeze %dma_wait3A_851 : memref<1x16x128xi32, #tpu.memory_space<vmem>> -> memref<16x128xi32, #tpu.memory_space<vmem>>
          %dma_wait3A_853 = arith.constant 0 : i32
          %dma_wait3A_854 = arith.constant 0 : i32
          %dma_wait3A_855 = tpu.memref_slice %arg3[%dma_wait3A_853, %dma_wait3A_854] : memref<2560x128xi32, #tpu.memory_space<hbm>> -> memref<16x128xi32, #tpu.memory_space<hbm>>
          %dma_wait3A_856 = arith.constant 0 : i32
          %dma_wait3A_857 = arith.constant 0 : i32
          %dma_wait3A_858 = tpu.memref_slice %arg8[%select_n3A_834, %dma_wait3A_856, %dma_wait3A_857] : memref<2x16x128xi32, #tpu.memory_space<vmem>> -> memref<1x16x128xi32, #tpu.memory_space<vmem>>
          %dma_wait3A_859 = tpu.memref_squeeze %dma_wait3A_858 : memref<1x16x128xi32, #tpu.memory_space<vmem>> -> memref<16x128xi32, #tpu.memory_space<vmem>>
          %dma_wait3A_860 = arith.constant 0 : i32
          %dma_wait3A_861 = arith.constant 0 : i32
          %dma_wait3A_862 = tpu.memref_slice %arg3[%dma_wait3A_860, %dma_wait3A_861] : memref<2560x128xi32, #tpu.memory_space<hbm>> -> memref<16x128xi32, #tpu.memory_space<hbm>>
          tpu.wait_dma2 semaphore(%arg16 : memref<!tpu.dma_semaphore, #tpu.memory_space<semaphore_mem>>) src(%dma_wait3A_862 : memref<16x128xi32, #tpu.memory_space<hbm>>) dst(%dma_wait3A_859 : memref<16x128xi32, #tpu.memory_space<vmem>>)
          %dma_wait3A_863 = arith.constant 0 : i32
          %dma_wait3A_864 = arith.constant 0 : i32
          %dma_wait3A_865 = tpu.memref_slice %arg9[%select_n3A_834, %dma_wait3A_863, %dma_wait3A_864] : memref<2x16x128xf32, #tpu.memory_space<vmem>> -> memref<1x16x128xf32, #tpu.memory_space<vmem>>
          %dma_wait3A_866 = tpu.memref_squeeze %dma_wait3A_865 : memref<1x16x128xf32, #tpu.memory_space<vmem>> -> memref<16x128xf32, #tpu.memory_space<vmem>>
          %dma_wait3A_867 = arith.constant 0 : i32
          %dma_wait3A_868 = arith.constant 0 : i32
          %dma_wait3A_869 = tpu.memref_slice %arg4[%dma_wait3A_867, %dma_wait3A_868] : memref<2560x128xf32, #tpu.memory_space<hbm>> -> memref<16x128xf32, #tpu.memory_space<hbm>>
          %dma_wait3A_870 = arith.constant 0 : i32
          %dma_wait3A_871 = arith.constant 0 : i32
          %dma_wait3A_872 = tpu.memref_slice %arg9[%select_n3A_834, %dma_wait3A_870, %dma_wait3A_871] : memref<2x16x128xf32, #tpu.memory_space<vmem>> -> memref<1x16x128xf32, #tpu.memory_space<vmem>>
          %dma_wait3A_873 = tpu.memref_squeeze %dma_wait3A_872 : memref<1x16x128xf32, #tpu.memory_space<vmem>> -> memref<16x128xf32, #tpu.memory_space<vmem>>
          %dma_wait3A_874 = arith.constant 0 : i32
          %dma_wait3A_875 = arith.constant 0 : i32
          %dma_wait3A_876 = tpu.memref_slice %arg4[%dma_wait3A_874, %dma_wait3A_875] : memref<2560x128xf32, #tpu.memory_space<hbm>> -> memref<16x128xf32, #tpu.memory_space<hbm>>
          tpu.wait_dma2 semaphore(%arg16 : memref<!tpu.dma_semaphore, #tpu.memory_space<semaphore_mem>>) src(%dma_wait3A_876 : memref<16x128xf32, #tpu.memory_space<hbm>>) dst(%dma_wait3A_873 : memref<16x128xf32, #tpu.memory_space<vmem>>)
        } else {
        }
        %add3A_724 = arith.constant 1 : i32
        %add3A_725 = arith.addi %add3A_184, %add3A_724 : i32
        %jit3A_726 = arith.constant 16 : i32
        %div3A_727 = arith.divsi %add3A_725, %jit3A_726 : i32
        %sign3A_728 = arith.constant 0 : i32
        %sign3A_729 = arith.cmpi sgt, %add3A_725, %sign3A_728 : i32
        %sign3A_730 = arith.extui %sign3A_729 : i1 to i32
        %sign3A_731 = arith.constant 0 : i32
        %sign3A_732 = arith.cmpi slt, %add3A_725, %sign3A_731 : i32
        %sign3A_733 = arith.extui %sign3A_732 : i1 to i32
        %sign3A_734 = arith.subi %sign3A_730, %sign3A_733 : i32
        %sign3A_735 = arith.constant 0 : i32
        %sign3A_736 = arith.cmpi sgt, %jit3A_726, %sign3A_735 : i32
        %sign3A_737 = arith.extui %sign3A_736 : i1 to i32
        %sign3A_738 = arith.constant 0 : i32
        %sign3A_739 = arith.cmpi slt, %jit3A_726, %sign3A_738 : i32
        %sign3A_740 = arith.extui %sign3A_739 : i1 to i32
        %sign3A_741 = arith.subi %sign3A_737, %sign3A_740 : i32
        %ne3A_742 = arith.cmpi ne, %sign3A_734, %sign3A_741 : i32
        %rem3A_743 = arith.remsi %add3A_725, %jit3A_726 : i32
        %ne3A_744 = arith.constant 0 : i32
        %ne3A_745 = arith.cmpi ne, %rem3A_743, %ne3A_744 : i32
        %and3A_746 = arith.andi %ne3A_742, %ne3A_745 : i1
        %sub3A_747 = arith.constant 1 : i32
        %sub3A_748 = arith.subi %div3A_727, %sub3A_747 : i32
        %select_n3A_749 = arith.select %and3A_746, %sub3A_748, %div3A_727 : i32
        %jit3A_750 = arith.constant 2 : i32
        %eq3A_751 = arith.constant 0 : i32
        %eq3A_752 = arith.cmpi eq, %jit3A_750, %eq3A_751 : i32
        %jit3A_753 = arith.constant 1 : i32
        %select_n3A_754 = arith.select %eq3A_752, %jit3A_753, %jit3A_750 : i32
        %rem3A_755 = arith.remsi %select_n3A_749, %select_n3A_754 : i32
        %ne3A_756 = arith.constant 0 : i32
        %ne3A_757 = arith.cmpi ne, %rem3A_755, %ne3A_756 : i32
        %lt3A_758 = arith.constant 0 : i32
        %lt3A_759 = arith.cmpi slt, %rem3A_755, %lt3A_758 : i32
        %lt3A_760 = arith.constant 0 : i32
        %lt3A_761 = arith.cmpi slt, %select_n3A_754, %lt3A_760 : i32
        %ne3A_762 = arith.xori %lt3A_759, %lt3A_761 : i1
        %and3A_763 = arith.andi %ne3A_762, %ne3A_757 : i1
        %add3A_764 = arith.addi %rem3A_755, %select_n3A_754 : i32
        %select_n3A_765 = arith.select %and3A_763, %add3A_764, %rem3A_755 : i32
        %jit3A_766 = arith.constant 16 : i32
        %eq3A_767 = arith.constant 0 : i32
        %eq3A_768 = arith.cmpi eq, %jit3A_766, %eq3A_767 : i32
        %jit3A_769 = arith.constant 1 : i32
        %select_n3A_770 = arith.select %eq3A_768, %jit3A_769, %jit3A_766 : i32
        %rem3A_771 = arith.remsi %add3A_725, %select_n3A_770 : i32
        %ne3A_772 = arith.constant 0 : i32
        %ne3A_773 = arith.cmpi ne, %rem3A_771, %ne3A_772 : i32
        %lt3A_774 = arith.constant 0 : i32
        %lt3A_775 = arith.cmpi slt, %rem3A_771, %lt3A_774 : i32
        %lt3A_776 = arith.constant 0 : i32
        %lt3A_777 = arith.cmpi slt, %select_n3A_770, %lt3A_776 : i32
        %ne3A_778 = arith.xori %lt3A_775, %lt3A_777 : i1
        %and3A_779 = arith.andi %ne3A_778, %ne3A_773 : i1
        %add3A_780 = arith.addi %rem3A_771, %select_n3A_770 : i32
        %select_n3A_781 = arith.select %and3A_779, %add3A_780, %rem3A_771 : i32
        %dma_start3A_782 = arith.constant 1 : i32
        %dma_start3A_783 = arith.constant 0 : i32
        %dma_start3A_784 = arith.constant 0 : i32
        %dma_start3A_785 = tpu.memref_slice %arg10[%dma_start3A_782, %dma_start3A_783, %dma_start3A_784] : memref<2x128x128xf32, #tpu.memory_space<vmem>> -> memref<1x128x128xf32, #tpu.memory_space<vmem>>
        %dma_start3A_786 = tpu.memref_squeeze %dma_start3A_785 : memref<1x128x128xf32, #tpu.memory_space<vmem>> -> memref<128x128xf32, #tpu.memory_space<vmem>>
        %dma_start3A_787 = arith.constant 0 : i32
        %dma_start3A_788 = tpu.memref_slice %arg7[%select_n3A_765, %select_n3A_781, %dma_start3A_787] : memref<2x16x128xi32, #tpu.memory_space<vmem>> -> memref<1x1x128xi32, #tpu.memory_space<vmem>>
        %dma_start3A_789 = tpu.memref_squeeze %dma_start3A_788 : memref<1x1x128xi32, #tpu.memory_space<vmem>> -> memref<128xi32, #tpu.memory_space<vmem>>
        %dma_start3A_790 = arith.constant 0 : i32
        %dma_start3A_791 = arith.constant 0 : i32
        %dma_start3A_792 = tpu.memref_slice %arg5[%dma_start3A_790, %dma_start3A_791] : memref<10000x128xf32, #tpu.memory_space<hbm>> -> memref<10000x128xf32, #tpu.memory_space<hbm>>
        tpu.enqueue_indirect_dma source(%dma_start3A_792 : memref<10000x128xf32, #tpu.memory_space<hbm>>) target(%dma_start3A_786 : memref<128x128xf32, #tpu.memory_space<vmem>>) offsets(%dma_start3A_789 : memref<128xi32, #tpu.memory_space<vmem>>) semaphore(%arg13 : memref<!tpu.dma_semaphore, #tpu.memory_space<semaphore_mem>>)
      } else {
      }
      %jit3A_309 = arith.constant 16 : i32
      %div3A_310 = arith.divsi %add3A_184, %jit3A_309 : i32
      %sign3A_311 = arith.constant 0 : i32
      %sign3A_312 = arith.cmpi sgt, %add3A_184, %sign3A_311 : i32
      %sign3A_313 = arith.extui %sign3A_312 : i1 to i32
      %sign3A_314 = arith.constant 0 : i32
      %sign3A_315 = arith.cmpi slt, %add3A_184, %sign3A_314 : i32
      %sign3A_316 = arith.extui %sign3A_315 : i1 to i32
      %sign3A_317 = arith.subi %sign3A_313, %sign3A_316 : i32
      %sign3A_318 = arith.constant 0 : i32
      %sign3A_319 = arith.cmpi sgt, %jit3A_309, %sign3A_318 : i32
      %sign3A_320 = arith.extui %sign3A_319 : i1 to i32
      %sign3A_321 = arith.constant 0 : i32
      %sign3A_322 = arith.cmpi slt, %jit3A_309, %sign3A_321 : i32
      %sign3A_323 = arith.extui %sign3A_322 : i1 to i32
      %sign3A_324 = arith.subi %sign3A_320, %sign3A_323 : i32
      %ne3A_325 = arith.cmpi ne, %sign3A_317, %sign3A_324 : i32
      %rem3A_326 = arith.remsi %add3A_184, %jit3A_309 : i32
      %ne3A_327 = arith.constant 0 : i32
      %ne3A_328 = arith.cmpi ne, %rem3A_326, %ne3A_327 : i32
      %and3A_329 = arith.andi %ne3A_325, %ne3A_328 : i1
      %sub3A_330 = arith.constant 1 : i32
      %sub3A_331 = arith.subi %div3A_310, %sub3A_330 : i32
      %select_n3A_332 = arith.select %and3A_329, %sub3A_331, %div3A_310 : i32
      %jit3A_333 = arith.constant 2 : i32
      %eq3A_334 = arith.constant 0 : i32
      %eq3A_335 = arith.cmpi eq, %jit3A_333, %eq3A_334 : i32
      %jit3A_336 = arith.constant 1 : i32
      %select_n3A_337 = arith.select %eq3A_335, %jit3A_336, %jit3A_333 : i32
      %rem3A_338 = arith.remsi %select_n3A_332, %select_n3A_337 : i32
      %ne3A_339 = arith.constant 0 : i32
      %ne3A_340 = arith.cmpi ne, %rem3A_338, %ne3A_339 : i32
      %lt3A_341 = arith.constant 0 : i32
      %lt3A_342 = arith.cmpi slt, %rem3A_338, %lt3A_341 : i32
      %lt3A_343 = arith.constant 0 : i32
      %lt3A_344 = arith.cmpi slt, %select_n3A_337, %lt3A_343 : i32
      %ne3A_345 = arith.xori %lt3A_342, %lt3A_344 : i1
      %and3A_346 = arith.andi %ne3A_345, %ne3A_340 : i1
      %add3A_347 = arith.addi %rem3A_338, %select_n3A_337 : i32
      %select_n3A_348 = arith.select %and3A_346, %add3A_347, %rem3A_338 : i32
      %jit3A_349 = arith.constant 16 : i32
      %eq3A_350 = arith.constant 0 : i32
      %eq3A_351 = arith.cmpi eq, %jit3A_349, %eq3A_350 : i32
      %jit3A_352 = arith.constant 1 : i32
      %select_n3A_353 = arith.select %eq3A_351, %jit3A_352, %jit3A_349 : i32
      %rem3A_354 = arith.remsi %add3A_184, %select_n3A_353 : i32
      %ne3A_355 = arith.constant 0 : i32
      %ne3A_356 = arith.cmpi ne, %rem3A_354, %ne3A_355 : i32
      %lt3A_357 = arith.constant 0 : i32
      %lt3A_358 = arith.cmpi slt, %rem3A_354, %lt3A_357 : i32
      %lt3A_359 = arith.constant 0 : i32
      %lt3A_360 = arith.cmpi slt, %select_n3A_353, %lt3A_359 : i32
      %ne3A_361 = arith.xori %lt3A_358, %lt3A_360 : i1
      %and3A_362 = arith.andi %ne3A_361, %ne3A_356 : i1
      %add3A_363 = arith.addi %rem3A_354, %select_n3A_353 : i32
      %select_n3A_364 = arith.select %and3A_362, %add3A_363, %rem3A_354 : i32
      %scan3A_365 = arith.constant 0 : i32
      %scan3A_366 = arith.constant 0 : i32
      %scan3A_367 = arith.constant 64 : i32
      %scan3A_368 = arith.addi %scan3A_366, %scan3A_367 : i32
      %scan3A_369 = arith.constant 1 : i32
      %scan3A_370 = scf.for %scan3A_701 = %scan3A_366 to %scan3A_368 step %scan3A_369 iter_args(%scan3A_702 = %scan3A_365) -> (i32)  : i32 {
        %mul3A_703 = arith.constant 2 : i32
        %mul3A_704 = arith.muli %mul3A_703, %scan3A_701 : i32
        %mul3A_705 = arith.constant 2 : i32
        %mul3A_706 = arith.muli %mul3A_705, %scan3A_701 : i32
        %add3A_707 = arith.constant 1 : i32
        %add3A_708 = arith.addi %mul3A_706, %add3A_707 : i32
        %broadcast_in_dim3A = vector.broadcast %select_n3A_348 : i32 to vector<16xi32>
        %broadcast_in_dim3A_709 = vector.broadcast %select_n3A_364 : i32 to vector<16xi32>
        %broadcast_in_dim3A_710 = vector.broadcast %mul3A_704 : i32 to vector<16xi32>
        %gather3A = tpu.vector_load_idx %arg9[%broadcast_in_dim3A, %broadcast_in_dim3A_709, %broadcast_in_dim3A_710] : memref<2x16x128xf32, #tpu.memory_space<vmem>>[vector<16xi32>, vector<16xi32>, vector<16xi32>], vector<16xf32>,
        %get3A = arith.constant 0 : i32
        %get3A_711 = arith.index_cast %get3A : i32 to index
        %get3A_712 = arith.index_cast %mul3A_704 : i32 to index
        %get3A_713 = arith.constant 0 : index
        %get3A_714 = tpu.vector_load %arg10[%get3A_711, %get3A_712, %get3A_713] {strides = array<i32>} : memref<2x128x128xf32, #tpu.memory_space<vmem>>, vector<16xf32>,
        %mul3A_715 = arith.mulf %get3A_714, %gather3A : vector<16xf32>
        %swap3A = arith.constant 0 : i32
        %swap3A_716 = arith.index_cast %swap3A : i32 to index
        %swap3A_717 = arith.index_cast %mul3A_704 : i32 to index
        %swap3A_718 = arith.constant 0 : index
        %swap3A_719 = tpu.vector_load %arg10[%swap3A_716, %swap3A_717, %swap3A_718] {strides = array<i32>} : memref<2x128x128xf32, #tpu.memory_space<vmem>>, vector<16xf32>,
        tpu.vector_store %arg10[%swap3A_716, %swap3A_717, %swap3A_718], %mul3A_715 {strides = array<i32>} : memref<2x128x128xf32, #tpu.memory_space<vmem>>, vector<16xf32>,
        %get3A_720 = arith.constant 0 : i32
        %get3A_721 = arith.index_cast %get3A_720 : i32 to index
        %get3A_722 = arith.index_cast %mul3A_704 : i32 to index
        %get3A_723 = arith.constant 16 : index
        %get3A_724 = tpu.vector_load %arg10[%get3A_721, %get3A_722, %get3A_723] {strides = array<i32>} : memref<2x128x128xf32, #tpu.memory_space<vmem>>, vector<16xf32>,
        %mul3A_725 = arith.mulf %get3A_724, %gather3A : vector<16xf32>
        %swap3A_726 = arith.constant 0 : i32
        %swap3A_727 = arith.index_cast %swap3A_726 : i32 to index
        %swap3A_728 = arith.index_cast %mul3A_704 : i32 to index
        %swap3A_729 = arith.constant 16 : index
        %swap3A_730 = tpu.vector_load %arg10[%swap3A_727, %swap3A_728, %swap3A_729] {strides = array<i32>} : memref<2x128x128xf32, #tpu.memory_space<vmem>>, vector<16xf32>,
        tpu.vector_store %arg10[%swap3A_727, %swap3A_728, %swap3A_729], %mul3A_725 {strides = array<i32>} : memref<2x128x128xf32, #tpu.memory_space<vmem>>, vector<16xf32>,
        %get3A_731 = arith.constant 0 : i32
        %get3A_732 = arith.index_cast %get3A_731 : i32 to index
        %get3A_733 = arith.index_cast %mul3A_704 : i32 to index
        %get3A_734 = arith.constant 32 : index
        %get3A_735 = tpu.vector_load %arg10[%get3A_732, %get3A_733, %get3A_734] {strides = array<i32>} : memref<2x128x128xf32, #tpu.memory_space<vmem>>, vector<16xf32>,
        %mul3A_736 = arith.mulf %get3A_735, %gather3A : vector<16xf32>
        %swap3A_737 = arith.constant 0 : i32
        %swap3A_738 = arith.index_cast %swap3A_737 : i32 to index
        %swap3A_739 = arith.index_cast %mul3A_704 : i32 to index
        %swap3A_740 = arith.constant 32 : index
        %swap3A_741 = tpu.vector_load %arg10[%swap3A_738, %swap3A_739, %swap3A_740] {strides = array<i32>} : memref<2x128x128xf32, #tpu.memory_space<vmem>>, vector<16xf32>,
        tpu.vector_store %arg10[%swap3A_738, %swap3A_739, %swap3A_740], %mul3A_736 {strides = array<i32>} : memref<2x128x128xf32, #tpu.memory_space<vmem>>, vector<16xf32>,
        %get3A_742 = arith.constant 0 : i32
        %get3A_743 = arith.index_cast %get3A_742 : i32 to index
        %get3A_744 = arith.index_cast %mul3A_704 : i32 to index
        %get3A_745 = arith.constant 48 : index
        %get3A_746 = tpu.vector_load %arg10[%get3A_743, %get3A_744, %get3A_745] {strides = array<i32>} : memref<2x128x128xf32, #tpu.memory_space<vmem>>, vector<16xf32>,
        %mul3A_747 = arith.mulf %get3A_746, %gather3A : vector<16xf32>
        %swap3A_748 = arith.constant 0 : i32
        %swap3A_749 = arith.index_cast %swap3A_748 : i32 to index
        %swap3A_750 = arith.index_cast %mul3A_704 : i32 to index
        %swap3A_751 = arith.constant 48 : index
        %swap3A_752 = tpu.vector_load %arg10[%swap3A_749, %swap3A_750, %swap3A_751] {strides = array<i32>} : memref<2x128x128xf32, #tpu.memory_space<vmem>>, vector<16xf32>,
        tpu.vector_store %arg10[%swap3A_749, %swap3A_750, %swap3A_751], %mul3A_747 {strides = array<i32>} : memref<2x128x128xf32, #tpu.memory_space<vmem>>, vector<16xf32>,
        %get3A_753 = arith.constant 0 : i32
        %get3A_754 = arith.index_cast %get3A_753 : i32 to index
        %get3A_755 = arith.index_cast %mul3A_704 : i32 to index
        %get3A_756 = arith.constant 64 : index
        %get3A_757 = tpu.vector_load %arg10[%get3A_754, %get3A_755, %get3A_756] {strides = array<i32>} : memref<2x128x128xf32, #tpu.memory_space<vmem>>, vector<16xf32>,
        %mul3A_758 = arith.mulf %get3A_757, %gather3A : vector<16xf32>
        %swap3A_759 = arith.constant 0 : i32
        %swap3A_760 = arith.index_cast %swap3A_759 : i32 to index
        %swap3A_761 = arith.index_cast %mul3A_704 : i32 to index
        %swap3A_762 = arith.constant 64 : index
        %swap3A_763 = tpu.vector_load %arg10[%swap3A_760, %swap3A_761, %swap3A_762] {strides = array<i32>} : memref<2x128x128xf32, #tpu.memory_space<vmem>>, vector<16xf32>,
        tpu.vector_store %arg10[%swap3A_760, %swap3A_761, %swap3A_762], %mul3A_758 {strides = array<i32>} : memref<2x128x128xf32, #tpu.memory_space<vmem>>, vector<16xf32>,
        %get3A_764 = arith.constant 0 : i32
        %get3A_765 = arith.index_cast %get3A_764 : i32 to index
        %get3A_766 = arith.index_cast %mul3A_704 : i32 to index
        %get3A_767 = arith.constant 80 : index
        %get3A_768 = tpu.vector_load %arg10[%get3A_765, %get3A_766, %get3A_767] {strides = array<i32>} : memref<2x128x128xf32, #tpu.memory_space<vmem>>, vector<16xf32>,
        %mul3A_769 = arith.mulf %get3A_768, %gather3A : vector<16xf32>
        %swap3A_770 = arith.constant 0 : i32
        %swap3A_771 = arith.index_cast %swap3A_770 : i32 to index
        %swap3A_772 = arith.index_cast %mul3A_704 : i32 to index
        %swap3A_773 = arith.constant 80 : index
        %swap3A_774 = tpu.vector_load %arg10[%swap3A_771, %swap3A_772, %swap3A_773] {strides = array<i32>} : memref<2x128x128xf32, #tpu.memory_space<vmem>>, vector<16xf32>,
        tpu.vector_store %arg10[%swap3A_771, %swap3A_772, %swap3A_773], %mul3A_769 {strides = array<i32>} : memref<2x128x128xf32, #tpu.memory_space<vmem>>, vector<16xf32>,
        %get3A_775 = arith.constant 0 : i32
        %get3A_776 = arith.index_cast %get3A_775 : i32 to index
        %get3A_777 = arith.index_cast %mul3A_704 : i32 to index
        %get3A_778 = arith.constant 96 : index
        %get3A_779 = tpu.vector_load %arg10[%get3A_776, %get3A_777, %get3A_778] {strides = array<i32>} : memref<2x128x128xf32, #tpu.memory_space<vmem>>, vector<16xf32>,
        %mul3A_780 = arith.mulf %get3A_779, %gather3A : vector<16xf32>
        %swap3A_781 = arith.constant 0 : i32
        %swap3A_782 = arith.index_cast %swap3A_781 : i32 to index
        %swap3A_783 = arith.index_cast %mul3A_704 : i32 to index
        %swap3A_784 = arith.constant 96 : index
        %swap3A_785 = tpu.vector_load %arg10[%swap3A_782, %swap3A_783, %swap3A_784] {strides = array<i32>} : memref<2x128x128xf32, #tpu.memory_space<vmem>>, vector<16xf32>,
        tpu.vector_store %arg10[%swap3A_782, %swap3A_783, %swap3A_784], %mul3A_780 {strides = array<i32>} : memref<2x128x128xf32, #tpu.memory_space<vmem>>, vector<16xf32>,
        %get3A_786 = arith.constant 0 : i32
        %get3A_787 = arith.index_cast %get3A_786 : i32 to index
        %get3A_788 = arith.index_cast %mul3A_704 : i32 to index
        %get3A_789 = arith.constant 112 : index
        %get3A_790 = tpu.vector_load %arg10[%get3A_787, %get3A_788, %get3A_789] {strides = array<i32>} : memref<2x128x128xf32, #tpu.memory_space<vmem>>, vector<16xf32>,
        %mul3A_791 = arith.mulf %get3A_790, %gather3A : vector<16xf32>
        %swap3A_792 = arith.constant 0 : i32
        %swap3A_793 = arith.index_cast %swap3A_792 : i32 to index
        %swap3A_794 = arith.index_cast %mul3A_704 : i32 to index
        %swap3A_795 = arith.constant 112 : index
        %swap3A_796 = tpu.vector_load %arg10[%swap3A_793, %swap3A_794, %swap3A_795] {strides = array<i32>} : memref<2x128x128xf32, #tpu.memory_space<vmem>>, vector<16xf32>,
        tpu.vector_store %arg10[%swap3A_793, %swap3A_794, %swap3A_795], %mul3A_791 {strides = array<i32>} : memref<2x128x128xf32, #tpu.memory_space<vmem>>, vector<16xf32>,
        %broadcast_in_dim3A_797 = vector.broadcast %select_n3A_348 : i32 to vector<16xi32>
        %broadcast_in_dim3A_798 = vector.broadcast %select_n3A_364 : i32 to vector<16xi32>
        %broadcast_in_dim3A_799 = vector.broadcast %add3A_708 : i32 to vector<16xi32>
        %gather3A_800 = tpu.vector_load_idx %arg9[%broadcast_in_dim3A_797, %broadcast_in_dim3A_798, %broadcast_in_dim3A_799] : memref<2x16x128xf32, #tpu.memory_space<vmem>>[vector<16xi32>, vector<16xi32>, vector<16xi32>], vector<16xf32>,
        %get3A_801 = arith.constant 0 : i32
        %get3A_802 = arith.index_cast %get3A_801 : i32 to index
        %get3A_803 = arith.index_cast %add3A_708 : i32 to index
        %get3A_804 = arith.constant 0 : index
        %get3A_805 = tpu.vector_load %arg10[%get3A_802, %get3A_803, %get3A_804] {strides = array<i32>} : memref<2x128x128xf32, #tpu.memory_space<vmem>>, vector<16xf32>,
        %mul3A_806 = arith.mulf %get3A_805, %gather3A_800 : vector<16xf32>
        %swap3A_807 = arith.constant 0 : i32
        %swap3A_808 = arith.index_cast %swap3A_807 : i32 to index
        %swap3A_809 = arith.index_cast %add3A_708 : i32 to index
        %swap3A_810 = arith.constant 0 : index
        %swap3A_811 = tpu.vector_load %arg10[%swap3A_808, %swap3A_809, %swap3A_810] {strides = array<i32>} : memref<2x128x128xf32, #tpu.memory_space<vmem>>, vector<16xf32>,
        tpu.vector_store %arg10[%swap3A_808, %swap3A_809, %swap3A_810], %mul3A_806 {strides = array<i32>} : memref<2x128x128xf32, #tpu.memory_space<vmem>>, vector<16xf32>,
        %get3A_812 = arith.constant 0 : i32
        %get3A_813 = arith.index_cast %get3A_812 : i32 to index
        %get3A_814 = arith.index_cast %add3A_708 : i32 to index
        %get3A_815 = arith.constant 16 : index
        %get3A_816 = tpu.vector_load %arg10[%get3A_813, %get3A_814, %get3A_815] {strides = array<i32>} : memref<2x128x128xf32, #tpu.memory_space<vmem>>, vector<16xf32>,
        %mul3A_817 = arith.mulf %get3A_816, %gather3A_800 : vector<16xf32>
        %swap3A_818 = arith.constant 0 : i32
        %swap3A_819 = arith.index_cast %swap3A_818 : i32 to index
        %swap3A_820 = arith.index_cast %add3A_708 : i32 to index
        %swap3A_821 = arith.constant 16 : index
        %swap3A_822 = tpu.vector_load %arg10[%swap3A_819, %swap3A_820, %swap3A_821] {strides = array<i32>} : memref<2x128x128xf32, #tpu.memory_space<vmem>>, vector<16xf32>,
        tpu.vector_store %arg10[%swap3A_819, %swap3A_820, %swap3A_821], %mul3A_817 {strides = array<i32>} : memref<2x128x128xf32, #tpu.memory_space<vmem>>, vector<16xf32>,
        %get3A_823 = arith.constant 0 : i32
        %get3A_824 = arith.index_cast %get3A_823 : i32 to index
        %get3A_825 = arith.index_cast %add3A_708 : i32 to index
        %get3A_826 = arith.constant 32 : index
        %get3A_827 = tpu.vector_load %arg10[%get3A_824, %get3A_825, %get3A_826] {strides = array<i32>} : memref<2x128x128xf32, #tpu.memory_space<vmem>>, vector<16xf32>,
        %mul3A_828 = arith.mulf %get3A_827, %gather3A_800 : vector<16xf32>
        %swap3A_829 = arith.constant 0 : i32
        %swap3A_830 = arith.index_cast %swap3A_829 : i32 to index
        %swap3A_831 = arith.index_cast %add3A_708 : i32 to index
        %swap3A_832 = arith.constant 32 : index
        %swap3A_833 = tpu.vector_load %arg10[%swap3A_830, %swap3A_831, %swap3A_832] {strides = array<i32>} : memref<2x128x128xf32, #tpu.memory_space<vmem>>, vector<16xf32>,
        tpu.vector_store %arg10[%swap3A_830, %swap3A_831, %swap3A_832], %mul3A_828 {strides = array<i32>} : memref<2x128x128xf32, #tpu.memory_space<vmem>>, vector<16xf32>,
        %get3A_834 = arith.constant 0 : i32
        %get3A_835 = arith.index_cast %get3A_834 : i32 to index
        %get3A_836 = arith.index_cast %add3A_708 : i32 to index
        %get3A_837 = arith.constant 48 : index
        %get3A_838 = tpu.vector_load %arg10[%get3A_835, %get3A_836, %get3A_837] {strides = array<i32>} : memref<2x128x128xf32, #tpu.memory_space<vmem>>, vector<16xf32>,
        %mul3A_839 = arith.mulf %get3A_838, %gather3A_800 : vector<16xf32>
        %swap3A_840 = arith.constant 0 : i32
        %swap3A_841 = arith.index_cast %swap3A_840 : i32 to index
        %swap3A_842 = arith.index_cast %add3A_708 : i32 to index
        %swap3A_843 = arith.constant 48 : index
        %swap3A_844 = tpu.vector_load %arg10[%swap3A_841, %swap3A_842, %swap3A_843] {strides = array<i32>} : memref<2x128x128xf32, #tpu.memory_space<vmem>>, vector<16xf32>,
        tpu.vector_store %arg10[%swap3A_841, %swap3A_842, %swap3A_843], %mul3A_839 {strides = array<i32>} : memref<2x128x128xf32, #tpu.memory_space<vmem>>, vector<16xf32>,
        %get3A_845 = arith.constant 0 : i32
        %get3A_846 = arith.index_cast %get3A_845 : i32 to index
        %get3A_847 = arith.index_cast %add3A_708 : i32 to index
        %get3A_848 = arith.constant 64 : index
        %get3A_849 = tpu.vector_load %arg10[%get3A_846, %get3A_847, %get3A_848] {strides = array<i32>} : memref<2x128x128xf32, #tpu.memory_space<vmem>>, vector<16xf32>,
        %mul3A_850 = arith.mulf %get3A_849, %gather3A_800 : vector<16xf32>
        %swap3A_851 = arith.constant 0 : i32
        %swap3A_852 = arith.index_cast %swap3A_851 : i32 to index
        %swap3A_853 = arith.index_cast %add3A_708 : i32 to index
        %swap3A_854 = arith.constant 64 : index
        %swap3A_855 = tpu.vector_load %arg10[%swap3A_852, %swap3A_853, %swap3A_854] {strides = array<i32>} : memref<2x128x128xf32, #tpu.memory_space<vmem>>, vector<16xf32>,
        tpu.vector_store %arg10[%swap3A_852, %swap3A_853, %swap3A_854], %mul3A_850 {strides = array<i32>} : memref<2x128x128xf32, #tpu.memory_space<vmem>>, vector<16xf32>,
        %get3A_856 = arith.constant 0 : i32
        %get3A_857 = arith.index_cast %get3A_856 : i32 to index
        %get3A_858 = arith.index_cast %add3A_708 : i32 to index
        %get3A_859 = arith.constant 80 : index
        %get3A_860 = tpu.vector_load %arg10[%get3A_857, %get3A_858, %get3A_859] {strides = array<i32>} : memref<2x128x128xf32, #tpu.memory_space<vmem>>, vector<16xf32>,
        %mul3A_861 = arith.mulf %get3A_860, %gather3A_800 : vector<16xf32>
        %swap3A_862 = arith.constant 0 : i32
        %swap3A_863 = arith.index_cast %swap3A_862 : i32 to index
        %swap3A_864 = arith.index_cast %add3A_708 : i32 to index
        %swap3A_865 = arith.constant 80 : index
        %swap3A_866 = tpu.vector_load %arg10[%swap3A_863, %swap3A_864, %swap3A_865] {strides = array<i32>} : memref<2x128x128xf32, #tpu.memory_space<vmem>>, vector<16xf32>,
        tpu.vector_store %arg10[%swap3A_863, %swap3A_864, %swap3A_865], %mul3A_861 {strides = array<i32>} : memref<2x128x128xf32, #tpu.memory_space<vmem>>, vector<16xf32>,
        %get3A_867 = arith.constant 0 : i32
        %get3A_868 = arith.index_cast %get3A_867 : i32 to index
        %get3A_869 = arith.index_cast %add3A_708 : i32 to index
        %get3A_870 = arith.constant 96 : index
        %get3A_871 = tpu.vector_load %arg10[%get3A_868, %get3A_869, %get3A_870] {strides = array<i32>} : memref<2x128x128xf32, #tpu.memory_space<vmem>>, vector<16xf32>,
        %mul3A_872 = arith.mulf %get3A_871, %gather3A_800 : vector<16xf32>
        %swap3A_873 = arith.constant 0 : i32
        %swap3A_874 = arith.index_cast %swap3A_873 : i32 to index
        %swap3A_875 = arith.index_cast %add3A_708 : i32 to index
        %swap3A_876 = arith.constant 96 : index
        %swap3A_877 = tpu.vector_load %arg10[%swap3A_874, %swap3A_875, %swap3A_876] {strides = array<i32>} : memref<2x128x128xf32, #tpu.memory_space<vmem>>, vector<16xf32>,
        tpu.vector_store %arg10[%swap3A_874, %swap3A_875, %swap3A_876], %mul3A_872 {strides = array<i32>} : memref<2x128x128xf32, #tpu.memory_space<vmem>>, vector<16xf32>,
        %get3A_878 = arith.constant 0 : i32
        %get3A_879 = arith.index_cast %get3A_878 : i32 to index
        %get3A_880 = arith.index_cast %add3A_708 : i32 to index
        %get3A_881 = arith.constant 112 : index
        %get3A_882 = tpu.vector_load %arg10[%get3A_879, %get3A_880, %get3A_881] {strides = array<i32>} : memref<2x128x128xf32, #tpu.memory_space<vmem>>, vector<16xf32>,
        %mul3A_883 = arith.mulf %get3A_882, %gather3A_800 : vector<16xf32>
        %swap3A_884 = arith.constant 0 : i32
        %swap3A_885 = arith.index_cast %swap3A_884 : i32 to index
        %swap3A_886 = arith.index_cast %add3A_708 : i32 to index
        %swap3A_887 = arith.constant 112 : index
        %swap3A_888 = tpu.vector_load %arg10[%swap3A_885, %swap3A_886, %swap3A_887] {strides = array<i32>} : memref<2x128x128xf32, #tpu.memory_space<vmem>>, vector<16xf32>,
        tpu.vector_store %arg10[%swap3A_885, %swap3A_886, %swap3A_887], %mul3A_883 {strides = array<i32>} : memref<2x128x128xf32, #tpu.memory_space<vmem>>, vector<16xf32>,
        %scan3A_889 = arith.constant 0 : i32
        scf.yield %scan3A_889 : i32
      }
      %scan3A_371 = arith.constant 64 : i32
      %jit3A_372 = arith.constant 16 : i32
      %div3A_373 = arith.divsi %add3A_184, %jit3A_372 : i32
      %sign3A_374 = arith.constant 0 : i32
      %sign3A_375 = arith.cmpi sgt, %add3A_184, %sign3A_374 : i32
      %sign3A_376 = arith.extui %sign3A_375 : i1 to i32
      %sign3A_377 = arith.constant 0 : i32
      %sign3A_378 = arith.cmpi slt, %add3A_184, %sign3A_377 : i32
      %sign3A_379 = arith.extui %sign3A_378 : i1 to i32
      %sign3A_380 = arith.subi %sign3A_376, %sign3A_379 : i32
      %sign3A_381 = arith.constant 0 : i32
      %sign3A_382 = arith.cmpi sgt, %jit3A_372, %sign3A_381 : i32
      %sign3A_383 = arith.extui %sign3A_382 : i1 to i32
      %sign3A_384 = arith.constant 0 : i32
      %sign3A_385 = arith.cmpi slt, %jit3A_372, %sign3A_384 : i32
      %sign3A_386 = arith.extui %sign3A_385 : i1 to i32
      %sign3A_387 = arith.subi %sign3A_383, %sign3A_386 : i32
      %ne3A_388 = arith.cmpi ne, %sign3A_380, %sign3A_387 : i32
      %rem3A_389 = arith.remsi %add3A_184, %jit3A_372 : i32
      %ne3A_390 = arith.constant 0 : i32
      %ne3A_391 = arith.cmpi ne, %rem3A_389, %ne3A_390 : i32
      %and3A_392 = arith.andi %ne3A_388, %ne3A_391 : i1
      %sub3A_393 = arith.constant 1 : i32
      %sub3A_394 = arith.subi %div3A_373, %sub3A_393 : i32
      %select_n3A_395 = arith.select %and3A_392, %sub3A_394, %div3A_373 : i32
      %jit3A_396 = arith.constant 2 : i32
      %eq3A_397 = arith.constant 0 : i32
      %eq3A_398 = arith.cmpi eq, %jit3A_396, %eq3A_397 : i32
      %jit3A_399 = arith.constant 1 : i32
      %select_n3A_400 = arith.select %eq3A_398, %jit3A_399, %jit3A_396 : i32
      %rem3A_401 = arith.remsi %select_n3A_395, %select_n3A_400 : i32
      %ne3A_402 = arith.constant 0 : i32
      %ne3A_403 = arith.cmpi ne, %rem3A_401, %ne3A_402 : i32
      %lt3A_404 = arith.constant 0 : i32
      %lt3A_405 = arith.cmpi slt, %rem3A_401, %lt3A_404 : i32
      %lt3A_406 = arith.constant 0 : i32
      %lt3A_407 = arith.cmpi slt, %select_n3A_400, %lt3A_406 : i32
      %ne3A_408 = arith.xori %lt3A_405, %lt3A_407 : i1
      %and3A_409 = arith.andi %ne3A_408, %ne3A_403 : i1
      %add3A_410 = arith.addi %rem3A_401, %select_n3A_400 : i32
      %select_n3A_411 = arith.select %and3A_409, %add3A_410, %rem3A_401 : i32
      %jit3A_412 = arith.constant 16 : i32
      %eq3A_413 = arith.constant 0 : i32
      %eq3A_414 = arith.cmpi eq, %jit3A_412, %eq3A_413 : i32
      %jit3A_415 = arith.constant 1 : i32
      %select_n3A_416 = arith.select %eq3A_414, %jit3A_415, %jit3A_412 : i32
      %rem3A_417 = arith.remsi %add3A_184, %select_n3A_416 : i32
      %ne3A_418 = arith.constant 0 : i32
      %ne3A_419 = arith.cmpi ne, %rem3A_417, %ne3A_418 : i32
      %lt3A_420 = arith.constant 0 : i32
      %lt3A_421 = arith.cmpi slt, %rem3A_417, %lt3A_420 : i32
      %lt3A_422 = arith.constant 0 : i32
      %lt3A_423 = arith.cmpi slt, %select_n3A_416, %lt3A_422 : i32
      %ne3A_424 = arith.xori %lt3A_421, %lt3A_423 : i1
      %and3A_425 = arith.andi %ne3A_424, %ne3A_419 : i1
      %add3A_426 = arith.addi %rem3A_417, %select_n3A_416 : i32
      %select_n3A_427 = arith.select %and3A_425, %add3A_426, %rem3A_417 : i32
      %dma_start3A_428 = arith.constant 0 : i32
      %dma_start3A_429 = arith.constant 0 : i32
      %dma_start3A_430 = arith.constant 0 : i32
      %dma_start3A_431 = tpu.memref_slice %arg10[%dma_start3A_428, %dma_start3A_429, %dma_start3A_430] : memref<2x128x128xf32, #tpu.memory_space<vmem>> -> memref<1x128x128xf32, #tpu.memory_space<vmem>>
      %dma_start3A_432 = tpu.memref_squeeze %dma_start3A_431 : memref<1x128x128xf32, #tpu.memory_space<vmem>> -> memref<128x128xf32, #tpu.memory_space<vmem>>
      %dma_start3A_433 = arith.constant 0 : i32
      %dma_start3A_434 = tpu.memref_slice %arg8[%select_n3A_411, %select_n3A_427, %dma_start3A_433] : memref<2x16x128xi32, #tpu.memory_space<vmem>> -> memref<1x1x128xi32, #tpu.memory_space<vmem>>
      %dma_start3A_435 = tpu.memref_squeeze %dma_start3A_434 : memref<1x1x128xi32, #tpu.memory_space<vmem>> -> memref<128xi32, #tpu.memory_space<vmem>>
      %dma_start3A_436 = arith.constant 0 : i32
      %dma_start3A_437 = arith.constant 0 : i32
      %dma_start3A_438 = tpu.memref_slice %arg11[%dma_start3A_436, %dma_start3A_437] : memref<10240x128xf32, #tpu.memory_space<vmem_shared>> -> memref<10240x128xf32, #tpu.memory_space<vmem_shared>>
      tpu.enqueue_indirect_dma source(%dma_start3A_432 : memref<128x128xf32, #tpu.memory_space<vmem>>) target(%dma_start3A_438 : memref<10240x128xf32, #tpu.memory_space<vmem_shared>>) offsets(%dma_start3A_435 : memref<128xi32, #tpu.memory_space<vmem>>) semaphore(%arg14 : memref<!tpu.dma_semaphore, #tpu.memory_space<semaphore_mem>>) {add = true}
      %mul3A_439 = arith.constant 2 : i32
      %mul3A_440 = arith.muli %mul3A_439, %while3A_179 : i32
      %add3A_441 = arith.constant 1 : i32
      %add3A_442 = arith.addi %mul3A_440, %add3A_441 : i32
      %jit3A_443 = arith.constant 16 : i32
      %div3A_444 = arith.divsi %add3A_442, %jit3A_443 : i32
      %sign3A_445 = arith.constant 0 : i32
      %sign3A_446 = arith.cmpi sgt, %add3A_442, %sign3A_445 : i32
      %sign3A_447 = arith.extui %sign3A_446 : i1 to i32
      %sign3A_448 = arith.constant 0 : i32
      %sign3A_449 = arith.cmpi slt, %add3A_442, %sign3A_448 : i32
      %sign3A_450 = arith.extui %sign3A_449 : i1 to i32
      %sign3A_451 = arith.subi %sign3A_447, %sign3A_450 : i32
      %sign3A_452 = arith.constant 0 : i32
      %sign3A_453 = arith.cmpi sgt, %jit3A_443, %sign3A_452 : i32
      %sign3A_454 = arith.extui %sign3A_453 : i1 to i32
      %sign3A_455 = arith.constant 0 : i32
      %sign3A_456 = arith.cmpi slt, %jit3A_443, %sign3A_455 : i32
      %sign3A_457 = arith.extui %sign3A_456 : i1 to i32
      %sign3A_458 = arith.subi %sign3A_454, %sign3A_457 : i32
      %ne3A_459 = arith.cmpi ne, %sign3A_451, %sign3A_458 : i32
      %rem3A_460 = arith.remsi %add3A_442, %jit3A_443 : i32
      %ne3A_461 = arith.constant 0 : i32
      %ne3A_462 = arith.cmpi ne, %rem3A_460, %ne3A_461 : i32
      %and3A_463 = arith.andi %ne3A_459, %ne3A_462 : i1
      %sub3A_464 = arith.constant 1 : i32
      %sub3A_465 = arith.subi %div3A_444, %sub3A_464 : i32
      %select_n3A_466 = arith.select %and3A_463, %sub3A_465, %div3A_444 : i32
      %jit3A_467 = arith.constant 2 : i32
      %eq3A_468 = arith.constant 0 : i32
      %eq3A_469 = arith.cmpi eq, %jit3A_467, %eq3A_468 : i32
      %jit3A_470 = arith.constant 1 : i32
      %select_n3A_471 = arith.select %eq3A_469, %jit3A_470, %jit3A_467 : i32
      %rem3A_472 = arith.remsi %select_n3A_466, %select_n3A_471 : i32
      %ne3A_473 = arith.constant 0 : i32
      %ne3A_474 = arith.cmpi ne, %rem3A_472, %ne3A_473 : i32
      %lt3A_475 = arith.constant 0 : i32
      %lt3A_476 = arith.cmpi slt, %rem3A_472, %lt3A_475 : i32
      %lt3A_477 = arith.constant 0 : i32
      %lt3A_478 = arith.cmpi slt, %select_n3A_471, %lt3A_477 : i32
      %ne3A_479 = arith.xori %lt3A_476, %lt3A_478 : i1
      %and3A_480 = arith.andi %ne3A_479, %ne3A_474 : i1
      %add3A_481 = arith.addi %rem3A_472, %select_n3A_471 : i32
      %select_n3A_482 = arith.select %and3A_480, %add3A_481, %rem3A_472 : i32
      %jit3A_483 = arith.constant 16 : i32
      %eq3A_484 = arith.constant 0 : i32
      %eq3A_485 = arith.cmpi eq, %jit3A_483, %eq3A_484 : i32
      %jit3A_486 = arith.constant 1 : i32
      %select_n3A_487 = arith.select %eq3A_485, %jit3A_486, %jit3A_483 : i32
      %rem3A_488 = arith.remsi %add3A_442, %select_n3A_487 : i32
      %ne3A_489 = arith.constant 0 : i32
      %ne3A_490 = arith.cmpi ne, %rem3A_488, %ne3A_489 : i32
      %lt3A_491 = arith.constant 0 : i32
      %lt3A_492 = arith.cmpi slt, %rem3A_488, %lt3A_491 : i32
      %lt3A_493 = arith.constant 0 : i32
      %lt3A_494 = arith.cmpi slt, %select_n3A_487, %lt3A_493 : i32
      %ne3A_495 = arith.xori %lt3A_492, %lt3A_494 : i1
      %and3A_496 = arith.andi %ne3A_495, %ne3A_490 : i1
      %add3A_497 = arith.addi %rem3A_488, %select_n3A_487 : i32
      %select_n3A_498 = arith.select %and3A_496, %add3A_497, %rem3A_488 : i32
      %dma_wait3A_499 = arith.constant 1 : i32
      %dma_wait3A_500 = arith.constant 0 : i32
      %dma_wait3A_501 = arith.constant 0 : i32
      %dma_wait3A_502 = tpu.memref_slice %arg10[%dma_wait3A_499, %dma_wait3A_500, %dma_wait3A_501] : memref<2x128x128xf32, #tpu.memory_space<vmem>> -> memref<1x128x128xf32, #tpu.memory_space<vmem>>
      %dma_wait3A_503 = tpu.memref_squeeze %dma_wait3A_502 : memref<1x128x128xf32, #tpu.memory_space<vmem>> -> memref<128x128xf32, #tpu.memory_space<vmem>>
      %dma_wait3A_504 = arith.constant 0 : i32
      %dma_wait3A_505 = tpu.memref_slice %arg7[%select_n3A_482, %select_n3A_498, %dma_wait3A_504] : memref<2x16x128xi32, #tpu.memory_space<vmem>> -> memref<1x1x128xi32, #tpu.memory_space<vmem>>
      %dma_wait3A_506 = tpu.memref_squeeze %dma_wait3A_505 : memref<1x1x128xi32, #tpu.memory_space<vmem>> -> memref<128xi32, #tpu.memory_space<vmem>>
      %dma_wait3A_507 = arith.constant 0 : i32
      %dma_wait3A_508 = arith.constant 0 : i32
      %dma_wait3A_509 = tpu.memref_slice %arg5[%dma_wait3A_507, %dma_wait3A_508] : memref<10000x128xf32, #tpu.memory_space<hbm>> -> memref<10000x128xf32, #tpu.memory_space<hbm>>
      tpu.wait_indirect_dma semaphore(%arg13 : memref<!tpu.dma_semaphore, #tpu.memory_space<semaphore_mem>>) src(%dma_wait3A_509 : memref<10000x128xf32, #tpu.memory_space<hbm>>) dst(%dma_wait3A_503 : memref<128x128xf32, #tpu.memory_space<vmem>>)
      %gt3A_510 = arith.constant 0 : i32
      %gt3A_511 = arith.cmpi sgt, %add3A_442, %gt3A_510 : i32
      %convert_element_type3A_512 = arith.extui %gt3A_511 : i1 to i32
      %cond3A_513 = arith.constant 0 : i32
      %cond3A_514 = arith.cmpi ne, %convert_element_type3A_512, %cond3A_513 : i32
      scf.if %cond3A_514 {
        %sub3A_701 = arith.constant 1 : i32
        %sub3A_702 = arith.subi %add3A_442, %sub3A_701 : i32
        %jit3A_703 = arith.constant 16 : i32
        %div3A_704 = arith.divsi %sub3A_702, %jit3A_703 : i32
        %sign3A_705 = arith.constant 0 : i32
        %sign3A_706 = arith.cmpi sgt, %sub3A_702, %sign3A_705 : i32
        %sign3A_707 = arith.extui %sign3A_706 : i1 to i32
        %sign3A_708 = arith.constant 0 : i32
        %sign3A_709 = arith.cmpi slt, %sub3A_702, %sign3A_708 : i32
        %sign3A_710 = arith.extui %sign3A_709 : i1 to i32
        %sign3A_711 = arith.subi %sign3A_707, %sign3A_710 : i32
        %sign3A_712 = arith.constant 0 : i32
        %sign3A_713 = arith.cmpi sgt, %jit3A_703, %sign3A_712 : i32
        %sign3A_714 = arith.extui %sign3A_713 : i1 to i32
        %sign3A_715 = arith.constant 0 : i32
        %sign3A_716 = arith.cmpi slt, %jit3A_703, %sign3A_715 : i32
        %sign3A_717 = arith.extui %sign3A_716 : i1 to i32
        %sign3A_718 = arith.subi %sign3A_714, %sign3A_717 : i32
        %ne3A_719 = arith.cmpi ne, %sign3A_711, %sign3A_718 : i32
        %rem3A_720 = arith.remsi %sub3A_702, %jit3A_703 : i32
        %ne3A_721 = arith.constant 0 : i32
        %ne3A_722 = arith.cmpi ne, %rem3A_720, %ne3A_721 : i32
        %and3A_723 = arith.andi %ne3A_719, %ne3A_722 : i1
        %sub3A_724 = arith.constant 1 : i32
        %sub3A_725 = arith.subi %div3A_704, %sub3A_724 : i32
        %select_n3A_726 = arith.select %and3A_723, %sub3A_725, %div3A_704 : i32
        %jit3A_727 = arith.constant 2 : i32
        %eq3A_728 = arith.constant 0 : i32
        %eq3A_729 = arith.cmpi eq, %jit3A_727, %eq3A_728 : i32
        %jit3A_730 = arith.constant 1 : i32
        %select_n3A_731 = arith.select %eq3A_729, %jit3A_730, %jit3A_727 : i32
        %rem3A_732 = arith.remsi %select_n3A_726, %select_n3A_731 : i32
        %ne3A_733 = arith.constant 0 : i32
        %ne3A_734 = arith.cmpi ne, %rem3A_732, %ne3A_733 : i32
        %lt3A_735 = arith.constant 0 : i32
        %lt3A_736 = arith.cmpi slt, %rem3A_732, %lt3A_735 : i32
        %lt3A_737 = arith.constant 0 : i32
        %lt3A_738 = arith.cmpi slt, %select_n3A_731, %lt3A_737 : i32
        %ne3A_739 = arith.xori %lt3A_736, %lt3A_738 : i1
        %and3A_740 = arith.andi %ne3A_739, %ne3A_734 : i1
        %add3A_741 = arith.addi %rem3A_732, %select_n3A_731 : i32
        %select_n3A_742 = arith.select %and3A_740, %add3A_741, %rem3A_732 : i32
        %jit3A_743 = arith.constant 16 : i32
        %eq3A_744 = arith.constant 0 : i32
        %eq3A_745 = arith.cmpi eq, %jit3A_743, %eq3A_744 : i32
        %jit3A_746 = arith.constant 1 : i32
        %select_n3A_747 = arith.select %eq3A_745, %jit3A_746, %jit3A_743 : i32
        %rem3A_748 = arith.remsi %sub3A_702, %select_n3A_747 : i32
        %ne3A_749 = arith.constant 0 : i32
        %ne3A_750 = arith.cmpi ne, %rem3A_748, %ne3A_749 : i32
        %lt3A_751 = arith.constant 0 : i32
        %lt3A_752 = arith.cmpi slt, %rem3A_748, %lt3A_751 : i32
        %lt3A_753 = arith.constant 0 : i32
        %lt3A_754 = arith.cmpi slt, %select_n3A_747, %lt3A_753 : i32
        %ne3A_755 = arith.xori %lt3A_752, %lt3A_754 : i1
        %and3A_756 = arith.andi %ne3A_755, %ne3A_750 : i1
        %add3A_757 = arith.addi %rem3A_748, %select_n3A_747 : i32
        %select_n3A_758 = arith.select %and3A_756, %add3A_757, %rem3A_748 : i32
        %dma_wait3A_759 = arith.constant 0 : i32
        %dma_wait3A_760 = arith.constant 0 : i32
        %dma_wait3A_761 = arith.constant 0 : i32
        %dma_wait3A_762 = tpu.memref_slice %arg10[%dma_wait3A_759, %dma_wait3A_760, %dma_wait3A_761] : memref<2x128x128xf32, #tpu.memory_space<vmem>> -> memref<1x128x128xf32, #tpu.memory_space<vmem>>
        %dma_wait3A_763 = tpu.memref_squeeze %dma_wait3A_762 : memref<1x128x128xf32, #tpu.memory_space<vmem>> -> memref<128x128xf32, #tpu.memory_space<vmem>>
        %dma_wait3A_764 = arith.constant 0 : i32
        %dma_wait3A_765 = tpu.memref_slice %arg8[%select_n3A_742, %select_n3A_758, %dma_wait3A_764] : memref<2x16x128xi32, #tpu.memory_space<vmem>> -> memref<1x1x128xi32, #tpu.memory_space<vmem>>
        %dma_wait3A_766 = tpu.memref_squeeze %dma_wait3A_765 : memref<1x1x128xi32, #tpu.memory_space<vmem>> -> memref<128xi32, #tpu.memory_space<vmem>>
        %dma_wait3A_767 = arith.constant 0 : i32
        %dma_wait3A_768 = arith.constant 0 : i32
        %dma_wait3A_769 = tpu.memref_slice %arg11[%dma_wait3A_767, %dma_wait3A_768] : memref<10240x128xf32, #tpu.memory_space<vmem_shared>> -> memref<10240x128xf32, #tpu.memory_space<vmem_shared>>
        tpu.wait_indirect_dma semaphore(%arg14 : memref<!tpu.dma_semaphore, #tpu.memory_space<semaphore_mem>>) src(%dma_wait3A_763 : memref<128x128xf32, #tpu.memory_space<vmem>>) dst(%dma_wait3A_769 : memref<10240x128xf32, #tpu.memory_space<vmem_shared>>)
      } else {
      }
      %jit3A_515 = arith.constant 16 : i32
      %eq3A_516 = arith.constant 0 : i32
      %eq3A_517 = arith.cmpi eq, %jit3A_515, %eq3A_516 : i32
      %jit3A_518 = arith.constant 1 : i32
      %select_n3A_519 = arith.select %eq3A_517, %jit3A_518, %jit3A_515 : i32
      %rem3A_520 = arith.remsi %add3A_442, %select_n3A_519 : i32
      %ne3A_521 = arith.constant 0 : i32
      %ne3A_522 = arith.cmpi ne, %rem3A_520, %ne3A_521 : i32
      %lt3A_523 = arith.constant 0 : i32
      %lt3A_524 = arith.cmpi slt, %rem3A_520, %lt3A_523 : i32
      %lt3A_525 = arith.constant 0 : i32
      %lt3A_526 = arith.cmpi slt, %select_n3A_519, %lt3A_525 : i32
      %ne3A_527 = arith.xori %lt3A_524, %lt3A_526 : i1
      %and3A_528 = arith.andi %ne3A_527, %ne3A_522 : i1
      %add3A_529 = arith.addi %rem3A_520, %select_n3A_519 : i32
      %select_n3A_530 = arith.select %and3A_528, %add3A_529, %rem3A_520 : i32
      %eq3A_531 = arith.constant 0 : i32
      %eq3A_532 = arith.cmpi eq, %select_n3A_530, %eq3A_531 : i32
      %jit3A_533 = arith.constant 16 : i32
      %div3A_534 = arith.divsi %add3A_442, %jit3A_533 : i32
      %sign3A_535 = arith.constant 0 : i32
      %sign3A_536 = arith.cmpi sgt, %add3A_442, %sign3A_535 : i32
      %sign3A_537 = arith.extui %sign3A_536 : i1 to i32
      %sign3A_538 = arith.constant 0 : i32
      %sign3A_539 = arith.cmpi slt, %add3A_442, %sign3A_538 : i32
      %sign3A_540 = arith.extui %sign3A_539 : i1 to i32
      %sign3A_541 = arith.subi %sign3A_537, %sign3A_540 : i32
      %sign3A_542 = arith.constant 0 : i32
      %sign3A_543 = arith.cmpi sgt, %jit3A_533, %sign3A_542 : i32
      %sign3A_544 = arith.extui %sign3A_543 : i1 to i32
      %sign3A_545 = arith.constant 0 : i32
      %sign3A_546 = arith.cmpi slt, %jit3A_533, %sign3A_545 : i32
      %sign3A_547 = arith.extui %sign3A_546 : i1 to i32
      %sign3A_548 = arith.subi %sign3A_544, %sign3A_547 : i32
      %ne3A_549 = arith.cmpi ne, %sign3A_541, %sign3A_548 : i32
      %rem3A_550 = arith.remsi %add3A_442, %jit3A_533 : i32
      %ne3A_551 = arith.constant 0 : i32
      %ne3A_552 = arith.cmpi ne, %rem3A_550, %ne3A_551 : i32
      %and3A_553 = arith.andi %ne3A_549, %ne3A_552 : i1
      %sub3A_554 = arith.constant 1 : i32
      %sub3A_555 = arith.subi %div3A_534, %sub3A_554 : i32
      %select_n3A_556 = arith.select %and3A_553, %sub3A_555, %div3A_534 : i32
      %add3A_557 = arith.constant 1 : i32
      %add3A_558 = arith.addi %select_n3A_556, %add3A_557 : i32
      %lt3A_559 = arith.cmpi slt, %add3A_558, %select_n3A_19 : i32
      %and3A_560 = arith.andi %eq3A_532, %lt3A_559 : i1
      %convert_element_type3A_561 = arith.extui %and3A_560 : i1 to i32
      %cond3A_562 = arith.constant 0 : i32
      %cond3A_563 = arith.cmpi ne, %convert_element_type3A_561, %cond3A_562 : i32
      scf.if %cond3A_563 {
        %jit3A_701 = arith.constant 16 : i32
        %div3A_702 = arith.divsi %add3A_442, %jit3A_701 : i32
        %sign3A_703 = arith.constant 0 : i32
        %sign3A_704 = arith.cmpi sgt, %add3A_442, %sign3A_703 : i32
        %sign3A_705 = arith.extui %sign3A_704 : i1 to i32
        %sign3A_706 = arith.constant 0 : i32
        %sign3A_707 = arith.cmpi slt, %add3A_442, %sign3A_706 : i32
        %sign3A_708 = arith.extui %sign3A_707 : i1 to i32
        %sign3A_709 = arith.subi %sign3A_705, %sign3A_708 : i32
        %sign3A_710 = arith.constant 0 : i32
        %sign3A_711 = arith.cmpi sgt, %jit3A_701, %sign3A_710 : i32
        %sign3A_712 = arith.extui %sign3A_711 : i1 to i32
        %sign3A_713 = arith.constant 0 : i32
        %sign3A_714 = arith.cmpi slt, %jit3A_701, %sign3A_713 : i32
        %sign3A_715 = arith.extui %sign3A_714 : i1 to i32
        %sign3A_716 = arith.subi %sign3A_712, %sign3A_715 : i32
        %ne3A_717 = arith.cmpi ne, %sign3A_709, %sign3A_716 : i32
        %rem3A_718 = arith.remsi %add3A_442, %jit3A_701 : i32
        %ne3A_719 = arith.constant 0 : i32
        %ne3A_720 = arith.cmpi ne, %rem3A_718, %ne3A_719 : i32
        %and3A_721 = arith.andi %ne3A_717, %ne3A_720 : i1
        %sub3A_722 = arith.constant 1 : i32
        %sub3A_723 = arith.subi %div3A_702, %sub3A_722 : i32
        %select_n3A_724 = arith.select %and3A_721, %sub3A_723, %div3A_702 : i32
        %add3A_725 = arith.constant 1 : i32
        %add3A_726 = arith.addi %select_n3A_724, %add3A_725 : i32
        %jit3A_727 = arith.constant 16 : i32
        %div3A_728 = arith.divsi %add3A_442, %jit3A_727 : i32
        %sign3A_729 = arith.constant 0 : i32
        %sign3A_730 = arith.cmpi sgt, %add3A_442, %sign3A_729 : i32
        %sign3A_731 = arith.extui %sign3A_730 : i1 to i32
        %sign3A_732 = arith.constant 0 : i32
        %sign3A_733 = arith.cmpi slt, %add3A_442, %sign3A_732 : i32
        %sign3A_734 = arith.extui %sign3A_733 : i1 to i32
        %sign3A_735 = arith.subi %sign3A_731, %sign3A_734 : i32
        %sign3A_736 = arith.constant 0 : i32
        %sign3A_737 = arith.cmpi sgt, %jit3A_727, %sign3A_736 : i32
        %sign3A_738 = arith.extui %sign3A_737 : i1 to i32
        %sign3A_739 = arith.constant 0 : i32
        %sign3A_740 = arith.cmpi slt, %jit3A_727, %sign3A_739 : i32
        %sign3A_741 = arith.extui %sign3A_740 : i1 to i32
        %sign3A_742 = arith.subi %sign3A_738, %sign3A_741 : i32
        %ne3A_743 = arith.cmpi ne, %sign3A_735, %sign3A_742 : i32
        %rem3A_744 = arith.remsi %add3A_442, %jit3A_727 : i32
        %ne3A_745 = arith.constant 0 : i32
        %ne3A_746 = arith.cmpi ne, %rem3A_744, %ne3A_745 : i32
        %and3A_747 = arith.andi %ne3A_743, %ne3A_746 : i1
        %sub3A_748 = arith.constant 1 : i32
        %sub3A_749 = arith.subi %div3A_728, %sub3A_748 : i32
        %select_n3A_750 = arith.select %and3A_747, %sub3A_749, %div3A_728 : i32
        %add3A_751 = arith.constant 1 : i32
        %add3A_752 = arith.addi %select_n3A_750, %add3A_751 : i32
        %jit3A_753 = arith.constant 2 : i32
        %eq3A_754 = arith.constant 0 : i32
        %eq3A_755 = arith.cmpi eq, %jit3A_753, %eq3A_754 : i32
        %jit3A_756 = arith.constant 1 : i32
        %select_n3A_757 = arith.select %eq3A_755, %jit3A_756, %jit3A_753 : i32
        %rem3A_758 = arith.remsi %add3A_752, %select_n3A_757 : i32
        %ne3A_759 = arith.constant 0 : i32
        %ne3A_760 = arith.cmpi ne, %rem3A_758, %ne3A_759 : i32
        %lt3A_761 = arith.constant 0 : i32
        %lt3A_762 = arith.cmpi slt, %rem3A_758, %lt3A_761 : i32
        %lt3A_763 = arith.constant 0 : i32
        %lt3A_764 = arith.cmpi slt, %select_n3A_757, %lt3A_763 : i32
        %ne3A_765 = arith.xori %lt3A_762, %lt3A_764 : i1
        %and3A_766 = arith.andi %ne3A_765, %ne3A_760 : i1
        %add3A_767 = arith.addi %rem3A_758, %select_n3A_757 : i32
        %select_n3A_768 = arith.select %and3A_766, %add3A_767, %rem3A_758 : i32
        %mul3A_769 = arith.constant 16 : i32
        %mul3A_770 = arith.muli %add3A_726, %mul3A_769 : i32
        %add3A_771 = arith.addi %select_n3A_26, %mul3A_770 : i32
        %dma_start3A_772 = arith.constant 0 : i32
        %dma_start3A_773 = arith.constant 0 : i32
        %dma_start3A_774 = tpu.memref_slice %arg7[%select_n3A_768, %dma_start3A_772, %dma_start3A_773] : memref<2x16x128xi32, #tpu.memory_space<vmem>> -> memref<1x16x128xi32, #tpu.memory_space<vmem>>
        %dma_start3A_775 = tpu.memref_squeeze %dma_start3A_774 : memref<1x16x128xi32, #tpu.memory_space<vmem>> -> memref<16x128xi32, #tpu.memory_space<vmem>>
        %dma_start3A_776 = arith.constant 0 : i32
        %dma_start3A_777 = tpu.memref_slice %arg2[%add3A_771, %dma_start3A_776] : memref<2560x128xi32, #tpu.memory_space<hbm>> -> memref<16x128xi32, #tpu.memory_space<hbm>>
        %dma_start3A_778 = arith.constant 0 : i32
        %dma_start3A_779 = arith.constant 0 : i32
        %dma_start3A_780 = tpu.memref_slice %arg7[%select_n3A_768, %dma_start3A_778, %dma_start3A_779] : memref<2x16x128xi32, #tpu.memory_space<vmem>> -> memref<1x16x128xi32, #tpu.memory_space<vmem>>
        %dma_start3A_781 = tpu.memref_squeeze %dma_start3A_780 : memref<1x16x128xi32, #tpu.memory_space<vmem>> -> memref<16x128xi32, #tpu.memory_space<vmem>>
        %dma_start3A_782 = arith.constant 0 : i32
        %dma_start3A_783 = tpu.memref_slice %arg2[%add3A_771, %dma_start3A_782] : memref<2560x128xi32, #tpu.memory_space<hbm>> -> memref<16x128xi32, #tpu.memory_space<hbm>>
        tpu.enqueue_dma source(%dma_start3A_783 : memref<16x128xi32, #tpu.memory_space<hbm>>) target(%dma_start3A_781 : memref<16x128xi32, #tpu.memory_space<vmem>>) target_semaphore(%arg16 : memref<!tpu.dma_semaphore, #tpu.memory_space<semaphore_mem>>)
        %mul3A_784 = arith.constant 16 : i32
        %mul3A_785 = arith.muli %add3A_726, %mul3A_784 : i32
        %add3A_786 = arith.addi %select_n3A_26, %mul3A_785 : i32
        %dma_start3A_787 = arith.constant 0 : i32
        %dma_start3A_788 = arith.constant 0 : i32
        %dma_start3A_789 = tpu.memref_slice %arg8[%select_n3A_768, %dma_start3A_787, %dma_start3A_788] : memref<2x16x128xi32, #tpu.memory_space<vmem>> -> memref<1x16x128xi32, #tpu.memory_space<vmem>>
        %dma_start3A_790 = tpu.memref_squeeze %dma_start3A_789 : memref<1x16x128xi32, #tpu.memory_space<vmem>> -> memref<16x128xi32, #tpu.memory_space<vmem>>
        %dma_start3A_791 = arith.constant 0 : i32
        %dma_start3A_792 = tpu.memref_slice %arg3[%add3A_786, %dma_start3A_791] : memref<2560x128xi32, #tpu.memory_space<hbm>> -> memref<16x128xi32, #tpu.memory_space<hbm>>
        %dma_start3A_793 = arith.constant 0 : i32
        %dma_start3A_794 = arith.constant 0 : i32
        %dma_start3A_795 = tpu.memref_slice %arg8[%select_n3A_768, %dma_start3A_793, %dma_start3A_794] : memref<2x16x128xi32, #tpu.memory_space<vmem>> -> memref<1x16x128xi32, #tpu.memory_space<vmem>>
        %dma_start3A_796 = tpu.memref_squeeze %dma_start3A_795 : memref<1x16x128xi32, #tpu.memory_space<vmem>> -> memref<16x128xi32, #tpu.memory_space<vmem>>
        %dma_start3A_797 = arith.constant 0 : i32
        %dma_start3A_798 = tpu.memref_slice %arg3[%add3A_786, %dma_start3A_797] : memref<2560x128xi32, #tpu.memory_space<hbm>> -> memref<16x128xi32, #tpu.memory_space<hbm>>
        tpu.enqueue_dma source(%dma_start3A_798 : memref<16x128xi32, #tpu.memory_space<hbm>>) target(%dma_start3A_796 : memref<16x128xi32, #tpu.memory_space<vmem>>) target_semaphore(%arg16 : memref<!tpu.dma_semaphore, #tpu.memory_space<semaphore_mem>>)
        %mul3A_799 = arith.constant 16 : i32
        %mul3A_800 = arith.muli %add3A_726, %mul3A_799 : i32
        %add3A_801 = arith.addi %select_n3A_26, %mul3A_800 : i32
        %dma_start3A_802 = arith.constant 0 : i32
        %dma_start3A_803 = arith.constant 0 : i32
        %dma_start3A_804 = tpu.memref_slice %arg9[%select_n3A_768, %dma_start3A_802, %dma_start3A_803] : memref<2x16x128xf32, #tpu.memory_space<vmem>> -> memref<1x16x128xf32, #tpu.memory_space<vmem>>
        %dma_start3A_805 = tpu.memref_squeeze %dma_start3A_804 : memref<1x16x128xf32, #tpu.memory_space<vmem>> -> memref<16x128xf32, #tpu.memory_space<vmem>>
        %dma_start3A_806 = arith.constant 0 : i32
        %dma_start3A_807 = tpu.memref_slice %arg4[%add3A_801, %dma_start3A_806] : memref<2560x128xf32, #tpu.memory_space<hbm>> -> memref<16x128xf32, #tpu.memory_space<hbm>>
        %dma_start3A_808 = arith.constant 0 : i32
        %dma_start3A_809 = arith.constant 0 : i32
        %dma_start3A_810 = tpu.memref_slice %arg9[%select_n3A_768, %dma_start3A_808, %dma_start3A_809] : memref<2x16x128xf32, #tpu.memory_space<vmem>> -> memref<1x16x128xf32, #tpu.memory_space<vmem>>
        %dma_start3A_811 = tpu.memref_squeeze %dma_start3A_810 : memref<1x16x128xf32, #tpu.memory_space<vmem>> -> memref<16x128xf32, #tpu.memory_space<vmem>>
        %dma_start3A_812 = arith.constant 0 : i32
        %dma_start3A_813 = tpu.memref_slice %arg4[%add3A_801, %dma_start3A_812] : memref<2560x128xf32, #tpu.memory_space<hbm>> -> memref<16x128xf32, #tpu.memory_space<hbm>>
        tpu.enqueue_dma source(%dma_start3A_813 : memref<16x128xf32, #tpu.memory_space<hbm>>) target(%dma_start3A_811 : memref<16x128xf32, #tpu.memory_space<vmem>>) target_semaphore(%arg16 : memref<!tpu.dma_semaphore, #tpu.memory_space<semaphore_mem>>)
      } else {
      }
      %add3A_564 = arith.constant 1 : i32
      %add3A_565 = arith.addi %add3A_442, %add3A_564 : i32
      %lt3A_566 = arith.cmpi slt, %add3A_565, %select_n3A : i32
      %convert_element_type3A_567 = arith.extui %lt3A_566 : i1 to i32
      %cond3A_568 = arith.constant 0 : i32
      %cond3A_569 = arith.cmpi ne, %convert_element_type3A_567, %cond3A_568 : i32
      scf.if %cond3A_569 {
        %add3A_701 = arith.constant 1 : i32
        %add3A_702 = arith.addi %add3A_442, %add3A_701 : i32
        %jit3A_703 = arith.constant 16 : i32
        %eq3A_704 = arith.constant 0 : i32
        %eq3A_705 = arith.cmpi eq, %jit3A_703, %eq3A_704 : i32
        %jit3A_706 = arith.constant 1 : i32
        %select_n3A_707 = arith.select %eq3A_705, %jit3A_706, %jit3A_703 : i32
        %rem3A_708 = arith.remsi %add3A_702, %select_n3A_707 : i32
        %ne3A_709 = arith.constant 0 : i32
        %ne3A_710 = arith.cmpi ne, %rem3A_708, %ne3A_709 : i32
        %lt3A_711 = arith.constant 0 : i32
        %lt3A_712 = arith.cmpi slt, %rem3A_708, %lt3A_711 : i32
        %lt3A_713 = arith.constant 0 : i32
        %lt3A_714 = arith.cmpi slt, %select_n3A_707, %lt3A_713 : i32
        %ne3A_715 = arith.xori %lt3A_712, %lt3A_714 : i1
        %and3A_716 = arith.andi %ne3A_715, %ne3A_710 : i1
        %add3A_717 = arith.addi %rem3A_708, %select_n3A_707 : i32
        %select_n3A_718 = arith.select %and3A_716, %add3A_717, %rem3A_708 : i32
        %eq3A_719 = arith.constant 0 : i32
        %eq3A_720 = arith.cmpi eq, %select_n3A_718, %eq3A_719 : i32
        %convert_element_type3A_721 = arith.extui %eq3A_720 : i1 to i32
        %cond3A_722 = arith.constant 0 : i32
        %cond3A_723 = arith.cmpi ne, %convert_element_type3A_721, %cond3A_722 : i32
        scf.if %cond3A_723 {
          %add3A_793 = arith.constant 1 : i32
          %add3A_794 = arith.addi %add3A_442, %add3A_793 : i32
          %jit3A_795 = arith.constant 16 : i32
          %div3A_796 = arith.divsi %add3A_794, %jit3A_795 : i32
          %sign3A_797 = arith.constant 0 : i32
          %sign3A_798 = arith.cmpi sgt, %add3A_794, %sign3A_797 : i32
          %sign3A_799 = arith.extui %sign3A_798 : i1 to i32
          %sign3A_800 = arith.constant 0 : i32
          %sign3A_801 = arith.cmpi slt, %add3A_794, %sign3A_800 : i32
          %sign3A_802 = arith.extui %sign3A_801 : i1 to i32
          %sign3A_803 = arith.subi %sign3A_799, %sign3A_802 : i32
          %sign3A_804 = arith.constant 0 : i32
          %sign3A_805 = arith.cmpi sgt, %jit3A_795, %sign3A_804 : i32
          %sign3A_806 = arith.extui %sign3A_805 : i1 to i32
          %sign3A_807 = arith.constant 0 : i32
          %sign3A_808 = arith.cmpi slt, %jit3A_795, %sign3A_807 : i32
          %sign3A_809 = arith.extui %sign3A_808 : i1 to i32
          %sign3A_810 = arith.subi %sign3A_806, %sign3A_809 : i32
          %ne3A_811 = arith.cmpi ne, %sign3A_803, %sign3A_810 : i32
          %rem3A_812 = arith.remsi %add3A_794, %jit3A_795 : i32
          %ne3A_813 = arith.constant 0 : i32
          %ne3A_814 = arith.cmpi ne, %rem3A_812, %ne3A_813 : i32
          %and3A_815 = arith.andi %ne3A_811, %ne3A_814 : i1
          %sub3A_816 = arith.constant 1 : i32
          %sub3A_817 = arith.subi %div3A_796, %sub3A_816 : i32
          %select_n3A_818 = arith.select %and3A_815, %sub3A_817, %div3A_796 : i32
          %jit3A_819 = arith.constant 2 : i32
          %eq3A_820 = arith.constant 0 : i32
          %eq3A_821 = arith.cmpi eq, %jit3A_819, %eq3A_820 : i32
          %jit3A_822 = arith.constant 1 : i32
          %select_n3A_823 = arith.select %eq3A_821, %jit3A_822, %jit3A_819 : i32
          %rem3A_824 = arith.remsi %select_n3A_818, %select_n3A_823 : i32
          %ne3A_825 = arith.constant 0 : i32
          %ne3A_826 = arith.cmpi ne, %rem3A_824, %ne3A_825 : i32
          %lt3A_827 = arith.constant 0 : i32
          %lt3A_828 = arith.cmpi slt, %rem3A_824, %lt3A_827 : i32
          %lt3A_829 = arith.constant 0 : i32
          %lt3A_830 = arith.cmpi slt, %select_n3A_823, %lt3A_829 : i32
          %ne3A_831 = arith.xori %lt3A_828, %lt3A_830 : i1
          %and3A_832 = arith.andi %ne3A_831, %ne3A_826 : i1
          %add3A_833 = arith.addi %rem3A_824, %select_n3A_823 : i32
          %select_n3A_834 = arith.select %and3A_832, %add3A_833, %rem3A_824 : i32
          %dma_wait3A_835 = arith.constant 0 : i32
          %dma_wait3A_836 = arith.constant 0 : i32
          %dma_wait3A_837 = tpu.memref_slice %arg7[%select_n3A_834, %dma_wait3A_835, %dma_wait3A_836] : memref<2x16x128xi32, #tpu.memory_space<vmem>> -> memref<1x16x128xi32, #tpu.memory_space<vmem>>
          %dma_wait3A_838 = tpu.memref_squeeze %dma_wait3A_837 : memref<1x16x128xi32, #tpu.memory_space<vmem>> -> memref<16x128xi32, #tpu.memory_space<vmem>>
          %dma_wait3A_839 = arith.constant 0 : i32
          %dma_wait3A_840 = arith.constant 0 : i32
          %dma_wait3A_841 = tpu.memref_slice %arg2[%dma_wait3A_839, %dma_wait3A_840] : memref<2560x128xi32, #tpu.memory_space<hbm>> -> memref<16x128xi32, #tpu.memory_space<hbm>>
          %dma_wait3A_842 = arith.constant 0 : i32
          %dma_wait3A_843 = arith.constant 0 : i32
          %dma_wait3A_844 = tpu.memref_slice %arg7[%select_n3A_834, %dma_wait3A_842, %dma_wait3A_843] : memref<2x16x128xi32, #tpu.memory_space<vmem>> -> memref<1x16x128xi32, #tpu.memory_space<vmem>>
          %dma_wait3A_845 = tpu.memref_squeeze %dma_wait3A_844 : memref<1x16x128xi32, #tpu.memory_space<vmem>> -> memref<16x128xi32, #tpu.memory_space<vmem>>
          %dma_wait3A_846 = arith.constant 0 : i32
          %dma_wait3A_847 = arith.constant 0 : i32
          %dma_wait3A_848 = tpu.memref_slice %arg2[%dma_wait3A_846, %dma_wait3A_847] : memref<2560x128xi32, #tpu.memory_space<hbm>> -> memref<16x128xi32, #tpu.memory_space<hbm>>
          tpu.wait_dma2 semaphore(%arg16 : memref<!tpu.dma_semaphore, #tpu.memory_space<semaphore_mem>>) src(%dma_wait3A_848 : memref<16x128xi32, #tpu.memory_space<hbm>>) dst(%dma_wait3A_845 : memref<16x128xi32, #tpu.memory_space<vmem>>)
          %dma_wait3A_849 = arith.constant 0 : i32
          %dma_wait3A_850 = arith.constant 0 : i32
          %dma_wait3A_851 = tpu.memref_slice %arg8[%select_n3A_834, %dma_wait3A_849, %dma_wait3A_850] : memref<2x16x128xi32, #tpu.memory_space<vmem>> -> memref<1x16x128xi32, #tpu.memory_space<vmem>>
          %dma_wait3A_852 = tpu.memref_squeeze %dma_wait3A_851 : memref<1x16x128xi32, #tpu.memory_space<vmem>> -> memref<16x128xi32, #tpu.memory_space<vmem>>
          %dma_wait3A_853 = arith.constant 0 : i32
          %dma_wait3A_854 = arith.constant 0 : i32
          %dma_wait3A_855 = tpu.memref_slice %arg3[%dma_wait3A_853, %dma_wait3A_854] : memref<2560x128xi32, #tpu.memory_space<hbm>> -> memref<16x128xi32, #tpu.memory_space<hbm>>
          %dma_wait3A_856 = arith.constant 0 : i32
          %dma_wait3A_857 = arith.constant 0 : i32
          %dma_wait3A_858 = tpu.memref_slice %arg8[%select_n3A_834, %dma_wait3A_856, %dma_wait3A_857] : memref<2x16x128xi32, #tpu.memory_space<vmem>> -> memref<1x16x128xi32, #tpu.memory_space<vmem>>
          %dma_wait3A_859 = tpu.memref_squeeze %dma_wait3A_858 : memref<1x16x128xi32, #tpu.memory_space<vmem>> -> memref<16x128xi32, #tpu.memory_space<vmem>>
          %dma_wait3A_860 = arith.constant 0 : i32
          %dma_wait3A_861 = arith.constant 0 : i32
          %dma_wait3A_862 = tpu.memref_slice %arg3[%dma_wait3A_860, %dma_wait3A_861] : memref<2560x128xi32, #tpu.memory_space<hbm>> -> memref<16x128xi32, #tpu.memory_space<hbm>>
          tpu.wait_dma2 semaphore(%arg16 : memref<!tpu.dma_semaphore, #tpu.memory_space<semaphore_mem>>) src(%dma_wait3A_862 : memref<16x128xi32, #tpu.memory_space<hbm>>) dst(%dma_wait3A_859 : memref<16x128xi32, #tpu.memory_space<vmem>>)
          %dma_wait3A_863 = arith.constant 0 : i32
          %dma_wait3A_864 = arith.constant 0 : i32
          %dma_wait3A_865 = tpu.memref_slice %arg9[%select_n3A_834, %dma_wait3A_863, %dma_wait3A_864] : memref<2x16x128xf32, #tpu.memory_space<vmem>> -> memref<1x16x128xf32, #tpu.memory_space<vmem>>
          %dma_wait3A_866 = tpu.memref_squeeze %dma_wait3A_865 : memref<1x16x128xf32, #tpu.memory_space<vmem>> -> memref<16x128xf32, #tpu.memory_space<vmem>>
          %dma_wait3A_867 = arith.constant 0 : i32
          %dma_wait3A_868 = arith.constant 0 : i32
          %dma_wait3A_869 = tpu.memref_slice %arg4[%dma_wait3A_867, %dma_wait3A_868] : memref<2560x128xf32, #tpu.memory_space<hbm>> -> memref<16x128xf32, #tpu.memory_space<hbm>>
          %dma_wait3A_870 = arith.constant 0 : i32
          %dma_wait3A_871 = arith.constant 0 : i32
          %dma_wait3A_872 = tpu.memref_slice %arg9[%select_n3A_834, %dma_wait3A_870, %dma_wait3A_871] : memref<2x16x128xf32, #tpu.memory_space<vmem>> -> memref<1x16x128xf32, #tpu.memory_space<vmem>>
          %dma_wait3A_873 = tpu.memref_squeeze %dma_wait3A_872 : memref<1x16x128xf32, #tpu.memory_space<vmem>> -> memref<16x128xf32, #tpu.memory_space<vmem>>
          %dma_wait3A_874 = arith.constant 0 : i32
          %dma_wait3A_875 = arith.constant 0 : i32
          %dma_wait3A_876 = tpu.memref_slice %arg4[%dma_wait3A_874, %dma_wait3A_875] : memref<2560x128xf32, #tpu.memory_space<hbm>> -> memref<16x128xf32, #tpu.memory_space<hbm>>
          tpu.wait_dma2 semaphore(%arg16 : memref<!tpu.dma_semaphore, #tpu.memory_space<semaphore_mem>>) src(%dma_wait3A_876 : memref<16x128xf32, #tpu.memory_space<hbm>>) dst(%dma_wait3A_873 : memref<16x128xf32, #tpu.memory_space<vmem>>)
        } else {
        }
        %add3A_724 = arith.constant 1 : i32
        %add3A_725 = arith.addi %add3A_442, %add3A_724 : i32
        %jit3A_726 = arith.constant 16 : i32
        %div3A_727 = arith.divsi %add3A_725, %jit3A_726 : i32
        %sign3A_728 = arith.constant 0 : i32
        %sign3A_729 = arith.cmpi sgt, %add3A_725, %sign3A_728 : i32
        %sign3A_730 = arith.extui %sign3A_729 : i1 to i32
        %sign3A_731 = arith.constant 0 : i32
        %sign3A_732 = arith.cmpi slt, %add3A_725, %sign3A_731 : i32
        %sign3A_733 = arith.extui %sign3A_732 : i1 to i32
        %sign3A_734 = arith.subi %sign3A_730, %sign3A_733 : i32
        %sign3A_735 = arith.constant 0 : i32
        %sign3A_736 = arith.cmpi sgt, %jit3A_726, %sign3A_735 : i32
        %sign3A_737 = arith.extui %sign3A_736 : i1 to i32
        %sign3A_738 = arith.constant 0 : i32
        %sign3A_739 = arith.cmpi slt, %jit3A_726, %sign3A_738 : i32
        %sign3A_740 = arith.extui %sign3A_739 : i1 to i32
        %sign3A_741 = arith.subi %sign3A_737, %sign3A_740 : i32
        %ne3A_742 = arith.cmpi ne, %sign3A_734, %sign3A_741 : i32
        %rem3A_743 = arith.remsi %add3A_725, %jit3A_726 : i32
        %ne3A_744 = arith.constant 0 : i32
        %ne3A_745 = arith.cmpi ne, %rem3A_743, %ne3A_744 : i32
        %and3A_746 = arith.andi %ne3A_742, %ne3A_745 : i1
        %sub3A_747 = arith.constant 1 : i32
        %sub3A_748 = arith.subi %div3A_727, %sub3A_747 : i32
        %select_n3A_749 = arith.select %and3A_746, %sub3A_748, %div3A_727 : i32
        %jit3A_750 = arith.constant 2 : i32
        %eq3A_751 = arith.constant 0 : i32
        %eq3A_752 = arith.cmpi eq, %jit3A_750, %eq3A_751 : i32
        %jit3A_753 = arith.constant 1 : i32
        %select_n3A_754 = arith.select %eq3A_752, %jit3A_753, %jit3A_750 : i32
        %rem3A_755 = arith.remsi %select_n3A_749, %select_n3A_754 : i32
        %ne3A_756 = arith.constant 0 : i32
        %ne3A_757 = arith.cmpi ne, %rem3A_755, %ne3A_756 : i32
        %lt3A_758 = arith.constant 0 : i32
        %lt3A_759 = arith.cmpi slt, %rem3A_755, %lt3A_758 : i32
        %lt3A_760 = arith.constant 0 : i32
        %lt3A_761 = arith.cmpi slt, %select_n3A_754, %lt3A_760 : i32
        %ne3A_762 = arith.xori %lt3A_759, %lt3A_761 : i1
        %and3A_763 = arith.andi %ne3A_762, %ne3A_757 : i1
        %add3A_764 = arith.addi %rem3A_755, %select_n3A_754 : i32
        %select_n3A_765 = arith.select %and3A_763, %add3A_764, %rem3A_755 : i32
        %jit3A_766 = arith.constant 16 : i32
        %eq3A_767 = arith.constant 0 : i32
        %eq3A_768 = arith.cmpi eq, %jit3A_766, %eq3A_767 : i32
        %jit3A_769 = arith.constant 1 : i32
        %select_n3A_770 = arith.select %eq3A_768, %jit3A_769, %jit3A_766 : i32
        %rem3A_771 = arith.remsi %add3A_725, %select_n3A_770 : i32
        %ne3A_772 = arith.constant 0 : i32
        %ne3A_773 = arith.cmpi ne, %rem3A_771, %ne3A_772 : i32
        %lt3A_774 = arith.constant 0 : i32
        %lt3A_775 = arith.cmpi slt, %rem3A_771, %lt3A_774 : i32
        %lt3A_776 = arith.constant 0 : i32
        %lt3A_777 = arith.cmpi slt, %select_n3A_770, %lt3A_776 : i32
        %ne3A_778 = arith.xori %lt3A_775, %lt3A_777 : i1
        %and3A_779 = arith.andi %ne3A_778, %ne3A_773 : i1
        %add3A_780 = arith.addi %rem3A_771, %select_n3A_770 : i32
        %select_n3A_781 = arith.select %and3A_779, %add3A_780, %rem3A_771 : i32
        %dma_start3A_782 = arith.constant 0 : i32
        %dma_start3A_783 = arith.constant 0 : i32
        %dma_start3A_784 = arith.constant 0 : i32
        %dma_start3A_785 = tpu.memref_slice %arg10[%dma_start3A_782, %dma_start3A_783, %dma_start3A_784] : memref<2x128x128xf32, #tpu.memory_space<vmem>> -> memref<1x128x128xf32, #tpu.memory_space<vmem>>
        %dma_start3A_786 = tpu.memref_squeeze %dma_start3A_785 : memref<1x128x128xf32, #tpu.memory_space<vmem>> -> memref<128x128xf32, #tpu.memory_space<vmem>>
        %dma_start3A_787 = arith.constant 0 : i32
        %dma_start3A_788 = tpu.memref_slice %arg7[%select_n3A_765, %select_n3A_781, %dma_start3A_787] : memref<2x16x128xi32, #tpu.memory_space<vmem>> -> memref<1x1x128xi32, #tpu.memory_space<vmem>>
        %dma_start3A_789 = tpu.memref_squeeze %dma_start3A_788 : memref<1x1x128xi32, #tpu.memory_space<vmem>> -> memref<128xi32, #tpu.memory_space<vmem>>
        %dma_start3A_790 = arith.constant 0 : i32
        %dma_start3A_791 = arith.constant 0 : i32
        %dma_start3A_792 = tpu.memref_slice %arg5[%dma_start3A_790, %dma_start3A_791] : memref<10000x128xf32, #tpu.memory_space<hbm>> -> memref<10000x128xf32, #tpu.memory_space<hbm>>
        tpu.enqueue_indirect_dma source(%dma_start3A_792 : memref<10000x128xf32, #tpu.memory_space<hbm>>) target(%dma_start3A_786 : memref<128x128xf32, #tpu.memory_space<vmem>>) offsets(%dma_start3A_789 : memref<128xi32, #tpu.memory_space<vmem>>) semaphore(%arg12 : memref<!tpu.dma_semaphore, #tpu.memory_space<semaphore_mem>>)
      } else {
      }
      %jit3A_570 = arith.constant 16 : i32
      %div3A_571 = arith.divsi %add3A_442, %jit3A_570 : i32
      %sign3A_572 = arith.constant 0 : i32
      %sign3A_573 = arith.cmpi sgt, %add3A_442, %sign3A_572 : i32
      %sign3A_574 = arith.extui %sign3A_573 : i1 to i32
      %sign3A_575 = arith.constant 0 : i32
      %sign3A_576 = arith.cmpi slt, %add3A_442, %sign3A_575 : i32
      %sign3A_577 = arith.extui %sign3A_576 : i1 to i32
      %sign3A_578 = arith.subi %sign3A_574, %sign3A_577 : i32
      %sign3A_579 = arith.constant 0 : i32
      %sign3A_580 = arith.cmpi sgt, %jit3A_570, %sign3A_579 : i32
      %sign3A_581 = arith.extui %sign3A_580 : i1 to i32
      %sign3A_582 = arith.constant 0 : i32
      %sign3A_583 = arith.cmpi slt, %jit3A_570, %sign3A_582 : i32
      %sign3A_584 = arith.extui %sign3A_583 : i1 to i32
      %sign3A_585 = arith.subi %sign3A_581, %sign3A_584 : i32
      %ne3A_586 = arith.cmpi ne, %sign3A_578, %sign3A_585 : i32
      %rem3A_587 = arith.remsi %add3A_442, %jit3A_570 : i32
      %ne3A_588 = arith.constant 0 : i32
      %ne3A_589 = arith.cmpi ne, %rem3A_587, %ne3A_588 : i32
      %and3A_590 = arith.andi %ne3A_586, %ne3A_589 : i1
      %sub3A_591 = arith.constant 1 : i32
      %sub3A_592 = arith.subi %div3A_571, %sub3A_591 : i32
      %select_n3A_593 = arith.select %and3A_590, %sub3A_592, %div3A_571 : i32
      %jit3A_594 = arith.constant 2 : i32
      %eq3A_595 = arith.constant 0 : i32
      %eq3A_596 = arith.cmpi eq, %jit3A_594, %eq3A_595 : i32
      %jit3A_597 = arith.constant 1 : i32
      %select_n3A_598 = arith.select %eq3A_596, %jit3A_597, %jit3A_594 : i32
      %rem3A_599 = arith.remsi %select_n3A_593, %select_n3A_598 : i32
      %ne3A_600 = arith.constant 0 : i32
      %ne3A_601 = arith.cmpi ne, %rem3A_599, %ne3A_600 : i32
      %lt3A_602 = arith.constant 0 : i32
      %lt3A_603 = arith.cmpi slt, %rem3A_599, %lt3A_602 : i32
      %lt3A_604 = arith.constant 0 : i32
      %lt3A_605 = arith.cmpi slt, %select_n3A_598, %lt3A_604 : i32
      %ne3A_606 = arith.xori %lt3A_603, %lt3A_605 : i1
      %and3A_607 = arith.andi %ne3A_606, %ne3A_601 : i1
      %add3A_608 = arith.addi %rem3A_599, %select_n3A_598 : i32
      %select_n3A_609 = arith.select %and3A_607, %add3A_608, %rem3A_599 : i32
      %jit3A_610 = arith.constant 16 : i32
      %eq3A_611 = arith.constant 0 : i32
      %eq3A_612 = arith.cmpi eq, %jit3A_610, %eq3A_611 : i32
      %jit3A_613 = arith.constant 1 : i32
      %select_n3A_614 = arith.select %eq3A_612, %jit3A_613, %jit3A_610 : i32
      %rem3A_615 = arith.remsi %add3A_442, %select_n3A_614 : i32
      %ne3A_616 = arith.constant 0 : i32
      %ne3A_617 = arith.cmpi ne, %rem3A_615, %ne3A_616 : i32
      %lt3A_618 = arith.constant 0 : i32
      %lt3A_619 = arith.cmpi slt, %rem3A_615, %lt3A_618 : i32
      %lt3A_620 = arith.constant 0 : i32
      %lt3A_621 = arith.cmpi slt, %select_n3A_614, %lt3A_620 : i32
      %ne3A_622 = arith.xori %lt3A_619, %lt3A_621 : i1
      %and3A_623 = arith.andi %ne3A_622, %ne3A_617 : i1
      %add3A_624 = arith.addi %rem3A_615, %select_n3A_614 : i32
      %select_n3A_625 = arith.select %and3A_623, %add3A_624, %rem3A_615 : i32
      %scan3A_626 = arith.constant 0 : i32
      %scan3A_627 = arith.constant 0 : i32
      %scan3A_628 = arith.constant 64 : i32
      %scan3A_629 = arith.addi %scan3A_627, %scan3A_628 : i32
      %scan3A_630 = arith.constant 1 : i32
      %scan3A_631 = scf.for %scan3A_701 = %scan3A_627 to %scan3A_629 step %scan3A_630 iter_args(%scan3A_702 = %scan3A_626) -> (i32)  : i32 {
        %mul3A_703 = arith.constant 2 : i32
        %mul3A_704 = arith.muli %mul3A_703, %scan3A_701 : i32
        %mul3A_705 = arith.constant 2 : i32
        %mul3A_706 = arith.muli %mul3A_705, %scan3A_701 : i32
        %add3A_707 = arith.constant 1 : i32
        %add3A_708 = arith.addi %mul3A_706, %add3A_707 : i32
        %broadcast_in_dim3A = vector.broadcast %select_n3A_609 : i32 to vector<16xi32>
        %broadcast_in_dim3A_709 = vector.broadcast %select_n3A_625 : i32 to vector<16xi32>
        %broadcast_in_dim3A_710 = vector.broadcast %mul3A_704 : i32 to vector<16xi32>
        %gather3A = tpu.vector_load_idx %arg9[%broadcast_in_dim3A, %broadcast_in_dim3A_709, %broadcast_in_dim3A_710] : memref<2x16x128xf32, #tpu.memory_space<vmem>>[vector<16xi32>, vector<16xi32>, vector<16xi32>], vector<16xf32>,
        %get3A = arith.constant 1 : i32
        %get3A_711 = arith.index_cast %get3A : i32 to index
        %get3A_712 = arith.index_cast %mul3A_704 : i32 to index
        %get3A_713 = arith.constant 0 : index
        %get3A_714 = tpu.vector_load %arg10[%get3A_711, %get3A_712, %get3A_713] {strides = array<i32>} : memref<2x128x128xf32, #tpu.memory_space<vmem>>, vector<16xf32>,
        %mul3A_715 = arith.mulf %get3A_714, %gather3A : vector<16xf32>
        %swap3A = arith.constant 1 : i32
        %swap3A_716 = arith.index_cast %swap3A : i32 to index
        %swap3A_717 = arith.index_cast %mul3A_704 : i32 to index
        %swap3A_718 = arith.constant 0 : index
        %swap3A_719 = tpu.vector_load %arg10[%swap3A_716, %swap3A_717, %swap3A_718] {strides = array<i32>} : memref<2x128x128xf32, #tpu.memory_space<vmem>>, vector<16xf32>,
        tpu.vector_store %arg10[%swap3A_716, %swap3A_717, %swap3A_718], %mul3A_715 {strides = array<i32>} : memref<2x128x128xf32, #tpu.memory_space<vmem>>, vector<16xf32>,
        %get3A_720 = arith.constant 1 : i32
        %get3A_721 = arith.index_cast %get3A_720 : i32 to index
        %get3A_722 = arith.index_cast %mul3A_704 : i32 to index
        %get3A_723 = arith.constant 16 : index
        %get3A_724 = tpu.vector_load %arg10[%get3A_721, %get3A_722, %get3A_723] {strides = array<i32>} : memref<2x128x128xf32, #tpu.memory_space<vmem>>, vector<16xf32>,
        %mul3A_725 = arith.mulf %get3A_724, %gather3A : vector<16xf32>
        %swap3A_726 = arith.constant 1 : i32
        %swap3A_727 = arith.index_cast %swap3A_726 : i32 to index
        %swap3A_728 = arith.index_cast %mul3A_704 : i32 to index
        %swap3A_729 = arith.constant 16 : index
        %swap3A_730 = tpu.vector_load %arg10[%swap3A_727, %swap3A_728, %swap3A_729] {strides = array<i32>} : memref<2x128x128xf32, #tpu.memory_space<vmem>>, vector<16xf32>,
        tpu.vector_store %arg10[%swap3A_727, %swap3A_728, %swap3A_729], %mul3A_725 {strides = array<i32>} : memref<2x128x128xf32, #tpu.memory_space<vmem>>, vector<16xf32>,
        %get3A_731 = arith.constant 1 : i32
        %get3A_732 = arith.index_cast %get3A_731 : i32 to index
        %get3A_733 = arith.index_cast %mul3A_704 : i32 to index
        %get3A_734 = arith.constant 32 : index
        %get3A_735 = tpu.vector_load %arg10[%get3A_732, %get3A_733, %get3A_734] {strides = array<i32>} : memref<2x128x128xf32, #tpu.memory_space<vmem>>, vector<16xf32>,
        %mul3A_736 = arith.mulf %get3A_735, %gather3A : vector<16xf32>
        %swap3A_737 = arith.constant 1 : i32
        %swap3A_738 = arith.index_cast %swap3A_737 : i32 to index
        %swap3A_739 = arith.index_cast %mul3A_704 : i32 to index
        %swap3A_740 = arith.constant 32 : index
        %swap3A_741 = tpu.vector_load %arg10[%swap3A_738, %swap3A_739, %swap3A_740] {strides = array<i32>} : memref<2x128x128xf32, #tpu.memory_space<vmem>>, vector<16xf32>,
        tpu.vector_store %arg10[%swap3A_738, %swap3A_739, %swap3A_740], %mul3A_736 {strides = array<i32>} : memref<2x128x128xf32, #tpu.memory_space<vmem>>, vector<16xf32>,
        %get3A_742 = arith.constant 1 : i32
        %get3A_743 = arith.index_cast %get3A_742 : i32 to index
        %get3A_744 = arith.index_cast %mul3A_704 : i32 to index
        %get3A_745 = arith.constant 48 : index
        %get3A_746 = tpu.vector_load %arg10[%get3A_743, %get3A_744, %get3A_745] {strides = array<i32>} : memref<2x128x128xf32, #tpu.memory_space<vmem>>, vector<16xf32>,
        %mul3A_747 = arith.mulf %get3A_746, %gather3A : vector<16xf32>
        %swap3A_748 = arith.constant 1 : i32
        %swap3A_749 = arith.index_cast %swap3A_748 : i32 to index
        %swap3A_750 = arith.index_cast %mul3A_704 : i32 to index
        %swap3A_751 = arith.constant 48 : index
        %swap3A_752 = tpu.vector_load %arg10[%swap3A_749, %swap3A_750, %swap3A_751] {strides = array<i32>} : memref<2x128x128xf32, #tpu.memory_space<vmem>>, vector<16xf32>,
        tpu.vector_store %arg10[%swap3A_749, %swap3A_750, %swap3A_751], %mul3A_747 {strides = array<i32>} : memref<2x128x128xf32, #tpu.memory_space<vmem>>, vector<16xf32>,
        %get3A_753 = arith.constant 1 : i32
        %get3A_754 = arith.index_cast %get3A_753 : i32 to index
        %get3A_755 = arith.index_cast %mul3A_704 : i32 to index
        %get3A_756 = arith.constant 64 : index
        %get3A_757 = tpu.vector_load %arg10[%get3A_754, %get3A_755, %get3A_756] {strides = array<i32>} : memref<2x128x128xf32, #tpu.memory_space<vmem>>, vector<16xf32>,
        %mul3A_758 = arith.mulf %get3A_757, %gather3A : vector<16xf32>
        %swap3A_759 = arith.constant 1 : i32
        %swap3A_760 = arith.index_cast %swap3A_759 : i32 to index
        %swap3A_761 = arith.index_cast %mul3A_704 : i32 to index
        %swap3A_762 = arith.constant 64 : index
        %swap3A_763 = tpu.vector_load %arg10[%swap3A_760, %swap3A_761, %swap3A_762] {strides = array<i32>} : memref<2x128x128xf32, #tpu.memory_space<vmem>>, vector<16xf32>,
        tpu.vector_store %arg10[%swap3A_760, %swap3A_761, %swap3A_762], %mul3A_758 {strides = array<i32>} : memref<2x128x128xf32, #tpu.memory_space<vmem>>, vector<16xf32>,
        %get3A_764 = arith.constant 1 : i32
        %get3A_765 = arith.index_cast %get3A_764 : i32 to index
        %get3A_766 = arith.index_cast %mul3A_704 : i32 to index
        %get3A_767 = arith.constant 80 : index
        %get3A_768 = tpu.vector_load %arg10[%get3A_765, %get3A_766, %get3A_767] {strides = array<i32>} : memref<2x128x128xf32, #tpu.memory_space<vmem>>, vector<16xf32>,
        %mul3A_769 = arith.mulf %get3A_768, %gather3A : vector<16xf32>
        %swap3A_770 = arith.constant 1 : i32
        %swap3A_771 = arith.index_cast %swap3A_770 : i32 to index
        %swap3A_772 = arith.index_cast %mul3A_704 : i32 to index
        %swap3A_773 = arith.constant 80 : index
        %swap3A_774 = tpu.vector_load %arg10[%swap3A_771, %swap3A_772, %swap3A_773] {strides = array<i32>} : memref<2x128x128xf32, #tpu.memory_space<vmem>>, vector<16xf32>,
        tpu.vector_store %arg10[%swap3A_771, %swap3A_772, %swap3A_773], %mul3A_769 {strides = array<i32>} : memref<2x128x128xf32, #tpu.memory_space<vmem>>, vector<16xf32>,
        %get3A_775 = arith.constant 1 : i32
        %get3A_776 = arith.index_cast %get3A_775 : i32 to index
        %get3A_777 = arith.index_cast %mul3A_704 : i32 to index
        %get3A_778 = arith.constant 96 : index
        %get3A_779 = tpu.vector_load %arg10[%get3A_776, %get3A_777, %get3A_778] {strides = array<i32>} : memref<2x128x128xf32, #tpu.memory_space<vmem>>, vector<16xf32>,
        %mul3A_780 = arith.mulf %get3A_779, %gather3A : vector<16xf32>
        %swap3A_781 = arith.constant 1 : i32
        %swap3A_782 = arith.index_cast %swap3A_781 : i32 to index
        %swap3A_783 = arith.index_cast %mul3A_704 : i32 to index
        %swap3A_784 = arith.constant 96 : index
        %swap3A_785 = tpu.vector_load %arg10[%swap3A_782, %swap3A_783, %swap3A_784] {strides = array<i32>} : memref<2x128x128xf32, #tpu.memory_space<vmem>>, vector<16xf32>,
        tpu.vector_store %arg10[%swap3A_782, %swap3A_783, %swap3A_784], %mul3A_780 {strides = array<i32>} : memref<2x128x128xf32, #tpu.memory_space<vmem>>, vector<16xf32>,
        %get3A_786 = arith.constant 1 : i32
        %get3A_787 = arith.index_cast %get3A_786 : i32 to index
        %get3A_788 = arith.index_cast %mul3A_704 : i32 to index
        %get3A_789 = arith.constant 112 : index
        %get3A_790 = tpu.vector_load %arg10[%get3A_787, %get3A_788, %get3A_789] {strides = array<i32>} : memref<2x128x128xf32, #tpu.memory_space<vmem>>, vector<16xf32>,
        %mul3A_791 = arith.mulf %get3A_790, %gather3A : vector<16xf32>
        %swap3A_792 = arith.constant 1 : i32
        %swap3A_793 = arith.index_cast %swap3A_792 : i32 to index
        %swap3A_794 = arith.index_cast %mul3A_704 : i32 to index
        %swap3A_795 = arith.constant 112 : index
        %swap3A_796 = tpu.vector_load %arg10[%swap3A_793, %swap3A_794, %swap3A_795] {strides = array<i32>} : memref<2x128x128xf32, #tpu.memory_space<vmem>>, vector<16xf32>,
        tpu.vector_store %arg10[%swap3A_793, %swap3A_794, %swap3A_795], %mul3A_791 {strides = array<i32>} : memref<2x128x128xf32, #tpu.memory_space<vmem>>, vector<16xf32>,
        %broadcast_in_dim3A_797 = vector.broadcast %select_n3A_609 : i32 to vector<16xi32>
        %broadcast_in_dim3A_798 = vector.broadcast %select_n3A_625 : i32 to vector<16xi32>
        %broadcast_in_dim3A_799 = vector.broadcast %add3A_708 : i32 to vector<16xi32>
        %gather3A_800 = tpu.vector_load_idx %arg9[%broadcast_in_dim3A_797, %broadcast_in_dim3A_798, %broadcast_in_dim3A_799] : memref<2x16x128xf32, #tpu.memory_space<vmem>>[vector<16xi32>, vector<16xi32>, vector<16xi32>], vector<16xf32>,
        %get3A_801 = arith.constant 1 : i32
        %get3A_802 = arith.index_cast %get3A_801 : i32 to index
        %get3A_803 = arith.index_cast %add3A_708 : i32 to index
        %get3A_804 = arith.constant 0 : index
        %get3A_805 = tpu.vector_load %arg10[%get3A_802, %get3A_803, %get3A_804] {strides = array<i32>} : memref<2x128x128xf32, #tpu.memory_space<vmem>>, vector<16xf32>,
        %mul3A_806 = arith.mulf %get3A_805, %gather3A_800 : vector<16xf32>
        %swap3A_807 = arith.constant 1 : i32
        %swap3A_808 = arith.index_cast %swap3A_807 : i32 to index
        %swap3A_809 = arith.index_cast %add3A_708 : i32 to index
        %swap3A_810 = arith.constant 0 : index
        %swap3A_811 = tpu.vector_load %arg10[%swap3A_808, %swap3A_809, %swap3A_810] {strides = array<i32>} : memref<2x128x128xf32, #tpu.memory_space<vmem>>, vector<16xf32>,
        tpu.vector_store %arg10[%swap3A_808, %swap3A_809, %swap3A_810], %mul3A_806 {strides = array<i32>} : memref<2x128x128xf32, #tpu.memory_space<vmem>>, vector<16xf32>,
        %get3A_812 = arith.constant 1 : i32
        %get3A_813 = arith.index_cast %get3A_812 : i32 to index
        %get3A_814 = arith.index_cast %add3A_708 : i32 to index
        %get3A_815 = arith.constant 16 : index
        %get3A_816 = tpu.vector_load %arg10[%get3A_813, %get3A_814, %get3A_815] {strides = array<i32>} : memref<2x128x128xf32, #tpu.memory_space<vmem>>, vector<16xf32>,
        %mul3A_817 = arith.mulf %get3A_816, %gather3A_800 : vector<16xf32>
        %swap3A_818 = arith.constant 1 : i32
        %swap3A_819 = arith.index_cast %swap3A_818 : i32 to index
        %swap3A_820 = arith.index_cast %add3A_708 : i32 to index
        %swap3A_821 = arith.constant 16 : index
        %swap3A_822 = tpu.vector_load %arg10[%swap3A_819, %swap3A_820, %swap3A_821] {strides = array<i32>} : memref<2x128x128xf32, #tpu.memory_space<vmem>>, vector<16xf32>,
        tpu.vector_store %arg10[%swap3A_819, %swap3A_820, %swap3A_821], %mul3A_817 {strides = array<i32>} : memref<2x128x128xf32, #tpu.memory_space<vmem>>, vector<16xf32>,
        %get3A_823 = arith.constant 1 : i32
        %get3A_824 = arith.index_cast %get3A_823 : i32 to index
        %get3A_825 = arith.index_cast %add3A_708 : i32 to index
        %get3A_826 = arith.constant 32 : index
        %get3A_827 = tpu.vector_load %arg10[%get3A_824, %get3A_825, %get3A_826] {strides = array<i32>} : memref<2x128x128xf32, #tpu.memory_space<vmem>>, vector<16xf32>,
        %mul3A_828 = arith.mulf %get3A_827, %gather3A_800 : vector<16xf32>
        %swap3A_829 = arith.constant 1 : i32
        %swap3A_830 = arith.index_cast %swap3A_829 : i32 to index
        %swap3A_831 = arith.index_cast %add3A_708 : i32 to index
        %swap3A_832 = arith.constant 32 : index
        %swap3A_833 = tpu.vector_load %arg10[%swap3A_830, %swap3A_831, %swap3A_832] {strides = array<i32>} : memref<2x128x128xf32, #tpu.memory_space<vmem>>, vector<16xf32>,
        tpu.vector_store %arg10[%swap3A_830, %swap3A_831, %swap3A_832], %mul3A_828 {strides = array<i32>} : memref<2x128x128xf32, #tpu.memory_space<vmem>>, vector<16xf32>,
        %get3A_834 = arith.constant 1 : i32
        %get3A_835 = arith.index_cast %get3A_834 : i32 to index
        %get3A_836 = arith.index_cast %add3A_708 : i32 to index
        %get3A_837 = arith.constant 48 : index
        %get3A_838 = tpu.vector_load %arg10[%get3A_835, %get3A_836, %get3A_837] {strides = array<i32>} : memref<2x128x128xf32, #tpu.memory_space<vmem>>, vector<16xf32>,
        %mul3A_839 = arith.mulf %get3A_838, %gather3A_800 : vector<16xf32>
        %swap3A_840 = arith.constant 1 : i32
        %swap3A_841 = arith.index_cast %swap3A_840 : i32 to index
        %swap3A_842 = arith.index_cast %add3A_708 : i32 to index
        %swap3A_843 = arith.constant 48 : index
        %swap3A_844 = tpu.vector_load %arg10[%swap3A_841, %swap3A_842, %swap3A_843] {strides = array<i32>} : memref<2x128x128xf32, #tpu.memory_space<vmem>>, vector<16xf32>,
        tpu.vector_store %arg10[%swap3A_841, %swap3A_842, %swap3A_843], %mul3A_839 {strides = array<i32>} : memref<2x128x128xf32, #tpu.memory_space<vmem>>, vector<16xf32>,
        %get3A_845 = arith.constant 1 : i32
        %get3A_846 = arith.index_cast %get3A_845 : i32 to index
        %get3A_847 = arith.index_cast %add3A_708 : i32 to index
        %get3A_848 = arith.constant 64 : index
        %get3A_849 = tpu.vector_load %arg10[%get3A_846, %get3A_847, %get3A_848] {strides = array<i32>} : memref<2x128x128xf32, #tpu.memory_space<vmem>>, vector<16xf32>,
        %mul3A_850 = arith.mulf %get3A_849, %gather3A_800 : vector<16xf32>
        %swap3A_851 = arith.constant 1 : i32
        %swap3A_852 = arith.index_cast %swap3A_851 : i32 to index
        %swap3A_853 = arith.index_cast %add3A_708 : i32 to index
        %swap3A_854 = arith.constant 64 : index
        %swap3A_855 = tpu.vector_load %arg10[%swap3A_852, %swap3A_853, %swap3A_854] {strides = array<i32>} : memref<2x128x128xf32, #tpu.memory_space<vmem>>, vector<16xf32>,
        tpu.vector_store %arg10[%swap3A_852, %swap3A_853, %swap3A_854], %mul3A_850 {strides = array<i32>} : memref<2x128x128xf32, #tpu.memory_space<vmem>>, vector<16xf32>,
        %get3A_856 = arith.constant 1 : i32
        %get3A_857 = arith.index_cast %get3A_856 : i32 to index
        %get3A_858 = arith.index_cast %add3A_708 : i32 to index
        %get3A_859 = arith.constant 80 : index
        %get3A_860 = tpu.vector_load %arg10[%get3A_857, %get3A_858, %get3A_859] {strides = array<i32>} : memref<2x128x128xf32, #tpu.memory_space<vmem>>, vector<16xf32>,
        %mul3A_861 = arith.mulf %get3A_860, %gather3A_800 : vector<16xf32>
        %swap3A_862 = arith.constant 1 : i32
        %swap3A_863 = arith.index_cast %swap3A_862 : i32 to index
        %swap3A_864 = arith.index_cast %add3A_708 : i32 to index
        %swap3A_865 = arith.constant 80 : index
        %swap3A_866 = tpu.vector_load %arg10[%swap3A_863, %swap3A_864, %swap3A_865] {strides = array<i32>} : memref<2x128x128xf32, #tpu.memory_space<vmem>>, vector<16xf32>,
        tpu.vector_store %arg10[%swap3A_863, %swap3A_864, %swap3A_865], %mul3A_861 {strides = array<i32>} : memref<2x128x128xf32, #tpu.memory_space<vmem>>, vector<16xf32>,
        %get3A_867 = arith.constant 1 : i32
        %get3A_868 = arith.index_cast %get3A_867 : i32 to index
        %get3A_869 = arith.index_cast %add3A_708 : i32 to index
        %get3A_870 = arith.constant 96 : index
        %get3A_871 = tpu.vector_load %arg10[%get3A_868, %get3A_869, %get3A_870] {strides = array<i32>} : memref<2x128x128xf32, #tpu.memory_space<vmem>>, vector<16xf32>,
        %mul3A_872 = arith.mulf %get3A_871, %gather3A_800 : vector<16xf32>
        %swap3A_873 = arith.constant 1 : i32
        %swap3A_874 = arith.index_cast %swap3A_873 : i32 to index
        %swap3A_875 = arith.index_cast %add3A_708 : i32 to index
        %swap3A_876 = arith.constant 96 : index
        %swap3A_877 = tpu.vector_load %arg10[%swap3A_874, %swap3A_875, %swap3A_876] {strides = array<i32>} : memref<2x128x128xf32, #tpu.memory_space<vmem>>, vector<16xf32>,
        tpu.vector_store %arg10[%swap3A_874, %swap3A_875, %swap3A_876], %mul3A_872 {strides = array<i32>} : memref<2x128x128xf32, #tpu.memory_space<vmem>>, vector<16xf32>,
        %get3A_878 = arith.constant 1 : i32
        %get3A_879 = arith.index_cast %get3A_878 : i32 to index
        %get3A_880 = arith.index_cast %add3A_708 : i32 to index
        %get3A_881 = arith.constant 112 : index
        %get3A_882 = tpu.vector_load %arg10[%get3A_879, %get3A_880, %get3A_881] {strides = array<i32>} : memref<2x128x128xf32, #tpu.memory_space<vmem>>, vector<16xf32>,
        %mul3A_883 = arith.mulf %get3A_882, %gather3A_800 : vector<16xf32>
        %swap3A_884 = arith.constant 1 : i32
        %swap3A_885 = arith.index_cast %swap3A_884 : i32 to index
        %swap3A_886 = arith.index_cast %add3A_708 : i32 to index
        %swap3A_887 = arith.constant 112 : index
        %swap3A_888 = tpu.vector_load %arg10[%swap3A_885, %swap3A_886, %swap3A_887] {strides = array<i32>} : memref<2x128x128xf32, #tpu.memory_space<vmem>>, vector<16xf32>,
        tpu.vector_store %arg10[%swap3A_885, %swap3A_886, %swap3A_887], %mul3A_883 {strides = array<i32>} : memref<2x128x128xf32, #tpu.memory_space<vmem>>, vector<16xf32>,
        %scan3A_889 = arith.constant 0 : i32
        scf.yield %scan3A_889 : i32
      }
      %scan3A_632 = arith.constant 64 : i32
      %jit3A_633 = arith.constant 16 : i32
      %div3A_634 = arith.divsi %add3A_442, %jit3A_633 : i32
      %sign3A_635 = arith.constant 0 : i32
      %sign3A_636 = arith.cmpi sgt, %add3A_442, %sign3A_635 : i32
      %sign3A_637 = arith.extui %sign3A_636 : i1 to i32
      %sign3A_638 = arith.constant 0 : i32
      %sign3A_639 = arith.cmpi slt, %add3A_442, %sign3A_638 : i32
      %sign3A_640 = arith.extui %sign3A_639 : i1 to i32
      %sign3A_641 = arith.subi %sign3A_637, %sign3A_640 : i32
      %sign3A_642 = arith.constant 0 : i32
      %sign3A_643 = arith.cmpi sgt, %jit3A_633, %sign3A_642 : i32
      %sign3A_644 = arith.extui %sign3A_643 : i1 to i32
      %sign3A_645 = arith.constant 0 : i32
      %sign3A_646 = arith.cmpi slt, %jit3A_633, %sign3A_645 : i32
      %sign3A_647 = arith.extui %sign3A_646 : i1 to i32
      %sign3A_648 = arith.subi %sign3A_644, %sign3A_647 : i32
      %ne3A_649 = arith.cmpi ne, %sign3A_641, %sign3A_648 : i32
      %rem3A_650 = arith.remsi %add3A_442, %jit3A_633 : i32
      %ne3A_651 = arith.constant 0 : i32
      %ne3A_652 = arith.cmpi ne, %rem3A_650, %ne3A_651 : i32
      %and3A_653 = arith.andi %ne3A_649, %ne3A_652 : i1
      %sub3A_654 = arith.constant 1 : i32
      %sub3A_655 = arith.subi %div3A_634, %sub3A_654 : i32
      %select_n3A_656 = arith.select %and3A_653, %sub3A_655, %div3A_634 : i32
      %jit3A_657 = arith.constant 2 : i32
      %eq3A_658 = arith.constant 0 : i32
      %eq3A_659 = arith.cmpi eq, %jit3A_657, %eq3A_658 : i32
      %jit3A_660 = arith.constant 1 : i32
      %select_n3A_661 = arith.select %eq3A_659, %jit3A_660, %jit3A_657 : i32
      %rem3A_662 = arith.remsi %select_n3A_656, %select_n3A_661 : i32
      %ne3A_663 = arith.constant 0 : i32
      %ne3A_664 = arith.cmpi ne, %rem3A_662, %ne3A_663 : i32
      %lt3A_665 = arith.constant 0 : i32
      %lt3A_666 = arith.cmpi slt, %rem3A_662, %lt3A_665 : i32
      %lt3A_667 = arith.constant 0 : i32
      %lt3A_668 = arith.cmpi slt, %select_n3A_661, %lt3A_667 : i32
      %ne3A_669 = arith.xori %lt3A_666, %lt3A_668 : i1
      %and3A_670 = arith.andi %ne3A_669, %ne3A_664 : i1
      %add3A_671 = arith.addi %rem3A_662, %select_n3A_661 : i32
      %select_n3A_672 = arith.select %and3A_670, %add3A_671, %rem3A_662 : i32
      %jit3A_673 = arith.constant 16 : i32
      %eq3A_674 = arith.constant 0 : i32
      %eq3A_675 = arith.cmpi eq, %jit3A_673, %eq3A_674 : i32
      %jit3A_676 = arith.constant 1 : i32
      %select_n3A_677 = arith.select %eq3A_675, %jit3A_676, %jit3A_673 : i32
      %rem3A_678 = arith.remsi %add3A_442, %select_n3A_677 : i32
      %ne3A_679 = arith.constant 0 : i32
      %ne3A_680 = arith.cmpi ne, %rem3A_678, %ne3A_679 : i32
      %lt3A_681 = arith.constant 0 : i32
      %lt3A_682 = arith.cmpi slt, %rem3A_678, %lt3A_681 : i32
      %lt3A_683 = arith.constant 0 : i32
      %lt3A_684 = arith.cmpi slt, %select_n3A_677, %lt3A_683 : i32
      %ne3A_685 = arith.xori %lt3A_682, %lt3A_684 : i1
      %and3A_686 = arith.andi %ne3A_685, %ne3A_680 : i1
      %add3A_687 = arith.addi %rem3A_678, %select_n3A_677 : i32
      %select_n3A_688 = arith.select %and3A_686, %add3A_687, %rem3A_678 : i32
      %dma_start3A_689 = arith.constant 1 : i32
      %dma_start3A_690 = arith.constant 0 : i32
      %dma_start3A_691 = arith.constant 0 : i32
      %dma_start3A_692 = tpu.memref_slice %arg10[%dma_start3A_689, %dma_start3A_690, %dma_start3A_691] : memref<2x128x128xf32, #tpu.memory_space<vmem>> -> memref<1x128x128xf32, #tpu.memory_space<vmem>>
      %dma_start3A_693 = tpu.memref_squeeze %dma_start3A_692 : memref<1x128x128xf32, #tpu.memory_space<vmem>> -> memref<128x128xf32, #tpu.memory_space<vmem>>
      %dma_start3A_694 = arith.constant 0 : i32
      %dma_start3A_695 = tpu.memref_slice %arg8[%select_n3A_672, %select_n3A_688, %dma_start3A_694] : memref<2x16x128xi32, #tpu.memory_space<vmem>> -> memref<1x1x128xi32, #tpu.memory_space<vmem>>
      %dma_start3A_696 = tpu.memref_squeeze %dma_start3A_695 : memref<1x1x128xi32, #tpu.memory_space<vmem>> -> memref<128xi32, #tpu.memory_space<vmem>>
      %dma_start3A_697 = arith.constant 0 : i32
      %dma_start3A_698 = arith.constant 0 : i32
      %dma_start3A_699 = tpu.memref_slice %arg11[%dma_start3A_697, %dma_start3A_698] : memref<10240x128xf32, #tpu.memory_space<vmem_shared>> -> memref<10240x128xf32, #tpu.memory_space<vmem_shared>>
      tpu.enqueue_indirect_dma source(%dma_start3A_693 : memref<128x128xf32, #tpu.memory_space<vmem>>) target(%dma_start3A_699 : memref<10240x128xf32, #tpu.memory_space<vmem_shared>>) offsets(%dma_start3A_696 : memref<128xi32, #tpu.memory_space<vmem>>) semaphore(%arg15 : memref<!tpu.dma_semaphore, #tpu.memory_space<semaphore_mem>>) {add = true}
      %while3A_700 = arith.constant 0 : i32
      scf.yield %while3A_700 : i32
    }
    %while3A_105 = arith.constant 1 : i32
    %while3A_106 = scf.for %while3A_179 = %while3A_102 to %while3A_98 step %while3A_105 iter_args(%while3A_180 = %while3A_104) -> (i32)  : i32 {
      %mul3A_181 = arith.constant 2 : i32
      %mul3A_182 = arith.muli %mul3A_181, %while3A_179 : i32
      %add3A_183 = arith.constant 0 : i32
      %add3A_184 = arith.addi %mul3A_182, %add3A_183 : i32
      %jit3A_185 = arith.constant 16 : i32
      %div3A_186 = arith.divsi %add3A_184, %jit3A_185 : i32
      %sign3A_187 = arith.constant 0 : i32
      %sign3A_188 = arith.cmpi sgt, %add3A_184, %sign3A_187 : i32
      %sign3A_189 = arith.extui %sign3A_188 : i1 to i32
      %sign3A_190 = arith.constant 0 : i32
      %sign3A_191 = arith.cmpi slt, %add3A_184, %sign3A_190 : i32
      %sign3A_192 = arith.extui %sign3A_191 : i1 to i32
      %sign3A_193 = arith.subi %sign3A_189, %sign3A_192 : i32
      %sign3A_194 = arith.constant 0 : i32
      %sign3A_195 = arith.cmpi sgt, %jit3A_185, %sign3A_194 : i32
      %sign3A_196 = arith.extui %sign3A_195 : i1 to i32
      %sign3A_197 = arith.constant 0 : i32
      %sign3A_198 = arith.cmpi slt, %jit3A_185, %sign3A_197 : i32
      %sign3A_199 = arith.extui %sign3A_198 : i1 to i32
      %sign3A_200 = arith.subi %sign3A_196, %sign3A_199 : i32
      %ne3A_201 = arith.cmpi ne, %sign3A_193, %sign3A_200 : i32
      %rem3A_202 = arith.remsi %add3A_184, %jit3A_185 : i32
      %ne3A_203 = arith.constant 0 : i32
      %ne3A_204 = arith.cmpi ne, %rem3A_202, %ne3A_203 : i32
      %and3A_205 = arith.andi %ne3A_201, %ne3A_204 : i1
      %sub3A_206 = arith.constant 1 : i32
      %sub3A_207 = arith.subi %div3A_186, %sub3A_206 : i32
      %select_n3A_208 = arith.select %and3A_205, %sub3A_207, %div3A_186 : i32
      %jit3A_209 = arith.constant 2 : i32
      %eq3A_210 = arith.constant 0 : i32
      %eq3A_211 = arith.cmpi eq, %jit3A_209, %eq3A_210 : i32
      %jit3A_212 = arith.constant 1 : i32
      %select_n3A_213 = arith.select %eq3A_211, %jit3A_212, %jit3A_209 : i32
      %rem3A_214 = arith.remsi %select_n3A_208, %select_n3A_213 : i32
      %ne3A_215 = arith.constant 0 : i32
      %ne3A_216 = arith.cmpi ne, %rem3A_214, %ne3A_215 : i32
      %lt3A_217 = arith.constant 0 : i32
      %lt3A_218 = arith.cmpi slt, %rem3A_214, %lt3A_217 : i32
      %lt3A_219 = arith.constant 0 : i32
      %lt3A_220 = arith.cmpi slt, %select_n3A_213, %lt3A_219 : i32
      %ne3A_221 = arith.xori %lt3A_218, %lt3A_220 : i1
      %and3A_222 = arith.andi %ne3A_221, %ne3A_216 : i1
      %add3A_223 = arith.addi %rem3A_214, %select_n3A_213 : i32
      %select_n3A_224 = arith.select %and3A_222, %add3A_223, %rem3A_214 : i32
      %jit3A_225 = arith.constant 16 : i32
      %eq3A_226 = arith.constant 0 : i32
      %eq3A_227 = arith.cmpi eq, %jit3A_225, %eq3A_226 : i32
      %jit3A_228 = arith.constant 1 : i32
      %select_n3A_229 = arith.select %eq3A_227, %jit3A_228, %jit3A_225 : i32
      %rem3A_230 = arith.remsi %add3A_184, %select_n3A_229 : i32
      %ne3A_231 = arith.constant 0 : i32
      %ne3A_232 = arith.cmpi ne, %rem3A_230, %ne3A_231 : i32
      %lt3A_233 = arith.constant 0 : i32
      %lt3A_234 = arith.cmpi slt, %rem3A_230, %lt3A_233 : i32
      %lt3A_235 = arith.constant 0 : i32
      %lt3A_236 = arith.cmpi slt, %select_n3A_229, %lt3A_235 : i32
      %ne3A_237 = arith.xori %lt3A_234, %lt3A_236 : i1
      %and3A_238 = arith.andi %ne3A_237, %ne3A_232 : i1
      %add3A_239 = arith.addi %rem3A_230, %select_n3A_229 : i32
      %select_n3A_240 = arith.select %and3A_238, %add3A_239, %rem3A_230 : i32
      %dma_wait3A_241 = arith.constant 0 : i32
      %dma_wait3A_242 = arith.constant 0 : i32
      %dma_wait3A_243 = arith.constant 0 : i32
      %dma_wait3A_244 = tpu.memref_slice %arg10[%dma_wait3A_241, %dma_wait3A_242, %dma_wait3A_243] : memref<2x128x128xf32, #tpu.memory_space<vmem>> -> memref<1x128x128xf32, #tpu.memory_space<vmem>>
      %dma_wait3A_245 = tpu.memref_squeeze %dma_wait3A_244 : memref<1x128x128xf32, #tpu.memory_space<vmem>> -> memref<128x128xf32, #tpu.memory_space<vmem>>
      %dma_wait3A_246 = arith.constant 0 : i32
      %dma_wait3A_247 = tpu.memref_slice %arg7[%select_n3A_224, %select_n3A_240, %dma_wait3A_246] : memref<2x16x128xi32, #tpu.memory_space<vmem>> -> memref<1x1x128xi32, #tpu.memory_space<vmem>>
      %dma_wait3A_248 = tpu.memref_squeeze %dma_wait3A_247 : memref<1x1x128xi32, #tpu.memory_space<vmem>> -> memref<128xi32, #tpu.memory_space<vmem>>
      %dma_wait3A_249 = arith.constant 0 : i32
      %dma_wait3A_250 = arith.constant 0 : i32
      %dma_wait3A_251 = tpu.memref_slice %arg5[%dma_wait3A_249, %dma_wait3A_250] : memref<10000x128xf32, #tpu.memory_space<hbm>> -> memref<10000x128xf32, #tpu.memory_space<hbm>>
      tpu.wait_indirect_dma semaphore(%arg12 : memref<!tpu.dma_semaphore, #tpu.memory_space<semaphore_mem>>) src(%dma_wait3A_251 : memref<10000x128xf32, #tpu.memory_space<hbm>>) dst(%dma_wait3A_245 : memref<128x128xf32, #tpu.memory_space<vmem>>)
      %gt3A = arith.constant 0 : i32
      %gt3A_252 = arith.cmpi sgt, %add3A_184, %gt3A : i32
      %convert_element_type3A = arith.extui %gt3A_252 : i1 to i32
      %cond3A = arith.constant 0 : i32
      %cond3A_253 = arith.cmpi ne, %convert_element_type3A, %cond3A : i32
      scf.if %cond3A_253 {
        %sub3A_701 = arith.constant 1 : i32
        %sub3A_702 = arith.subi %add3A_184, %sub3A_701 : i32
        %jit3A_703 = arith.constant 16 : i32
        %div3A_704 = arith.divsi %sub3A_702, %jit3A_703 : i32
        %sign3A_705 = arith.constant 0 : i32
        %sign3A_706 = arith.cmpi sgt, %sub3A_702, %sign3A_705 : i32
        %sign3A_707 = arith.extui %sign3A_706 : i1 to i32
        %sign3A_708 = arith.constant 0 : i32
        %sign3A_709 = arith.cmpi slt, %sub3A_702, %sign3A_708 : i32
        %sign3A_710 = arith.extui %sign3A_709 : i1 to i32
        %sign3A_711 = arith.subi %sign3A_707, %sign3A_710 : i32
        %sign3A_712 = arith.constant 0 : i32
        %sign3A_713 = arith.cmpi sgt, %jit3A_703, %sign3A_712 : i32
        %sign3A_714 = arith.extui %sign3A_713 : i1 to i32
        %sign3A_715 = arith.constant 0 : i32
        %sign3A_716 = arith.cmpi slt, %jit3A_703, %sign3A_715 : i32
        %sign3A_717 = arith.extui %sign3A_716 : i1 to i32
        %sign3A_718 = arith.subi %sign3A_714, %sign3A_717 : i32
        %ne3A_719 = arith.cmpi ne, %sign3A_711, %sign3A_718 : i32
        %rem3A_720 = arith.remsi %sub3A_702, %jit3A_703 : i32
        %ne3A_721 = arith.constant 0 : i32
        %ne3A_722 = arith.cmpi ne, %rem3A_720, %ne3A_721 : i32
        %and3A_723 = arith.andi %ne3A_719, %ne3A_722 : i1
        %sub3A_724 = arith.constant 1 : i32
        %sub3A_725 = arith.subi %div3A_704, %sub3A_724 : i32
        %select_n3A_726 = arith.select %and3A_723, %sub3A_725, %div3A_704 : i32
        %jit3A_727 = arith.constant 2 : i32
        %eq3A_728 = arith.constant 0 : i32
        %eq3A_729 = arith.cmpi eq, %jit3A_727, %eq3A_728 : i32
        %jit3A_730 = arith.constant 1 : i32
        %select_n3A_731 = arith.select %eq3A_729, %jit3A_730, %jit3A_727 : i32
        %rem3A_732 = arith.remsi %select_n3A_726, %select_n3A_731 : i32
        %ne3A_733 = arith.constant 0 : i32
        %ne3A_734 = arith.cmpi ne, %rem3A_732, %ne3A_733 : i32
        %lt3A_735 = arith.constant 0 : i32
        %lt3A_736 = arith.cmpi slt, %rem3A_732, %lt3A_735 : i32
        %lt3A_737 = arith.constant 0 : i32
        %lt3A_738 = arith.cmpi slt, %select_n3A_731, %lt3A_737 : i32
        %ne3A_739 = arith.xori %lt3A_736, %lt3A_738 : i1
        %and3A_740 = arith.andi %ne3A_739, %ne3A_734 : i1
        %add3A_741 = arith.addi %rem3A_732, %select_n3A_731 : i32
        %select_n3A_742 = arith.select %and3A_740, %add3A_741, %rem3A_732 : i32
        %jit3A_743 = arith.constant 16 : i32
        %eq3A_744 = arith.constant 0 : i32
        %eq3A_745 = arith.cmpi eq, %jit3A_743, %eq3A_744 : i32
        %jit3A_746 = arith.constant 1 : i32
        %select_n3A_747 = arith.select %eq3A_745, %jit3A_746, %jit3A_743 : i32
        %rem3A_748 = arith.remsi %sub3A_702, %select_n3A_747 : i32
        %ne3A_749 = arith.constant 0 : i32
        %ne3A_750 = arith.cmpi ne, %rem3A_748, %ne3A_749 : i32
        %lt3A_751 = arith.constant 0 : i32
        %lt3A_752 = arith.cmpi slt, %rem3A_748, %lt3A_751 : i32
        %lt3A_753 = arith.constant 0 : i32
        %lt3A_754 = arith.cmpi slt, %select_n3A_747, %lt3A_753 : i32
        %ne3A_755 = arith.xori %lt3A_752, %lt3A_754 : i1
        %and3A_756 = arith.andi %ne3A_755, %ne3A_750 : i1
        %add3A_757 = arith.addi %rem3A_748, %select_n3A_747 : i32
        %select_n3A_758 = arith.select %and3A_756, %add3A_757, %rem3A_748 : i32
        %dma_wait3A_759 = arith.constant 1 : i32
        %dma_wait3A_760 = arith.constant 0 : i32
        %dma_wait3A_761 = arith.constant 0 : i32
        %dma_wait3A_762 = tpu.memref_slice %arg10[%dma_wait3A_759, %dma_wait3A_760, %dma_wait3A_761] : memref<2x128x128xf32, #tpu.memory_space<vmem>> -> memref<1x128x128xf32, #tpu.memory_space<vmem>>
        %dma_wait3A_763 = tpu.memref_squeeze %dma_wait3A_762 : memref<1x128x128xf32, #tpu.memory_space<vmem>> -> memref<128x128xf32, #tpu.memory_space<vmem>>
        %dma_wait3A_764 = arith.constant 0 : i32
        %dma_wait3A_765 = tpu.memref_slice %arg8[%select_n3A_742, %select_n3A_758, %dma_wait3A_764] : memref<2x16x128xi32, #tpu.memory_space<vmem>> -> memref<1x1x128xi32, #tpu.memory_space<vmem>>
        %dma_wait3A_766 = tpu.memref_squeeze %dma_wait3A_765 : memref<1x1x128xi32, #tpu.memory_space<vmem>> -> memref<128xi32, #tpu.memory_space<vmem>>
        %dma_wait3A_767 = arith.constant 0 : i32
        %dma_wait3A_768 = arith.constant 0 : i32
        %dma_wait3A_769 = tpu.memref_slice %arg11[%dma_wait3A_767, %dma_wait3A_768] : memref<10240x128xf32, #tpu.memory_space<vmem_shared>> -> memref<10240x128xf32, #tpu.memory_space<vmem_shared>>
        tpu.wait_indirect_dma semaphore(%arg15 : memref<!tpu.dma_semaphore, #tpu.memory_space<semaphore_mem>>) src(%dma_wait3A_763 : memref<128x128xf32, #tpu.memory_space<vmem>>) dst(%dma_wait3A_769 : memref<10240x128xf32, #tpu.memory_space<vmem_shared>>)
      } else {
      }
      %jit3A_254 = arith.constant 16 : i32
      %eq3A_255 = arith.constant 0 : i32
      %eq3A_256 = arith.cmpi eq, %jit3A_254, %eq3A_255 : i32
      %jit3A_257 = arith.constant 1 : i32
      %select_n3A_258 = arith.select %eq3A_256, %jit3A_257, %jit3A_254 : i32
      %rem3A_259 = arith.remsi %add3A_184, %select_n3A_258 : i32
      %ne3A_260 = arith.constant 0 : i32
      %ne3A_261 = arith.cmpi ne, %rem3A_259, %ne3A_260 : i32
      %lt3A_262 = arith.constant 0 : i32
      %lt3A_263 = arith.cmpi slt, %rem3A_259, %lt3A_262 : i32
      %lt3A_264 = arith.constant 0 : i32
      %lt3A_265 = arith.cmpi slt, %select_n3A_258, %lt3A_264 : i32
      %ne3A_266 = arith.xori %lt3A_263, %lt3A_265 : i1
      %and3A_267 = arith.andi %ne3A_266, %ne3A_261 : i1
      %add3A_268 = arith.addi %rem3A_259, %select_n3A_258 : i32
      %select_n3A_269 = arith.select %and3A_267, %add3A_268, %rem3A_259 : i32
      %eq3A_270 = arith.constant 0 : i32
      %eq3A_271 = arith.cmpi eq, %select_n3A_269, %eq3A_270 : i32
      %jit3A_272 = arith.constant 16 : i32
      %div3A_273 = arith.divsi %add3A_184, %jit3A_272 : i32
      %sign3A_274 = arith.constant 0 : i32
      %sign3A_275 = arith.cmpi sgt, %add3A_184, %sign3A_274 : i32
      %sign3A_276 = arith.extui %sign3A_275 : i1 to i32
      %sign3A_277 = arith.constant 0 : i32
      %sign3A_278 = arith.cmpi slt, %add3A_184, %sign3A_277 : i32
      %sign3A_279 = arith.extui %sign3A_278 : i1 to i32
      %sign3A_280 = arith.subi %sign3A_276, %sign3A_279 : i32
      %sign3A_281 = arith.constant 0 : i32
      %sign3A_282 = arith.cmpi sgt, %jit3A_272, %sign3A_281 : i32
      %sign3A_283 = arith.extui %sign3A_282 : i1 to i32
      %sign3A_284 = arith.constant 0 : i32
      %sign3A_285 = arith.cmpi slt, %jit3A_272, %sign3A_284 : i32
      %sign3A_286 = arith.extui %sign3A_285 : i1 to i32
      %sign3A_287 = arith.subi %sign3A_283, %sign3A_286 : i32
      %ne3A_288 = arith.cmpi ne, %sign3A_280, %sign3A_287 : i32
      %rem3A_289 = arith.remsi %add3A_184, %jit3A_272 : i32
      %ne3A_290 = arith.constant 0 : i32
      %ne3A_291 = arith.cmpi ne, %rem3A_289, %ne3A_290 : i32
      %and3A_292 = arith.andi %ne3A_288, %ne3A_291 : i1
      %sub3A_293 = arith.constant 1 : i32
      %sub3A_294 = arith.subi %div3A_273, %sub3A_293 : i32
      %select_n3A_295 = arith.select %and3A_292, %sub3A_294, %div3A_273 : i32
      %add3A_296 = arith.constant 1 : i32
      %add3A_297 = arith.addi %select_n3A_295, %add3A_296 : i32
      %lt3A_298 = arith.cmpi slt, %add3A_297, %select_n3A_19 : i32
      %and3A_299 = arith.andi %eq3A_271, %lt3A_298 : i1
      %convert_element_type3A_300 = arith.extui %and3A_299 : i1 to i32
      %cond3A_301 = arith.constant 0 : i32
      %cond3A_302 = arith.cmpi ne, %convert_element_type3A_300, %cond3A_301 : i32
      scf.if %cond3A_302 {
        %jit3A_701 = arith.constant 16 : i32
        %div3A_702 = arith.divsi %add3A_184, %jit3A_701 : i32
        %sign3A_703 = arith.constant 0 : i32
        %sign3A_704 = arith.cmpi sgt, %add3A_184, %sign3A_703 : i32
        %sign3A_705 = arith.extui %sign3A_704 : i1 to i32
        %sign3A_706 = arith.constant 0 : i32
        %sign3A_707 = arith.cmpi slt, %add3A_184, %sign3A_706 : i32
        %sign3A_708 = arith.extui %sign3A_707 : i1 to i32
        %sign3A_709 = arith.subi %sign3A_705, %sign3A_708 : i32
        %sign3A_710 = arith.constant 0 : i32
        %sign3A_711 = arith.cmpi sgt, %jit3A_701, %sign3A_710 : i32
        %sign3A_712 = arith.extui %sign3A_711 : i1 to i32
        %sign3A_713 = arith.constant 0 : i32
        %sign3A_714 = arith.cmpi slt, %jit3A_701, %sign3A_713 : i32
        %sign3A_715 = arith.extui %sign3A_714 : i1 to i32
        %sign3A_716 = arith.subi %sign3A_712, %sign3A_715 : i32
        %ne3A_717 = arith.cmpi ne, %sign3A_709, %sign3A_716 : i32
        %rem3A_718 = arith.remsi %add3A_184, %jit3A_701 : i32
        %ne3A_719 = arith.constant 0 : i32
        %ne3A_720 = arith.cmpi ne, %rem3A_718, %ne3A_719 : i32
        %and3A_721 = arith.andi %ne3A_717, %ne3A_720 : i1
        %sub3A_722 = arith.constant 1 : i32
        %sub3A_723 = arith.subi %div3A_702, %sub3A_722 : i32
        %select_n3A_724 = arith.select %and3A_721, %sub3A_723, %div3A_702 : i32
        %add3A_725 = arith.constant 1 : i32
        %add3A_726 = arith.addi %select_n3A_724, %add3A_725 : i32
        %jit3A_727 = arith.constant 16 : i32
        %div3A_728 = arith.divsi %add3A_184, %jit3A_727 : i32
        %sign3A_729 = arith.constant 0 : i32
        %sign3A_730 = arith.cmpi sgt, %add3A_184, %sign3A_729 : i32
        %sign3A_731 = arith.extui %sign3A_730 : i1 to i32
        %sign3A_732 = arith.constant 0 : i32
        %sign3A_733 = arith.cmpi slt, %add3A_184, %sign3A_732 : i32
        %sign3A_734 = arith.extui %sign3A_733 : i1 to i32
        %sign3A_735 = arith.subi %sign3A_731, %sign3A_734 : i32
        %sign3A_736 = arith.constant 0 : i32
        %sign3A_737 = arith.cmpi sgt, %jit3A_727, %sign3A_736 : i32
        %sign3A_738 = arith.extui %sign3A_737 : i1 to i32
        %sign3A_739 = arith.constant 0 : i32
        %sign3A_740 = arith.cmpi slt, %jit3A_727, %sign3A_739 : i32
        %sign3A_741 = arith.extui %sign3A_740 : i1 to i32
        %sign3A_742 = arith.subi %sign3A_738, %sign3A_741 : i32
        %ne3A_743 = arith.cmpi ne, %sign3A_735, %sign3A_742 : i32
        %rem3A_744 = arith.remsi %add3A_184, %jit3A_727 : i32
        %ne3A_745 = arith.constant 0 : i32
        %ne3A_746 = arith.cmpi ne, %rem3A_744, %ne3A_745 : i32
        %and3A_747 = arith.andi %ne3A_743, %ne3A_746 : i1
        %sub3A_748 = arith.constant 1 : i32
        %sub3A_749 = arith.subi %div3A_728, %sub3A_748 : i32
        %select_n3A_750 = arith.select %and3A_747, %sub3A_749, %div3A_728 : i32
        %add3A_751 = arith.constant 1 : i32
        %add3A_752 = arith.addi %select_n3A_750, %add3A_751 : i32
        %jit3A_753 = arith.constant 2 : i32
        %eq3A_754 = arith.constant 0 : i32
        %eq3A_755 = arith.cmpi eq, %jit3A_753, %eq3A_754 : i32
        %jit3A_756 = arith.constant 1 : i32
        %select_n3A_757 = arith.select %eq3A_755, %jit3A_756, %jit3A_753 : i32
        %rem3A_758 = arith.remsi %add3A_752, %select_n3A_757 : i32
        %ne3A_759 = arith.constant 0 : i32
        %ne3A_760 = arith.cmpi ne, %rem3A_758, %ne3A_759 : i32
        %lt3A_761 = arith.constant 0 : i32
        %lt3A_762 = arith.cmpi slt, %rem3A_758, %lt3A_761 : i32
        %lt3A_763 = arith.constant 0 : i32
        %lt3A_764 = arith.cmpi slt, %select_n3A_757, %lt3A_763 : i32
        %ne3A_765 = arith.xori %lt3A_762, %lt3A_764 : i1
        %and3A_766 = arith.andi %ne3A_765, %ne3A_760 : i1
        %add3A_767 = arith.addi %rem3A_758, %select_n3A_757 : i32
        %select_n3A_768 = arith.select %and3A_766, %add3A_767, %rem3A_758 : i32
        %mul3A_769 = arith.constant 16 : i32
        %mul3A_770 = arith.muli %add3A_726, %mul3A_769 : i32
        %add3A_771 = arith.addi %select_n3A_26, %mul3A_770 : i32
        %dma_start3A_772 = arith.constant 0 : i32
        %dma_start3A_773 = arith.constant 0 : i32
        %dma_start3A_774 = tpu.memref_slice %arg7[%select_n3A_768, %dma_start3A_772, %dma_start3A_773] : memref<2x16x128xi32, #tpu.memory_space<vmem>> -> memref<1x16x128xi32, #tpu.memory_space<vmem>>
        %dma_start3A_775 = tpu.memref_squeeze %dma_start3A_774 : memref<1x16x128xi32, #tpu.memory_space<vmem>> -> memref<16x128xi32, #tpu.memory_space<vmem>>
        %dma_start3A_776 = arith.constant 0 : i32
        %dma_start3A_777 = tpu.memref_slice %arg2[%add3A_771, %dma_start3A_776] : memref<2560x128xi32, #tpu.memory_space<hbm>> -> memref<16x128xi32, #tpu.memory_space<hbm>>
        %dma_start3A_778 = arith.constant 0 : i32
        %dma_start3A_779 = arith.constant 0 : i32
        %dma_start3A_780 = tpu.memref_slice %arg7[%select_n3A_768, %dma_start3A_778, %dma_start3A_779] : memref<2x16x128xi32, #tpu.memory_space<vmem>> -> memref<1x16x128xi32, #tpu.memory_space<vmem>>
        %dma_start3A_781 = tpu.memref_squeeze %dma_start3A_780 : memref<1x16x128xi32, #tpu.memory_space<vmem>> -> memref<16x128xi32, #tpu.memory_space<vmem>>
        %dma_start3A_782 = arith.constant 0 : i32
        %dma_start3A_783 = tpu.memref_slice %arg2[%add3A_771, %dma_start3A_782] : memref<2560x128xi32, #tpu.memory_space<hbm>> -> memref<16x128xi32, #tpu.memory_space<hbm>>
        tpu.enqueue_dma source(%dma_start3A_783 : memref<16x128xi32, #tpu.memory_space<hbm>>) target(%dma_start3A_781 : memref<16x128xi32, #tpu.memory_space<vmem>>) target_semaphore(%arg16 : memref<!tpu.dma_semaphore, #tpu.memory_space<semaphore_mem>>)
        %mul3A_784 = arith.constant 16 : i32
        %mul3A_785 = arith.muli %add3A_726, %mul3A_784 : i32
        %add3A_786 = arith.addi %select_n3A_26, %mul3A_785 : i32
        %dma_start3A_787 = arith.constant 0 : i32
        %dma_start3A_788 = arith.constant 0 : i32
        %dma_start3A_789 = tpu.memref_slice %arg8[%select_n3A_768, %dma_start3A_787, %dma_start3A_788] : memref<2x16x128xi32, #tpu.memory_space<vmem>> -> memref<1x16x128xi32, #tpu.memory_space<vmem>>
        %dma_start3A_790 = tpu.memref_squeeze %dma_start3A_789 : memref<1x16x128xi32, #tpu.memory_space<vmem>> -> memref<16x128xi32, #tpu.memory_space<vmem>>
        %dma_start3A_791 = arith.constant 0 : i32
        %dma_start3A_792 = tpu.memref_slice %arg3[%add3A_786, %dma_start3A_791] : memref<2560x128xi32, #tpu.memory_space<hbm>> -> memref<16x128xi32, #tpu.memory_space<hbm>>
        %dma_start3A_793 = arith.constant 0 : i32
        %dma_start3A_794 = arith.constant 0 : i32
        %dma_start3A_795 = tpu.memref_slice %arg8[%select_n3A_768, %dma_start3A_793, %dma_start3A_794] : memref<2x16x128xi32, #tpu.memory_space<vmem>> -> memref<1x16x128xi32, #tpu.memory_space<vmem>>
        %dma_start3A_796 = tpu.memref_squeeze %dma_start3A_795 : memref<1x16x128xi32, #tpu.memory_space<vmem>> -> memref<16x128xi32, #tpu.memory_space<vmem>>
        %dma_start3A_797 = arith.constant 0 : i32
        %dma_start3A_798 = tpu.memref_slice %arg3[%add3A_786, %dma_start3A_797] : memref<2560x128xi32, #tpu.memory_space<hbm>> -> memref<16x128xi32, #tpu.memory_space<hbm>>
        tpu.enqueue_dma source(%dma_start3A_798 : memref<16x128xi32, #tpu.memory_space<hbm>>) target(%dma_start3A_796 : memref<16x128xi32, #tpu.memory_space<vmem>>) target_semaphore(%arg16 : memref<!tpu.dma_semaphore, #tpu.memory_space<semaphore_mem>>)
        %mul3A_799 = arith.constant 16 : i32
        %mul3A_800 = arith.muli %add3A_726, %mul3A_799 : i32
        %add3A_801 = arith.addi %select_n3A_26, %mul3A_800 : i32
        %dma_start3A_802 = arith.constant 0 : i32
        %dma_start3A_803 = arith.constant 0 : i32
        %dma_start3A_804 = tpu.memref_slice %arg9[%select_n3A_768, %dma_start3A_802, %dma_start3A_803] : memref<2x16x128xf32, #tpu.memory_space<vmem>> -> memref<1x16x128xf32, #tpu.memory_space<vmem>>
        %dma_start3A_805 = tpu.memref_squeeze %dma_start3A_804 : memref<1x16x128xf32, #tpu.memory_space<vmem>> -> memref<16x128xf32, #tpu.memory_space<vmem>>
        %dma_start3A_806 = arith.constant 0 : i32
        %dma_start3A_807 = tpu.memref_slice %arg4[%add3A_801, %dma_start3A_806] : memref<2560x128xf32, #tpu.memory_space<hbm>> -> memref<16x128xf32, #tpu.memory_space<hbm>>
        %dma_start3A_808 = arith.constant 0 : i32
        %dma_start3A_809 = arith.constant 0 : i32
        %dma_start3A_810 = tpu.memref_slice %arg9[%select_n3A_768, %dma_start3A_808, %dma_start3A_809] : memref<2x16x128xf32, #tpu.memory_space<vmem>> -> memref<1x16x128xf32, #tpu.memory_space<vmem>>
        %dma_start3A_811 = tpu.memref_squeeze %dma_start3A_810 : memref<1x16x128xf32, #tpu.memory_space<vmem>> -> memref<16x128xf32, #tpu.memory_space<vmem>>
        %dma_start3A_812 = arith.constant 0 : i32
        %dma_start3A_813 = tpu.memref_slice %arg4[%add3A_801, %dma_start3A_812] : memref<2560x128xf32, #tpu.memory_space<hbm>> -> memref<16x128xf32, #tpu.memory_space<hbm>>
        tpu.enqueue_dma source(%dma_start3A_813 : memref<16x128xf32, #tpu.memory_space<hbm>>) target(%dma_start3A_811 : memref<16x128xf32, #tpu.memory_space<vmem>>) target_semaphore(%arg16 : memref<!tpu.dma_semaphore, #tpu.memory_space<semaphore_mem>>)
      } else {
      }
      %add3A_303 = arith.constant 1 : i32
      %add3A_304 = arith.addi %add3A_184, %add3A_303 : i32
      %lt3A_305 = arith.cmpi slt, %add3A_304, %select_n3A : i32
      %convert_element_type3A_306 = arith.extui %lt3A_305 : i1 to i32
      %cond3A_307 = arith.constant 0 : i32
      %cond3A_308 = arith.cmpi ne, %convert_element_type3A_306, %cond3A_307 : i32
      scf.if %cond3A_308 {
        %add3A_701 = arith.constant 1 : i32
        %add3A_702 = arith.addi %add3A_184, %add3A_701 : i32
        %jit3A_703 = arith.constant 16 : i32
        %eq3A_704 = arith.constant 0 : i32
        %eq3A_705 = arith.cmpi eq, %jit3A_703, %eq3A_704 : i32
        %jit3A_706 = arith.constant 1 : i32
        %select_n3A_707 = arith.select %eq3A_705, %jit3A_706, %jit3A_703 : i32
        %rem3A_708 = arith.remsi %add3A_702, %select_n3A_707 : i32
        %ne3A_709 = arith.constant 0 : i32
        %ne3A_710 = arith.cmpi ne, %rem3A_708, %ne3A_709 : i32
        %lt3A_711 = arith.constant 0 : i32
        %lt3A_712 = arith.cmpi slt, %rem3A_708, %lt3A_711 : i32
        %lt3A_713 = arith.constant 0 : i32
        %lt3A_714 = arith.cmpi slt, %select_n3A_707, %lt3A_713 : i32
        %ne3A_715 = arith.xori %lt3A_712, %lt3A_714 : i1
        %and3A_716 = arith.andi %ne3A_715, %ne3A_710 : i1
        %add3A_717 = arith.addi %rem3A_708, %select_n3A_707 : i32
        %select_n3A_718 = arith.select %and3A_716, %add3A_717, %rem3A_708 : i32
        %eq3A_719 = arith.constant 0 : i32
        %eq3A_720 = arith.cmpi eq, %select_n3A_718, %eq3A_719 : i32
        %convert_element_type3A_721 = arith.extui %eq3A_720 : i1 to i32
        %cond3A_722 = arith.constant 0 : i32
        %cond3A_723 = arith.cmpi ne, %convert_element_type3A_721, %cond3A_722 : i32
        scf.if %cond3A_723 {
          %add3A_793 = arith.constant 1 : i32
          %add3A_794 = arith.addi %add3A_184, %add3A_793 : i32
          %jit3A_795 = arith.constant 16 : i32
          %div3A_796 = arith.divsi %add3A_794, %jit3A_795 : i32
          %sign3A_797 = arith.constant 0 : i32
          %sign3A_798 = arith.cmpi sgt, %add3A_794, %sign3A_797 : i32
          %sign3A_799 = arith.extui %sign3A_798 : i1 to i32
          %sign3A_800 = arith.constant 0 : i32
          %sign3A_801 = arith.cmpi slt, %add3A_794, %sign3A_800 : i32
          %sign3A_802 = arith.extui %sign3A_801 : i1 to i32
          %sign3A_803 = arith.subi %sign3A_799, %sign3A_802 : i32
          %sign3A_804 = arith.constant 0 : i32
          %sign3A_805 = arith.cmpi sgt, %jit3A_795, %sign3A_804 : i32
          %sign3A_806 = arith.extui %sign3A_805 : i1 to i32
          %sign3A_807 = arith.constant 0 : i32
          %sign3A_808 = arith.cmpi slt, %jit3A_795, %sign3A_807 : i32
          %sign3A_809 = arith.extui %sign3A_808 : i1 to i32
          %sign3A_810 = arith.subi %sign3A_806, %sign3A_809 : i32
          %ne3A_811 = arith.cmpi ne, %sign3A_803, %sign3A_810 : i32
          %rem3A_812 = arith.remsi %add3A_794, %jit3A_795 : i32
          %ne3A_813 = arith.constant 0 : i32
          %ne3A_814 = arith.cmpi ne, %rem3A_812, %ne3A_813 : i32
          %and3A_815 = arith.andi %ne3A_811, %ne3A_814 : i1
          %sub3A_816 = arith.constant 1 : i32
          %sub3A_817 = arith.subi %div3A_796, %sub3A_816 : i32
          %select_n3A_818 = arith.select %and3A_815, %sub3A_817, %div3A_796 : i32
          %jit3A_819 = arith.constant 2 : i32
          %eq3A_820 = arith.constant 0 : i32
          %eq3A_821 = arith.cmpi eq, %jit3A_819, %eq3A_820 : i32
          %jit3A_822 = arith.constant 1 : i32
          %select_n3A_823 = arith.select %eq3A_821, %jit3A_822, %jit3A_819 : i32
          %rem3A_824 = arith.remsi %select_n3A_818, %select_n3A_823 : i32
          %ne3A_825 = arith.constant 0 : i32
          %ne3A_826 = arith.cmpi ne, %rem3A_824, %ne3A_825 : i32
          %lt3A_827 = arith.constant 0 : i32
          %lt3A_828 = arith.cmpi slt, %rem3A_824, %lt3A_827 : i32
          %lt3A_829 = arith.constant 0 : i32
          %lt3A_830 = arith.cmpi slt, %select_n3A_823, %lt3A_829 : i32
          %ne3A_831 = arith.xori %lt3A_828, %lt3A_830 : i1
          %and3A_832 = arith.andi %ne3A_831, %ne3A_826 : i1
          %add3A_833 = arith.addi %rem3A_824, %select_n3A_823 : i32
          %select_n3A_834 = arith.select %and3A_832, %add3A_833, %rem3A_824 : i32
          %dma_wait3A_835 = arith.constant 0 : i32
          %dma_wait3A_836 = arith.constant 0 : i32
          %dma_wait3A_837 = tpu.memref_slice %arg7[%select_n3A_834, %dma_wait3A_835, %dma_wait3A_836] : memref<2x16x128xi32, #tpu.memory_space<vmem>> -> memref<1x16x128xi32, #tpu.memory_space<vmem>>
          %dma_wait3A_838 = tpu.memref_squeeze %dma_wait3A_837 : memref<1x16x128xi32, #tpu.memory_space<vmem>> -> memref<16x128xi32, #tpu.memory_space<vmem>>
          %dma_wait3A_839 = arith.constant 0 : i32
          %dma_wait3A_840 = arith.constant 0 : i32
          %dma_wait3A_841 = tpu.memref_slice %arg2[%dma_wait3A_839, %dma_wait3A_840] : memref<2560x128xi32, #tpu.memory_space<hbm>> -> memref<16x128xi32, #tpu.memory_space<hbm>>
          %dma_wait3A_842 = arith.constant 0 : i32
          %dma_wait3A_843 = arith.constant 0 : i32
          %dma_wait3A_844 = tpu.memref_slice %arg7[%select_n3A_834, %dma_wait3A_842, %dma_wait3A_843] : memref<2x16x128xi32, #tpu.memory_space<vmem>> -> memref<1x16x128xi32, #tpu.memory_space<vmem>>
          %dma_wait3A_845 = tpu.memref_squeeze %dma_wait3A_844 : memref<1x16x128xi32, #tpu.memory_space<vmem>> -> memref<16x128xi32, #tpu.memory_space<vmem>>
          %dma_wait3A_846 = arith.constant 0 : i32
          %dma_wait3A_847 = arith.constant 0 : i32
          %dma_wait3A_848 = tpu.memref_slice %arg2[%dma_wait3A_846, %dma_wait3A_847] : memref<2560x128xi32, #tpu.memory_space<hbm>> -> memref<16x128xi32, #tpu.memory_space<hbm>>
          tpu.wait_dma2 semaphore(%arg16 : memref<!tpu.dma_semaphore, #tpu.memory_space<semaphore_mem>>) src(%dma_wait3A_848 : memref<16x128xi32, #tpu.memory_space<hbm>>) dst(%dma_wait3A_845 : memref<16x128xi32, #tpu.memory_space<vmem>>)
          %dma_wait3A_849 = arith.constant 0 : i32
          %dma_wait3A_850 = arith.constant 0 : i32
          %dma_wait3A_851 = tpu.memref_slice %arg8[%select_n3A_834, %dma_wait3A_849, %dma_wait3A_850] : memref<2x16x128xi32, #tpu.memory_space<vmem>> -> memref<1x16x128xi32, #tpu.memory_space<vmem>>
          %dma_wait3A_852 = tpu.memref_squeeze %dma_wait3A_851 : memref<1x16x128xi32, #tpu.memory_space<vmem>> -> memref<16x128xi32, #tpu.memory_space<vmem>>
          %dma_wait3A_853 = arith.constant 0 : i32
          %dma_wait3A_854 = arith.constant 0 : i32
          %dma_wait3A_855 = tpu.memref_slice %arg3[%dma_wait3A_853, %dma_wait3A_854] : memref<2560x128xi32, #tpu.memory_space<hbm>> -> memref<16x128xi32, #tpu.memory_space<hbm>>
          %dma_wait3A_856 = arith.constant 0 : i32
          %dma_wait3A_857 = arith.constant 0 : i32
          %dma_wait3A_858 = tpu.memref_slice %arg8[%select_n3A_834, %dma_wait3A_856, %dma_wait3A_857] : memref<2x16x128xi32, #tpu.memory_space<vmem>> -> memref<1x16x128xi32, #tpu.memory_space<vmem>>
          %dma_wait3A_859 = tpu.memref_squeeze %dma_wait3A_858 : memref<1x16x128xi32, #tpu.memory_space<vmem>> -> memref<16x128xi32, #tpu.memory_space<vmem>>
          %dma_wait3A_860 = arith.constant 0 : i32
          %dma_wait3A_861 = arith.constant 0 : i32
          %dma_wait3A_862 = tpu.memref_slice %arg3[%dma_wait3A_860, %dma_wait3A_861] : memref<2560x128xi32, #tpu.memory_space<hbm>> -> memref<16x128xi32, #tpu.memory_space<hbm>>
          tpu.wait_dma2 semaphore(%arg16 : memref<!tpu.dma_semaphore, #tpu.memory_space<semaphore_mem>>) src(%dma_wait3A_862 : memref<16x128xi32, #tpu.memory_space<hbm>>) dst(%dma_wait3A_859 : memref<16x128xi32, #tpu.memory_space<vmem>>)
          %dma_wait3A_863 = arith.constant 0 : i32
          %dma_wait3A_864 = arith.constant 0 : i32
          %dma_wait3A_865 = tpu.memref_slice %arg9[%select_n3A_834, %dma_wait3A_863, %dma_wait3A_864] : memref<2x16x128xf32, #tpu.memory_space<vmem>> -> memref<1x16x128xf32, #tpu.memory_space<vmem>>
          %dma_wait3A_866 = tpu.memref_squeeze %dma_wait3A_865 : memref<1x16x128xf32, #tpu.memory_space<vmem>> -> memref<16x128xf32, #tpu.memory_space<vmem>>
          %dma_wait3A_867 = arith.constant 0 : i32
          %dma_wait3A_868 = arith.constant 0 : i32
          %dma_wait3A_869 = tpu.memref_slice %arg4[%dma_wait3A_867, %dma_wait3A_868] : memref<2560x128xf32, #tpu.memory_space<hbm>> -> memref<16x128xf32, #tpu.memory_space<hbm>>
          %dma_wait3A_870 = arith.constant 0 : i32
          %dma_wait3A_871 = arith.constant 0 : i32
          %dma_wait3A_872 = tpu.memref_slice %arg9[%select_n3A_834, %dma_wait3A_870, %dma_wait3A_871] : memref<2x16x128xf32, #tpu.memory_space<vmem>> -> memref<1x16x128xf32, #tpu.memory_space<vmem>>
          %dma_wait3A_873 = tpu.memref_squeeze %dma_wait3A_872 : memref<1x16x128xf32, #tpu.memory_space<vmem>> -> memref<16x128xf32, #tpu.memory_space<vmem>>
          %dma_wait3A_874 = arith.constant 0 : i32
          %dma_wait3A_875 = arith.constant 0 : i32
          %dma_wait3A_876 = tpu.memref_slice %arg4[%dma_wait3A_874, %dma_wait3A_875] : memref<2560x128xf32, #tpu.memory_space<hbm>> -> memref<16x128xf32, #tpu.memory_space<hbm>>
          tpu.wait_dma2 semaphore(%arg16 : memref<!tpu.dma_semaphore, #tpu.memory_space<semaphore_mem>>) src(%dma_wait3A_876 : memref<16x128xf32, #tpu.memory_space<hbm>>) dst(%dma_wait3A_873 : memref<16x128xf32, #tpu.memory_space<vmem>>)
        } else {
        }
        %add3A_724 = arith.constant 1 : i32
        %add3A_725 = arith.addi %add3A_184, %add3A_724 : i32
        %jit3A_726 = arith.constant 16 : i32
        %div3A_727 = arith.divsi %add3A_725, %jit3A_726 : i32
        %sign3A_728 = arith.constant 0 : i32
        %sign3A_729 = arith.cmpi sgt, %add3A_725, %sign3A_728 : i32
        %sign3A_730 = arith.extui %sign3A_729 : i1 to i32
        %sign3A_731 = arith.constant 0 : i32
        %sign3A_732 = arith.cmpi slt, %add3A_725, %sign3A_731 : i32
        %sign3A_733 = arith.extui %sign3A_732 : i1 to i32
        %sign3A_734 = arith.subi %sign3A_730, %sign3A_733 : i32
        %sign3A_735 = arith.constant 0 : i32
        %sign3A_736 = arith.cmpi sgt, %jit3A_726, %sign3A_735 : i32
        %sign3A_737 = arith.extui %sign3A_736 : i1 to i32
        %sign3A_738 = arith.constant 0 : i32
        %sign3A_739 = arith.cmpi slt, %jit3A_726, %sign3A_738 : i32
        %sign3A_740 = arith.extui %sign3A_739 : i1 to i32
        %sign3A_741 = arith.subi %sign3A_737, %sign3A_740 : i32
        %ne3A_742 = arith.cmpi ne, %sign3A_734, %sign3A_741 : i32
        %rem3A_743 = arith.remsi %add3A_725, %jit3A_726 : i32
        %ne3A_744 = arith.constant 0 : i32
        %ne3A_745 = arith.cmpi ne, %rem3A_743, %ne3A_744 : i32
        %and3A_746 = arith.andi %ne3A_742, %ne3A_745 : i1
        %sub3A_747 = arith.constant 1 : i32
        %sub3A_748 = arith.subi %div3A_727, %sub3A_747 : i32
        %select_n3A_749 = arith.select %and3A_746, %sub3A_748, %div3A_727 : i32
        %jit3A_750 = arith.constant 2 : i32
        %eq3A_751 = arith.constant 0 : i32
        %eq3A_752 = arith.cmpi eq, %jit3A_750, %eq3A_751 : i32
        %jit3A_753 = arith.constant 1 : i32
        %select_n3A_754 = arith.select %eq3A_752, %jit3A_753, %jit3A_750 : i32
        %rem3A_755 = arith.remsi %select_n3A_749, %select_n3A_754 : i32
        %ne3A_756 = arith.constant 0 : i32
        %ne3A_757 = arith.cmpi ne, %rem3A_755, %ne3A_756 : i32
        %lt3A_758 = arith.constant 0 : i32
        %lt3A_759 = arith.cmpi slt, %rem3A_755, %lt3A_758 : i32
        %lt3A_760 = arith.constant 0 : i32
        %lt3A_761 = arith.cmpi slt, %select_n3A_754, %lt3A_760 : i32
        %ne3A_762 = arith.xori %lt3A_759, %lt3A_761 : i1
        %and3A_763 = arith.andi %ne3A_762, %ne3A_757 : i1
        %add3A_764 = arith.addi %rem3A_755, %select_n3A_754 : i32
        %select_n3A_765 = arith.select %and3A_763, %add3A_764, %rem3A_755 : i32
        %jit3A_766 = arith.constant 16 : i32
        %eq3A_767 = arith.constant 0 : i32
        %eq3A_768 = arith.cmpi eq, %jit3A_766, %eq3A_767 : i32
        %jit3A_769 = arith.constant 1 : i32
        %select_n3A_770 = arith.select %eq3A_768, %jit3A_769, %jit3A_766 : i32
        %rem3A_771 = arith.remsi %add3A_725, %select_n3A_770 : i32
        %ne3A_772 = arith.constant 0 : i32
        %ne3A_773 = arith.cmpi ne, %rem3A_771, %ne3A_772 : i32
        %lt3A_774 = arith.constant 0 : i32
        %lt3A_775 = arith.cmpi slt, %rem3A_771, %lt3A_774 : i32
        %lt3A_776 = arith.constant 0 : i32
        %lt3A_777 = arith.cmpi slt, %select_n3A_770, %lt3A_776 : i32
        %ne3A_778 = arith.xori %lt3A_775, %lt3A_777 : i1
        %and3A_779 = arith.andi %ne3A_778, %ne3A_773 : i1
        %add3A_780 = arith.addi %rem3A_771, %select_n3A_770 : i32
        %select_n3A_781 = arith.select %and3A_779, %add3A_780, %rem3A_771 : i32
        %dma_start3A_782 = arith.constant 1 : i32
        %dma_start3A_783 = arith.constant 0 : i32
        %dma_start3A_784 = arith.constant 0 : i32
        %dma_start3A_785 = tpu.memref_slice %arg10[%dma_start3A_782, %dma_start3A_783, %dma_start3A_784] : memref<2x128x128xf32, #tpu.memory_space<vmem>> -> memref<1x128x128xf32, #tpu.memory_space<vmem>>
        %dma_start3A_786 = tpu.memref_squeeze %dma_start3A_785 : memref<1x128x128xf32, #tpu.memory_space<vmem>> -> memref<128x128xf32, #tpu.memory_space<vmem>>
        %dma_start3A_787 = arith.constant 0 : i32
        %dma_start3A_788 = tpu.memref_slice %arg7[%select_n3A_765, %select_n3A_781, %dma_start3A_787] : memref<2x16x128xi32, #tpu.memory_space<vmem>> -> memref<1x1x128xi32, #tpu.memory_space<vmem>>
        %dma_start3A_789 = tpu.memref_squeeze %dma_start3A_788 : memref<1x1x128xi32, #tpu.memory_space<vmem>> -> memref<128xi32, #tpu.memory_space<vmem>>
        %dma_start3A_790 = arith.constant 0 : i32
        %dma_start3A_791 = arith.constant 0 : i32
        %dma_start3A_792 = tpu.memref_slice %arg5[%dma_start3A_790, %dma_start3A_791] : memref<10000x128xf32, #tpu.memory_space<hbm>> -> memref<10000x128xf32, #tpu.memory_space<hbm>>
        tpu.enqueue_indirect_dma source(%dma_start3A_792 : memref<10000x128xf32, #tpu.memory_space<hbm>>) target(%dma_start3A_786 : memref<128x128xf32, #tpu.memory_space<vmem>>) offsets(%dma_start3A_789 : memref<128xi32, #tpu.memory_space<vmem>>) semaphore(%arg13 : memref<!tpu.dma_semaphore, #tpu.memory_space<semaphore_mem>>)
      } else {
      }
      %jit3A_309 = arith.constant 16 : i32
      %div3A_310 = arith.divsi %add3A_184, %jit3A_309 : i32
      %sign3A_311 = arith.constant 0 : i32
      %sign3A_312 = arith.cmpi sgt, %add3A_184, %sign3A_311 : i32
      %sign3A_313 = arith.extui %sign3A_312 : i1 to i32
      %sign3A_314 = arith.constant 0 : i32
      %sign3A_315 = arith.cmpi slt, %add3A_184, %sign3A_314 : i32
      %sign3A_316 = arith.extui %sign3A_315 : i1 to i32
      %sign3A_317 = arith.subi %sign3A_313, %sign3A_316 : i32
      %sign3A_318 = arith.constant 0 : i32
      %sign3A_319 = arith.cmpi sgt, %jit3A_309, %sign3A_318 : i32
      %sign3A_320 = arith.extui %sign3A_319 : i1 to i32
      %sign3A_321 = arith.constant 0 : i32
      %sign3A_322 = arith.cmpi slt, %jit3A_309, %sign3A_321 : i32
      %sign3A_323 = arith.extui %sign3A_322 : i1 to i32
      %sign3A_324 = arith.subi %sign3A_320, %sign3A_323 : i32
      %ne3A_325 = arith.cmpi ne, %sign3A_317, %sign3A_324 : i32
      %rem3A_326 = arith.remsi %add3A_184, %jit3A_309 : i32
      %ne3A_327 = arith.constant 0 : i32
      %ne3A_328 = arith.cmpi ne, %rem3A_326, %ne3A_327 : i32
      %and3A_329 = arith.andi %ne3A_325, %ne3A_328 : i1
      %sub3A_330 = arith.constant 1 : i32
      %sub3A_331 = arith.subi %div3A_310, %sub3A_330 : i32
      %select_n3A_332 = arith.select %and3A_329, %sub3A_331, %div3A_310 : i32
      %jit3A_333 = arith.constant 2 : i32
      %eq3A_334 = arith.constant 0 : i32
      %eq3A_335 = arith.cmpi eq, %jit3A_333, %eq3A_334 : i32
      %jit3A_336 = arith.constant 1 : i32
      %select_n3A_337 = arith.select %eq3A_335, %jit3A_336, %jit3A_333 : i32
      %rem3A_338 = arith.remsi %select_n3A_332, %select_n3A_337 : i32
      %ne3A_339 = arith.constant 0 : i32
      %ne3A_340 = arith.cmpi ne, %rem3A_338, %ne3A_339 : i32
      %lt3A_341 = arith.constant 0 : i32
      %lt3A_342 = arith.cmpi slt, %rem3A_338, %lt3A_341 : i32
      %lt3A_343 = arith.constant 0 : i32
      %lt3A_344 = arith.cmpi slt, %select_n3A_337, %lt3A_343 : i32
      %ne3A_345 = arith.xori %lt3A_342, %lt3A_344 : i1
      %and3A_346 = arith.andi %ne3A_345, %ne3A_340 : i1
      %add3A_347 = arith.addi %rem3A_338, %select_n3A_337 : i32
      %select_n3A_348 = arith.select %and3A_346, %add3A_347, %rem3A_338 : i32
      %jit3A_349 = arith.constant 16 : i32
      %eq3A_350 = arith.constant 0 : i32
      %eq3A_351 = arith.cmpi eq, %jit3A_349, %eq3A_350 : i32
      %jit3A_352 = arith.constant 1 : i32
      %select_n3A_353 = arith.select %eq3A_351, %jit3A_352, %jit3A_349 : i32
      %rem3A_354 = arith.remsi %add3A_184, %select_n3A_353 : i32
      %ne3A_355 = arith.constant 0 : i32
      %ne3A_356 = arith.cmpi ne, %rem3A_354, %ne3A_355 : i32
      %lt3A_357 = arith.constant 0 : i32
      %lt3A_358 = arith.cmpi slt, %rem3A_354, %lt3A_357 : i32
      %lt3A_359 = arith.constant 0 : i32
      %lt3A_360 = arith.cmpi slt, %select_n3A_353, %lt3A_359 : i32
      %ne3A_361 = arith.xori %lt3A_358, %lt3A_360 : i1
      %and3A_362 = arith.andi %ne3A_361, %ne3A_356 : i1
      %add3A_363 = arith.addi %rem3A_354, %select_n3A_353 : i32
      %select_n3A_364 = arith.select %and3A_362, %add3A_363, %rem3A_354 : i32
      %scan3A_365 = arith.constant 0 : i32
      %scan3A_366 = arith.constant 0 : i32
      %scan3A_367 = arith.constant 64 : i32
      %scan3A_368 = arith.addi %scan3A_366, %scan3A_367 : i32
      %scan3A_369 = arith.constant 1 : i32
      %scan3A_370 = scf.for %scan3A_701 = %scan3A_366 to %scan3A_368 step %scan3A_369 iter_args(%scan3A_702 = %scan3A_365) -> (i32)  : i32 {
        %mul3A_703 = arith.constant 2 : i32
        %mul3A_704 = arith.muli %mul3A_703, %scan3A_701 : i32
        %mul3A_705 = arith.constant 2 : i32
        %mul3A_706 = arith.muli %mul3A_705, %scan3A_701 : i32
        %add3A_707 = arith.constant 1 : i32
        %add3A_708 = arith.addi %mul3A_706, %add3A_707 : i32
        %broadcast_in_dim3A = vector.broadcast %select_n3A_348 : i32 to vector<16xi32>
        %broadcast_in_dim3A_709 = vector.broadcast %select_n3A_364 : i32 to vector<16xi32>
        %broadcast_in_dim3A_710 = vector.broadcast %mul3A_704 : i32 to vector<16xi32>
        %gather3A = tpu.vector_load_idx %arg9[%broadcast_in_dim3A, %broadcast_in_dim3A_709, %broadcast_in_dim3A_710] : memref<2x16x128xf32, #tpu.memory_space<vmem>>[vector<16xi32>, vector<16xi32>, vector<16xi32>], vector<16xf32>,
        %get3A = arith.constant 0 : i32
        %get3A_711 = arith.index_cast %get3A : i32 to index
        %get3A_712 = arith.index_cast %mul3A_704 : i32 to index
        %get3A_713 = arith.constant 0 : index
        %get3A_714 = tpu.vector_load %arg10[%get3A_711, %get3A_712, %get3A_713] {strides = array<i32>} : memref<2x128x128xf32, #tpu.memory_space<vmem>>, vector<16xf32>,
        %mul3A_715 = arith.mulf %get3A_714, %gather3A : vector<16xf32>
        %swap3A = arith.constant 0 : i32
        %swap3A_716 = arith.index_cast %swap3A : i32 to index
        %swap3A_717 = arith.index_cast %mul3A_704 : i32 to index
        %swap3A_718 = arith.constant 0 : index
        %swap3A_719 = tpu.vector_load %arg10[%swap3A_716, %swap3A_717, %swap3A_718] {strides = array<i32>} : memref<2x128x128xf32, #tpu.memory_space<vmem>>, vector<16xf32>,
        tpu.vector_store %arg10[%swap3A_716, %swap3A_717, %swap3A_718], %mul3A_715 {strides = array<i32>} : memref<2x128x128xf32, #tpu.memory_space<vmem>>, vector<16xf32>,
        %get3A_720 = arith.constant 0 : i32
        %get3A_721 = arith.index_cast %get3A_720 : i32 to index
        %get3A_722 = arith.index_cast %mul3A_704 : i32 to index
        %get3A_723 = arith.constant 16 : index
        %get3A_724 = tpu.vector_load %arg10[%get3A_721, %get3A_722, %get3A_723] {strides = array<i32>} : memref<2x128x128xf32, #tpu.memory_space<vmem>>, vector<16xf32>,
        %mul3A_725 = arith.mulf %get3A_724, %gather3A : vector<16xf32>
        %swap3A_726 = arith.constant 0 : i32
        %swap3A_727 = arith.index_cast %swap3A_726 : i32 to index
        %swap3A_728 = arith.index_cast %mul3A_704 : i32 to index
        %swap3A_729 = arith.constant 16 : index
        %swap3A_730 = tpu.vector_load %arg10[%swap3A_727, %swap3A_728, %swap3A_729] {strides = array<i32>} : memref<2x128x128xf32, #tpu.memory_space<vmem>>, vector<16xf32>,
        tpu.vector_store %arg10[%swap3A_727, %swap3A_728, %swap3A_729], %mul3A_725 {strides = array<i32>} : memref<2x128x128xf32, #tpu.memory_space<vmem>>, vector<16xf32>,
        %get3A_731 = arith.constant 0 : i32
        %get3A_732 = arith.index_cast %get3A_731 : i32 to index
        %get3A_733 = arith.index_cast %mul3A_704 : i32 to index
        %get3A_734 = arith.constant 32 : index
        %get3A_735 = tpu.vector_load %arg10[%get3A_732, %get3A_733, %get3A_734] {strides = array<i32>} : memref<2x128x128xf32, #tpu.memory_space<vmem>>, vector<16xf32>,
        %mul3A_736 = arith.mulf %get3A_735, %gather3A : vector<16xf32>
        %swap3A_737 = arith.constant 0 : i32
        %swap3A_738 = arith.index_cast %swap3A_737 : i32 to index
        %swap3A_739 = arith.index_cast %mul3A_704 : i32 to index
        %swap3A_740 = arith.constant 32 : index
        %swap3A_741 = tpu.vector_load %arg10[%swap3A_738, %swap3A_739, %swap3A_740] {strides = array<i32>} : memref<2x128x128xf32, #tpu.memory_space<vmem>>, vector<16xf32>,
        tpu.vector_store %arg10[%swap3A_738, %swap3A_739, %swap3A_740], %mul3A_736 {strides = array<i32>} : memref<2x128x128xf32, #tpu.memory_space<vmem>>, vector<16xf32>,
        %get3A_742 = arith.constant 0 : i32
        %get3A_743 = arith.index_cast %get3A_742 : i32 to index
        %get3A_744 = arith.index_cast %mul3A_704 : i32 to index
        %get3A_745 = arith.constant 48 : index
        %get3A_746 = tpu.vector_load %arg10[%get3A_743, %get3A_744, %get3A_745] {strides = array<i32>} : memref<2x128x128xf32, #tpu.memory_space<vmem>>, vector<16xf32>,
        %mul3A_747 = arith.mulf %get3A_746, %gather3A : vector<16xf32>
        %swap3A_748 = arith.constant 0 : i32
        %swap3A_749 = arith.index_cast %swap3A_748 : i32 to index
        %swap3A_750 = arith.index_cast %mul3A_704 : i32 to index
        %swap3A_751 = arith.constant 48 : index
        %swap3A_752 = tpu.vector_load %arg10[%swap3A_749, %swap3A_750, %swap3A_751] {strides = array<i32>} : memref<2x128x128xf32, #tpu.memory_space<vmem>>, vector<16xf32>,
        tpu.vector_store %arg10[%swap3A_749, %swap3A_750, %swap3A_751], %mul3A_747 {strides = array<i32>} : memref<2x128x128xf32, #tpu.memory_space<vmem>>, vector<16xf32>,
        %get3A_753 = arith.constant 0 : i32
        %get3A_754 = arith.index_cast %get3A_753 : i32 to index
        %get3A_755 = arith.index_cast %mul3A_704 : i32 to index
        %get3A_756 = arith.constant 64 : index
        %get3A_757 = tpu.vector_load %arg10[%get3A_754, %get3A_755, %get3A_756] {strides = array<i32>} : memref<2x128x128xf32, #tpu.memory_space<vmem>>, vector<16xf32>,
        %mul3A_758 = arith.mulf %get3A_757, %gather3A : vector<16xf32>
        %swap3A_759 = arith.constant 0 : i32
        %swap3A_760 = arith.index_cast %swap3A_759 : i32 to index
        %swap3A_761 = arith.index_cast %mul3A_704 : i32 to index
        %swap3A_762 = arith.constant 64 : index
        %swap3A_763 = tpu.vector_load %arg10[%swap3A_760, %swap3A_761, %swap3A_762] {strides = array<i32>} : memref<2x128x128xf32, #tpu.memory_space<vmem>>, vector<16xf32>,
        tpu.vector_store %arg10[%swap3A_760, %swap3A_761, %swap3A_762], %mul3A_758 {strides = array<i32>} : memref<2x128x128xf32, #tpu.memory_space<vmem>>, vector<16xf32>,
        %get3A_764 = arith.constant 0 : i32
        %get3A_765 = arith.index_cast %get3A_764 : i32 to index
        %get3A_766 = arith.index_cast %mul3A_704 : i32 to index
        %get3A_767 = arith.constant 80 : index
        %get3A_768 = tpu.vector_load %arg10[%get3A_765, %get3A_766, %get3A_767] {strides = array<i32>} : memref<2x128x128xf32, #tpu.memory_space<vmem>>, vector<16xf32>,
        %mul3A_769 = arith.mulf %get3A_768, %gather3A : vector<16xf32>
        %swap3A_770 = arith.constant 0 : i32
        %swap3A_771 = arith.index_cast %swap3A_770 : i32 to index
        %swap3A_772 = arith.index_cast %mul3A_704 : i32 to index
        %swap3A_773 = arith.constant 80 : index
        %swap3A_774 = tpu.vector_load %arg10[%swap3A_771, %swap3A_772, %swap3A_773] {strides = array<i32>} : memref<2x128x128xf32, #tpu.memory_space<vmem>>, vector<16xf32>,
        tpu.vector_store %arg10[%swap3A_771, %swap3A_772, %swap3A_773], %mul3A_769 {strides = array<i32>} : memref<2x128x128xf32, #tpu.memory_space<vmem>>, vector<16xf32>,
        %get3A_775 = arith.constant 0 : i32
        %get3A_776 = arith.index_cast %get3A_775 : i32 to index
        %get3A_777 = arith.index_cast %mul3A_704 : i32 to index
        %get3A_778 = arith.constant 96 : index
        %get3A_779 = tpu.vector_load %arg10[%get3A_776, %get3A_777, %get3A_778] {strides = array<i32>} : memref<2x128x128xf32, #tpu.memory_space<vmem>>, vector<16xf32>,
        %mul3A_780 = arith.mulf %get3A_779, %gather3A : vector<16xf32>
        %swap3A_781 = arith.constant 0 : i32
        %swap3A_782 = arith.index_cast %swap3A_781 : i32 to index
        %swap3A_783 = arith.index_cast %mul3A_704 : i32 to index
        %swap3A_784 = arith.constant 96 : index
        %swap3A_785 = tpu.vector_load %arg10[%swap3A_782, %swap3A_783, %swap3A_784] {strides = array<i32>} : memref<2x128x128xf32, #tpu.memory_space<vmem>>, vector<16xf32>,
        tpu.vector_store %arg10[%swap3A_782, %swap3A_783, %swap3A_784], %mul3A_780 {strides = array<i32>} : memref<2x128x128xf32, #tpu.memory_space<vmem>>, vector<16xf32>,
        %get3A_786 = arith.constant 0 : i32
        %get3A_787 = arith.index_cast %get3A_786 : i32 to index
        %get3A_788 = arith.index_cast %mul3A_704 : i32 to index
        %get3A_789 = arith.constant 112 : index
        %get3A_790 = tpu.vector_load %arg10[%get3A_787, %get3A_788, %get3A_789] {strides = array<i32>} : memref<2x128x128xf32, #tpu.memory_space<vmem>>, vector<16xf32>,
        %mul3A_791 = arith.mulf %get3A_790, %gather3A : vector<16xf32>
        %swap3A_792 = arith.constant 0 : i32
        %swap3A_793 = arith.index_cast %swap3A_792 : i32 to index
        %swap3A_794 = arith.index_cast %mul3A_704 : i32 to index
        %swap3A_795 = arith.constant 112 : index
        %swap3A_796 = tpu.vector_load %arg10[%swap3A_793, %swap3A_794, %swap3A_795] {strides = array<i32>} : memref<2x128x128xf32, #tpu.memory_space<vmem>>, vector<16xf32>,
        tpu.vector_store %arg10[%swap3A_793, %swap3A_794, %swap3A_795], %mul3A_791 {strides = array<i32>} : memref<2x128x128xf32, #tpu.memory_space<vmem>>, vector<16xf32>,
        %broadcast_in_dim3A_797 = vector.broadcast %select_n3A_348 : i32 to vector<16xi32>
        %broadcast_in_dim3A_798 = vector.broadcast %select_n3A_364 : i32 to vector<16xi32>
        %broadcast_in_dim3A_799 = vector.broadcast %add3A_708 : i32 to vector<16xi32>
        %gather3A_800 = tpu.vector_load_idx %arg9[%broadcast_in_dim3A_797, %broadcast_in_dim3A_798, %broadcast_in_dim3A_799] : memref<2x16x128xf32, #tpu.memory_space<vmem>>[vector<16xi32>, vector<16xi32>, vector<16xi32>], vector<16xf32>,
        %get3A_801 = arith.constant 0 : i32
        %get3A_802 = arith.index_cast %get3A_801 : i32 to index
        %get3A_803 = arith.index_cast %add3A_708 : i32 to index
        %get3A_804 = arith.constant 0 : index
        %get3A_805 = tpu.vector_load %arg10[%get3A_802, %get3A_803, %get3A_804] {strides = array<i32>} : memref<2x128x128xf32, #tpu.memory_space<vmem>>, vector<16xf32>,
        %mul3A_806 = arith.mulf %get3A_805, %gather3A_800 : vector<16xf32>
        %swap3A_807 = arith.constant 0 : i32
        %swap3A_808 = arith.index_cast %swap3A_807 : i32 to index
        %swap3A_809 = arith.index_cast %add3A_708 : i32 to index
        %swap3A_810 = arith.constant 0 : index
        %swap3A_811 = tpu.vector_load %arg10[%swap3A_808, %swap3A_809, %swap3A_810] {strides = array<i32>} : memref<2x128x128xf32, #tpu.memory_space<vmem>>, vector<16xf32>,
        tpu.vector_store %arg10[%swap3A_808, %swap3A_809, %swap3A_810], %mul3A_806 {strides = array<i32>} : memref<2x128x128xf32, #tpu.memory_space<vmem>>, vector<16xf32>,
        %get3A_812 = arith.constant 0 : i32
        %get3A_813 = arith.index_cast %get3A_812 : i32 to index
        %get3A_814 = arith.index_cast %add3A_708 : i32 to index
        %get3A_815 = arith.constant 16 : index
        %get3A_816 = tpu.vector_load %arg10[%get3A_813, %get3A_814, %get3A_815] {strides = array<i32>} : memref<2x128x128xf32, #tpu.memory_space<vmem>>, vector<16xf32>,
        %mul3A_817 = arith.mulf %get3A_816, %gather3A_800 : vector<16xf32>
        %swap3A_818 = arith.constant 0 : i32
        %swap3A_819 = arith.index_cast %swap3A_818 : i32 to index
        %swap3A_820 = arith.index_cast %add3A_708 : i32 to index
        %swap3A_821 = arith.constant 16 : index
        %swap3A_822 = tpu.vector_load %arg10[%swap3A_819, %swap3A_820, %swap3A_821] {strides = array<i32>} : memref<2x128x128xf32, #tpu.memory_space<vmem>>, vector<16xf32>,
        tpu.vector_store %arg10[%swap3A_819, %swap3A_820, %swap3A_821], %mul3A_817 {strides = array<i32>} : memref<2x128x128xf32, #tpu.memory_space<vmem>>, vector<16xf32>,
        %get3A_823 = arith.constant 0 : i32
        %get3A_824 = arith.index_cast %get3A_823 : i32 to index
        %get3A_825 = arith.index_cast %add3A_708 : i32 to index
        %get3A_826 = arith.constant 32 : index
        %get3A_827 = tpu.vector_load %arg10[%get3A_824, %get3A_825, %get3A_826] {strides = array<i32>} : memref<2x128x128xf32, #tpu.memory_space<vmem>>, vector<16xf32>,
        %mul3A_828 = arith.mulf %get3A_827, %gather3A_800 : vector<16xf32>
        %swap3A_829 = arith.constant 0 : i32
        %swap3A_830 = arith.index_cast %swap3A_829 : i32 to index
        %swap3A_831 = arith.index_cast %add3A_708 : i32 to index
        %swap3A_832 = arith.constant 32 : index
        %swap3A_833 = tpu.vector_load %arg10[%swap3A_830, %swap3A_831, %swap3A_832] {strides = array<i32>} : memref<2x128x128xf32, #tpu.memory_space<vmem>>, vector<16xf32>,
        tpu.vector_store %arg10[%swap3A_830, %swap3A_831, %swap3A_832], %mul3A_828 {strides = array<i32>} : memref<2x128x128xf32, #tpu.memory_space<vmem>>, vector<16xf32>,
        %get3A_834 = arith.constant 0 : i32
        %get3A_835 = arith.index_cast %get3A_834 : i32 to index
        %get3A_836 = arith.index_cast %add3A_708 : i32 to index
        %get3A_837 = arith.constant 48 : index
        %get3A_838 = tpu.vector_load %arg10[%get3A_835, %get3A_836, %get3A_837] {strides = array<i32>} : memref<2x128x128xf32, #tpu.memory_space<vmem>>, vector<16xf32>,
        %mul3A_839 = arith.mulf %get3A_838, %gather3A_800 : vector<16xf32>
        %swap3A_840 = arith.constant 0 : i32
        %swap3A_841 = arith.index_cast %swap3A_840 : i32 to index
        %swap3A_842 = arith.index_cast %add3A_708 : i32 to index
        %swap3A_843 = arith.constant 48 : index
        %swap3A_844 = tpu.vector_load %arg10[%swap3A_841, %swap3A_842, %swap3A_843] {strides = array<i32>} : memref<2x128x128xf32, #tpu.memory_space<vmem>>, vector<16xf32>,
        tpu.vector_store %arg10[%swap3A_841, %swap3A_842, %swap3A_843], %mul3A_839 {strides = array<i32>} : memref<2x128x128xf32, #tpu.memory_space<vmem>>, vector<16xf32>,
        %get3A_845 = arith.constant 0 : i32
        %get3A_846 = arith.index_cast %get3A_845 : i32 to index
        %get3A_847 = arith.index_cast %add3A_708 : i32 to index
        %get3A_848 = arith.constant 64 : index
        %get3A_849 = tpu.vector_load %arg10[%get3A_846, %get3A_847, %get3A_848] {strides = array<i32>} : memref<2x128x128xf32, #tpu.memory_space<vmem>>, vector<16xf32>,
        %mul3A_850 = arith.mulf %get3A_849, %gather3A_800 : vector<16xf32>
        %swap3A_851 = arith.constant 0 : i32
        %swap3A_852 = arith.index_cast %swap3A_851 : i32 to index
        %swap3A_853 = arith.index_cast %add3A_708 : i32 to index
        %swap3A_854 = arith.constant 64 : index
        %swap3A_855 = tpu.vector_load %arg10[%swap3A_852, %swap3A_853, %swap3A_854] {strides = array<i32>} : memref<2x128x128xf32, #tpu.memory_space<vmem>>, vector<16xf32>,
        tpu.vector_store %arg10[%swap3A_852, %swap3A_853, %swap3A_854], %mul3A_850 {strides = array<i32>} : memref<2x128x128xf32, #tpu.memory_space<vmem>>, vector<16xf32>,
        %get3A_856 = arith.constant 0 : i32
        %get3A_857 = arith.index_cast %get3A_856 : i32 to index
        %get3A_858 = arith.index_cast %add3A_708 : i32 to index
        %get3A_859 = arith.constant 80 : index
        %get3A_860 = tpu.vector_load %arg10[%get3A_857, %get3A_858, %get3A_859] {strides = array<i32>} : memref<2x128x128xf32, #tpu.memory_space<vmem>>, vector<16xf32>,
        %mul3A_861 = arith.mulf %get3A_860, %gather3A_800 : vector<16xf32>
        %swap3A_862 = arith.constant 0 : i32
        %swap3A_863 = arith.index_cast %swap3A_862 : i32 to index
        %swap3A_864 = arith.index_cast %add3A_708 : i32 to index
        %swap3A_865 = arith.constant 80 : index
        %swap3A_866 = tpu.vector_load %arg10[%swap3A_863, %swap3A_864, %swap3A_865] {strides = array<i32>} : memref<2x128x128xf32, #tpu.memory_space<vmem>>, vector<16xf32>,
        tpu.vector_store %arg10[%swap3A_863, %swap3A_864, %swap3A_865], %mul3A_861 {strides = array<i32>} : memref<2x128x128xf32, #tpu.memory_space<vmem>>, vector<16xf32>,
        %get3A_867 = arith.constant 0 : i32
        %get3A_868 = arith.index_cast %get3A_867 : i32 to index
        %get3A_869 = arith.index_cast %add3A_708 : i32 to index
        %get3A_870 = arith.constant 96 : index
        %get3A_871 = tpu.vector_load %arg10[%get3A_868, %get3A_869, %get3A_870] {strides = array<i32>} : memref<2x128x128xf32, #tpu.memory_space<vmem>>, vector<16xf32>,
        %mul3A_872 = arith.mulf %get3A_871, %gather3A_800 : vector<16xf32>
        %swap3A_873 = arith.constant 0 : i32
        %swap3A_874 = arith.index_cast %swap3A_873 : i32 to index
        %swap3A_875 = arith.index_cast %add3A_708 : i32 to index
        %swap3A_876 = arith.constant 96 : index
        %swap3A_877 = tpu.vector_load %arg10[%swap3A_874, %swap3A_875, %swap3A_876] {strides = array<i32>} : memref<2x128x128xf32, #tpu.memory_space<vmem>>, vector<16xf32>,
        tpu.vector_store %arg10[%swap3A_874, %swap3A_875, %swap3A_876], %mul3A_872 {strides = array<i32>} : memref<2x128x128xf32, #tpu.memory_space<vmem>>, vector<16xf32>,
        %get3A_878 = arith.constant 0 : i32
        %get3A_879 = arith.index_cast %get3A_878 : i32 to index
        %get3A_880 = arith.index_cast %add3A_708 : i32 to index
        %get3A_881 = arith.constant 112 : index
        %get3A_882 = tpu.vector_load %arg10[%get3A_879, %get3A_880, %get3A_881] {strides = array<i32>} : memref<2x128x128xf32, #tpu.memory_space<vmem>>, vector<16xf32>,
        %mul3A_883 = arith.mulf %get3A_882, %gather3A_800 : vector<16xf32>
        %swap3A_884 = arith.constant 0 : i32
        %swap3A_885 = arith.index_cast %swap3A_884 : i32 to index
        %swap3A_886 = arith.index_cast %add3A_708 : i32 to index
        %swap3A_887 = arith.constant 112 : index
        %swap3A_888 = tpu.vector_load %arg10[%swap3A_885, %swap3A_886, %swap3A_887] {strides = array<i32>} : memref<2x128x128xf32, #tpu.memory_space<vmem>>, vector<16xf32>,
        tpu.vector_store %arg10[%swap3A_885, %swap3A_886, %swap3A_887], %mul3A_883 {strides = array<i32>} : memref<2x128x128xf32, #tpu.memory_space<vmem>>, vector<16xf32>,
        %scan3A_889 = arith.constant 0 : i32
        scf.yield %scan3A_889 : i32
      }
      %scan3A_371 = arith.constant 64 : i32
      %jit3A_372 = arith.constant 16 : i32
      %div3A_373 = arith.divsi %add3A_184, %jit3A_372 : i32
      %sign3A_374 = arith.constant 0 : i32
      %sign3A_375 = arith.cmpi sgt, %add3A_184, %sign3A_374 : i32
      %sign3A_376 = arith.extui %sign3A_375 : i1 to i32
      %sign3A_377 = arith.constant 0 : i32
      %sign3A_378 = arith.cmpi slt, %add3A_184, %sign3A_377 : i32
      %sign3A_379 = arith.extui %sign3A_378 : i1 to i32
      %sign3A_380 = arith.subi %sign3A_376, %sign3A_379 : i32
      %sign3A_381 = arith.constant 0 : i32
      %sign3A_382 = arith.cmpi sgt, %jit3A_372, %sign3A_381 : i32
      %sign3A_383 = arith.extui %sign3A_382 : i1 to i32
      %sign3A_384 = arith.constant 0 : i32
      %sign3A_385 = arith.cmpi slt, %jit3A_372, %sign3A_384 : i32
      %sign3A_386 = arith.extui %sign3A_385 : i1 to i32
      %sign3A_387 = arith.subi %sign3A_383, %sign3A_386 : i32
      %ne3A_388 = arith.cmpi ne, %sign3A_380, %sign3A_387 : i32
      %rem3A_389 = arith.remsi %add3A_184, %jit3A_372 : i32
      %ne3A_390 = arith.constant 0 : i32
      %ne3A_391 = arith.cmpi ne, %rem3A_389, %ne3A_390 : i32
      %and3A_392 = arith.andi %ne3A_388, %ne3A_391 : i1
      %sub3A_393 = arith.constant 1 : i32
      %sub3A_394 = arith.subi %div3A_373, %sub3A_393 : i32
      %select_n3A_395 = arith.select %and3A_392, %sub3A_394, %div3A_373 : i32
      %jit3A_396 = arith.constant 2 : i32
      %eq3A_397 = arith.constant 0 : i32
      %eq3A_398 = arith.cmpi eq, %jit3A_396, %eq3A_397 : i32
      %jit3A_399 = arith.constant 1 : i32
      %select_n3A_400 = arith.select %eq3A_398, %jit3A_399, %jit3A_396 : i32
      %rem3A_401 = arith.remsi %select_n3A_395, %select_n3A_400 : i32
      %ne3A_402 = arith.constant 0 : i32
      %ne3A_403 = arith.cmpi ne, %rem3A_401, %ne3A_402 : i32
      %lt3A_404 = arith.constant 0 : i32
      %lt3A_405 = arith.cmpi slt, %rem3A_401, %lt3A_404 : i32
      %lt3A_406 = arith.constant 0 : i32
      %lt3A_407 = arith.cmpi slt, %select_n3A_400, %lt3A_406 : i32
      %ne3A_408 = arith.xori %lt3A_405, %lt3A_407 : i1
      %and3A_409 = arith.andi %ne3A_408, %ne3A_403 : i1
      %add3A_410 = arith.addi %rem3A_401, %select_n3A_400 : i32
      %select_n3A_411 = arith.select %and3A_409, %add3A_410, %rem3A_401 : i32
      %jit3A_412 = arith.constant 16 : i32
      %eq3A_413 = arith.constant 0 : i32
      %eq3A_414 = arith.cmpi eq, %jit3A_412, %eq3A_413 : i32
      %jit3A_415 = arith.constant 1 : i32
      %select_n3A_416 = arith.select %eq3A_414, %jit3A_415, %jit3A_412 : i32
      %rem3A_417 = arith.remsi %add3A_184, %select_n3A_416 : i32
      %ne3A_418 = arith.constant 0 : i32
      %ne3A_419 = arith.cmpi ne, %rem3A_417, %ne3A_418 : i32
      %lt3A_420 = arith.constant 0 : i32
      %lt3A_421 = arith.cmpi slt, %rem3A_417, %lt3A_420 : i32
      %lt3A_422 = arith.constant 0 : i32
      %lt3A_423 = arith.cmpi slt, %select_n3A_416, %lt3A_422 : i32
      %ne3A_424 = arith.xori %lt3A_421, %lt3A_423 : i1
      %and3A_425 = arith.andi %ne3A_424, %ne3A_419 : i1
      %add3A_426 = arith.addi %rem3A_417, %select_n3A_416 : i32
      %select_n3A_427 = arith.select %and3A_425, %add3A_426, %rem3A_417 : i32
      %dma_start3A_428 = arith.constant 0 : i32
      %dma_start3A_429 = arith.constant 0 : i32
      %dma_start3A_430 = arith.constant 0 : i32
      %dma_start3A_431 = tpu.memref_slice %arg10[%dma_start3A_428, %dma_start3A_429, %dma_start3A_430] : memref<2x128x128xf32, #tpu.memory_space<vmem>> -> memref<1x128x128xf32, #tpu.memory_space<vmem>>
      %dma_start3A_432 = tpu.memref_squeeze %dma_start3A_431 : memref<1x128x128xf32, #tpu.memory_space<vmem>> -> memref<128x128xf32, #tpu.memory_space<vmem>>
      %dma_start3A_433 = arith.constant 0 : i32
      %dma_start3A_434 = tpu.memref_slice %arg8[%select_n3A_411, %select_n3A_427, %dma_start3A_433] : memref<2x16x128xi32, #tpu.memory_space<vmem>> -> memref<1x1x128xi32, #tpu.memory_space<vmem>>
      %dma_start3A_435 = tpu.memref_squeeze %dma_start3A_434 : memref<1x1x128xi32, #tpu.memory_space<vmem>> -> memref<128xi32, #tpu.memory_space<vmem>>
      %dma_start3A_436 = arith.constant 0 : i32
      %dma_start3A_437 = arith.constant 0 : i32
      %dma_start3A_438 = tpu.memref_slice %arg11[%dma_start3A_436, %dma_start3A_437] : memref<10240x128xf32, #tpu.memory_space<vmem_shared>> -> memref<10240x128xf32, #tpu.memory_space<vmem_shared>>
      tpu.enqueue_indirect_dma source(%dma_start3A_432 : memref<128x128xf32, #tpu.memory_space<vmem>>) target(%dma_start3A_438 : memref<10240x128xf32, #tpu.memory_space<vmem_shared>>) offsets(%dma_start3A_435 : memref<128xi32, #tpu.memory_space<vmem>>) semaphore(%arg14 : memref<!tpu.dma_semaphore, #tpu.memory_space<semaphore_mem>>) {add = true}
      %mul3A_439 = arith.constant 2 : i32
      %mul3A_440 = arith.muli %mul3A_439, %while3A_179 : i32
      %add3A_441 = arith.constant 1 : i32
      %add3A_442 = arith.addi %mul3A_440, %add3A_441 : i32
      %jit3A_443 = arith.constant 16 : i32
      %div3A_444 = arith.divsi %add3A_442, %jit3A_443 : i32
      %sign3A_445 = arith.constant 0 : i32
      %sign3A_446 = arith.cmpi sgt, %add3A_442, %sign3A_445 : i32
      %sign3A_447 = arith.extui %sign3A_446 : i1 to i32
      %sign3A_448 = arith.constant 0 : i32
      %sign3A_449 = arith.cmpi slt, %add3A_442, %sign3A_448 : i32
      %sign3A_450 = arith.extui %sign3A_449 : i1 to i32
      %sign3A_451 = arith.subi %sign3A_447, %sign3A_450 : i32
      %sign3A_452 = arith.constant 0 : i32
      %sign3A_453 = arith.cmpi sgt, %jit3A_443, %sign3A_452 : i32
      %sign3A_454 = arith.extui %sign3A_453 : i1 to i32
      %sign3A_455 = arith.constant 0 : i32
      %sign3A_456 = arith.cmpi slt, %jit3A_443, %sign3A_455 : i32
      %sign3A_457 = arith.extui %sign3A_456 : i1 to i32
      %sign3A_458 = arith.subi %sign3A_454, %sign3A_457 : i32
      %ne3A_459 = arith.cmpi ne, %sign3A_451, %sign3A_458 : i32
      %rem3A_460 = arith.remsi %add3A_442, %jit3A_443 : i32
      %ne3A_461 = arith.constant 0 : i32
      %ne3A_462 = arith.cmpi ne, %rem3A_460, %ne3A_461 : i32
      %and3A_463 = arith.andi %ne3A_459, %ne3A_462 : i1
      %sub3A_464 = arith.constant 1 : i32
      %sub3A_465 = arith.subi %div3A_444, %sub3A_464 : i32
      %select_n3A_466 = arith.select %and3A_463, %sub3A_465, %div3A_444 : i32
      %jit3A_467 = arith.constant 2 : i32
      %eq3A_468 = arith.constant 0 : i32
      %eq3A_469 = arith.cmpi eq, %jit3A_467, %eq3A_468 : i32
      %jit3A_470 = arith.constant 1 : i32
      %select_n3A_471 = arith.select %eq3A_469, %jit3A_470, %jit3A_467 : i32
      %rem3A_472 = arith.remsi %select_n3A_466, %select_n3A_471 : i32
      %ne3A_473 = arith.constant 0 : i32
      %ne3A_474 = arith.cmpi ne, %rem3A_472, %ne3A_473 : i32
      %lt3A_475 = arith.constant 0 : i32
      %lt3A_476 = arith.cmpi slt, %rem3A_472, %lt3A_475 : i32
      %lt3A_477 = arith.constant 0 : i32
      %lt3A_478 = arith.cmpi slt, %select_n3A_471, %lt3A_477 : i32
      %ne3A_479 = arith.xori %lt3A_476, %lt3A_478 : i1
      %and3A_480 = arith.andi %ne3A_479, %ne3A_474 : i1
      %add3A_481 = arith.addi %rem3A_472, %select_n3A_471 : i32
      %select_n3A_482 = arith.select %and3A_480, %add3A_481, %rem3A_472 : i32
      %jit3A_483 = arith.constant 16 : i32
      %eq3A_484 = arith.constant 0 : i32
      %eq3A_485 = arith.cmpi eq, %jit3A_483, %eq3A_484 : i32
      %jit3A_486 = arith.constant 1 : i32
      %select_n3A_487 = arith.select %eq3A_485, %jit3A_486, %jit3A_483 : i32
      %rem3A_488 = arith.remsi %add3A_442, %select_n3A_487 : i32
      %ne3A_489 = arith.constant 0 : i32
      %ne3A_490 = arith.cmpi ne, %rem3A_488, %ne3A_489 : i32
      %lt3A_491 = arith.constant 0 : i32
      %lt3A_492 = arith.cmpi slt, %rem3A_488, %lt3A_491 : i32
      %lt3A_493 = arith.constant 0 : i32
      %lt3A_494 = arith.cmpi slt, %select_n3A_487, %lt3A_493 : i32
      %ne3A_495 = arith.xori %lt3A_492, %lt3A_494 : i1
      %and3A_496 = arith.andi %ne3A_495, %ne3A_490 : i1
      %add3A_497 = arith.addi %rem3A_488, %select_n3A_487 : i32
      %select_n3A_498 = arith.select %and3A_496, %add3A_497, %rem3A_488 : i32
      %dma_wait3A_499 = arith.constant 1 : i32
      %dma_wait3A_500 = arith.constant 0 : i32
      %dma_wait3A_501 = arith.constant 0 : i32
      %dma_wait3A_502 = tpu.memref_slice %arg10[%dma_wait3A_499, %dma_wait3A_500, %dma_wait3A_501] : memref<2x128x128xf32, #tpu.memory_space<vmem>> -> memref<1x128x128xf32, #tpu.memory_space<vmem>>
      %dma_wait3A_503 = tpu.memref_squeeze %dma_wait3A_502 : memref<1x128x128xf32, #tpu.memory_space<vmem>> -> memref<128x128xf32, #tpu.memory_space<vmem>>
      %dma_wait3A_504 = arith.constant 0 : i32
      %dma_wait3A_505 = tpu.memref_slice %arg7[%select_n3A_482, %select_n3A_498, %dma_wait3A_504] : memref<2x16x128xi32, #tpu.memory_space<vmem>> -> memref<1x1x128xi32, #tpu.memory_space<vmem>>
      %dma_wait3A_506 = tpu.memref_squeeze %dma_wait3A_505 : memref<1x1x128xi32, #tpu.memory_space<vmem>> -> memref<128xi32, #tpu.memory_space<vmem>>
      %dma_wait3A_507 = arith.constant 0 : i32
      %dma_wait3A_508 = arith.constant 0 : i32
      %dma_wait3A_509 = tpu.memref_slice %arg5[%dma_wait3A_507, %dma_wait3A_508] : memref<10000x128xf32, #tpu.memory_space<hbm>> -> memref<10000x128xf32, #tpu.memory_space<hbm>>
      tpu.wait_indirect_dma semaphore(%arg13 : memref<!tpu.dma_semaphore, #tpu.memory_space<semaphore_mem>>) src(%dma_wait3A_509 : memref<10000x128xf32, #tpu.memory_space<hbm>>) dst(%dma_wait3A_503 : memref<128x128xf32, #tpu.memory_space<vmem>>)
      %gt3A_510 = arith.constant 0 : i32
      %gt3A_511 = arith.cmpi sgt, %add3A_442, %gt3A_510 : i32
      %convert_element_type3A_512 = arith.extui %gt3A_511 : i1 to i32
      %cond3A_513 = arith.constant 0 : i32
      %cond3A_514 = arith.cmpi ne, %convert_element_type3A_512, %cond3A_513 : i32
      scf.if %cond3A_514 {
        %sub3A_701 = arith.constant 1 : i32
        %sub3A_702 = arith.subi %add3A_442, %sub3A_701 : i32
        %jit3A_703 = arith.constant 16 : i32
        %div3A_704 = arith.divsi %sub3A_702, %jit3A_703 : i32
        %sign3A_705 = arith.constant 0 : i32
        %sign3A_706 = arith.cmpi sgt, %sub3A_702, %sign3A_705 : i32
        %sign3A_707 = arith.extui %sign3A_706 : i1 to i32
        %sign3A_708 = arith.constant 0 : i32
        %sign3A_709 = arith.cmpi slt, %sub3A_702, %sign3A_708 : i32
        %sign3A_710 = arith.extui %sign3A_709 : i1 to i32
        %sign3A_711 = arith.subi %sign3A_707, %sign3A_710 : i32
        %sign3A_712 = arith.constant 0 : i32
        %sign3A_713 = arith.cmpi sgt, %jit3A_703, %sign3A_712 : i32
        %sign3A_714 = arith.extui %sign3A_713 : i1 to i32
        %sign3A_715 = arith.constant 0 : i32
        %sign3A_716 = arith.cmpi slt, %jit3A_703, %sign3A_715 : i32
        %sign3A_717 = arith.extui %sign3A_716 : i1 to i32
        %sign3A_718 = arith.subi %sign3A_714, %sign3A_717 : i32
        %ne3A_719 = arith.cmpi ne, %sign3A_711, %sign3A_718 : i32
        %rem3A_720 = arith.remsi %sub3A_702, %jit3A_703 : i32
        %ne3A_721 = arith.constant 0 : i32
        %ne3A_722 = arith.cmpi ne, %rem3A_720, %ne3A_721 : i32
        %and3A_723 = arith.andi %ne3A_719, %ne3A_722 : i1
        %sub3A_724 = arith.constant 1 : i32
        %sub3A_725 = arith.subi %div3A_704, %sub3A_724 : i32
        %select_n3A_726 = arith.select %and3A_723, %sub3A_725, %div3A_704 : i32
        %jit3A_727 = arith.constant 2 : i32
        %eq3A_728 = arith.constant 0 : i32
        %eq3A_729 = arith.cmpi eq, %jit3A_727, %eq3A_728 : i32
        %jit3A_730 = arith.constant 1 : i32
        %select_n3A_731 = arith.select %eq3A_729, %jit3A_730, %jit3A_727 : i32
        %rem3A_732 = arith.remsi %select_n3A_726, %select_n3A_731 : i32
        %ne3A_733 = arith.constant 0 : i32
        %ne3A_734 = arith.cmpi ne, %rem3A_732, %ne3A_733 : i32
        %lt3A_735 = arith.constant 0 : i32
        %lt3A_736 = arith.cmpi slt, %rem3A_732, %lt3A_735 : i32
        %lt3A_737 = arith.constant 0 : i32
        %lt3A_738 = arith.cmpi slt, %select_n3A_731, %lt3A_737 : i32
        %ne3A_739 = arith.xori %lt3A_736, %lt3A_738 : i1
        %and3A_740 = arith.andi %ne3A_739, %ne3A_734 : i1
        %add3A_741 = arith.addi %rem3A_732, %select_n3A_731 : i32
        %select_n3A_742 = arith.select %and3A_740, %add3A_741, %rem3A_732 : i32
        %jit3A_743 = arith.constant 16 : i32
        %eq3A_744 = arith.constant 0 : i32
        %eq3A_745 = arith.cmpi eq, %jit3A_743, %eq3A_744 : i32
        %jit3A_746 = arith.constant 1 : i32
        %select_n3A_747 = arith.select %eq3A_745, %jit3A_746, %jit3A_743 : i32
        %rem3A_748 = arith.remsi %sub3A_702, %select_n3A_747 : i32
        %ne3A_749 = arith.constant 0 : i32
        %ne3A_750 = arith.cmpi ne, %rem3A_748, %ne3A_749 : i32
        %lt3A_751 = arith.constant 0 : i32
        %lt3A_752 = arith.cmpi slt, %rem3A_748, %lt3A_751 : i32
        %lt3A_753 = arith.constant 0 : i32
        %lt3A_754 = arith.cmpi slt, %select_n3A_747, %lt3A_753 : i32
        %ne3A_755 = arith.xori %lt3A_752, %lt3A_754 : i1
        %and3A_756 = arith.andi %ne3A_755, %ne3A_750 : i1
        %add3A_757 = arith.addi %rem3A_748, %select_n3A_747 : i32
        %select_n3A_758 = arith.select %and3A_756, %add3A_757, %rem3A_748 : i32
        %dma_wait3A_759 = arith.constant 0 : i32
        %dma_wait3A_760 = arith.constant 0 : i32
        %dma_wait3A_761 = arith.constant 0 : i32
        %dma_wait3A_762 = tpu.memref_slice %arg10[%dma_wait3A_759, %dma_wait3A_760, %dma_wait3A_761] : memref<2x128x128xf32, #tpu.memory_space<vmem>> -> memref<1x128x128xf32, #tpu.memory_space<vmem>>
        %dma_wait3A_763 = tpu.memref_squeeze %dma_wait3A_762 : memref<1x128x128xf32, #tpu.memory_space<vmem>> -> memref<128x128xf32, #tpu.memory_space<vmem>>
        %dma_wait3A_764 = arith.constant 0 : i32
        %dma_wait3A_765 = tpu.memref_slice %arg8[%select_n3A_742, %select_n3A_758, %dma_wait3A_764] : memref<2x16x128xi32, #tpu.memory_space<vmem>> -> memref<1x1x128xi32, #tpu.memory_space<vmem>>
        %dma_wait3A_766 = tpu.memref_squeeze %dma_wait3A_765 : memref<1x1x128xi32, #tpu.memory_space<vmem>> -> memref<128xi32, #tpu.memory_space<vmem>>
        %dma_wait3A_767 = arith.constant 0 : i32
        %dma_wait3A_768 = arith.constant 0 : i32
        %dma_wait3A_769 = tpu.memref_slice %arg11[%dma_wait3A_767, %dma_wait3A_768] : memref<10240x128xf32, #tpu.memory_space<vmem_shared>> -> memref<10240x128xf32, #tpu.memory_space<vmem_shared>>
        tpu.wait_indirect_dma semaphore(%arg14 : memref<!tpu.dma_semaphore, #tpu.memory_space<semaphore_mem>>) src(%dma_wait3A_763 : memref<128x128xf32, #tpu.memory_space<vmem>>) dst(%dma_wait3A_769 : memref<10240x128xf32, #tpu.memory_space<vmem_shared>>)
      } else {
      }
      %jit3A_515 = arith.constant 16 : i32
      %eq3A_516 = arith.constant 0 : i32
      %eq3A_517 = arith.cmpi eq, %jit3A_515, %eq3A_516 : i32
      %jit3A_518 = arith.constant 1 : i32
      %select_n3A_519 = arith.select %eq3A_517, %jit3A_518, %jit3A_515 : i32
      %rem3A_520 = arith.remsi %add3A_442, %select_n3A_519 : i32
      %ne3A_521 = arith.constant 0 : i32
      %ne3A_522 = arith.cmpi ne, %rem3A_520, %ne3A_521 : i32
      %lt3A_523 = arith.constant 0 : i32
      %lt3A_524 = arith.cmpi slt, %rem3A_520, %lt3A_523 : i32
      %lt3A_525 = arith.constant 0 : i32
      %lt3A_526 = arith.cmpi slt, %select_n3A_519, %lt3A_525 : i32
      %ne3A_527 = arith.xori %lt3A_524, %lt3A_526 : i1
      %and3A_528 = arith.andi %ne3A_527, %ne3A_522 : i1
      %add3A_529 = arith.addi %rem3A_520, %select_n3A_519 : i32
      %select_n3A_530 = arith.select %and3A_528, %add3A_529, %rem3A_520 : i32
      %eq3A_531 = arith.constant 0 : i32
      %eq3A_532 = arith.cmpi eq, %select_n3A_530, %eq3A_531 : i32
      %jit3A_533 = arith.constant 16 : i32
      %div3A_534 = arith.divsi %add3A_442, %jit3A_533 : i32
      %sign3A_535 = arith.constant 0 : i32
      %sign3A_536 = arith.cmpi sgt, %add3A_442, %sign3A_535 : i32
      %sign3A_537 = arith.extui %sign3A_536 : i1 to i32
      %sign3A_538 = arith.constant 0 : i32
      %sign3A_539 = arith.cmpi slt, %add3A_442, %sign3A_538 : i32
      %sign3A_540 = arith.extui %sign3A_539 : i1 to i32
      %sign3A_541 = arith.subi %sign3A_537, %sign3A_540 : i32
      %sign3A_542 = arith.constant 0 : i32
      %sign3A_543 = arith.cmpi sgt, %jit3A_533, %sign3A_542 : i32
      %sign3A_544 = arith.extui %sign3A_543 : i1 to i32
      %sign3A_545 = arith.constant 0 : i32
      %sign3A_546 = arith.cmpi slt, %jit3A_533, %sign3A_545 : i32
      %sign3A_547 = arith.extui %sign3A_546 : i1 to i32
      %sign3A_548 = arith.subi %sign3A_544, %sign3A_547 : i32
      %ne3A_549 = arith.cmpi ne, %sign3A_541, %sign3A_548 : i32
      %rem3A_550 = arith.remsi %add3A_442, %jit3A_533 : i32
      %ne3A_551 = arith.constant 0 : i32
      %ne3A_552 = arith.cmpi ne, %rem3A_550, %ne3A_551 : i32
      %and3A_553 = arith.andi %ne3A_549, %ne3A_552 : i1
      %sub3A_554 = arith.constant 1 : i32
      %sub3A_555 = arith.subi %div3A_534, %sub3A_554 : i32
      %select_n3A_556 = arith.select %and3A_553, %sub3A_555, %div3A_534 : i32
      %add3A_557 = arith.constant 1 : i32
      %add3A_558 = arith.addi %select_n3A_556, %add3A_557 : i32
      %lt3A_559 = arith.cmpi slt, %add3A_558, %select_n3A_19 : i32
      %and3A_560 = arith.andi %eq3A_532, %lt3A_559 : i1
      %convert_element_type3A_561 = arith.extui %and3A_560 : i1 to i32
      %cond3A_562 = arith.constant 0 : i32
      %cond3A_563 = arith.cmpi ne, %convert_element_type3A_561, %cond3A_562 : i32
      scf.if %cond3A_563 {
        %jit3A_701 = arith.constant 16 : i32
        %div3A_702 = arith.divsi %add3A_442, %jit3A_701 : i32
        %sign3A_703 = arith.constant 0 : i32
        %sign3A_704 = arith.cmpi sgt, %add3A_442, %sign3A_703 : i32
        %sign3A_705 = arith.extui %sign3A_704 : i1 to i32
        %sign3A_706 = arith.constant 0 : i32
        %sign3A_707 = arith.cmpi slt, %add3A_442, %sign3A_706 : i32
        %sign3A_708 = arith.extui %sign3A_707 : i1 to i32
        %sign3A_709 = arith.subi %sign3A_705, %sign3A_708 : i32
        %sign3A_710 = arith.constant 0 : i32
        %sign3A_711 = arith.cmpi sgt, %jit3A_701, %sign3A_710 : i32
        %sign3A_712 = arith.extui %sign3A_711 : i1 to i32
        %sign3A_713 = arith.constant 0 : i32
        %sign3A_714 = arith.cmpi slt, %jit3A_701, %sign3A_713 : i32
        %sign3A_715 = arith.extui %sign3A_714 : i1 to i32
        %sign3A_716 = arith.subi %sign3A_712, %sign3A_715 : i32
        %ne3A_717 = arith.cmpi ne, %sign3A_709, %sign3A_716 : i32
        %rem3A_718 = arith.remsi %add3A_442, %jit3A_701 : i32
        %ne3A_719 = arith.constant 0 : i32
        %ne3A_720 = arith.cmpi ne, %rem3A_718, %ne3A_719 : i32
        %and3A_721 = arith.andi %ne3A_717, %ne3A_720 : i1
        %sub3A_722 = arith.constant 1 : i32
        %sub3A_723 = arith.subi %div3A_702, %sub3A_722 : i32
        %select_n3A_724 = arith.select %and3A_721, %sub3A_723, %div3A_702 : i32
        %add3A_725 = arith.constant 1 : i32
        %add3A_726 = arith.addi %select_n3A_724, %add3A_725 : i32
        %jit3A_727 = arith.constant 16 : i32
        %div3A_728 = arith.divsi %add3A_442, %jit3A_727 : i32
        %sign3A_729 = arith.constant 0 : i32
        %sign3A_730 = arith.cmpi sgt, %add3A_442, %sign3A_729 : i32
        %sign3A_731 = arith.extui %sign3A_730 : i1 to i32
        %sign3A_732 = arith.constant 0 : i32
        %sign3A_733 = arith.cmpi slt, %add3A_442, %sign3A_732 : i32
        %sign3A_734 = arith.extui %sign3A_733 : i1 to i32
        %sign3A_735 = arith.subi %sign3A_731, %sign3A_734 : i32
        %sign3A_736 = arith.constant 0 : i32
        %sign3A_737 = arith.cmpi sgt, %jit3A_727, %sign3A_736 : i32
        %sign3A_738 = arith.extui %sign3A_737 : i1 to i32
        %sign3A_739 = arith.constant 0 : i32
        %sign3A_740 = arith.cmpi slt, %jit3A_727, %sign3A_739 : i32
        %sign3A_741 = arith.extui %sign3A_740 : i1 to i32
        %sign3A_742 = arith.subi %sign3A_738, %sign3A_741 : i32
        %ne3A_743 = arith.cmpi ne, %sign3A_735, %sign3A_742 : i32
        %rem3A_744 = arith.remsi %add3A_442, %jit3A_727 : i32
        %ne3A_745 = arith.constant 0 : i32
        %ne3A_746 = arith.cmpi ne, %rem3A_744, %ne3A_745 : i32
        %and3A_747 = arith.andi %ne3A_743, %ne3A_746 : i1
        %sub3A_748 = arith.constant 1 : i32
        %sub3A_749 = arith.subi %div3A_728, %sub3A_748 : i32
        %select_n3A_750 = arith.select %and3A_747, %sub3A_749, %div3A_728 : i32
        %add3A_751 = arith.constant 1 : i32
        %add3A_752 = arith.addi %select_n3A_750, %add3A_751 : i32
        %jit3A_753 = arith.constant 2 : i32
        %eq3A_754 = arith.constant 0 : i32
        %eq3A_755 = arith.cmpi eq, %jit3A_753, %eq3A_754 : i32
        %jit3A_756 = arith.constant 1 : i32
        %select_n3A_757 = arith.select %eq3A_755, %jit3A_756, %jit3A_753 : i32
        %rem3A_758 = arith.remsi %add3A_752, %select_n3A_757 : i32
        %ne3A_759 = arith.constant 0 : i32
        %ne3A_760 = arith.cmpi ne, %rem3A_758, %ne3A_759 : i32
        %lt3A_761 = arith.constant 0 : i32
        %lt3A_762 = arith.cmpi slt, %rem3A_758, %lt3A_761 : i32
        %lt3A_763 = arith.constant 0 : i32
        %lt3A_764 = arith.cmpi slt, %select_n3A_757, %lt3A_763 : i32
        %ne3A_765 = arith.xori %lt3A_762, %lt3A_764 : i1
        %and3A_766 = arith.andi %ne3A_765, %ne3A_760 : i1
        %add3A_767 = arith.addi %rem3A_758, %select_n3A_757 : i32
        %select_n3A_768 = arith.select %and3A_766, %add3A_767, %rem3A_758 : i32
        %mul3A_769 = arith.constant 16 : i32
        %mul3A_770 = arith.muli %add3A_726, %mul3A_769 : i32
        %add3A_771 = arith.addi %select_n3A_26, %mul3A_770 : i32
        %dma_start3A_772 = arith.constant 0 : i32
        %dma_start3A_773 = arith.constant 0 : i32
        %dma_start3A_774 = tpu.memref_slice %arg7[%select_n3A_768, %dma_start3A_772, %dma_start3A_773] : memref<2x16x128xi32, #tpu.memory_space<vmem>> -> memref<1x16x128xi32, #tpu.memory_space<vmem>>
        %dma_start3A_775 = tpu.memref_squeeze %dma_start3A_774 : memref<1x16x128xi32, #tpu.memory_space<vmem>> -> memref<16x128xi32, #tpu.memory_space<vmem>>
        %dma_start3A_776 = arith.constant 0 : i32
        %dma_start3A_777 = tpu.memref_slice %arg2[%add3A_771, %dma_start3A_776] : memref<2560x128xi32, #tpu.memory_space<hbm>> -> memref<16x128xi32, #tpu.memory_space<hbm>>
        %dma_start3A_778 = arith.constant 0 : i32
        %dma_start3A_779 = arith.constant 0 : i32
        %dma_start3A_780 = tpu.memref_slice %arg7[%select_n3A_768, %dma_start3A_778, %dma_start3A_779] : memref<2x16x128xi32, #tpu.memory_space<vmem>> -> memref<1x16x128xi32, #tpu.memory_space<vmem>>
        %dma_start3A_781 = tpu.memref_squeeze %dma_start3A_780 : memref<1x16x128xi32, #tpu.memory_space<vmem>> -> memref<16x128xi32, #tpu.memory_space<vmem>>
        %dma_start3A_782 = arith.constant 0 : i32
        %dma_start3A_783 = tpu.memref_slice %arg2[%add3A_771, %dma_start3A_782] : memref<2560x128xi32, #tpu.memory_space<hbm>> -> memref<16x128xi32, #tpu.memory_space<hbm>>
        tpu.enqueue_dma source(%dma_start3A_783 : memref<16x128xi32, #tpu.memory_space<hbm>>) target(%dma_start3A_781 : memref<16x128xi32, #tpu.memory_space<vmem>>) target_semaphore(%arg16 : memref<!tpu.dma_semaphore, #tpu.memory_space<semaphore_mem>>)
        %mul3A_784 = arith.constant 16 : i32
        %mul3A_785 = arith.muli %add3A_726, %mul3A_784 : i32
        %add3A_786 = arith.addi %select_n3A_26, %mul3A_785 : i32
        %dma_start3A_787 = arith.constant 0 : i32
        %dma_start3A_788 = arith.constant 0 : i32
        %dma_start3A_789 = tpu.memref_slice %arg8[%select_n3A_768, %dma_start3A_787, %dma_start3A_788] : memref<2x16x128xi32, #tpu.memory_space<vmem>> -> memref<1x16x128xi32, #tpu.memory_space<vmem>>
        %dma_start3A_790 = tpu.memref_squeeze %dma_start3A_789 : memref<1x16x128xi32, #tpu.memory_space<vmem>> -> memref<16x128xi32, #tpu.memory_space<vmem>>
        %dma_start3A_791 = arith.constant 0 : i32
        %dma_start3A_792 = tpu.memref_slice %arg3[%add3A_786, %dma_start3A_791] : memref<2560x128xi32, #tpu.memory_space<hbm>> -> memref<16x128xi32, #tpu.memory_space<hbm>>
        %dma_start3A_793 = arith.constant 0 : i32
        %dma_start3A_794 = arith.constant 0 : i32
        %dma_start3A_795 = tpu.memref_slice %arg8[%select_n3A_768, %dma_start3A_793, %dma_start3A_794] : memref<2x16x128xi32, #tpu.memory_space<vmem>> -> memref<1x16x128xi32, #tpu.memory_space<vmem>>
        %dma_start3A_796 = tpu.memref_squeeze %dma_start3A_795 : memref<1x16x128xi32, #tpu.memory_space<vmem>> -> memref<16x128xi32, #tpu.memory_space<vmem>>
        %dma_start3A_797 = arith.constant 0 : i32
        %dma_start3A_798 = tpu.memref_slice %arg3[%add3A_786, %dma_start3A_797] : memref<2560x128xi32, #tpu.memory_space<hbm>> -> memref<16x128xi32, #tpu.memory_space<hbm>>
        tpu.enqueue_dma source(%dma_start3A_798 : memref<16x128xi32, #tpu.memory_space<hbm>>) target(%dma_start3A_796 : memref<16x128xi32, #tpu.memory_space<vmem>>) target_semaphore(%arg16 : memref<!tpu.dma_semaphore, #tpu.memory_space<semaphore_mem>>)
        %mul3A_799 = arith.constant 16 : i32
        %mul3A_800 = arith.muli %add3A_726, %mul3A_799 : i32
        %add3A_801 = arith.addi %select_n3A_26, %mul3A_800 : i32
        %dma_start3A_802 = arith.constant 0 : i32
        %dma_start3A_803 = arith.constant 0 : i32
        %dma_start3A_804 = tpu.memref_slice %arg9[%select_n3A_768, %dma_start3A_802, %dma_start3A_803] : memref<2x16x128xf32, #tpu.memory_space<vmem>> -> memref<1x16x128xf32, #tpu.memory_space<vmem>>
        %dma_start3A_805 = tpu.memref_squeeze %dma_start3A_804 : memref<1x16x128xf32, #tpu.memory_space<vmem>> -> memref<16x128xf32, #tpu.memory_space<vmem>>
        %dma_start3A_806 = arith.constant 0 : i32
        %dma_start3A_807 = tpu.memref_slice %arg4[%add3A_801, %dma_start3A_806] : memref<2560x128xf32, #tpu.memory_space<hbm>> -> memref<16x128xf32, #tpu.memory_space<hbm>>
        %dma_start3A_808 = arith.constant 0 : i32
        %dma_start3A_809 = arith.constant 0 : i32
        %dma_start3A_810 = tpu.memref_slice %arg9[%select_n3A_768, %dma_start3A_808, %dma_start3A_809] : memref<2x16x128xf32, #tpu.memory_space<vmem>> -> memref<1x16x128xf32, #tpu.memory_space<vmem>>
        %dma_start3A_811 = tpu.memref_squeeze %dma_start3A_810 : memref<1x16x128xf32, #tpu.memory_space<vmem>> -> memref<16x128xf32, #tpu.memory_space<vmem>>
        %dma_start3A_812 = arith.constant 0 : i32
        %dma_start3A_813 = tpu.memref_slice %arg4[%add3A_801, %dma_start3A_812] : memref<2560x128xf32, #tpu.memory_space<hbm>> -> memref<16x128xf32, #tpu.memory_space<hbm>>
        tpu.enqueue_dma source(%dma_start3A_813 : memref<16x128xf32, #tpu.memory_space<hbm>>) target(%dma_start3A_811 : memref<16x128xf32, #tpu.memory_space<vmem>>) target_semaphore(%arg16 : memref<!tpu.dma_semaphore, #tpu.memory_space<semaphore_mem>>)
      } else {
      }
      %add3A_564 = arith.constant 1 : i32
      %add3A_565 = arith.addi %add3A_442, %add3A_564 : i32
      %lt3A_566 = arith.cmpi slt, %add3A_565, %select_n3A : i32
      %convert_element_type3A_567 = arith.extui %lt3A_566 : i1 to i32
      %cond3A_568 = arith.constant 0 : i32
      %cond3A_569 = arith.cmpi ne, %convert_element_type3A_567, %cond3A_568 : i32
      scf.if %cond3A_569 {
        %add3A_701 = arith.constant 1 : i32
        %add3A_702 = arith.addi %add3A_442, %add3A_701 : i32
        %jit3A_703 = arith.constant 16 : i32
        %eq3A_704 = arith.constant 0 : i32
        %eq3A_705 = arith.cmpi eq, %jit3A_703, %eq3A_704 : i32
        %jit3A_706 = arith.constant 1 : i32
        %select_n3A_707 = arith.select %eq3A_705, %jit3A_706, %jit3A_703 : i32
        %rem3A_708 = arith.remsi %add3A_702, %select_n3A_707 : i32
        %ne3A_709 = arith.constant 0 : i32
        %ne3A_710 = arith.cmpi ne, %rem3A_708, %ne3A_709 : i32
        %lt3A_711 = arith.constant 0 : i32
        %lt3A_712 = arith.cmpi slt, %rem3A_708, %lt3A_711 : i32
        %lt3A_713 = arith.constant 0 : i32
        %lt3A_714 = arith.cmpi slt, %select_n3A_707, %lt3A_713 : i32
        %ne3A_715 = arith.xori %lt3A_712, %lt3A_714 : i1
        %and3A_716 = arith.andi %ne3A_715, %ne3A_710 : i1
        %add3A_717 = arith.addi %rem3A_708, %select_n3A_707 : i32
        %select_n3A_718 = arith.select %and3A_716, %add3A_717, %rem3A_708 : i32
        %eq3A_719 = arith.constant 0 : i32
        %eq3A_720 = arith.cmpi eq, %select_n3A_718, %eq3A_719 : i32
        %convert_element_type3A_721 = arith.extui %eq3A_720 : i1 to i32
        %cond3A_722 = arith.constant 0 : i32
        %cond3A_723 = arith.cmpi ne, %convert_element_type3A_721, %cond3A_722 : i32
        scf.if %cond3A_723 {
          %add3A_793 = arith.constant 1 : i32
          %add3A_794 = arith.addi %add3A_442, %add3A_793 : i32
          %jit3A_795 = arith.constant 16 : i32
          %div3A_796 = arith.divsi %add3A_794, %jit3A_795 : i32
          %sign3A_797 = arith.constant 0 : i32
          %sign3A_798 = arith.cmpi sgt, %add3A_794, %sign3A_797 : i32
          %sign3A_799 = arith.extui %sign3A_798 : i1 to i32
          %sign3A_800 = arith.constant 0 : i32
          %sign3A_801 = arith.cmpi slt, %add3A_794, %sign3A_800 : i32
          %sign3A_802 = arith.extui %sign3A_801 : i1 to i32
          %sign3A_803 = arith.subi %sign3A_799, %sign3A_802 : i32
          %sign3A_804 = arith.constant 0 : i32
          %sign3A_805 = arith.cmpi sgt, %jit3A_795, %sign3A_804 : i32
          %sign3A_806 = arith.extui %sign3A_805 : i1 to i32
          %sign3A_807 = arith.constant 0 : i32
          %sign3A_808 = arith.cmpi slt, %jit3A_795, %sign3A_807 : i32
          %sign3A_809 = arith.extui %sign3A_808 : i1 to i32
          %sign3A_810 = arith.subi %sign3A_806, %sign3A_809 : i32
          %ne3A_811 = arith.cmpi ne, %sign3A_803, %sign3A_810 : i32
          %rem3A_812 = arith.remsi %add3A_794, %jit3A_795 : i32
          %ne3A_813 = arith.constant 0 : i32
          %ne3A_814 = arith.cmpi ne, %rem3A_812, %ne3A_813 : i32
          %and3A_815 = arith.andi %ne3A_811, %ne3A_814 : i1
          %sub3A_816 = arith.constant 1 : i32
          %sub3A_817 = arith.subi %div3A_796, %sub3A_816 : i32
          %select_n3A_818 = arith.select %and3A_815, %sub3A_817, %div3A_796 : i32
          %jit3A_819 = arith.constant 2 : i32
          %eq3A_820 = arith.constant 0 : i32
          %eq3A_821 = arith.cmpi eq, %jit3A_819, %eq3A_820 : i32
          %jit3A_822 = arith.constant 1 : i32
          %select_n3A_823 = arith.select %eq3A_821, %jit3A_822, %jit3A_819 : i32
          %rem3A_824 = arith.remsi %select_n3A_818, %select_n3A_823 : i32
          %ne3A_825 = arith.constant 0 : i32
          %ne3A_826 = arith.cmpi ne, %rem3A_824, %ne3A_825 : i32
          %lt3A_827 = arith.constant 0 : i32
          %lt3A_828 = arith.cmpi slt, %rem3A_824, %lt3A_827 : i32
          %lt3A_829 = arith.constant 0 : i32
          %lt3A_830 = arith.cmpi slt, %select_n3A_823, %lt3A_829 : i32
          %ne3A_831 = arith.xori %lt3A_828, %lt3A_830 : i1
          %and3A_832 = arith.andi %ne3A_831, %ne3A_826 : i1
          %add3A_833 = arith.addi %rem3A_824, %select_n3A_823 : i32
          %select_n3A_834 = arith.select %and3A_832, %add3A_833, %rem3A_824 : i32
          %dma_wait3A_835 = arith.constant 0 : i32
          %dma_wait3A_836 = arith.constant 0 : i32
          %dma_wait3A_837 = tpu.memref_slice %arg7[%select_n3A_834, %dma_wait3A_835, %dma_wait3A_836] : memref<2x16x128xi32, #tpu.memory_space<vmem>> -> memref<1x16x128xi32, #tpu.memory_space<vmem>>
          %dma_wait3A_838 = tpu.memref_squeeze %dma_wait3A_837 : memref<1x16x128xi32, #tpu.memory_space<vmem>> -> memref<16x128xi32, #tpu.memory_space<vmem>>
          %dma_wait3A_839 = arith.constant 0 : i32
          %dma_wait3A_840 = arith.constant 0 : i32
          %dma_wait3A_841 = tpu.memref_slice %arg2[%dma_wait3A_839, %dma_wait3A_840] : memref<2560x128xi32, #tpu.memory_space<hbm>> -> memref<16x128xi32, #tpu.memory_space<hbm>>
          %dma_wait3A_842 = arith.constant 0 : i32
          %dma_wait3A_843 = arith.constant 0 : i32
          %dma_wait3A_844 = tpu.memref_slice %arg7[%select_n3A_834, %dma_wait3A_842, %dma_wait3A_843] : memref<2x16x128xi32, #tpu.memory_space<vmem>> -> memref<1x16x128xi32, #tpu.memory_space<vmem>>
          %dma_wait3A_845 = tpu.memref_squeeze %dma_wait3A_844 : memref<1x16x128xi32, #tpu.memory_space<vmem>> -> memref<16x128xi32, #tpu.memory_space<vmem>>
          %dma_wait3A_846 = arith.constant 0 : i32
          %dma_wait3A_847 = arith.constant 0 : i32
          %dma_wait3A_848 = tpu.memref_slice %arg2[%dma_wait3A_846, %dma_wait3A_847] : memref<2560x128xi32, #tpu.memory_space<hbm>> -> memref<16x128xi32, #tpu.memory_space<hbm>>
          tpu.wait_dma2 semaphore(%arg16 : memref<!tpu.dma_semaphore, #tpu.memory_space<semaphore_mem>>) src(%dma_wait3A_848 : memref<16x128xi32, #tpu.memory_space<hbm>>) dst(%dma_wait3A_845 : memref<16x128xi32, #tpu.memory_space<vmem>>)
          %dma_wait3A_849 = arith.constant 0 : i32
          %dma_wait3A_850 = arith.constant 0 : i32
          %dma_wait3A_851 = tpu.memref_slice %arg8[%select_n3A_834, %dma_wait3A_849, %dma_wait3A_850] : memref<2x16x128xi32, #tpu.memory_space<vmem>> -> memref<1x16x128xi32, #tpu.memory_space<vmem>>
          %dma_wait3A_852 = tpu.memref_squeeze %dma_wait3A_851 : memref<1x16x128xi32, #tpu.memory_space<vmem>> -> memref<16x128xi32, #tpu.memory_space<vmem>>
          %dma_wait3A_853 = arith.constant 0 : i32
          %dma_wait3A_854 = arith.constant 0 : i32
          %dma_wait3A_855 = tpu.memref_slice %arg3[%dma_wait3A_853, %dma_wait3A_854] : memref<2560x128xi32, #tpu.memory_space<hbm>> -> memref<16x128xi32, #tpu.memory_space<hbm>>
          %dma_wait3A_856 = arith.constant 0 : i32
          %dma_wait3A_857 = arith.constant 0 : i32
          %dma_wait3A_858 = tpu.memref_slice %arg8[%select_n3A_834, %dma_wait3A_856, %dma_wait3A_857] : memref<2x16x128xi32, #tpu.memory_space<vmem>> -> memref<1x16x128xi32, #tpu.memory_space<vmem>>
          %dma_wait3A_859 = tpu.memref_squeeze %dma_wait3A_858 : memref<1x16x128xi32, #tpu.memory_space<vmem>> -> memref<16x128xi32, #tpu.memory_space<vmem>>
          %dma_wait3A_860 = arith.constant 0 : i32
          %dma_wait3A_861 = arith.constant 0 : i32
          %dma_wait3A_862 = tpu.memref_slice %arg3[%dma_wait3A_860, %dma_wait3A_861] : memref<2560x128xi32, #tpu.memory_space<hbm>> -> memref<16x128xi32, #tpu.memory_space<hbm>>
          tpu.wait_dma2 semaphore(%arg16 : memref<!tpu.dma_semaphore, #tpu.memory_space<semaphore_mem>>) src(%dma_wait3A_862 : memref<16x128xi32, #tpu.memory_space<hbm>>) dst(%dma_wait3A_859 : memref<16x128xi32, #tpu.memory_space<vmem>>)
          %dma_wait3A_863 = arith.constant 0 : i32
          %dma_wait3A_864 = arith.constant 0 : i32
          %dma_wait3A_865 = tpu.memref_slice %arg9[%select_n3A_834, %dma_wait3A_863, %dma_wait3A_864] : memref<2x16x128xf32, #tpu.memory_space<vmem>> -> memref<1x16x128xf32, #tpu.memory_space<vmem>>
          %dma_wait3A_866 = tpu.memref_squeeze %dma_wait3A_865 : memref<1x16x128xf32, #tpu.memory_space<vmem>> -> memref<16x128xf32, #tpu.memory_space<vmem>>
          %dma_wait3A_867 = arith.constant 0 : i32
          %dma_wait3A_868 = arith.constant 0 : i32
          %dma_wait3A_869 = tpu.memref_slice %arg4[%dma_wait3A_867, %dma_wait3A_868] : memref<2560x128xf32, #tpu.memory_space<hbm>> -> memref<16x128xf32, #tpu.memory_space<hbm>>
          %dma_wait3A_870 = arith.constant 0 : i32
          %dma_wait3A_871 = arith.constant 0 : i32
          %dma_wait3A_872 = tpu.memref_slice %arg9[%select_n3A_834, %dma_wait3A_870, %dma_wait3A_871] : memref<2x16x128xf32, #tpu.memory_space<vmem>> -> memref<1x16x128xf32, #tpu.memory_space<vmem>>
          %dma_wait3A_873 = tpu.memref_squeeze %dma_wait3A_872 : memref<1x16x128xf32, #tpu.memory_space<vmem>> -> memref<16x128xf32, #tpu.memory_space<vmem>>
          %dma_wait3A_874 = arith.constant 0 : i32
          %dma_wait3A_875 = arith.constant 0 : i32
          %dma_wait3A_876 = tpu.memref_slice %arg4[%dma_wait3A_874, %dma_wait3A_875] : memref<2560x128xf32, #tpu.memory_space<hbm>> -> memref<16x128xf32, #tpu.memory_space<hbm>>
          tpu.wait_dma2 semaphore(%arg16 : memref<!tpu.dma_semaphore, #tpu.memory_space<semaphore_mem>>) src(%dma_wait3A_876 : memref<16x128xf32, #tpu.memory_space<hbm>>) dst(%dma_wait3A_873 : memref<16x128xf32, #tpu.memory_space<vmem>>)
        } else {
        }
        %add3A_724 = arith.constant 1 : i32
        %add3A_725 = arith.addi %add3A_442, %add3A_724 : i32
        %jit3A_726 = arith.constant 16 : i32
        %div3A_727 = arith.divsi %add3A_725, %jit3A_726 : i32
        %sign3A_728 = arith.constant 0 : i32
        %sign3A_729 = arith.cmpi sgt, %add3A_725, %sign3A_728 : i32
        %sign3A_730 = arith.extui %sign3A_729 : i1 to i32
        %sign3A_731 = arith.constant 0 : i32
        %sign3A_732 = arith.cmpi slt, %add3A_725, %sign3A_731 : i32
        %sign3A_733 = arith.extui %sign3A_732 : i1 to i32
        %sign3A_734 = arith.subi %sign3A_730, %sign3A_733 : i32
        %sign3A_735 = arith.constant 0 : i32
        %sign3A_736 = arith.cmpi sgt, %jit3A_726, %sign3A_735 : i32
        %sign3A_737 = arith.extui %sign3A_736 : i1 to i32
        %sign3A_738 = arith.constant 0 : i32
        %sign3A_739 = arith.cmpi slt, %jit3A_726, %sign3A_738 : i32
        %sign3A_740 = arith.extui %sign3A_739 : i1 to i32
        %sign3A_741 = arith.subi %sign3A_737, %sign3A_740 : i32
        %ne3A_742 = arith.cmpi ne, %sign3A_734, %sign3A_741 : i32
        %rem3A_743 = arith.remsi %add3A_725, %jit3A_726 : i32
        %ne3A_744 = arith.constant 0 : i32
        %ne3A_745 = arith.cmpi ne, %rem3A_743, %ne3A_744 : i32
        %and3A_746 = arith.andi %ne3A_742, %ne3A_745 : i1
        %sub3A_747 = arith.constant 1 : i32
        %sub3A_748 = arith.subi %div3A_727, %sub3A_747 : i32
        %select_n3A_749 = arith.select %and3A_746, %sub3A_748, %div3A_727 : i32
        %jit3A_750 = arith.constant 2 : i32
        %eq3A_751 = arith.constant 0 : i32
        %eq3A_752 = arith.cmpi eq, %jit3A_750, %eq3A_751 : i32
        %jit3A_753 = arith.constant 1 : i32
        %select_n3A_754 = arith.select %eq3A_752, %jit3A_753, %jit3A_750 : i32
        %rem3A_755 = arith.remsi %select_n3A_749, %select_n3A_754 : i32
        %ne3A_756 = arith.constant 0 : i32
        %ne3A_757 = arith.cmpi ne, %rem3A_755, %ne3A_756 : i32
        %lt3A_758 = arith.constant 0 : i32
        %lt3A_759 = arith.cmpi slt, %rem3A_755, %lt3A_758 : i32
        %lt3A_760 = arith.constant 0 : i32
        %lt3A_761 = arith.cmpi slt, %select_n3A_754, %lt3A_760 : i32
        %ne3A_762 = arith.xori %lt3A_759, %lt3A_761 : i1
        %and3A_763 = arith.andi %ne3A_762, %ne3A_757 : i1
        %add3A_764 = arith.addi %rem3A_755, %select_n3A_754 : i32
        %select_n3A_765 = arith.select %and3A_763, %add3A_764, %rem3A_755 : i32
        %jit3A_766 = arith.constant 16 : i32
        %eq3A_767 = arith.constant 0 : i32
        %eq3A_768 = arith.cmpi eq, %jit3A_766, %eq3A_767 : i32
        %jit3A_769 = arith.constant 1 : i32
        %select_n3A_770 = arith.select %eq3A_768, %jit3A_769, %jit3A_766 : i32
        %rem3A_771 = arith.remsi %add3A_725, %select_n3A_770 : i32
        %ne3A_772 = arith.constant 0 : i32
        %ne3A_773 = arith.cmpi ne, %rem3A_771, %ne3A_772 : i32
        %lt3A_774 = arith.constant 0 : i32
        %lt3A_775 = arith.cmpi slt, %rem3A_771, %lt3A_774 : i32
        %lt3A_776 = arith.constant 0 : i32
        %lt3A_777 = arith.cmpi slt, %select_n3A_770, %lt3A_776 : i32
        %ne3A_778 = arith.xori %lt3A_775, %lt3A_777 : i1
        %and3A_779 = arith.andi %ne3A_778, %ne3A_773 : i1
        %add3A_780 = arith.addi %rem3A_771, %select_n3A_770 : i32
        %select_n3A_781 = arith.select %and3A_779, %add3A_780, %rem3A_771 : i32
        %dma_start3A_782 = arith.constant 0 : i32
        %dma_start3A_783 = arith.constant 0 : i32
        %dma_start3A_784 = arith.constant 0 : i32
        %dma_start3A_785 = tpu.memref_slice %arg10[%dma_start3A_782, %dma_start3A_783, %dma_start3A_784] : memref<2x128x128xf32, #tpu.memory_space<vmem>> -> memref<1x128x128xf32, #tpu.memory_space<vmem>>
        %dma_start3A_786 = tpu.memref_squeeze %dma_start3A_785 : memref<1x128x128xf32, #tpu.memory_space<vmem>> -> memref<128x128xf32, #tpu.memory_space<vmem>>
        %dma_start3A_787 = arith.constant 0 : i32
        %dma_start3A_788 = tpu.memref_slice %arg7[%select_n3A_765, %select_n3A_781, %dma_start3A_787] : memref<2x16x128xi32, #tpu.memory_space<vmem>> -> memref<1x1x128xi32, #tpu.memory_space<vmem>>
        %dma_start3A_789 = tpu.memref_squeeze %dma_start3A_788 : memref<1x1x128xi32, #tpu.memory_space<vmem>> -> memref<128xi32, #tpu.memory_space<vmem>>
        %dma_start3A_790 = arith.constant 0 : i32
        %dma_start3A_791 = arith.constant 0 : i32
        %dma_start3A_792 = tpu.memref_slice %arg5[%dma_start3A_790, %dma_start3A_791] : memref<10000x128xf32, #tpu.memory_space<hbm>> -> memref<10000x128xf32, #tpu.memory_space<hbm>>
        tpu.enqueue_indirect_dma source(%dma_start3A_792 : memref<10000x128xf32, #tpu.memory_space<hbm>>) target(%dma_start3A_786 : memref<128x128xf32, #tpu.memory_space<vmem>>) offsets(%dma_start3A_789 : memref<128xi32, #tpu.memory_space<vmem>>) semaphore(%arg12 : memref<!tpu.dma_semaphore, #tpu.memory_space<semaphore_mem>>)
      } else {
      }
      %jit3A_570 = arith.constant 16 : i32
      %div3A_571 = arith.divsi %add3A_442, %jit3A_570 : i32
      %sign3A_572 = arith.constant 0 : i32
      %sign3A_573 = arith.cmpi sgt, %add3A_442, %sign3A_572 : i32
      %sign3A_574 = arith.extui %sign3A_573 : i1 to i32
      %sign3A_575 = arith.constant 0 : i32
      %sign3A_576 = arith.cmpi slt, %add3A_442, %sign3A_575 : i32
      %sign3A_577 = arith.extui %sign3A_576 : i1 to i32
      %sign3A_578 = arith.subi %sign3A_574, %sign3A_577 : i32
      %sign3A_579 = arith.constant 0 : i32
      %sign3A_580 = arith.cmpi sgt, %jit3A_570, %sign3A_579 : i32
      %sign3A_581 = arith.extui %sign3A_580 : i1 to i32
      %sign3A_582 = arith.constant 0 : i32
      %sign3A_583 = arith.cmpi slt, %jit3A_570, %sign3A_582 : i32
      %sign3A_584 = arith.extui %sign3A_583 : i1 to i32
      %sign3A_585 = arith.subi %sign3A_581, %sign3A_584 : i32
      %ne3A_586 = arith.cmpi ne, %sign3A_578, %sign3A_585 : i32
      %rem3A_587 = arith.remsi %add3A_442, %jit3A_570 : i32
      %ne3A_588 = arith.constant 0 : i32
      %ne3A_589 = arith.cmpi ne, %rem3A_587, %ne3A_588 : i32
      %and3A_590 = arith.andi %ne3A_586, %ne3A_589 : i1
      %sub3A_591 = arith.constant 1 : i32
      %sub3A_592 = arith.subi %div3A_571, %sub3A_591 : i32
      %select_n3A_593 = arith.select %and3A_590, %sub3A_592, %div3A_571 : i32
      %jit3A_594 = arith.constant 2 : i32
      %eq3A_595 = arith.constant 0 : i32
      %eq3A_596 = arith.cmpi eq, %jit3A_594, %eq3A_595 : i32
      %jit3A_597 = arith.constant 1 : i32
      %select_n3A_598 = arith.select %eq3A_596, %jit3A_597, %jit3A_594 : i32
      %rem3A_599 = arith.remsi %select_n3A_593, %select_n3A_598 : i32
      %ne3A_600 = arith.constant 0 : i32
      %ne3A_601 = arith.cmpi ne, %rem3A_599, %ne3A_600 : i32
      %lt3A_602 = arith.constant 0 : i32
      %lt3A_603 = arith.cmpi slt, %rem3A_599, %lt3A_602 : i32
      %lt3A_604 = arith.constant 0 : i32
      %lt3A_605 = arith.cmpi slt, %select_n3A_598, %lt3A_604 : i32
      %ne3A_606 = arith.xori %lt3A_603, %lt3A_605 : i1
      %and3A_607 = arith.andi %ne3A_606, %ne3A_601 : i1
      %add3A_608 = arith.addi %rem3A_599, %select_n3A_598 : i32
      %select_n3A_609 = arith.select %and3A_607, %add3A_608, %rem3A_599 : i32
      %jit3A_610 = arith.constant 16 : i32
      %eq3A_611 = arith.constant 0 : i32
      %eq3A_612 = arith.cmpi eq, %jit3A_610, %eq3A_611 : i32
      %jit3A_613 = arith.constant 1 : i32
      %select_n3A_614 = arith.select %eq3A_612, %jit3A_613, %jit3A_610 : i32
      %rem3A_615 = arith.remsi %add3A_442, %select_n3A_614 : i32
      %ne3A_616 = arith.constant 0 : i32
      %ne3A_617 = arith.cmpi ne, %rem3A_615, %ne3A_616 : i32
      %lt3A_618 = arith.constant 0 : i32
      %lt3A_619 = arith.cmpi slt, %rem3A_615, %lt3A_618 : i32
      %lt3A_620 = arith.constant 0 : i32
      %lt3A_621 = arith.cmpi slt, %select_n3A_614, %lt3A_620 : i32
      %ne3A_622 = arith.xori %lt3A_619, %lt3A_621 : i1
      %and3A_623 = arith.andi %ne3A_622, %ne3A_617 : i1
      %add3A_624 = arith.addi %rem3A_615, %select_n3A_614 : i32
      %select_n3A_625 = arith.select %and3A_623, %add3A_624, %rem3A_615 : i32
      %scan3A_626 = arith.constant 0 : i32
      %scan3A_627 = arith.constant 0 : i32
      %scan3A_628 = arith.constant 64 : i32
      %scan3A_629 = arith.addi %scan3A_627, %scan3A_628 : i32
      %scan3A_630 = arith.constant 1 : i32
      %scan3A_631 = scf.for %scan3A_701 = %scan3A_627 to %scan3A_629 step %scan3A_630 iter_args(%scan3A_702 = %scan3A_626) -> (i32)  : i32 {
        %mul3A_703 = arith.constant 2 : i32
        %mul3A_704 = arith.muli %mul3A_703, %scan3A_701 : i32
        %mul3A_705 = arith.constant 2 : i32
        %mul3A_706 = arith.muli %mul3A_705, %scan3A_701 : i32
        %add3A_707 = arith.constant 1 : i32
        %add3A_708 = arith.addi %mul3A_706, %add3A_707 : i32
        %broadcast_in_dim3A = vector.broadcast %select_n3A_609 : i32 to vector<16xi32>
        %broadcast_in_dim3A_709 = vector.broadcast %select_n3A_625 : i32 to vector<16xi32>
        %broadcast_in_dim3A_710 = vector.broadcast %mul3A_704 : i32 to vector<16xi32>
        %gather3A = tpu.vector_load_idx %arg9[%broadcast_in_dim3A, %broadcast_in_dim3A_709, %broadcast_in_dim3A_710] : memref<2x16x128xf32, #tpu.memory_space<vmem>>[vector<16xi32>, vector<16xi32>, vector<16xi32>], vector<16xf32>,
        %get3A = arith.constant 1 : i32
        %get3A_711 = arith.index_cast %get3A : i32 to index
        %get3A_712 = arith.index_cast %mul3A_704 : i32 to index
        %get3A_713 = arith.constant 0 : index
        %get3A_714 = tpu.vector_load %arg10[%get3A_711, %get3A_712, %get3A_713] {strides = array<i32>} : memref<2x128x128xf32, #tpu.memory_space<vmem>>, vector<16xf32>,
        %mul3A_715 = arith.mulf %get3A_714, %gather3A : vector<16xf32>
        %swap3A = arith.constant 1 : i32
        %swap3A_716 = arith.index_cast %swap3A : i32 to index
        %swap3A_717 = arith.index_cast %mul3A_704 : i32 to index
        %swap3A_718 = arith.constant 0 : index
        %swap3A_719 = tpu.vector_load %arg10[%swap3A_716, %swap3A_717, %swap3A_718] {strides = array<i32>} : memref<2x128x128xf32, #tpu.memory_space<vmem>>, vector<16xf32>,
        tpu.vector_store %arg10[%swap3A_716, %swap3A_717, %swap3A_718], %mul3A_715 {strides = array<i32>} : memref<2x128x128xf32, #tpu.memory_space<vmem>>, vector<16xf32>,
        %get3A_720 = arith.constant 1 : i32
        %get3A_721 = arith.index_cast %get3A_720 : i32 to index
        %get3A_722 = arith.index_cast %mul3A_704 : i32 to index
        %get3A_723 = arith.constant 16 : index
        %get3A_724 = tpu.vector_load %arg10[%get3A_721, %get3A_722, %get3A_723] {strides = array<i32>} : memref<2x128x128xf32, #tpu.memory_space<vmem>>, vector<16xf32>,
        %mul3A_725 = arith.mulf %get3A_724, %gather3A : vector<16xf32>
        %swap3A_726 = arith.constant 1 : i32
        %swap3A_727 = arith.index_cast %swap3A_726 : i32 to index
        %swap3A_728 = arith.index_cast %mul3A_704 : i32 to index
        %swap3A_729 = arith.constant 16 : index
        %swap3A_730 = tpu.vector_load %arg10[%swap3A_727, %swap3A_728, %swap3A_729] {strides = array<i32>} : memref<2x128x128xf32, #tpu.memory_space<vmem>>, vector<16xf32>,
        tpu.vector_store %arg10[%swap3A_727, %swap3A_728, %swap3A_729], %mul3A_725 {strides = array<i32>} : memref<2x128x128xf32, #tpu.memory_space<vmem>>, vector<16xf32>,
        %get3A_731 = arith.constant 1 : i32
        %get3A_732 = arith.index_cast %get3A_731 : i32 to index
        %get3A_733 = arith.index_cast %mul3A_704 : i32 to index
        %get3A_734 = arith.constant 32 : index
        %get3A_735 = tpu.vector_load %arg10[%get3A_732, %get3A_733, %get3A_734] {strides = array<i32>} : memref<2x128x128xf32, #tpu.memory_space<vmem>>, vector<16xf32>,
        %mul3A_736 = arith.mulf %get3A_735, %gather3A : vector<16xf32>
        %swap3A_737 = arith.constant 1 : i32
        %swap3A_738 = arith.index_cast %swap3A_737 : i32 to index
        %swap3A_739 = arith.index_cast %mul3A_704 : i32 to index
        %swap3A_740 = arith.constant 32 : index
        %swap3A_741 = tpu.vector_load %arg10[%swap3A_738, %swap3A_739, %swap3A_740] {strides = array<i32>} : memref<2x128x128xf32, #tpu.memory_space<vmem>>, vector<16xf32>,
        tpu.vector_store %arg10[%swap3A_738, %swap3A_739, %swap3A_740], %mul3A_736 {strides = array<i32>} : memref<2x128x128xf32, #tpu.memory_space<vmem>>, vector<16xf32>,
        %get3A_742 = arith.constant 1 : i32
        %get3A_743 = arith.index_cast %get3A_742 : i32 to index
        %get3A_744 = arith.index_cast %mul3A_704 : i32 to index
        %get3A_745 = arith.constant 48 : index
        %get3A_746 = tpu.vector_load %arg10[%get3A_743, %get3A_744, %get3A_745] {strides = array<i32>} : memref<2x128x128xf32, #tpu.memory_space<vmem>>, vector<16xf32>,
        %mul3A_747 = arith.mulf %get3A_746, %gather3A : vector<16xf32>
        %swap3A_748 = arith.constant 1 : i32
        %swap3A_749 = arith.index_cast %swap3A_748 : i32 to index
        %swap3A_750 = arith.index_cast %mul3A_704 : i32 to index
        %swap3A_751 = arith.constant 48 : index
        %swap3A_752 = tpu.vector_load %arg10[%swap3A_749, %swap3A_750, %swap3A_751] {strides = array<i32>} : memref<2x128x128xf32, #tpu.memory_space<vmem>>, vector<16xf32>,
        tpu.vector_store %arg10[%swap3A_749, %swap3A_750, %swap3A_751], %mul3A_747 {strides = array<i32>} : memref<2x128x128xf32, #tpu.memory_space<vmem>>, vector<16xf32>,
        %get3A_753 = arith.constant 1 : i32
        %get3A_754 = arith.index_cast %get3A_753 : i32 to index
        %get3A_755 = arith.index_cast %mul3A_704 : i32 to index
        %get3A_756 = arith.constant 64 : index
        %get3A_757 = tpu.vector_load %arg10[%get3A_754, %get3A_755, %get3A_756] {strides = array<i32>} : memref<2x128x128xf32, #tpu.memory_space<vmem>>, vector<16xf32>,
        %mul3A_758 = arith.mulf %get3A_757, %gather3A : vector<16xf32>
        %swap3A_759 = arith.constant 1 : i32
        %swap3A_760 = arith.index_cast %swap3A_759 : i32 to index
        %swap3A_761 = arith.index_cast %mul3A_704 : i32 to index
        %swap3A_762 = arith.constant 64 : index
        %swap3A_763 = tpu.vector_load %arg10[%swap3A_760, %swap3A_761, %swap3A_762] {strides = array<i32>} : memref<2x128x128xf32, #tpu.memory_space<vmem>>, vector<16xf32>,
        tpu.vector_store %arg10[%swap3A_760, %swap3A_761, %swap3A_762], %mul3A_758 {strides = array<i32>} : memref<2x128x128xf32, #tpu.memory_space<vmem>>, vector<16xf32>,
        %get3A_764 = arith.constant 1 : i32
        %get3A_765 = arith.index_cast %get3A_764 : i32 to index
        %get3A_766 = arith.index_cast %mul3A_704 : i32 to index
        %get3A_767 = arith.constant 80 : index
        %get3A_768 = tpu.vector_load %arg10[%get3A_765, %get3A_766, %get3A_767] {strides = array<i32>} : memref<2x128x128xf32, #tpu.memory_space<vmem>>, vector<16xf32>,
        %mul3A_769 = arith.mulf %get3A_768, %gather3A : vector<16xf32>
        %swap3A_770 = arith.constant 1 : i32
        %swap3A_771 = arith.index_cast %swap3A_770 : i32 to index
        %swap3A_772 = arith.index_cast %mul3A_704 : i32 to index
        %swap3A_773 = arith.constant 80 : index
        %swap3A_774 = tpu.vector_load %arg10[%swap3A_771, %swap3A_772, %swap3A_773] {strides = array<i32>} : memref<2x128x128xf32, #tpu.memory_space<vmem>>, vector<16xf32>,
        tpu.vector_store %arg10[%swap3A_771, %swap3A_772, %swap3A_773], %mul3A_769 {strides = array<i32>} : memref<2x128x128xf32, #tpu.memory_space<vmem>>, vector<16xf32>,
        %get3A_775 = arith.constant 1 : i32
        %get3A_776 = arith.index_cast %get3A_775 : i32 to index
        %get3A_777 = arith.index_cast %mul3A_704 : i32 to index
        %get3A_778 = arith.constant 96 : index
        %get3A_779 = tpu.vector_load %arg10[%get3A_776, %get3A_777, %get3A_778] {strides = array<i32>} : memref<2x128x128xf32, #tpu.memory_space<vmem>>, vector<16xf32>,
        %mul3A_780 = arith.mulf %get3A_779, %gather3A : vector<16xf32>
        %swap3A_781 = arith.constant 1 : i32
        %swap3A_782 = arith.index_cast %swap3A_781 : i32 to index
        %swap3A_783 = arith.index_cast %mul3A_704 : i32 to index
        %swap3A_784 = arith.constant 96 : index
        %swap3A_785 = tpu.vector_load %arg10[%swap3A_782, %swap3A_783, %swap3A_784] {strides = array<i32>} : memref<2x128x128xf32, #tpu.memory_space<vmem>>, vector<16xf32>,
        tpu.vector_store %arg10[%swap3A_782, %swap3A_783, %swap3A_784], %mul3A_780 {strides = array<i32>} : memref<2x128x128xf32, #tpu.memory_space<vmem>>, vector<16xf32>,
        %get3A_786 = arith.constant 1 : i32
        %get3A_787 = arith.index_cast %get3A_786 : i32 to index
        %get3A_788 = arith.index_cast %mul3A_704 : i32 to index
        %get3A_789 = arith.constant 112 : index
        %get3A_790 = tpu.vector_load %arg10[%get3A_787, %get3A_788, %get3A_789] {strides = array<i32>} : memref<2x128x128xf32, #tpu.memory_space<vmem>>, vector<16xf32>,
        %mul3A_791 = arith.mulf %get3A_790, %gather3A : vector<16xf32>
        %swap3A_792 = arith.constant 1 : i32
        %swap3A_793 = arith.index_cast %swap3A_792 : i32 to index
        %swap3A_794 = arith.index_cast %mul3A_704 : i32 to index
        %swap3A_795 = arith.constant 112 : index
        %swap3A_796 = tpu.vector_load %arg10[%swap3A_793, %swap3A_794, %swap3A_795] {strides = array<i32>} : memref<2x128x128xf32, #tpu.memory_space<vmem>>, vector<16xf32>,
        tpu.vector_store %arg10[%swap3A_793, %swap3A_794, %swap3A_795], %mul3A_791 {strides = array<i32>} : memref<2x128x128xf32, #tpu.memory_space<vmem>>, vector<16xf32>,
        %broadcast_in_dim3A_797 = vector.broadcast %select_n3A_609 : i32 to vector<16xi32>
        %broadcast_in_dim3A_798 = vector.broadcast %select_n3A_625 : i32 to vector<16xi32>
        %broadcast_in_dim3A_799 = vector.broadcast %add3A_708 : i32 to vector<16xi32>
        %gather3A_800 = tpu.vector_load_idx %arg9[%broadcast_in_dim3A_797, %broadcast_in_dim3A_798, %broadcast_in_dim3A_799] : memref<2x16x128xf32, #tpu.memory_space<vmem>>[vector<16xi32>, vector<16xi32>, vector<16xi32>], vector<16xf32>,
        %get3A_801 = arith.constant 1 : i32
        %get3A_802 = arith.index_cast %get3A_801 : i32 to index
        %get3A_803 = arith.index_cast %add3A_708 : i32 to index
        %get3A_804 = arith.constant 0 : index
        %get3A_805 = tpu.vector_load %arg10[%get3A_802, %get3A_803, %get3A_804] {strides = array<i32>} : memref<2x128x128xf32, #tpu.memory_space<vmem>>, vector<16xf32>,
        %mul3A_806 = arith.mulf %get3A_805, %gather3A_800 : vector<16xf32>
        %swap3A_807 = arith.constant 1 : i32
        %swap3A_808 = arith.index_cast %swap3A_807 : i32 to index
        %swap3A_809 = arith.index_cast %add3A_708 : i32 to index
        %swap3A_810 = arith.constant 0 : index
        %swap3A_811 = tpu.vector_load %arg10[%swap3A_808, %swap3A_809, %swap3A_810] {strides = array<i32>} : memref<2x128x128xf32, #tpu.memory_space<vmem>>, vector<16xf32>,
        tpu.vector_store %arg10[%swap3A_808, %swap3A_809, %swap3A_810], %mul3A_806 {strides = array<i32>} : memref<2x128x128xf32, #tpu.memory_space<vmem>>, vector<16xf32>,
        %get3A_812 = arith.constant 1 : i32
        %get3A_813 = arith.index_cast %get3A_812 : i32 to index
        %get3A_814 = arith.index_cast %add3A_708 : i32 to index
        %get3A_815 = arith.constant 16 : index
        %get3A_816 = tpu.vector_load %arg10[%get3A_813, %get3A_814, %get3A_815] {strides = array<i32>} : memref<2x128x128xf32, #tpu.memory_space<vmem>>, vector<16xf32>,
        %mul3A_817 = arith.mulf %get3A_816, %gather3A_800 : vector<16xf32>
        %swap3A_818 = arith.constant 1 : i32
        %swap3A_819 = arith.index_cast %swap3A_818 : i32 to index
        %swap3A_820 = arith.index_cast %add3A_708 : i32 to index
        %swap3A_821 = arith.constant 16 : index
        %swap3A_822 = tpu.vector_load %arg10[%swap3A_819, %swap3A_820, %swap3A_821] {strides = array<i32>} : memref<2x128x128xf32, #tpu.memory_space<vmem>>, vector<16xf32>,
        tpu.vector_store %arg10[%swap3A_819, %swap3A_820, %swap3A_821], %mul3A_817 {strides = array<i32>} : memref<2x128x128xf32, #tpu.memory_space<vmem>>, vector<16xf32>,
        %get3A_823 = arith.constant 1 : i32
        %get3A_824 = arith.index_cast %get3A_823 : i32 to index
        %get3A_825 = arith.index_cast %add3A_708 : i32 to index
        %get3A_826 = arith.constant 32 : index
        %get3A_827 = tpu.vector_load %arg10[%get3A_824, %get3A_825, %get3A_826] {strides = array<i32>} : memref<2x128x128xf32, #tpu.memory_space<vmem>>, vector<16xf32>,
        %mul3A_828 = arith.mulf %get3A_827, %gather3A_800 : vector<16xf32>
        %swap3A_829 = arith.constant 1 : i32
        %swap3A_830 = arith.index_cast %swap3A_829 : i32 to index
        %swap3A_831 = arith.index_cast %add3A_708 : i32 to index
        %swap3A_832 = arith.constant 32 : index
        %swap3A_833 = tpu.vector_load %arg10[%swap3A_830, %swap3A_831, %swap3A_832] {strides = array<i32>} : memref<2x128x128xf32, #tpu.memory_space<vmem>>, vector<16xf32>,
        tpu.vector_store %arg10[%swap3A_830, %swap3A_831, %swap3A_832], %mul3A_828 {strides = array<i32>} : memref<2x128x128xf32, #tpu.memory_space<vmem>>, vector<16xf32>,
        %get3A_834 = arith.constant 1 : i32
        %get3A_835 = arith.index_cast %get3A_834 : i32 to index
        %get3A_836 = arith.index_cast %add3A_708 : i32 to index
        %get3A_837 = arith.constant 48 : index
        %get3A_838 = tpu.vector_load %arg10[%get3A_835, %get3A_836, %get3A_837] {strides = array<i32>} : memref<2x128x128xf32, #tpu.memory_space<vmem>>, vector<16xf32>,
        %mul3A_839 = arith.mulf %get3A_838, %gather3A_800 : vector<16xf32>
        %swap3A_840 = arith.constant 1 : i32
        %swap3A_841 = arith.index_cast %swap3A_840 : i32 to index
        %swap3A_842 = arith.index_cast %add3A_708 : i32 to index
        %swap3A_843 = arith.constant 48 : index
        %swap3A_844 = tpu.vector_load %arg10[%swap3A_841, %swap3A_842, %swap3A_843] {strides = array<i32>} : memref<2x128x128xf32, #tpu.memory_space<vmem>>, vector<16xf32>,
        tpu.vector_store %arg10[%swap3A_841, %swap3A_842, %swap3A_843], %mul3A_839 {strides = array<i32>} : memref<2x128x128xf32, #tpu.memory_space<vmem>>, vector<16xf32>,
        %get3A_845 = arith.constant 1 : i32
        %get3A_846 = arith.index_cast %get3A_845 : i32 to index
        %get3A_847 = arith.index_cast %add3A_708 : i32 to index
        %get3A_848 = arith.constant 64 : index
        %get3A_849 = tpu.vector_load %arg10[%get3A_846, %get3A_847, %get3A_848] {strides = array<i32>} : memref<2x128x128xf32, #tpu.memory_space<vmem>>, vector<16xf32>,
        %mul3A_850 = arith.mulf %get3A_849, %gather3A_800 : vector<16xf32>
        %swap3A_851 = arith.constant 1 : i32
        %swap3A_852 = arith.index_cast %swap3A_851 : i32 to index
        %swap3A_853 = arith.index_cast %add3A_708 : i32 to index
        %swap3A_854 = arith.constant 64 : index
        %swap3A_855 = tpu.vector_load %arg10[%swap3A_852, %swap3A_853, %swap3A_854] {strides = array<i32>} : memref<2x128x128xf32, #tpu.memory_space<vmem>>, vector<16xf32>,
        tpu.vector_store %arg10[%swap3A_852, %swap3A_853, %swap3A_854], %mul3A_850 {strides = array<i32>} : memref<2x128x128xf32, #tpu.memory_space<vmem>>, vector<16xf32>,
        %get3A_856 = arith.constant 1 : i32
        %get3A_857 = arith.index_cast %get3A_856 : i32 to index
        %get3A_858 = arith.index_cast %add3A_708 : i32 to index
        %get3A_859 = arith.constant 80 : index
        %get3A_860 = tpu.vector_load %arg10[%get3A_857, %get3A_858, %get3A_859] {strides = array<i32>} : memref<2x128x128xf32, #tpu.memory_space<vmem>>, vector<16xf32>,
        %mul3A_861 = arith.mulf %get3A_860, %gather3A_800 : vector<16xf32>
        %swap3A_862 = arith.constant 1 : i32
        %swap3A_863 = arith.index_cast %swap3A_862 : i32 to index
        %swap3A_864 = arith.index_cast %add3A_708 : i32 to index
        %swap3A_865 = arith.constant 80 : index
        %swap3A_866 = tpu.vector_load %arg10[%swap3A_863, %swap3A_864, %swap3A_865] {strides = array<i32>} : memref<2x128x128xf32, #tpu.memory_space<vmem>>, vector<16xf32>,
        tpu.vector_store %arg10[%swap3A_863, %swap3A_864, %swap3A_865], %mul3A_861 {strides = array<i32>} : memref<2x128x128xf32, #tpu.memory_space<vmem>>, vector<16xf32>,
        %get3A_867 = arith.constant 1 : i32
        %get3A_868 = arith.index_cast %get3A_867 : i32 to index
        %get3A_869 = arith.index_cast %add3A_708 : i32 to index
        %get3A_870 = arith.constant 96 : index
        %get3A_871 = tpu.vector_load %arg10[%get3A_868, %get3A_869, %get3A_870] {strides = array<i32>} : memref<2x128x128xf32, #tpu.memory_space<vmem>>, vector<16xf32>,
        %mul3A_872 = arith.mulf %get3A_871, %gather3A_800 : vector<16xf32>
        %swap3A_873 = arith.constant 1 : i32
        %swap3A_874 = arith.index_cast %swap3A_873 : i32 to index
        %swap3A_875 = arith.index_cast %add3A_708 : i32 to index
        %swap3A_876 = arith.constant 96 : index
        %swap3A_877 = tpu.vector_load %arg10[%swap3A_874, %swap3A_875, %swap3A_876] {strides = array<i32>} : memref<2x128x128xf32, #tpu.memory_space<vmem>>, vector<16xf32>,
        tpu.vector_store %arg10[%swap3A_874, %swap3A_875, %swap3A_876], %mul3A_872 {strides = array<i32>} : memref<2x128x128xf32, #tpu.memory_space<vmem>>, vector<16xf32>,
        %get3A_878 = arith.constant 1 : i32
        %get3A_879 = arith.index_cast %get3A_878 : i32 to index
        %get3A_880 = arith.index_cast %add3A_708 : i32 to index
        %get3A_881 = arith.constant 112 : index
        %get3A_882 = tpu.vector_load %arg10[%get3A_879, %get3A_880, %get3A_881] {strides = array<i32>} : memref<2x128x128xf32, #tpu.memory_space<vmem>>, vector<16xf32>,
        %mul3A_883 = arith.mulf %get3A_882, %gather3A_800 : vector<16xf32>
        %swap3A_884 = arith.constant 1 : i32
        %swap3A_885 = arith.index_cast %swap3A_884 : i32 to index
        %swap3A_886 = arith.index_cast %add3A_708 : i32 to index
        %swap3A_887 = arith.constant 112 : index
        %swap3A_888 = tpu.vector_load %arg10[%swap3A_885, %swap3A_886, %swap3A_887] {strides = array<i32>} : memref<2x128x128xf32, #tpu.memory_space<vmem>>, vector<16xf32>,
        tpu.vector_store %arg10[%swap3A_885, %swap3A_886, %swap3A_887], %mul3A_883 {strides = array<i32>} : memref<2x128x128xf32, #tpu.memory_space<vmem>>, vector<16xf32>,
        %scan3A_889 = arith.constant 0 : i32
        scf.yield %scan3A_889 : i32
      }
      %scan3A_632 = arith.constant 64 : i32
      %jit3A_633 = arith.constant 16 : i32
      %div3A_634 = arith.divsi %add3A_442, %jit3A_633 : i32
      %sign3A_635 = arith.constant 0 : i32
      %sign3A_636 = arith.cmpi sgt, %add3A_442, %sign3A_635 : i32
      %sign3A_637 = arith.extui %sign3A_636 : i1 to i32
      %sign3A_638 = arith.constant 0 : i32
      %sign3A_639 = arith.cmpi slt, %add3A_442, %sign3A_638 : i32
      %sign3A_640 = arith.extui %sign3A_639 : i1 to i32
      %sign3A_641 = arith.subi %sign3A_637, %sign3A_640 : i32
      %sign3A_642 = arith.constant 0 : i32
      %sign3A_643 = arith.cmpi sgt, %jit3A_633, %sign3A_642 : i32
      %sign3A_644 = arith.extui %sign3A_643 : i1 to i32
      %sign3A_645 = arith.constant 0 : i32
      %sign3A_646 = arith.cmpi slt, %jit3A_633, %sign3A_645 : i32
      %sign3A_647 = arith.extui %sign3A_646 : i1 to i32
      %sign3A_648 = arith.subi %sign3A_644, %sign3A_647 : i32
      %ne3A_649 = arith.cmpi ne, %sign3A_641, %sign3A_648 : i32
      %rem3A_650 = arith.remsi %add3A_442, %jit3A_633 : i32
      %ne3A_651 = arith.constant 0 : i32
      %ne3A_652 = arith.cmpi ne, %rem3A_650, %ne3A_651 : i32
      %and3A_653 = arith.andi %ne3A_649, %ne3A_652 : i1
      %sub3A_654 = arith.constant 1 : i32
      %sub3A_655 = arith.subi %div3A_634, %sub3A_654 : i32
      %select_n3A_656 = arith.select %and3A_653, %sub3A_655, %div3A_634 : i32
      %jit3A_657 = arith.constant 2 : i32
      %eq3A_658 = arith.constant 0 : i32
      %eq3A_659 = arith.cmpi eq, %jit3A_657, %eq3A_658 : i32
      %jit3A_660 = arith.constant 1 : i32
      %select_n3A_661 = arith.select %eq3A_659, %jit3A_660, %jit3A_657 : i32
      %rem3A_662 = arith.remsi %select_n3A_656, %select_n3A_661 : i32
      %ne3A_663 = arith.constant 0 : i32
      %ne3A_664 = arith.cmpi ne, %rem3A_662, %ne3A_663 : i32
      %lt3A_665 = arith.constant 0 : i32
      %lt3A_666 = arith.cmpi slt, %rem3A_662, %lt3A_665 : i32
      %lt3A_667 = arith.constant 0 : i32
      %lt3A_668 = arith.cmpi slt, %select_n3A_661, %lt3A_667 : i32
      %ne3A_669 = arith.xori %lt3A_666, %lt3A_668 : i1
      %and3A_670 = arith.andi %ne3A_669, %ne3A_664 : i1
      %add3A_671 = arith.addi %rem3A_662, %select_n3A_661 : i32
      %select_n3A_672 = arith.select %and3A_670, %add3A_671, %rem3A_662 : i32
      %jit3A_673 = arith.constant 16 : i32
      %eq3A_674 = arith.constant 0 : i32
      %eq3A_675 = arith.cmpi eq, %jit3A_673, %eq3A_674 : i32
      %jit3A_676 = arith.constant 1 : i32
      %select_n3A_677 = arith.select %eq3A_675, %jit3A_676, %jit3A_673 : i32
      %rem3A_678 = arith.remsi %add3A_442, %select_n3A_677 : i32
      %ne3A_679 = arith.constant 0 : i32
      %ne3A_680 = arith.cmpi ne, %rem3A_678, %ne3A_679 : i32
      %lt3A_681 = arith.constant 0 : i32
      %lt3A_682 = arith.cmpi slt, %rem3A_678, %lt3A_681 : i32
      %lt3A_683 = arith.constant 0 : i32
      %lt3A_684 = arith.cmpi slt, %select_n3A_677, %lt3A_683 : i32
      %ne3A_685 = arith.xori %lt3A_682, %lt3A_684 : i1
      %and3A_686 = arith.andi %ne3A_685, %ne3A_680 : i1
      %add3A_687 = arith.addi %rem3A_678, %select_n3A_677 : i32
      %select_n3A_688 = arith.select %and3A_686, %add3A_687, %rem3A_678 : i32
      %dma_start3A_689 = arith.constant 1 : i32
      %dma_start3A_690 = arith.constant 0 : i32
      %dma_start3A_691 = arith.constant 0 : i32
      %dma_start3A_692 = tpu.memref_slice %arg10[%dma_start3A_689, %dma_start3A_690, %dma_start3A_691] : memref<2x128x128xf32, #tpu.memory_space<vmem>> -> memref<1x128x128xf32, #tpu.memory_space<vmem>>
      %dma_start3A_693 = tpu.memref_squeeze %dma_start3A_692 : memref<1x128x128xf32, #tpu.memory_space<vmem>> -> memref<128x128xf32, #tpu.memory_space<vmem>>
      %dma_start3A_694 = arith.constant 0 : i32
      %dma_start3A_695 = tpu.memref_slice %arg8[%select_n3A_672, %select_n3A_688, %dma_start3A_694] : memref<2x16x128xi32, #tpu.memory_space<vmem>> -> memref<1x1x128xi32, #tpu.memory_space<vmem>>
      %dma_start3A_696 = tpu.memref_squeeze %dma_start3A_695 : memref<1x1x128xi32, #tpu.memory_space<vmem>> -> memref<128xi32, #tpu.memory_space<vmem>>
      %dma_start3A_697 = arith.constant 0 : i32
      %dma_start3A_698 = arith.constant 0 : i32
      %dma_start3A_699 = tpu.memref_slice %arg11[%dma_start3A_697, %dma_start3A_698] : memref<10240x128xf32, #tpu.memory_space<vmem_shared>> -> memref<10240x128xf32, #tpu.memory_space<vmem_shared>>
      tpu.enqueue_indirect_dma source(%dma_start3A_693 : memref<128x128xf32, #tpu.memory_space<vmem>>) target(%dma_start3A_699 : memref<10240x128xf32, #tpu.memory_space<vmem_shared>>) offsets(%dma_start3A_696 : memref<128xi32, #tpu.memory_space<vmem>>) semaphore(%arg15 : memref<!tpu.dma_semaphore, #tpu.memory_space<semaphore_mem>>) {add = true}
      %while3A_700 = arith.constant 0 : i32
      scf.yield %while3A_700 : i32
    }
    %sub3A_107 = arith.constant 1 : i32
    %sub3A_108 = arith.subi %select_n3A, %sub3A_107 : i32
    %jit3A_109 = arith.constant 16 : i32
    %div3A_110 = arith.divsi %sub3A_108, %jit3A_109 : i32
    %sign3A_111 = arith.constant 0 : i32
    %sign3A_112 = arith.cmpi sgt, %sub3A_108, %sign3A_111 : i32
    %sign3A_113 = arith.extui %sign3A_112 : i1 to i32
    %sign3A_114 = arith.constant 0 : i32
    %sign3A_115 = arith.cmpi slt, %sub3A_108, %sign3A_114 : i32
    %sign3A_116 = arith.extui %sign3A_115 : i1 to i32
    %sign3A_117 = arith.subi %sign3A_113, %sign3A_116 : i32
    %sign3A_118 = arith.constant 0 : i32
    %sign3A_119 = arith.cmpi sgt, %jit3A_109, %sign3A_118 : i32
    %sign3A_120 = arith.extui %sign3A_119 : i1 to i32
    %sign3A_121 = arith.constant 0 : i32
    %sign3A_122 = arith.cmpi slt, %jit3A_109, %sign3A_121 : i32
    %sign3A_123 = arith.extui %sign3A_122 : i1 to i32
    %sign3A_124 = arith.subi %sign3A_120, %sign3A_123 : i32
    %ne3A_125 = arith.cmpi ne, %sign3A_117, %sign3A_124 : i32
    %rem3A_126 = arith.remsi %sub3A_108, %jit3A_109 : i32
    %ne3A_127 = arith.constant 0 : i32
    %ne3A_128 = arith.cmpi ne, %rem3A_126, %ne3A_127 : i32
    %and3A_129 = arith.andi %ne3A_125, %ne3A_128 : i1
    %sub3A_130 = arith.constant 1 : i32
    %sub3A_131 = arith.subi %div3A_110, %sub3A_130 : i32
    %select_n3A_132 = arith.select %and3A_129, %sub3A_131, %div3A_110 : i32
    %jit3A_133 = arith.constant 2 : i32
    %eq3A_134 = arith.constant 0 : i32
    %eq3A_135 = arith.cmpi eq, %jit3A_133, %eq3A_134 : i32
    %jit3A_136 = arith.constant 1 : i32
    %select_n3A_137 = arith.select %eq3A_135, %jit3A_136, %jit3A_133 : i32
    %rem3A_138 = arith.remsi %select_n3A_132, %select_n3A_137 : i32
    %ne3A_139 = arith.constant 0 : i32
    %ne3A_140 = arith.cmpi ne, %rem3A_138, %ne3A_139 : i32
    %lt3A = arith.constant 0 : i32
    %lt3A_141 = arith.cmpi slt, %rem3A_138, %lt3A : i32
    %lt3A_142 = arith.constant 0 : i32
    %lt3A_143 = arith.cmpi slt, %select_n3A_137, %lt3A_142 : i32
    %ne3A_144 = arith.xori %lt3A_141, %lt3A_143 : i1
    %and3A_145 = arith.andi %ne3A_144, %ne3A_140 : i1
    %add3A_146 = arith.addi %rem3A_138, %select_n3A_137 : i32
    %select_n3A_147 = arith.select %and3A_145, %add3A_146, %rem3A_138 : i32
    %jit3A_148 = arith.constant 16 : i32
    %eq3A_149 = arith.constant 0 : i32
    %eq3A_150 = arith.cmpi eq, %jit3A_148, %eq3A_149 : i32
    %jit3A_151 = arith.constant 1 : i32
    %select_n3A_152 = arith.select %eq3A_150, %jit3A_151, %jit3A_148 : i32
    %rem3A_153 = arith.remsi %sub3A_108, %select_n3A_152 : i32
    %ne3A_154 = arith.constant 0 : i32
    %ne3A_155 = arith.cmpi ne, %rem3A_153, %ne3A_154 : i32
    %lt3A_156 = arith.constant 0 : i32
    %lt3A_157 = arith.cmpi slt, %rem3A_153, %lt3A_156 : i32
    %lt3A_158 = arith.constant 0 : i32
    %lt3A_159 = arith.cmpi slt, %select_n3A_152, %lt3A_158 : i32
    %ne3A_160 = arith.xori %lt3A_157, %lt3A_159 : i1
    %and3A_161 = arith.andi %ne3A_160, %ne3A_155 : i1
    %add3A_162 = arith.addi %rem3A_153, %select_n3A_152 : i32
    %select_n3A_163 = arith.select %and3A_161, %add3A_162, %rem3A_153 : i32
    %dma_wait3A = arith.constant 1 : i32
    %dma_wait3A_164 = arith.constant 0 : i32
    %dma_wait3A_165 = arith.constant 0 : i32
    %dma_wait3A_166 = tpu.memref_slice %arg10[%dma_wait3A, %dma_wait3A_164, %dma_wait3A_165] : memref<2x128x128xf32, #tpu.memory_space<vmem>> -> memref<1x128x128xf32, #tpu.memory_space<vmem>>
    %dma_wait3A_167 = tpu.memref_squeeze %dma_wait3A_166 : memref<1x128x128xf32, #tpu.memory_space<vmem>> -> memref<128x128xf32, #tpu.memory_space<vmem>>
    %dma_wait3A_168 = arith.constant 0 : i32
    %dma_wait3A_169 = tpu.memref_slice %arg8[%select_n3A_147, %select_n3A_163, %dma_wait3A_168] : memref<2x16x128xi32, #tpu.memory_space<vmem>> -> memref<1x1x128xi32, #tpu.memory_space<vmem>>
    %dma_wait3A_170 = tpu.memref_squeeze %dma_wait3A_169 : memref<1x1x128xi32, #tpu.memory_space<vmem>> -> memref<128xi32, #tpu.memory_space<vmem>>
    %dma_wait3A_171 = arith.constant 0 : i32
    %dma_wait3A_172 = arith.constant 0 : i32
    %dma_wait3A_173 = tpu.memref_slice %arg11[%dma_wait3A_171, %dma_wait3A_172] : memref<10240x128xf32, #tpu.memory_space<vmem_shared>> -> memref<10240x128xf32, #tpu.memory_space<vmem_shared>>
    tpu.wait_indirect_dma semaphore(%arg15 : memref<!tpu.dma_semaphore, #tpu.memory_space<semaphore_mem>>) src(%dma_wait3A_167 : memref<128x128xf32, #tpu.memory_space<vmem>>) dst(%dma_wait3A_173 : memref<10240x128xf32, #tpu.memory_space<vmem_shared>>)
    %barrier3A_174 = arith.constant 0 : index
    tpu.barrier barrier_id(%barrier3A_174)
    %mul3A_175 = arith.constant 640 : i32
    %mul3A_176 = arith.muli %arg1, %mul3A_175 : i32
    %mul3A_177 = arith.constant 640 : i32
    %mul3A_178 = arith.muli %arg1, %mul3A_177 : i32
    "tpu.region"() ({
      %run_scoped3A_179 = tpu.sem_alloc : memref<!tpu.dma_semaphore, #tpu.memory_space<semaphore_mem>>
      %dma_start3A_180 = arith.constant 0 : i32
      %dma_start3A_181 = tpu.memref_slice %arg6[%arg0, %mul3A_178, %dma_start3A_180] : memref<2x10240x128xf32, #tpu.memory_space<hbm>> -> memref<1x640x128xf32, #tpu.memory_space<hbm>>
      %dma_start3A_182 = tpu.memref_squeeze %dma_start3A_181 : memref<1x640x128xf32, #tpu.memory_space<hbm>> -> memref<640x128xf32, #tpu.memory_space<hbm>>
      %dma_start3A_183 = arith.constant 0 : i32
      %dma_start3A_184 = tpu.memref_slice %arg11[%mul3A_176, %dma_start3A_183] : memref<10240x128xf32, #tpu.memory_space<vmem_shared>> -> memref<640x128xf32, #tpu.memory_space<vmem_shared>>
      tpu.enqueue_dma source(%dma_start3A_184 : memref<640x128xf32, #tpu.memory_space<vmem_shared>>) target(%dma_start3A_182 : memref<640x128xf32, #tpu.memory_space<hbm>>) target_semaphore(%run_scoped3A_179 : memref<!tpu.dma_semaphore, #tpu.memory_space<semaphore_mem>>)
      %dma_wait3A_185 = arith.constant 0 : i32
      %dma_wait3A_186 = tpu.memref_slice %arg6[%arg0, %mul3A_178, %dma_wait3A_185] : memref<2x10240x128xf32, #tpu.memory_space<hbm>> -> memref<1x640x128xf32, #tpu.memory_space<hbm>>
      %dma_wait3A_187 = tpu.memref_squeeze %dma_wait3A_186 : memref<1x640x128xf32, #tpu.memory_space<hbm>> -> memref<640x128xf32, #tpu.memory_space<hbm>>
      %dma_wait3A_188 = arith.constant 0 : i32
      %dma_wait3A_189 = tpu.memref_slice %arg11[%mul3A_176, %dma_wait3A_188] : memref<10240x128xf32, #tpu.memory_space<vmem_shared>> -> memref<640x128xf32, #tpu.memory_space<vmem_shared>>
      tpu.wait_dma2 semaphore(%run_scoped3A_179 : memref<!tpu.dma_semaphore, #tpu.memory_space<semaphore_mem>>) src(%dma_wait3A_189 : memref<640x128xf32, #tpu.memory_space<vmem_shared>>) dst(%dma_wait3A_187 : memref<640x128xf32, #tpu.memory_space<hbm>>)
      tpu.yield
    }) : () -> ()
    return
  }
}

module attributes {stable_mosaic.version = 14 : i64} {
  func.func @_gates_body(%arg0: i32, %arg1: memref<2000x128xf32, #tpu.memory_space<vmem>>, %arg2: memref<2x2000x128xf32, #tpu.memory_space<vmem>>, %arg3: memref<128x128xf32, #tpu.memory_space<vmem>>, %arg4: memref<128x128xf32, #tpu.memory_space<vmem>>, %arg5: memref<128x128xf32, #tpu.memory_space<vmem>>, %arg6: memref<128x128xf32, #tpu.memory_space<vmem>>, %arg7: memref<1x128xf32, #tpu.memory_space<vmem>>, %arg8: memref<1x128xf32, #tpu.memory_space<vmem>>, %arg9: memref<1x128xf32, #tpu.memory_space<vmem>>, %arg10: memref<1x128xf32, #tpu.memory_space<vmem>>, %arg11: memref<2000x128xf32, #tpu.memory_space<vmem>>) attributes {dimension_semantics = [#tpu.dimension_semantics<arbitrary>], iteration_bounds = array<i64: 5>, scalar_prefetch = 0 : i64, scratch_operands = 0 : i64, tpu.core_type = #tpu.core_type<tc>, window_params = [{transform_indices = @transform_0, window_bounds = array<i64: 2000, 128>}, {transform_indices = @transform_1, window_bounds = array<i64: 2, 2000, 128>}, {pipeline_mode = #tpu.pipeline_mode<synchronous>, transform_indices = @transform_2, window_bounds = array<i64: 128, 128>}, {pipeline_mode = #tpu.pipeline_mode<synchronous>, transform_indices = @transform_3, window_bounds = array<i64: 128, 128>}, {pipeline_mode = #tpu.pipeline_mode<synchronous>, transform_indices = @transform_4, window_bounds = array<i64: 128, 128>}, {pipeline_mode = #tpu.pipeline_mode<synchronous>, transform_indices = @transform_5, window_bounds = array<i64: 128, 128>}, {pipeline_mode = #tpu.pipeline_mode<synchronous>, transform_indices = @transform_6, window_bounds = array<i64: 1, 128>}, {pipeline_mode = #tpu.pipeline_mode<synchronous>, transform_indices = @transform_7, window_bounds = array<i64: 1, 128>}, {pipeline_mode = #tpu.pipeline_mode<synchronous>, transform_indices = @transform_8, window_bounds = array<i64: 1, 128>}, {pipeline_mode = #tpu.pipeline_mode<synchronous>, transform_indices = @transform_9, window_bounds = array<i64: 1, 128>}, {transform_indices = @transform_10, window_bounds = array<i64: 2000, 128>}]} {
    %get3A = arith.constant 0 : index
    %get3A_0 = arith.constant 0 : index
    %get3A_1 = vector.load %arg1[%get3A, %get3A_0] : memref<2000x128xf32, #tpu.memory_space<vmem>>, vector<2000x128xf32>
    %get3A_2 = arith.constant 0 : index
    %get3A_3 = arith.constant 0 : index
    %get3A_4 = arith.constant 0 : index
    %get3A_5 = vector.load %arg2[%get3A_2, %get3A_3, %get3A_4] : memref<2x2000x128xf32, #tpu.memory_space<vmem>>, vector<1x2000x128xf32>
    %get3A_6 = vector.shape_cast %get3A_5 : vector<1x2000x128xf32> to vector<2000x128xf32>
    %get3A_7 = arith.constant 1 : index
    %get3A_8 = arith.constant 0 : index
    %get3A_9 = arith.constant 0 : index
    %get3A_10 = vector.load %arg2[%get3A_7, %get3A_8, %get3A_9] : memref<2x2000x128xf32, #tpu.memory_space<vmem>>, vector<1x2000x128xf32>
    %get3A_11 = vector.shape_cast %get3A_10 : vector<1x2000x128xf32> to vector<2000x128xf32>
    %add3A = arith.addf %get3A_6, %get3A_11 : vector<2000x128xf32>
    %get3A_12 = arith.constant 0 : index
    %get3A_13 = arith.constant 0 : index
    %get3A_14 = vector.load %arg4[%get3A_12, %get3A_13] : memref<128x128xf32, #tpu.memory_space<vmem>>, vector<128x128xf32>
    %dot_general3A = arith.constant dense<0.000000e+00> : vector<2000x128xf32>
    %dot_general3A_15 = tpu.matmul %get3A_1, %get3A_14, %dot_general3A {dimension_numbers = #tpu.dot_dimension_numbers<[1], [0], [0], [1], [0, 0, 1, 1], [], []>, transpose_lhs_hint = false} : vector<2000x128xf32>, vector<128x128xf32>, vector<2000x128xf32> -> vector<2000x128xf32>
    %get3A_16 = arith.constant 0 : index
    %get3A_17 = arith.constant 0 : index
    %get3A_18 = vector.load %arg3[%get3A_16, %get3A_17] : memref<128x128xf32, #tpu.memory_space<vmem>>, vector<128x128xf32>
    %dot_general3A_19 = arith.constant dense<0.000000e+00> : vector<2000x128xf32>
    %dot_general3A_20 = tpu.matmul %add3A, %get3A_18, %dot_general3A_19 {dimension_numbers = #tpu.dot_dimension_numbers<[1], [0], [0], [1], [0, 0, 1, 1], [], []>, transpose_lhs_hint = false} : vector<2000x128xf32>, vector<128x128xf32>, vector<2000x128xf32> -> vector<2000x128xf32>
    %sub3A = arith.subf %dot_general3A_15, %dot_general3A_20 : vector<2000x128xf32>
    %get3A_21 = arith.constant 0 : index
    %get3A_22 = arith.constant 0 : index
    %get3A_23 = vector.load %arg7[%get3A_21, %get3A_22] : memref<1x128xf32, #tpu.memory_space<vmem>>, vector<1x128xf32>
    %add3A_24 = vector.broadcast %get3A_23 : vector<1x128xf32> to vector<2000x128xf32>
    %add3A_25 = arith.addf %sub3A, %add3A_24 : vector<2000x128xf32>
    %get3A_26 = arith.constant 0 : index
    %get3A_27 = arith.constant 0 : index
    %get3A_28 = vector.load %arg6[%get3A_26, %get3A_27] : memref<128x128xf32, #tpu.memory_space<vmem>>, vector<128x128xf32>
    %dot_general3A_29 = arith.constant dense<0.000000e+00> : vector<2000x128xf32>
    %dot_general3A_30 = tpu.matmul %get3A_1, %get3A_28, %dot_general3A_29 {dimension_numbers = #tpu.dot_dimension_numbers<[1], [0], [0], [1], [0, 0, 1, 1], [], []>, transpose_lhs_hint = false} : vector<2000x128xf32>, vector<128x128xf32>, vector<2000x128xf32> -> vector<2000x128xf32>
    %get3A_31 = arith.constant 0 : index
    %get3A_32 = arith.constant 0 : index
    %get3A_33 = vector.load %arg5[%get3A_31, %get3A_32] : memref<128x128xf32, #tpu.memory_space<vmem>>, vector<128x128xf32>
    %dot_general3A_34 = arith.constant dense<0.000000e+00> : vector<2000x128xf32>
    %dot_general3A_35 = tpu.matmul %add3A, %get3A_33, %dot_general3A_34 {dimension_numbers = #tpu.dot_dimension_numbers<[1], [0], [0], [1], [0, 0, 1, 1], [], []>, transpose_lhs_hint = false} : vector<2000x128xf32>, vector<128x128xf32>, vector<2000x128xf32> -> vector<2000x128xf32>
    %sub3A_36 = arith.subf %dot_general3A_30, %dot_general3A_35 : vector<2000x128xf32>
    %get3A_37 = arith.constant 0 : index
    %get3A_38 = arith.constant 0 : index
    %get3A_39 = vector.load %arg9[%get3A_37, %get3A_38] : memref<1x128xf32, #tpu.memory_space<vmem>>, vector<1x128xf32>
    %add3A_40 = vector.broadcast %get3A_39 : vector<1x128xf32> to vector<2000x128xf32>
    %add3A_41 = arith.addf %sub3A_36, %add3A_40 : vector<2000x128xf32>
    %max3A = arith.constant 0.000000e+00 : f32
    %max3A_42 = vector.broadcast %max3A : f32 to vector<2000x128xf32>
    %max3A_43 = arith.maximumf %add3A_25, %max3A_42 : vector<2000x128xf32>
    %get3A_44 = arith.constant 0 : index
    %get3A_45 = arith.constant 0 : index
    %get3A_46 = vector.load %arg8[%get3A_44, %get3A_45] : memref<1x128xf32, #tpu.memory_space<vmem>>, vector<1x128xf32>
    %max3A_47 = arith.constant 0.000000e+00 : f32
    %max3A_48 = vector.broadcast %max3A_47 : f32 to vector<1x128xf32>
    %max3A_49 = arith.maximumf %get3A_46, %max3A_48 : vector<1x128xf32>
    %add3A_50 = vector.broadcast %max3A_49 : vector<1x128xf32> to vector<2000x128xf32>
    %add3A_51 = arith.addf %max3A_43, %add3A_50 : vector<2000x128xf32>
    %logistic3A = arith.negf %add3A_51 : vector<2000x128xf32>
    %logistic3A_52 = math.exp %logistic3A : vector<2000x128xf32>
    %logistic3A_53 = arith.constant 1.000000e+00 : f32
    %logistic3A_54 = vector.broadcast %logistic3A_53 : f32 to vector<2000x128xf32>
    %logistic3A_55 = arith.addf %logistic3A_54, %logistic3A_52 : vector<2000x128xf32>
    %logistic3A_56 = arith.divf %logistic3A_54, %logistic3A_55 : vector<2000x128xf32>
    %max3A_57 = arith.constant 0.000000e+00 : f32
    %max3A_58 = vector.broadcast %max3A_57 : f32 to vector<2000x128xf32>
    %max3A_59 = arith.maximumf %add3A_41, %max3A_58 : vector<2000x128xf32>
    %get3A_60 = arith.constant 0 : index
    %get3A_61 = arith.constant 0 : index
    %get3A_62 = vector.load %arg10[%get3A_60, %get3A_61] : memref<1x128xf32, #tpu.memory_space<vmem>>, vector<1x128xf32>
    %max3A_63 = arith.constant 0.000000e+00 : f32
    %max3A_64 = vector.broadcast %max3A_63 : f32 to vector<1x128xf32>
    %max3A_65 = arith.maximumf %get3A_62, %max3A_64 : vector<1x128xf32>
    %add3A_66 = vector.broadcast %max3A_65 : vector<1x128xf32> to vector<2000x128xf32>
    %add3A_67 = arith.addf %max3A_59, %add3A_66 : vector<2000x128xf32>
    %tanh3A = math.tanh %add3A_67 : vector<2000x128xf32>
    %mul3A = arith.mulf %logistic3A_56, %tanh3A : vector<2000x128xf32>
    %swap3A = arith.constant 0 : index
    %swap3A_68 = arith.constant 0 : index
    %swap3A_69 = vector.load %arg11[%swap3A, %swap3A_68] : memref<2000x128xf32, #tpu.memory_space<vmem>>, vector<2000x128xf32>
    tpu.vector_store %arg11[%swap3A, %swap3A_68], %mul3A {strides = array<i32>} : memref<2000x128xf32, #tpu.memory_space<vmem>>, vector<2000x128xf32>,
    return
  }
  func.func @transform_0(%arg0: i32) -> (i32, i32) {
    %c0_i32 = arith.constant 0 : i32
    %c0_i32_0 = arith.constant 0 : i32
    return %arg0, %c0_i32 : i32, i32
  }
  func.func @transform_1(%arg0: i32) -> (i32, i32, i32) {
    %c0_i32 = arith.constant 0 : i32
    %c0_i32_0 = arith.constant 0 : i32
    %c0_i32_1 = arith.constant 0 : i32
    return %c0_i32, %arg0, %c0_i32_0 : i32, i32, i32
  }
  func.func @transform_2(%arg0: i32) -> (i32, i32) {
    %c0_i32 = arith.constant 0 : i32
    %c0_i32_0 = arith.constant 0 : i32
    %c0_i32_1 = arith.constant 0 : i32
    return %c0_i32, %c0_i32_0 : i32, i32
  }
  func.func @transform_3(%arg0: i32) -> (i32, i32) {
    %c0_i32 = arith.constant 0 : i32
    %c0_i32_0 = arith.constant 0 : i32
    %c0_i32_1 = arith.constant 0 : i32
    return %c0_i32, %c0_i32_0 : i32, i32
  }
  func.func @transform_4(%arg0: i32) -> (i32, i32) {
    %c0_i32 = arith.constant 0 : i32
    %c0_i32_0 = arith.constant 0 : i32
    %c0_i32_1 = arith.constant 0 : i32
    return %c0_i32, %c0_i32_0 : i32, i32
  }
  func.func @transform_5(%arg0: i32) -> (i32, i32) {
    %c0_i32 = arith.constant 0 : i32
    %c0_i32_0 = arith.constant 0 : i32
    %c0_i32_1 = arith.constant 0 : i32
    return %c0_i32, %c0_i32_0 : i32, i32
  }
  func.func @transform_6(%arg0: i32) -> (i32, i32) {
    %c0_i32 = arith.constant 0 : i32
    %c0_i32_0 = arith.constant 0 : i32
    %c0_i32_1 = arith.constant 0 : i32
    return %c0_i32, %c0_i32_0 : i32, i32
  }
  func.func @transform_7(%arg0: i32) -> (i32, i32) {
    %c0_i32 = arith.constant 0 : i32
    %c0_i32_0 = arith.constant 0 : i32
    %c0_i32_1 = arith.constant 0 : i32
    return %c0_i32, %c0_i32_0 : i32, i32
  }
  func.func @transform_8(%arg0: i32) -> (i32, i32) {
    %c0_i32 = arith.constant 0 : i32
    %c0_i32_0 = arith.constant 0 : i32
    %c0_i32_1 = arith.constant 0 : i32
    return %c0_i32, %c0_i32_0 : i32, i32
  }
  func.func @transform_9(%arg0: i32) -> (i32, i32) {
    %c0_i32 = arith.constant 0 : i32
    %c0_i32_0 = arith.constant 0 : i32
    %c0_i32_1 = arith.constant 0 : i32
    return %c0_i32, %c0_i32_0 : i32, i32
  }
  func.func @transform_10(%arg0: i32) -> (i32, i32) {
    %c0_i32 = arith.constant 0 : i32
    %c0_i32_0 = arith.constant 0 : i32
    return %arg0, %c0_i32 : i32, i32
  }
}

</mosaic_0001>

<sc_bundles>
// kernel: kernel.5.cloned.1.call-start
scs
__scs_entry_jumppad:
0x0: {  	(pc) =	sbr.rel $0x88, $3  }
0x1: {  	(tag) =	ssettag $0x0;
	lr =	simm.s32 $0x1  }
0x2: {  	[smem:$0x3F96] =	sst lr;
	_ =	strace $0xD0000000  }
0x3: {  	_ = 	snop  }
0x4: {  	_ = 	snop  }
0x5: {  	_ = 	snop  }
0x6: {  	_ = 	snop  }
0x7: {  	_ = 	snop  }
__scs_overlays_trampoline_lowered:
0x8: {  	[smem:$0x3FA5] =	sst s0  }
0x9: {  	[smem:$0x3FA6] =	sst s1  }
0xa: {  	[smem:$0x3FA7] =	sst s2  }
0xb: {  	[smem:$0x3FA8] =	sst s3  }
0xc: {  	[smem:$0x3FA9] =	sst s4  }
0xd: {  	[smem:$0x3FAA] =	sst s5  }
0xe: {  	[smem:$0x3FAB] =	sst s6  }
0xf: {  	[smem:$0x3FAC] =	sst s7  }
0x10: {  	[smem:$0x3FAD] =	sst s8  }
0x11: {  	[smem:$0x3FAE] =	sst s9;
	s0 =	simm.s32 @!p0 $0x0  }
0x12: {  	s1 =	sld [smem:$0x3F94];
	s0 =	simm.s32 @p0 $0x1  }
0x13: {  	[smem:$0x3FAF] =	sst s0;
	s0 =	simm.s32 @!p1 $0x0  }
0x14: {  	s2 =	sld [smem:$0x3F93];
	s0 =	simm.s32 @p1 $0x1  }
0x15: {  	[smem:$0x3FB0] =	sst s0;
	s0 =	simm.s32 @!p2 $0x0  }
0x16: {  	s3 =	sld [smem:$0x3FDB];
	s0 =	simm.s32 @p2 $0x1  }
0x17: {  	s4 =	simm.s32 $0x1BF5;
	[smem:$0x3FB2] =	sst s0  }
0x18: {  	s0 =	sld [smem:$0x3F95];
	_ =	swait.ge [sflag:s4], $0x0  }
0x19: {  	s7 =	sld [smem:$0x3F96]  }
0x1a: {  	s8 =	sadd.s32 $0xFFFFE003, lr  }
0x1b: {  	s9 =	sadd.s32 $0xFFFFFEF7, lr;
	s5 =	simm.s32 $0xFFFFFFFF;
	p2 =	slt.u32 s8, $0xFFFFF086  }
0x1c: {  	p1 =	slt.u32 s9, $0xF7A;
	s5 =	simm.s32 @!p2 $0x0  }
0x1d: {  	s5 =	simm.s32 @p1 $0x1;
	p0 =	seq.s32 s7, s2  }
0x1e: {  	s7 =	smul.u32 @!p0 $0xF7A, s2;
	p2 =	seq.s32 @!p0 s5, $0x0  }
0x1f: {  	s9 =	smul.u32 $0xF7A, s1;
	s8 =	simm.s32 @!p0 $0x1BF5;
	p2 =	por !p2, p0  }
0x20: {  	[sflag:s8] =	ssyncset.s32 @!p0 $0xFFFFF086;
	s6 =	sadd.s32 @!p0 s3, s7;
	s7 =	simm.s32 @!p0 $0x108  }
0x21: {  	s3 =	sadd.s32 s3, s9;
	s6 =	sadd.s32 @!p0 $0x88, s6;
	s7 =	simm.s32 @p2 $0x1082  }
0x22: {  	[simem:s7], [sflag:s8] =	dma.local @!p0 [hbm:s6], $0xF7A  }
0x23: {  	s9 =	sor.u32 $0xD0000000, s2;
	s6 =	simm.s32 $0x108;
	_ =	swait.ge @!p0 [sflag:s8], $0x0  }
0x24: {  	s3 =	sadd.s32 $0x88, s3;
	s6 =	simm.s32 @!p1 $0x1082;
	[sflag:s4] =	ssyncset.s32 $0xFFFFF086  }
0x25: {  	[simem:s6], [sflag:s4] =	dma.local [hbm:s3], $0xF7A  }
0x26: {  	[smem:$0x3F96] =	sst s1;
	(tag) =	ssettag s2;
	_ =	strace s9  }
0x27: {  	s1 =	sld [smem:$0x3FA6]  }
0x28: {  	s2 =	sld [smem:$0x3FA7]  }
0x29: {  	s4 =	sld [smem:$0x3FA9]  }
0x2a: {  	p0 =	seq.s32 s5, $0x0;
	s5 =	sld [smem:$0x3FAA]  }
0x2b: {  	s6 =	sld [smem:$0x3FAB]  }
0x2c: {  	s7 =	sld [smem:$0x3FAC]  }
0x2d: {  	s3 =	simm.s32 $0x108;
	s8 =	sld [smem:$0x3FAD]  }
0x2e: {  	s3 =	simm.s32 @!p0 $0x1082;
	s9 =	sld [smem:$0x3FAE]  }
0x2f: {  	lr =	sadd.s32 s0, s3;
	s0 =	sld [smem:$0x3FA5]  }
0x30: {  	s3 =	sld [smem:$0x3FA8]  }
0x31: {  	[smem:$0x3FB1] =	sst s10  }
0x32: {  	s10 =	sld [smem:$0x3FAF];
	_ =	sdelay $0x3  }
0x33: {  	p0 =	seq.s32 s10, $0x1;
	s10 =	sld [smem:$0x3FB1];
	_ =	sdelay $0x3  }
0x34: {  	[smem:$0x3FB1] =	sst s10  }
0x35: {  	s10 =	sld [smem:$0x3FB0];
	_ =	sdelay $0x3  }
0x36: {  	p1 =	seq.s32 s10, $0x1;
	s10 =	sld [smem:$0x3FB1];
	_ =	sdelay $0x3  }
0x37: {  	[smem:$0x3FB1] =	sst s10  }
0x38: {  	s10 =	sld [smem:$0x3FB2]  }
0x39: {  	_ = 	snop;
	(pc) =	sbr.ind lr, $3  }
0x3a: {  	_ = 	snop  }
0x3b: {  	_ = 	snop  }
0x3c: {  	p2 =	seq.s32 s10, $0x1;
	s10 =	sld [smem:$0x3FB1]  }
0x3d: {  	_ =	shalt  }
0x3e: {  	_ =	shalt  }
0x3f: {  	_ =	shalt  }
0x40: {  	_ =	shalt  }
0x41: {  	_ =	shalt  }
0x42: {  	_ =	shalt  }
0x43: {  	_ =	shalt  }
0x44: {  	_ =	shalt  }
0x45: {  	_ =	shalt  }
0x46: {  	_ =	shalt  }
0x47: {  	_ =	shalt  }
0x48: {  	_ =	shalt  }
0x49: {  	_ =	shalt  }
0x4a: {  	_ =	shalt  }
0x4b: {  	_ =	shalt  }
0x4c: {  	_ =	shalt  }
0x4d: {  	_ =	shalt  }
0x4e: {  	_ =	shalt  }
0x4f: {  	_ =	shalt  }
0x50: {  	_ =	shalt  }
0x51: {  	_ =	shalt  }
0x52: {  	_ =	shalt  }
0x53: {  	_ =	shalt  }
0x54: {  	_ =	shalt  }
0x55: {  	_ =	shalt  }
0x56: {  	_ =	shalt  }
0x57: {  	_ =	shalt  }
0x58: {  	_ =	shalt  }
0x59: {  	_ =	shalt  }
0x5a: {  	_ =	shalt  }
0x5b: {  	_ =	shalt  }
0x5c: {  	_ =	shalt  }
0x5d: {  	_ =	shalt  }
0x5e: {  	_ =	shalt  }
0x5f: {  	_ =	shalt  }
0x60: {  	_ =	shalt  }
0x61: {  	_ =	shalt  }
0x62: {  	_ =	shalt  }
0x63: {  	_ =	shalt  }
0x64: {  	_ =	shalt  }
0x65: {  	_ =	shalt  }
0x66: {  	_ =	shalt  }
0x67: {  	_ =	shalt  }
0x68: {  	_ =	shalt  }
0x69: {  	_ =	shalt  }
0x6a: {  	_ =	shalt  }
0x6b: {  	_ =	shalt  }
0x6c: {  	_ =	shalt  }
0x6d: {  	_ =	shalt  }
0x6e: {  	_ =	shalt  }
0x6f: {  	_ =	shalt  }
0x70: {  	_ =	shalt  }
0x71: {  	_ =	shalt  }
0x72: {  	_ =	shalt  }
0x73: {  	_ =	shalt  }
0x74: {  	_ =	shalt  }
0x75: {  	_ =	shalt  }
0x76: {  	_ =	shalt  }
0x77: {  	_ =	shalt  }
0x78: {  	_ =	shalt  }
0x79: {  	_ =	shalt  }
0x7a: {  	_ =	shalt  }
0x7b: {  	_ =	shalt  }
0x7c: {  	_ =	shalt  }
0x7d: {  	_ =	shalt  }
0x7e: {  	_ =	shalt  }
0x7f: {  	_ =	shalt  }
0x80: {  	_ =	shalt  }
0x81: {  	_ =	shalt  }
0x82: {  	_ =	shalt  }
0x83: {  	_ =	shalt  }
0x84: {  	_ =	shalt  }
0x85: {  	_ =	shalt  }
0x86: {  	_ =	shalt  }
0x87: {  	_ =	shalt  }
.Lfunc_end0:
.L_simem_size_0:
called_computation_lowered:
.L_overlay_start_0:
0x88: {  	s2 =	sld [smem:$0x3FD9]  }
0x89: {  	s3 =	sld [smem:$0x3FFE];
	_ =	sdelay $0x1  }
0x8a: {  	s1 =	srdreg.scid  }
0x8b: {  	s0 =	sand.u32 $0x1, s1  }
0x8c: {  	s17 =	sshll.u32 s0, $0xA;
	s2 =	sadd.s32 s3, s2  }
0x8d: {  	s2 =	sadd.s32 s2, s17  }
0x8e: {  	[smem:$0x3FBD] =	sst s2  }
0x8f: {  	_ = 	snop  }
0x90: {  	s2 =	sld [smem:$0x3FD0];
	(tm) =	ssettm $0x1  }
0x91: {  	s18 =	sld [smem:$0x3FFB];
	_ =	sdelay $0x3  }
0x92: {  	_ =	strace s18  }
0x93: {  	s3 =	sld [smem:$0x3FFC];
	_ =	sdelay $0x3  }
0x94: {  	_ =	strace s3  }
0x95: {  	s3 =	sld [smem:$0x3FFD];
	_ =	sdelay $0x3  }
0x96: {  	_ =	strace s3  }
0x97: {  	_ =	strace $0x8FFFFFFF  }
0x98: {  	s19 =	sld [smem:$0x3FDB];
	_ =	sdelay $0x1  }
0x99: {  	s4 =	simm.s32 $_scs_section_size  }
0x9a: {  	s5 =	simm.s32 $_size__tile_overlayer_lowered;
	s6 =	simm.s32 $_tile_overlayer_lowered  }
0x9b: {  	s22 =	simm.s32 $0x1BFF;
	s21 =	sshll.u32 s6, $0x1;
	s3 =	sadd.s32 s4, s19  }
0x9c: {  	s7 =	simm.s32 $0x0;
	s20 =	sshll.u32 s5, $0x1;
	s5 =	sadd.s32 s21, s3  }
0x9d: {  	[timem:s7], [sflag:s22] =	dma.local [hbm:s5], s20  }
0x9e: {  	_ =	swait.ge [sflag:s22], s20  }
0x9f: {  	s4 =	ssub.s32 $0x0, s20;
	[sflag:s22] =	ssyncset.done $0x0  }
0xa0: {  	[sflag:s22] =	ssyncadd.s32 s4;
	_ =	sdelay $0x1  }
0xa1: {  	s23 =	simm.s32 $0x1B8B  }
0xa2: {  	_ =	swait.ge [sflag:s23], $0x1  }
0xa3: {  	[sflag:s23] =	ssyncset.done $0x0  }
0xa4: {  	s25 =	simm.s32 $0x1B8E;
	s24 =	sld [smem:$0x3FFE];
	[sflag:s23] =	ssyncadd.s32 $0xFFFFFFFF  }
0xa5: {  	s26 =	simm.s32 $execute0_lowered;
	[smem:$0x3FD2] =	sst s25  }
0xa6: {  	s5 =	sshll.u32 s26, $0x1;
	_ =	strace $0x80000046;
	[dreg:$0x1] =	wrdreg $0xFFFFFFFF  }
0xa7: {  	s28 =	simm.s32 $_size_execute0_lowered;
	s3 =	sadd.s32 s3, s5;
	[dreg:$0x0] =	wrdreg $0x0  }
0xa8: {  	s5 =	sshll.u32 s28, $0x1;
	[dreg:$0x2] =	wrdreg s3  }
0xa9: {  	[dreg:$0x3] =	wrdreg s5  }
0xaa: {  	[dreg:$0x4] =	wrdreg $0xC0  }
0xab: {  	_ =	task [dreg:s7], $0x5FFFF  }
0xac: {  	[dreg:$0x1] =	wrdreg $0xFFFFFFFF  }
0xad: {  	[dreg:$0x0] =	wrdreg $0x60  }
0xae: {  	[dreg:$0x2] =	wrdreg s24  }
0xaf: {  	[dreg:$0x3] =	wrdreg s2  }
0xb0: {  	[dreg:$0x4] =	wrdreg $0x4A800  }
0xb1: {  	[dreg:$0x5] =	wrdreg $0x9  }
0xb2: {  	_ =	task.clear_ibuf [dreg:s7], $0x6FFFF;
	_ =	strace $0x90000046  }
0xb3: {  	s29 =	simm.s32 $0x9;
	_ =	strace $0x80000048  }
0xb4: {  	_ =	swait.ge [sflag:s29], $0x1  }
0xb5: {  	[sflag:s29] =	ssyncadd.s32 $0xFFFFFFFF  }
0xb6: {  	_ =	strace $0x90000048  }
0xb7: {  	_ =	sfence  }
0xb8: {  	s30 =	sld [smem:$0x0];
	_ =	sdelay $0x2  }
0xb9: {  	s31 =	sshll.u32 s1, $0xD;
	s1 =	sshrl.u32 s1, $0x2  }
0xba: {  	s3 =	sand.u32 $0x4000, s31;
	s1 =	sadd.s32 s1, s30  }
0xbb: {  	s0 =	sor.u32 s3, s0;
	s1 =	sshll.u32 s1, $0x11  }
0xbc: {  	s0 =	sor.u32 s1, s0  }
0xbd: {  	s0 =	sadd.s32 $0x8F2B, s0  }
0xbe: {  	[sflag:s0] =	ssyncadd.remote.s32 $0x1  }
0xbf: {  	_ =	sfence.sel $0xFFFF  }
0xc0: {  	[dreg:$0x0] =	wrdreg $0xFFFFFFFF;
	(pc) =	sbr.abs _section_cstart, $3  }
0xc1: {  	[dreg:$0x1] =	wrdreg $0xFFFFFFFF  }
0xc2: {  	_ =	task.clear_ibuf [dreg:s7], $0x2FFFF;
	_ =	strace $0x9FFFFFFF  }
0xc3: {  	(tm) =	ssettm $0x7FFFFFFF  }
tec
execute0_lowered:
.L_overlay_start_1:
0x0: {  	(tag) =	ssettag $0x1  }
0x1: {  	s0 =	rddreg [dreg:$0x0]  }
0x2: {  	s1 =	rddreg [dreg:$0x1]  }
0x3: {  	s2 =	rddreg [dreg:$0x2];
	s3 =	simm.s32 $0x0  }
0x4: {  	s7 =	simm.s32 $0x10;
	[smem:$0x7FF] =	sst s3  }
0x5: {  	s9 =	simm.s32 $0x100;
	_ =	strace $0x80000047;
	[dreg:$0x4] =	wrdreg s7  }
0x6: {  	s10 =	simm.s32 $0x900;
	[dreg:$0x6] =	wrdreg s9  }
0x7: {  	s11 =	simm.s32 $0x180;
	[dreg:$0x7] =	wrdreg s10  }
0x8: {  	s8 =	srdreg.scid;
	s12 =	simm.s32 $0x980;
	[dreg:$0x8] =	wrdreg s11  }
0x9: {  	s13 =	simm.s32 $0x200;
	s14 =	simm.s32 $0xA00;
	[dreg:$0x9] =	wrdreg s12  }
0xa: {  	s15 =	simm.s32 $0x280;
	s17 =	simm.s32 $0xA80;
	[dreg:$0xa] =	wrdreg s13  }
0xb: {  	s18 =	simm.s32 $0x300;
	s19 =	simm.s32 $0xB00;
	[dreg:$0xb] =	wrdreg s14  }
0xc: {  	s20 =	simm.s32 $0x380;
	s21 =	simm.s32 $0xB80;
	[dreg:$0xc] =	wrdreg s15  }
0xd: {  	s23 =	simm.s32 $0x400;
	s31 =	simm.s32 $0x1000;
	[dreg:$0xd] =	wrdreg s17  }
0xe: {  	s24 =	simm.s32 $0xC00;
	s25 =	simm.s32 $0x480;
	[dreg:$0xe] =	wrdreg s18  }
0xf: {  	s26 =	simm.s32 $0xC80;
	s28 =	simm.s32 $0x1280;
	[dreg:$0xf] =	wrdreg s19  }
0x10: {  	s30 =	simm.s32 $0x4280;
	s4 =	sadd.s32 $0xBE00, s0;
	[dreg:$0x10] =	wrdreg s20  }
0x11: {  	s5 =	sadd.s32 $0x1E00, s0;
	s6 =	sadd.s32 $0x29E00, s0;
	[dreg:$0x11] =	wrdreg s21  }
0x12: {  	s8 =	sand.u32 $0x1, s8;
	s7 =	simm.s32 $0x880;
	[dreg:$0x12] =	wrdreg s23  }
0x13: {  	s9 =	ssub.s32 $0x2, s8;
	s8 =	sshll.u32 s8, $0x4;
	[dreg:$0x13] =	wrdreg s24  }
0x14: {  	s12 =	simm.s32 $0x1;
	s13 =	simm.s32 $0x800;
	[dreg:$0x14] =	wrdreg s25  }
0x15: {  	s14 =	simm.s32 $0x80;
	[dreg:$0x15] =	wrdreg s26;
	s15 =	simm.s32 $0x500  }
0x16: {  	s17 =	simm.s32 $0x580;
	s18 =	simm.s32 $0xD80;
	s19 =	simm.s32 $0x600  }
0x17: {  	s20 =	simm.s32 $0xE00;
	s21 =	simm.s32 $0x680;
	s23 =	simm.s32 $0x700  }
0x18: {  	[dreg:$0x5] =	wrdreg s7;
	s7 =	stileid.u32;
	s10 =	sshrl.u32 s9, $0x1  }
0x19: {  	s24 =	simm.s32 $0xF00;
	s10 =	ssub.s32 s9, s10;
	s16 =	smul.u32 $0xA00, s7  }
0x1a: {  	s25 =	simm.s32 $0x780;
	s26 =	simm.s32 $0xF80;
	s22 =	smax.u32 s10, $0x1  }
0x1b: {  	s8 =	sor.u32 s7, s8;
	s9 =	sshrl.u32 s16, $0x2;
	[dreg:$0x17] =	wrdreg s22  }
0x1c: {  	s16 =	simm.s32 $0xD00;
	s22 =	simm.s32 $0xE80;
	s29 =	sadd.s32 s9, s2  }
0x1d: {  	v0 =	vimm.f32 $0.0e+00;
	s9 =	smul.u32 $0x2800, s8;
	s8 =	simm.s32 $0x0;
	[dreg:$0x16] =	wrdreg s29  }
.LBB2_1:
0x1e: {  	[tilespmem:$0x1000] =	vst v0  }
0x1f: {  	[tilespmem:$0x1010] =	vst v0  }
0x20: {  	[tilespmem:$0x1020] =	vst v0  }
0x21: {  	[tilespmem:$0x1030] =	vst v0  }
0x22: {  	[tilespmem:$0x1040] =	vst v0  }
0x23: {  	[tilespmem:$0x1050] =	vst v0  }
0x24: {  	[tilespmem:$0x1060] =	vst v0  }
0x25: {  	[tilespmem:$0x1070] =	vst v0  }
0x26: {  	[tilespmem:$0x1080] =	vst v0  }
0x27: {  	[tilespmem:$0x1090] =	vst v0  }
0x28: {  	[tilespmem:$0x10A0] =	vst v0  }
0x29: {  	[tilespmem:$0x10B0] =	vst v0  }
0x2a: {  	[tilespmem:$0x10C0] =	vst v0  }
0x2b: {  	[tilespmem:$0x10D0] =	vst v0  }
0x2c: {  	[tilespmem:$0x10E0] =	vst v0  }
0x2d: {  	[tilespmem:$0x10F0] =	vst v0  }
0x2e: {  	[tilespmem:$0x1100] =	vst v0  }
0x2f: {  	[tilespmem:$0x1110] =	vst v0  }
0x30: {  	[tilespmem:$0x1120] =	vst v0  }
0x31: {  	[tilespmem:$0x1130] =	vst v0  }
0x32: {  	[tilespmem:$0x1140] =	vst v0  }
0x33: {  	[tilespmem:$0x1150] =	vst v0  }
0x34: {  	[tilespmem:$0x1160] =	vst v0  }
0x35: {  	[tilespmem:$0x1170] =	vst v0  }
0x36: {  	[tilespmem:$0x1180] =	vst v0  }
0x37: {  	[tilespmem:$0x1190] =	vst v0  }
0x38: {  	[tilespmem:$0x11A0] =	vst v0  }
0x39: {  	[tilespmem:$0x11B0] =	vst v0  }
0x3a: {  	[tilespmem:$0x11C0] =	vst v0  }
0x3b: {  	[tilespmem:$0x11D0] =	vst v0  }
0x3c: {  	[tilespmem:$0x11E0] =	vst v0  }
0x3d: {  	[tilespmem:$0x11F0] =	vst v0  }
0x3e: {  	[tilespmem:$0x1200] =	vst v0  }
0x3f: {  	[tilespmem:$0x1210] =	vst v0  }
0x40: {  	[tilespmem:$0x1220] =	vst v0  }
0x41: {  	[tilespmem:$0x1230] =	vst v0  }
0x42: {  	[tilespmem:$0x1240] =	vst v0  }
0x43: {  	[tilespmem:$0x1250] =	vst v0  }
0x44: {  	[tilespmem:$0x1260] =	vst v0  }
0x45: {  	[dreg:$0x18] =	wrdreg s8;
	[tilespmem:$0x1270] =	vst v0  }
0x46: {  	[spmem:s29] =	stream.linear.scatter [tilespmem:s31], [sflag:$0x1], $0x280, $0x38;
	[tilespmem:$0x4D00] =	vst v63  }
0x47: {  	_ =	swait.ge [sflag:s12], $0x280  }
0x48: {  	[sflag:s12] =	ssyncset.done $0x0  }
0x49: {  	[sflag:s12] =	ssyncadd.s32 $0xFFFFFD80  }
0x4a: {  	[bflag:$0x0] =	sbarrier.arrive $0xFFFF  }
0x4b: {  	p0 =	por $0x0, $0x0;
	s0 =	rddreg [dreg:$0x4]  }
0x4c: {  	s0 =	simm.s32 @!p0 $0x0  }
0x4d: {  	s0 =	sor.u32 s7, s0  }
0x4e: {  	s8 =	simm.s32 $0xFFFFD800;
	p0 =	por $0x1, $0x1;
	s0 =	smul.u32 $0x2800, s0  }
0x4f: {  	s8 =	smov.u32 @p0 s3  }
0x50: {  	s0 =	sadd.s32 s8, s0  }
0x51: {  	s0 =	sshrl.u32 s0, $0x3  }
0x52: {  	s11 =	sadd.s32 s1, s0  }
0x53: {  	[tilespmem:s3], [sflag:$0x1] =	stream.linear.gather [hbm4b:s11+s3], $0x800, $0x38;
	[tilespmem:$0x4D00] =	vst v63  }
0x54: {  	_ =	swait.ge [sflag:s12], $0x800  }
0x55: {  	[sflag:s12] =	ssyncset.done $0x0  }
0x56: {  	s0 =	sadd.s32 s5, s0;
	[sflag:s12] =	ssyncadd.s32 $0xFFFFF800  }
0x57: {  	[tilespmem:s13], [sflag:$0x1] =	stream.linear.gather [hbm4b:s0+s3], $0x800, $0x38;
	[tilespmem:$0x4D00] =	vst v63  }
0x58: {  	_ =	swait.ge [sflag:s12], $0x800  }
0x59: {  	[sflag:s12] =	ssyncset.done $0x0  }
0x5a: {  	[sflag:s12] =	ssyncadd.s32 $0xFFFFF800  }
0x5b: {  	[spmem:s2] =	stream.indirect.scatter.add.f32 [tilespmem:s13], [sflag:$0x1], $0x1, s3, s14, $0xb8;
	[tilespmem:$0x4D00] =	vst v63  }
0x5c: {  	_ =	swait.ge [sflag:s12], $0x80  }
0x5d: {  	[sflag:s12] =	ssyncset.done $0x0  }
0x5e: {  	s8 =	rddreg [dreg:$0x5];
	[sflag:s12] =	ssyncadd.s32 $0xFFFFFF80  }
0x5f: {  	[spmem:s2] =	stream.indirect.scatter.add.f32 [tilespmem:s8], [sflag:$0x1], $0x1, s14, s14, $0xb8;
	[tilespmem:$0x4D00] =	vst v63  }
0x60: {  	_ =	swait.ge [sflag:s12], $0x80  }
0x61: {  	s10 =	rddreg [dreg:$0x6];
	[sflag:s12] =	ssyncset.done $0x0  }
0x62: {  	s11 =	rddreg [dreg:$0x7];
	[sflag:s12] =	ssyncadd.s32 $0xFFFFFF80  }
0x63: {  	[spmem:s2] =	stream.indirect.scatter.add.f32 [tilespmem:s11], [sflag:$0x1], $0x1, s10, s14, $0xb8;
	[tilespmem:$0x4D00] =	vst v63  }
0x64: {  	_ =	swait.ge [sflag:s12], $0x80  }
0x65: {  	s10 =	rddreg [dreg:$0x8];
	[sflag:s12] =	ssyncset.done $0x0  }
0x66: {  	s11 =	rddreg [dreg:$0x9];
	[sflag:s12] =	ssyncadd.s32 $0xFFFFFF80  }
0x67: {  	[spmem:s2] =	stream.indirect.scatter.add.f32 [tilespmem:s11], [sflag:$0x1], $0x1, s10, s14, $0xb8;
	[tilespmem:$0x4D00] =	vst v63  }
0x68: {  	_ =	swait.ge [sflag:s12], $0x80  }
0x69: {  	s10 =	rddreg [dreg:$0xa];
	[sflag:s12] =	ssyncset.done $0x0  }
0x6a: {  	s11 =	rddreg [dreg:$0xb];
	[sflag:s12] =	ssyncadd.s32 $0xFFFFFF80  }
0x6b: {  	[spmem:s2] =	stream.indirect.scatter.add.f32 [tilespmem:s11], [sflag:$0x1], $0x1, s10, s14, $0xb8;
	[tilespmem:$0x4D00] =	vst v63  }
0x6c: {  	_ =	swait.ge [sflag:s12], $0x80  }
0x6d: {  	s10 =	rddreg [dreg:$0xc];
	[sflag:s12] =	ssyncset.done $0x0  }
0x6e: {  	s11 =	rddreg [dreg:$0xd];
	[sflag:s12] =	ssyncadd.s32 $0xFFFFFF80  }
0x6f: {  	[spmem:s2] =	stream.indirect.scatter.add.f32 [tilespmem:s11], [sflag:$0x1], $0x1, s10, s14, $0xb8;
	[tilespmem:$0x4D00] =	vst v63  }
0x70: {  	_ =	swait.ge [sflag:s12], $0x80  }
0x71: {  	s10 =	rddreg [dreg:$0xe];
	[sflag:s12] =	ssyncset.done $0x0  }
0x72: {  	s11 =	rddreg [dreg:$0xf];
	[sflag:s12] =	ssyncadd.s32 $0xFFFFFF80  }
0x73: {  	[spmem:s2] =	stream.indirect.scatter.add.f32 [tilespmem:s11], [sflag:$0x1], $0x1, s10, s14, $0xb8;
	[tilespmem:$0x4D00] =	vst v63  }
0x74: {  	_ =	swait.ge [sflag:s12], $0x80  }
0x75: {  	s10 =	rddreg [dreg:$0x10];
	[sflag:s12] =	ssyncset.done $0x0  }
0x76: {  	s11 =	rddreg [dreg:$0x11];
	[sflag:s12] =	ssyncadd.s32 $0xFFFFFF80  }
0x77: {  	[spmem:s2] =	stream.indirect.scatter.add.f32 [tilespmem:s11], [sflag:$0x1], $0x1, s10, s14, $0xb8;
	[tilespmem:$0x4D00] =	vst v63  }
0x78: {  	_ =	swait.ge [sflag:s12], $0x80  }
0x79: {  	s10 =	rddreg [dreg:$0x12];
	[sflag:s12] =	ssyncset.done $0x0  }
0x7a: {  	s11 =	rddreg [dreg:$0x13];
	[sflag:s12] =	ssyncadd.s32 $0xFFFFFF80  }
0x7b: {  	[spmem:s2] =	stream.indirect.scatter.add.f32 [tilespmem:s11], [sflag:$0x1], $0x1, s10, s14, $0xb8;
	[tilespmem:$0x4D00] =	vst v63  }
0x7c: {  	_ =	swait.ge [sflag:s12], $0x80  }
0x7d: {  	s10 =	rddreg [dreg:$0x14];
	[sflag:s12] =	ssyncset.done $0x0  }
0x7e: {  	s11 =	rddreg [dreg:$0x15];
	[sflag:s12] =	ssyncadd.s32 $0xFFFFFF80  }
0x7f: {  	[spmem:s2] =	stream.indirect.scatter.add.f32 [tilespmem:s11], [sflag:$0x1], $0x1, s10, s14, $0xb8;
	[tilespmem:$0x4D00] =	vst v63  }
0x80: {  	_ =	swait.ge [sflag:s12], $0x80  }
0x81: {  	[sflag:s12] =	ssyncset.done $0x0  }
0x82: {  	[sflag:s12] =	ssyncadd.s32 $0xFFFFFF80  }
0x83: {  	[spmem:s2] =	stream.indirect.scatter.add.f32 [tilespmem:s16], [sflag:$0x1], $0x1, s15, s14, $0xb8;
	[tilespmem:$0x4D00] =	vst v63  }
0x84: {  	_ =	swait.ge [sflag:s12], $0x80  }
0x85: {  	[sflag:s12] =	ssyncset.done $0x0  }
0x86: {  	[sflag:s12] =	ssyncadd.s32 $0xFFFFFF80  }
0x87: {  	[spmem:s2] =	stream.indirect.scatter.add.f32 [tilespmem:s18], [sflag:$0x1], $0x1, s17, s14, $0xb8;
	[tilespmem:$0x4D00] =	vst v63  }
0x88: {  	_ =	swait.ge [sflag:s12], $0x80  }
0x89: {  	[sflag:s12] =	ssyncset.done $0x0  }
0x8a: {  	[sflag:s12] =	ssyncadd.s32 $0xFFFFFF80  }
0x8b: {  	[spmem:s2] =	stream.indirect.scatter.add.f32 [tilespmem:s20], [sflag:$0x1], $0x1, s19, s14, $0xb8;
	[tilespmem:$0x4D00] =	vst v63  }
0x8c: {  	_ =	swait.ge [sflag:s12], $0x80  }
0x8d: {  	[sflag:s12] =	ssyncset.done $0x0  }
0x8e: {  	[sflag:s12] =	ssyncadd.s32 $0xFFFFFF80  }
0x8f: {  	[spmem:s2] =	stream.indirect.scatter.add.f32 [tilespmem:s22], [sflag:$0x1], $0x1, s21, s14, $0xb8;
	[tilespmem:$0x4D00] =	vst v63  }
0x90: {  	_ =	swait.ge [sflag:s12], $0x80  }
0x91: {  	s0 =	simm.s32 $0x1;
	s8 =	simm.s32 $0x0;
	[sflag:s12] =	ssyncset.done $0x0  }
.LBB2_2:
0x92: {  	[sflag:s12] =	ssyncadd.s32 $0xFFFFFF80  }
0x93: {  	[spmem:s2] =	stream.indirect.scatter.add.f32 [tilespmem:s24], [sflag:$0x1], $0x1, s23, s14, $0xb8;
	[tilespmem:$0x4D00] =	vst v63  }
0x94: {  	_ =	swait.ge [sflag:s12], $0x80  }
0x95: {  	[sflag:s12] =	ssyncset.done $0x0  }
0x96: {  	[sflag:s12] =	ssyncadd.s32 $0xFFFFFF80  }
0x97: {  	[spmem:s2] =	stream.indirect.scatter.add.f32 [tilespmem:s26], [sflag:$0x1], $0x1, s25, s14, $0xb8;
	[tilespmem:$0x4D00] =	vst v63  }
0x98: {  	s10 =	smov.u32 s0;
	_ =	swait.ge [sflag:s12], $0x80  }
0x99: {  	p1 =	sgt.u32 s10, $0x4;
	s11 =	rddreg [dreg:$0x4]  }
0x9a: {  	s11 =	simm.s32 @!p1 $0x0  }
0x9b: {  	s8 =	sadd.s32 $0x800, s8;
	s11 =	sor.u32 s7, s11  }
0x9c: {  	p1 =	slt.u32 s10, $0x5;
	s10 =	sadd.s32 $0xFFFFD800, s8;
	s11 =	smul.u32 $0x2800, s11  }
0x9d: {  	s10 =	smov.u32 @p1 s8  }
0x9e: {  	s10 =	sadd.s32 s10, s11  }
0x9f: {  	[sflag:s12] =	ssyncset.done $0x0;
	s10 =	sshrl.u32 s10, $0x3  }
0xa0: {  	[sflag:s12] =	ssyncadd.s32 $0xFFFFFF80;
	s11 =	sadd.s32 s1, s10  }
0xa1: {  	[tilespmem:s3], [sflag:$0x1] =	stream.linear.gather [hbm4b:s11+s3], $0x800, $0x38;
	[tilespmem:$0x4D00] =	vst v63  }
0xa2: {  	_ =	swait.ge [sflag:s12], $0x800  }
0xa3: {  	[sflag:s12] =	ssyncset.done $0x0  }
0xa4: {  	s10 =	sadd.s32 s5, s10;
	[sflag:s12] =	ssyncadd.s32 $0xFFFFF800  }
0xa5: {  	[tilespmem:s13], [sflag:$0x1] =	stream.linear.gather [hbm4b:s10+s3], $0x800, $0x38;
	[tilespmem:$0x4D00] =	vst v63  }
0xa6: {  	_ =	swait.ge [sflag:s12], $0x800  }
0xa7: {  	[sflag:s12] =	ssyncset.done $0x0  }
0xa8: {  	[sflag:s12] =	ssyncadd.s32 $0xFFFFF800  }
0xa9: {  	[spmem:s2] =	stream.indirect.scatter.add.f32 [tilespmem:s13], [sflag:$0x1], $0x1, s3, s14, $0xb8;
	[tilespmem:$0x4D00] =	vst v63  }
0xaa: {  	_ =	swait.ge [sflag:s12], $0x80  }
0xab: {  	[sflag:s12] =	ssyncset.done $0x0  }
0xac: {  	s11 =	rddreg [dreg:$0x5];
	[sflag:s12] =	ssyncadd.s32 $0xFFFFFF80  }
0xad: {  	[spmem:s2] =	stream.indirect.scatter.add.f32 [tilespmem:s11], [sflag:$0x1], $0x1, s14, s14, $0xb8;
	[tilespmem:$0x4D00] =	vst v63  }
0xae: {  	_ =	swait.ge [sflag:s12], $0x80  }
0xaf: {  	s10 =	rddreg [dreg:$0x6];
	[sflag:s12] =	ssyncset.done $0x0  }
0xb0: {  	s11 =	rddreg [dreg:$0x7];
	[sflag:s12] =	ssyncadd.s32 $0xFFFFFF80  }
0xb1: {  	[spmem:s2] =	stream.indirect.scatter.add.f32 [tilespmem:s11], [sflag:$0x1], $0x1, s10, s14, $0xb8;
	[tilespmem:$0x4D00] =	vst v63  }
0xb2: {  	_ =	swait.ge [sflag:s12], $0x80  }
0xb3: {  	[sflag:s12] =	ssyncset.done $0x0;
	s10 =	rddreg [dreg:$0x8]  }
0xb4: {  	s11 =	rddreg [dreg:$0x9];
	[sflag:s12] =	ssyncadd.s32 $0xFFFFFF80  }
0xb5: {  	[spmem:s2] =	stream.indirect.scatter.add.f32 [tilespmem:s11], [sflag:$0x1], $0x1, s10, s14, $0xb8;
	[tilespmem:$0x4D00] =	vst v63  }
0xb6: {  	_ =	swait.ge [sflag:s12], $0x80  }
0xb7: {  	[sflag:s12] =	ssyncset.done $0x0;
	s10 =	rddreg [dreg:$0xa]  }
0xb8: {  	s11 =	rddreg [dreg:$0xb];
	[sflag:s12] =	ssyncadd.s32 $0xFFFFFF80  }
0xb9: {  	[spmem:s2] =	stream.indirect.scatter.add.f32 [tilespmem:s11], [sflag:$0x1], $0x1, s10, s14, $0xb8;
	[tilespmem:$0x4D00] =	vst v63  }
0xba: {  	_ =	swait.ge [sflag:s12], $0x80  }
0xbb: {  	[sflag:s12] =	ssyncset.done $0x0;
	s10 =	rddreg [dreg:$0xc]  }
0xbc: {  	s11 =	rddreg [dreg:$0xd];
	[sflag:s12] =	ssyncadd.s32 $0xFFFFFF80  }
0xbd: {  	[spmem:s2] =	stream.indirect.scatter.add.f32 [tilespmem:s11], [sflag:$0x1], $0x1, s10, s14, $0xb8;
	[tilespmem:$0x4D00] =	vst v63  }
0xbe: {  	_ =	swait.ge [sflag:s12], $0x80  }
0xbf: {  	[sflag:s12] =	ssyncset.done $0x0;
	s10 =	rddreg [dreg:$0xe]  }
0xc0: {  	s11 =	rddreg [dreg:$0xf];
	[sflag:s12] =	ssyncadd.s32 $0xFFFFFF80  }
0xc1: {  	[spmem:s2] =	stream.indirect.scatter.add.f32 [tilespmem:s11], [sflag:$0x1], $0x1, s10, s14, $0xb8;
	[tilespmem:$0x4D00] =	vst v63  }
0xc2: {  	_ =	swait.ge [sflag:s12], $0x80  }
0xc3: {  	[sflag:s12] =	ssyncset.done $0x0;
	s10 =	rddreg [dreg:$0x10]  }
0xc4: {  	s11 =	rddreg [dreg:$0x11];
	[sflag:s12] =	ssyncadd.s32 $0xFFFFFF80  }
0xc5: {  	[spmem:s2] =	stream.indirect.scatter.add.f32 [tilespmem:s11], [sflag:$0x1], $0x1, s10, s14, $0xb8;
	[tilespmem:$0x4D00] =	vst v63  }
0xc6: {  	_ =	swait.ge [sflag:s12], $0x80  }
0xc7: {  	[sflag:s12] =	ssyncset.done $0x0;
	s10 =	rddreg [dreg:$0x12]  }
0xc8: {  	s11 =	rddreg [dreg:$0x13];
	[sflag:s12] =	ssyncadd.s32 $0xFFFFFF80  }
0xc9: {  	[spmem:s2] =	stream.indirect.scatter.add.f32 [tilespmem:s11], [sflag:$0x1], $0x1, s10, s14, $0xb8;
	[tilespmem:$0x4D00] =	vst v63  }
0xca: {  	_ =	swait.ge [sflag:s12], $0x80  }
0xcb: {  	[sflag:s12] =	ssyncset.done $0x0;
	s10 =	rddreg [dreg:$0x14]  }
0xcc: {  	s11 =	rddreg [dreg:$0x15];
	[sflag:s12] =	ssyncadd.s32 $0xFFFFFF80  }
0xcd: {  	[spmem:s2] =	stream.indirect.scatter.add.f32 [tilespmem:s11], [sflag:$0x1], $0x1, s10, s14, $0xb8;
	[tilespmem:$0x4D00] =	vst v63  }
0xce: {  	_ =	swait.ge [sflag:s12], $0x80  }
0xcf: {  	[sflag:s12] =	ssyncset.done $0x0  }
0xd0: {  	[sflag:s12] =	ssyncadd.s32 $0xFFFFFF80  }
0xd1: {  	[spmem:s2] =	stream.indirect.scatter.add.f32 [tilespmem:s16], [sflag:$0x1], $0x1, s15, s14, $0xb8;
	[tilespmem:$0x4D00] =	vst v63  }
0xd2: {  	_ =	swait.ge [sflag:s12], $0x80  }
0xd3: {  	[sflag:s12] =	ssyncset.done $0x0  }
0xd4: {  	[sflag:s12] =	ssyncadd.s32 $0xFFFFFF80  }
0xd5: {  	[spmem:s2] =	stream.indirect.scatter.add.f32 [tilespmem:s18], [sflag:$0x1], $0x1, s17, s14, $0xb8;
	[tilespmem:$0x4D00] =	vst v63  }
0xd6: {  	_ =	swait.ge [sflag:s12], $0x80  }
0xd7: {  	[sflag:s12] =	ssyncset.done $0x0  }
0xd8: {  	[sflag:s12] =	ssyncadd.s32 $0xFFFFFF80  }
0xd9: {  	[spmem:s2] =	stream.indirect.scatter.add.f32 [tilespmem:s20], [sflag:$0x1], $0x1, s19, s14, $0xb8;
	[tilespmem:$0x4D00] =	vst v63  }
0xda: {  	p0 =	sne.s32 s0, $0x9;
	_ =	swait.ge [sflag:s12], $0x80  }
.Ltmp0:
0xdb: {  	[sflag:s12] =	ssyncset.done $0x0;
	(pc) =	sbr.rel @p0 .LBB2_2-.Ltmp0, $4  }
0xdc: {  	[sflag:s12] =	ssyncadd.s32 $0xFFFFFF80  }
0xdd: {  	[spmem:s2] =	stream.indirect.scatter.add.f32 [tilespmem:s22], [sflag:$0x1], $0x1, s21, s14, $0xb8;
	[tilespmem:$0x4D00] =	vst v63  }
0xde: {  	_ =	swait.ge [sflag:s12], $0x80  }
0xdf: {  	s0 =	sadd.s32 $0x1, s0;
	[sflag:s12] =	ssyncset.done $0x0  }
0xe0: {  	[sflag:s12] =	ssyncadd.s32 $0xFFFFFF80  }
0xe1: {  	[spmem:s2] =	stream.indirect.scatter.add.f32 [tilespmem:s24], [sflag:$0x1], $0x1, s23, s14, $0xb8;
	[tilespmem:$0x4D00] =	vst v63  }
0xe2: {  	_ =	swait.ge [sflag:s12], $0x80  }
0xe3: {  	[sflag:s12] =	ssyncset.done $0x0  }
0xe4: {  	[sflag:s12] =	ssyncadd.s32 $0xFFFFFF80  }
0xe5: {  	[spmem:s2] =	stream.indirect.scatter.add.f32 [tilespmem:s26], [sflag:$0x1], $0x1, s25, s14, $0xb8;
	[tilespmem:$0x4D00] =	vst v63  }
0xe6: {  	_ =	swait.ge [sflag:s12], $0x80  }
0xe7: {  	[sflag:s12] =	ssyncset.done $0x0  }
0xe8: {  	[sflag:s12] =	ssyncadd.s32 $0xFFFFFF80  }
0xe9: {  	[bflag:$0x0] =	sbarrier.arrive $0xFFFF  }
0xea: {  	[tilespmem:s31], [sflag:$0x1] =	stream.linear.gather [spmem:s29], $0x280, $0x38;
	[tilespmem:$0x4D00] =	vst v63  }
0xeb: {  	_ =	swait.ge [sflag:s12], $0x280  }
0xec: {  	[sflag:s12] =	ssyncset.done $0x0  }
0xed: {  	s0 =	simm.s32 $0x0;
	s8 =	simm.s32 $0x40;
	[sflag:s12] =	ssyncadd.s32 $0xFFFFFD80  }
.LBB2_4:
0xee: {  	p0 =	sne.s32 s8, $0x9C0;
	v1 =	vld [tilespmem:s0+$0x1000];
	_ =	sdelay $0x4  }
0xef: {  	v2 =	vmax.f32 v1, $9.999999960e-13  }
0xf0: {  	v3 =	vshrl.u32 v2, $0x1;
	v2 =	vmul.f32 $5.000000000e-01, v2  }
0xf1: {  	v3 =	vsub.s32 $0x5F3759DF, v3  }
0xf2: {  	v4 =	vmul.f32 v3, v2;
	_ =	sdelay $0x1  }
0xf3: {  	v4 =	vmul.f32 v3, v4;
	_ =	sdelay $0x1  }
0xf4: {  	v4 =	vsub.f32 $1.500000000e+00, v4;
	_ =	sdelay $0x1  }
0xf5: {  	v3 =	vmul.f32 v3, v4;
	_ =	sdelay $0x1  }
0xf6: {  	v4 =	vmul.f32 v3, v2;
	_ =	sdelay $0x1  }
0xf7: {  	v4 =	vmul.f32 v4, v3;
	_ =	sdelay $0x1  }
0xf8: {  	v4 =	vsub.f32 $1.500000000e+00, v4;
	_ =	sdelay $0x1  }
0xf9: {  	v3 =	vmul.f32 v4, v3;
	_ =	sdelay $0x1  }
0xfa: {  	v2 =	vmul.f32 v3, v2;
	_ =	sdelay $0x1  }
0xfb: {  	v2 =	vmul.f32 v2, v3;
	_ =	sdelay $0x1  }
0xfc: {  	v2 =	vsub.f32 $1.500000000e+00, v2  }
.Ltmp1:
0xfd: {  	(pc) =	sbr.rel @p0 .LBB2_4-.Ltmp1, $4  }
0xfe: {  	v2 =	vmul.f32 v2, v3  }
0xff: {  	vm0 =	vgt.f32 v1, $0.0e+00  }
0x100: {  	v1 =	vnsel vm0, $0x0, v2  }
0x101: {  	[tilespmem:s0+$0x1000] =	vst v1;
	s0 =	sshra.s32 s8, $0x2;
	s8 =	sadd.s32 $0x40, s8  }
0x102: {  	v1 =	vld [tilespmem:s0+$0x1000];
	_ =	sdelay $0x4  }
0x103: {  	v2 =	vmax.f32 v1, $9.999999960e-13  }
0x104: {  	v3 =	vshrl.u32 v2, $0x1;
	v2 =	vmul.f32 $5.000000000e-01, v2  }
0x105: {  	v3 =	vsub.s32 $0x5F3759DF, v3  }
0x106: {  	v4 =	vmul.f32 v3, v2;
	_ =	sdelay $0x1  }
0x107: {  	v4 =	vmul.f32 v3, v4;
	_ =	sdelay $0x1  }
0x108: {  	v4 =	vsub.f32 $1.500000000e+00, v4;
	_ =	sdelay $0x1  }
0x109: {  	v3 =	vmul.f32 v3, v4;
	_ =	sdelay $0x1  }
0x10a: {  	v4 =	vmul.f32 v3, v2;
	_ =	sdelay $0x1  }
0x10b: {  	v4 =	vmul.f32 v4, v3;
	_ =	sdelay $0x1  }
0x10c: {  	v4 =	vsub.f32 $1.500000000e+00, v4;
	_ =	sdelay $0x1  }
0x10d: {  	v3 =	vmul.f32 v4, v3;
	_ =	sdelay $0x1  }
0x10e: {  	v2 =	vmul.f32 v3, v2;
	_ =	sdelay $0x1  }
0x10f: {  	v2 =	vmul.f32 v2, v3;
	_ =	sdelay $0x1  }
0x110: {  	v2 =	vsub.f32 $1.500000000e+00, v2;
	_ =	sdelay $0x1  }
0x111: {  	v2 =	vmul.f32 v2, v3  }
0x112: {  	vm0 =	vgt.f32 v1, $0.0e+00  }
0x113: {  	v1 =	vnsel vm0, $0x0, v2  }
0x114: {  	[tilespmem:s0+$0x1000] =	vst v1  }
0x115: {  	[spmem:s29] =	stream.linear.scatter [tilespmem:s31], [sflag:$0x1], $0x280, $0x38;
	[tilespmem:$0x4D00] =	vst v63  }
0x116: {  	_ =	swait.ge [sflag:s12], $0x280  }
0x117: {  	[sflag:s12] =	ssyncset.done $0x0  }
0x118: {  	[sflag:s12] =	ssyncadd.s32 $0xFFFFFD80  }
0x119: {  	[bflag:$0x0] =	sbarrier.arrive $0xFFFF  }
0x11a: {  	[tilespmem:s28], [sflag:$0x1] =	stream.linear.gather [spmem:s2], $0x2800, $0x38;
	[tilespmem:$0x4D00] =	vst v63  }
0x11b: {  	_ =	swait.ge [sflag:s12], $0x2800  }
0x11c: {  	[sflag:s12] =	ssyncset.done $0x0  }
0x11d: {  	s10 =	simm.s32 $0x0;
	s0 =	simm.s32 $0x0;
	[sflag:s12] =	ssyncadd.s32 $0xFFFFD800  }
.LBB2_6:
0x11e: {  	s8 =	sshll.u32 s10, $0xB  }
0x11f: {  	s8 =	sadd.s32 s9, s8  }
0x120: {  	s11 =	sshrl.u32 s8, $0x3  }
0x121: {  	s29 =	simm.s32 $0x3A80;
	s8 =	sadd.s32 s4, s11  }
0x122: {  	[tilespmem:s29], [sflag:$0x1] =	stream.linear.gather [hbm4b:s8+s0], $0x800, $0x38;
	[tilespmem:$0x4D00] =	vst v63  }
0x123: {  	_ =	swait.ge [sflag:s12], $0x800  }
0x124: {  	[sflag:s12] =	ssyncset.done $0x0  }
0x125: {  	s8 =	sadd.s32 s1, s11;
	[sflag:s12] =	ssyncadd.s32 $0xFFFFF800  }
0x126: {  	[tilespmem:s0], [sflag:$0x1] =	stream.linear.gather [hbm4b:s8+s0], $0x800, $0x38;
	[tilespmem:$0x4D00] =	vst v63  }
0x127: {  	_ =	swait.ge [sflag:s12], $0x800  }
0x128: {  	[sflag:s12] =	ssyncset.done $0x0  }
0x129: {  	s8 =	sadd.s32 s5, s11;
	[sflag:s12] =	ssyncadd.s32 $0xFFFFF800  }
0x12a: {  	[tilespmem:s13], [sflag:$0x1] =	stream.linear.gather [hbm4b:s8+s0], $0x800, $0x38;
	[tilespmem:$0x4D00] =	vst v63  }
0x12b: {  	_ =	swait.ge [sflag:s12], $0x800  }
0x12c: {  	[sflag:s12] =	ssyncset.done $0x0  }
0x12d: {  	s8 =	simm.s32 $0x0;
	[sflag:s12] =	ssyncadd.s32 $0xFFFFF800  }
0x12e: {  	v1 =	vld [tilespmem:s8+$0x3A80];
	_ =	sdelay $0x1  }
0x12f: {  	v2 =	vld [tilespmem:s8+$0x0];
	_ =	sdelay $0x4  }
0x130: {  	v3 =	vld [tilespmem:s8+$0x800]  }
0x131: {  	v1 =	vld.idx.msk [tilespmem:v1+s28+$0x0], $0xffff  }
0x132: {  	v4 =	vld [tilespmem:s8+$0x3A90]  }
0x133: {  	v2 =	vld.idx.msk [tilespmem:v2+s28+$0x0], $0xffff  }
0x134: {  	v5 =	vld [tilespmem:s8+$0x10];
	_ =	sdelay $0x1  }
0x135: {  	v1 =	vmul.f32 v1, v3;
	_ =	sdelay $0x1  }
0x136: {  	v1 =	vmul.f32 v2, v1;
	_ =	sdelay $0x1  }
0x137: {  	v2 =	vld [tilespmem:s8+$0x810];
	[tilespmem:s8+$0x4280] =	vst v1  }
0x138: {  	v1 =	vld.idx.msk [tilespmem:v4+s28+$0x0], $0xffff  }
0x139: {  	v3 =	vld.idx.msk [tilespmem:v5+s28+$0x0], $0xffff  }
0x13a: {  	v4 =	vld [tilespmem:s8+$0x3AA0]  }
0x13b: {  	v5 =	vld [tilespmem:s8+$0x20];
	_ =	sdelay $0x1  }
0x13c: {  	v1 =	vmul.f32 v1, v2;
	_ =	sdelay $0x1  }
0x13d: {  	v1 =	vmul.f32 v3, v1;
	_ =	sdelay $0x1  }
0x13e: {  	v2 =	vld [tilespmem:s8+$0x820];
	[tilespmem:s8+$0x4290] =	vst v1  }
0x13f: {  	v1 =	vld.idx.msk [tilespmem:v4+s28+$0x0], $0xffff  }
0x140: {  	v3 =	vld.idx.msk [tilespmem:v5+s28+$0x0], $0xffff  }
0x141: {  	v4 =	vld [tilespmem:s8+$0x3AB0]  }
0x142: {  	v5 =	vld [tilespmem:s8+$0x30];
	_ =	sdelay $0x1  }
0x143: {  	v1 =	vmul.f32 v1, v2;
	_ =	sdelay $0x1  }
0x144: {  	v1 =	vmul.f32 v3, v1;
	_ =	sdelay $0x1  }
0x145: {  	v2 =	vld [tilespmem:s8+$0x830];
	[tilespmem:s8+$0x42A0] =	vst v1  }
0x146: {  	v1 =	vld.idx.msk [tilespmem:v4+s28+$0x0], $0xffff  }
0x147: {  	v3 =	vld.idx.msk [tilespmem:v5+s28+$0x0], $0xffff  }
0x148: {  	v4 =	vld [tilespmem:s8+$0x3AC0]  }
0x149: {  	v5 =	vld [tilespmem:s8+$0x40];
	_ =	sdelay $0x1  }
0x14a: {  	v1 =	vmul.f32 v1, v2;
	_ =	sdelay $0x1  }
0x14b: {  	v1 =	vmul.f32 v3, v1;
	_ =	sdelay $0x1  }
0x14c: {  	v2 =	vld [tilespmem:s8+$0x840];
	[tilespmem:s8+$0x42B0] =	vst v1  }
0x14d: {  	v1 =	vld.idx.msk [tilespmem:v4+s28+$0x0], $0xffff  }
0x14e: {  	v3 =	vld.idx.msk [tilespmem:v5+s28+$0x0], $0xffff  }
0x14f: {  	v4 =	vld [tilespmem:s8+$0x3AD0]  }
0x150: {  	v5 =	vld [tilespmem:s8+$0x50];
	_ =	sdelay $0x1  }
0x151: {  	v1 =	vmul.f32 v1, v2;
	_ =	sdelay $0x1  }
0x152: {  	v1 =	vmul.f32 v3, v1;
	_ =	sdelay $0x1  }
0x153: {  	v2 =	vld [tilespmem:s8+$0x850];
	[tilespmem:s8+$0x42C0] =	vst v1  }
0x154: {  	v1 =	vld.idx.msk [tilespmem:v4+s28+$0x0], $0xffff  }
0x155: {  	v3 =	vld.idx.msk [tilespmem:v5+s28+$0x0], $0xffff  }
0x156: {  	v4 =	vld [tilespmem:s8+$0x3AE0]  }
0x157: {  	v5 =	vld [tilespmem:s8+$0x60];
	_ =	sdelay $0x1  }
0x158: {  	v1 =	vmul.f32 v1, v2;
	_ =	sdelay $0x1  }
0x159: {  	v1 =	vmul.f32 v3, v1;
	_ =	sdelay $0x1  }
0x15a: {  	[tilespmem:s8+$0x42D0] =	vst v1;
	v1 =	vld [tilespmem:s8+$0x860]  }
0x15b: {  	v2 =	vld.idx.msk [tilespmem:v4+s28+$0x0], $0xffff  }
0x15c: {  	v3 =	vld.idx.msk [tilespmem:v5+s28+$0x0], $0xffff  }
0x15d: {  	v4 =	vld [tilespmem:s8+$0x3AF0]  }
0x15e: {  	v5 =	vld [tilespmem:s8+$0x70];
	_ =	sdelay $0x1  }
0x15f: {  	v1 =	vmul.f32 v2, v1;
	_ =	sdelay $0x1  }
0x160: {  	v1 =	vmul.f32 v3, v1;
	_ =	sdelay $0x1  }
0x161: {  	[tilespmem:s8+$0x42E0] =	vst v1;
	v1 =	vld [tilespmem:s8+$0x870]  }
0x162: {  	v3 =	vld.idx.msk [tilespmem:v4+s28+$0x0], $0xffff  }
0x163: {  	s31 =	simm.s32 $0x400;
	s29 =	simm.s32 $0x80;
	v2 =	vld.idx.msk [tilespmem:v5+s28+$0x0], $0xffff  }
.LBB2_7:
0x164: {  	p0 =	sne.s32 s31, $0x1E00;
	v4 =	vld [tilespmem:s29+$0x3A80]  }
0x165: {  	v5 =	vld [tilespmem:s29+$0x0];
	_ =	sdelay $0x1  }
0x166: {  	v1 =	vmul.f32 v3, v1;
	_ =	sdelay $0x1  }
0x167: {  	v1 =	vmul.f32 v2, v1;
	_ =	sdelay $0x1  }
0x168: {  	v2 =	vld [tilespmem:s29+$0x800];
	[tilespmem:s8+$0x42F0] =	vst v1;
	s8 =	smov.u32 s29  }
0x169: {  	v1 =	vld.idx.msk [tilespmem:v4+s28+$0x0], $0xffff  }
0x16a: {  	v3 =	vld.idx.msk [tilespmem:v5+s28+$0x0], $0xffff;
	_ =	sdelay $0x1  }
0x16b: {  	v4 =	vld [tilespmem:s8+$0x3A90];
	_ =	sdelay $0x1  }
0x16c: {  	v5 =	vld [tilespmem:s8+$0x10]  }
0x16d: {  	v1 =	vmul.f32 v1, v2;
	_ =	sdelay $0x1  }
0x16e: {  	v1 =	vmul.f32 v3, v1;
	_ =	sdelay $0x1  }
0x16f: {  	[tilespmem:s8+$0x4280] =	vst v1  }
0x170: {  	v1 =	vld.idx.msk [tilespmem:v4+s28+$0x0], $0xffff  }
0x171: {  	v2 =	vld [tilespmem:s8+$0x810]  }
0x172: {  	v3 =	vld.idx.msk [tilespmem:v5+s28+$0x0], $0xffff  }
0x173: {  	v4 =	vld [tilespmem:s8+$0x3AA0];
	_ =	sdelay $0x1  }
0x174: {  	v5 =	vld [tilespmem:s8+$0x20]  }
0x175: {  	v1 =	vmul.f32 v1, v2;
	_ =	sdelay $0x1  }
0x176: {  	v1 =	vmul.f32 v3, v1;
	_ =	sdelay $0x1  }
0x177: {  	[tilespmem:s8+$0x4290] =	vst v1  }
0x178: {  	v1 =	vld.idx.msk [tilespmem:v4+s28+$0x0], $0xffff  }
0x179: {  	v2 =	vld [tilespmem:s8+$0x820]  }
0x17a: {  	v3 =	vld.idx.msk [tilespmem:v5+s28+$0x0], $0xffff  }
0x17b: {  	v4 =	vld [tilespmem:s8+$0x3AB0];
	_ =	sdelay $0x1  }
0x17c: {  	v5 =	vld [tilespmem:s8+$0x30]  }
0x17d: {  	v1 =	vmul.f32 v1, v2;
	_ =	sdelay $0x1  }
0x17e: {  	v1 =	vmul.f32 v3, v1;
	_ =	sdelay $0x1  }
0x17f: {  	[tilespmem:s8+$0x42A0] =	vst v1  }
0x180: {  	v1 =	vld.idx.msk [tilespmem:v4+s28+$0x0], $0xffff  }
0x181: {  	v2 =	vld [tilespmem:s8+$0x830]  }
0x182: {  	v3 =	vld.idx.msk [tilespmem:v5+s28+$0x0], $0xffff  }
0x183: {  	v4 =	vld [tilespmem:s8+$0x3AC0];
	_ =	sdelay $0x1  }
0x184: {  	v5 =	vld [tilespmem:s8+$0x40]  }
0x185: {  	v1 =	vmul.f32 v1, v2;
	_ =	sdelay $0x1  }
0x186: {  	v1 =	vmul.f32 v3, v1;
	_ =	sdelay $0x1  }
0x187: {  	[tilespmem:s8+$0x42B0] =	vst v1  }
0x188: {  	v1 =	vld.idx.msk [tilespmem:v4+s28+$0x0], $0xffff  }
0x189: {  	v2 =	vld [tilespmem:s8+$0x840]  }
0x18a: {  	v3 =	vld.idx.msk [tilespmem:v5+s28+$0x0], $0xffff  }
0x18b: {  	v4 =	vld [tilespmem:s8+$0x3AD0];
	_ =	sdelay $0x1  }
0x18c: {  	v5 =	vld [tilespmem:s8+$0x50]  }
0x18d: {  	v1 =	vmul.f32 v1, v2;
	_ =	sdelay $0x1  }
0x18e: {  	v1 =	vmul.f32 v3, v1;
	_ =	sdelay $0x1  }
0x18f: {  	[tilespmem:s8+$0x42C0] =	vst v1  }
0x190: {  	v1 =	vld.idx.msk [tilespmem:v4+s28+$0x0], $0xffff  }
0x191: {  	v2 =	vld [tilespmem:s8+$0x850]  }
0x192: {  	v3 =	vld.idx.msk [tilespmem:v5+s28+$0x0], $0xffff  }
0x193: {  	v4 =	vld [tilespmem:s8+$0x3AE0]  }
0x194: {  	v5 =	vld [tilespmem:s8+$0x60];
	_ =	sdelay $0x1  }
0x195: {  	v1 =	vmul.f32 v1, v2;
	_ =	sdelay $0x1  }
0x196: {  	v1 =	vmul.f32 v3, v1;
	_ =	sdelay $0x1  }
0x197: {  	[tilespmem:s8+$0x42D0] =	vst v1;
	v1 =	vld [tilespmem:s8+$0x860]  }
0x198: {  	v2 =	vld.idx.msk [tilespmem:v4+s28+$0x0], $0xffff  }
0x199: {  	v3 =	vld.idx.msk [tilespmem:v5+s28+$0x0], $0xffff;
	_ =	sdelay $0x1  }
0x19a: {  	v4 =	vld [tilespmem:s8+$0x3AF0]  }
0x19b: {  	v5 =	vld [tilespmem:s8+$0x70];
	_ =	sdelay $0x1  }
0x19c: {  	v1 =	vmul.f32 v2, v1;
	_ =	sdelay $0x1  }
0x19d: {  	v1 =	vmul.f32 v3, v1  }
.Ltmp2:
0x19e: {  	(pc) =	sbr.rel @p0 .LBB2_7-.Ltmp2, $4  }
0x19f: {  	[tilespmem:s8+$0x42E0] =	vst v1;
	v1 =	vld [tilespmem:s8+$0x870]  }
0x1a0: {  	v3 =	vld.idx.msk [tilespmem:v4+s28+$0x0], $0xffff  }
0x1a1: {  	v2 =	vld.idx.msk [tilespmem:v5+s28+$0x0], $0xffff  }
0x1a2: {  	s29 =	sshra.s32 s31, $0x2;
	s31 =	sadd.s32 $0x200, s31  }
0x1a3: {  	v4 =	vld [tilespmem:s29+$0x3A80];
	_ =	sdelay $0x1  }
0x1a4: {  	v5 =	vld [tilespmem:s29+$0x0]  }
0x1a5: {  	v1 =	vmul.f32 v3, v1;
	_ =	sdelay $0x1  }
0x1a6: {  	v1 =	vmul.f32 v2, v1;
	_ =	sdelay $0x1  }
0x1a7: {  	v2 =	vld [tilespmem:s29+$0x800];
	[tilespmem:s8+$0x42F0] =	vst v1  }
0x1a8: {  	v1 =	vld.idx.msk [tilespmem:v4+s28+$0x0], $0xffff  }
0x1a9: {  	v50 =	vld [tilespmem:s29+$0x3A90]  }
0x1aa: {  	v3 =	vld.idx.msk [tilespmem:v5+s28+$0x0], $0xffff;
	_ =	sdelay $0x1  }
0x1ab: {  	v51 =	vld [tilespmem:s29+$0x10]  }
0x1ac: {  	v1 =	vmul.f32 v1, v2;
	_ =	sdelay $0x1  }
0x1ad: {  	v1 =	vmul.f32 v3, v1;
	_ =	sdelay $0x1  }
0x1ae: {  	v2 =	vld [tilespmem:s29+$0x810];
	[tilespmem:s29+$0x4280] =	vst v1  }
0x1af: {  	v1 =	vld.idx.msk [tilespmem:v50+s28+$0x0], $0xffff  }
0x1b0: {  	v52 =	vld [tilespmem:s29+$0x3AA0]  }
0x1b1: {  	v3 =	vld.idx.msk [tilespmem:v51+s28+$0x0], $0xffff;
	_ =	sdelay $0x1  }
0x1b2: {  	v53 =	vld [tilespmem:s29+$0x20]  }
0x1b3: {  	v1 =	vmul.f32 v1, v2;
	_ =	sdelay $0x1  }
0x1b4: {  	v1 =	vmul.f32 v3, v1;
	_ =	sdelay $0x1  }
0x1b5: {  	v2 =	vld [tilespmem:s29+$0x820];
	[tilespmem:s29+$0x4290] =	vst v1  }
0x1b6: {  	v1 =	vld.idx.msk [tilespmem:v52+s28+$0x0], $0xffff  }
0x1b7: {  	v54 =	vld [tilespmem:s29+$0x3AB0]  }
0x1b8: {  	v3 =	vld.idx.msk [tilespmem:v53+s28+$0x0], $0xffff;
	_ =	sdelay $0x1  }
0x1b9: {  	v55 =	vld [tilespmem:s29+$0x30]  }
0x1ba: {  	v1 =	vmul.f32 v1, v2;
	_ =	sdelay $0x1  }
0x1bb: {  	v1 =	vmul.f32 v3, v1;
	_ =	sdelay $0x1  }
0x1bc: {  	v2 =	vld [tilespmem:s29+$0x830];
	[tilespmem:s29+$0x42A0] =	vst v1  }
0x1bd: {  	v1 =	vld.idx.msk [tilespmem:v54+s28+$0x0], $0xffff  }
0x1be: {  	v56 =	vld [tilespmem:s29+$0x3AC0]  }
0x1bf: {  	v3 =	vld.idx.msk [tilespmem:v55+s28+$0x0], $0xffff;
	_ =	sdelay $0x1  }
0x1c0: {  	v57 =	vld [tilespmem:s29+$0x40]  }
0x1c1: {  	v1 =	vmul.f32 v1, v2;
	_ =	sdelay $0x1  }
0x1c2: {  	v1 =	vmul.f32 v3, v1;
	_ =	sdelay $0x1  }
0x1c3: {  	v2 =	vld [tilespmem:s29+$0x840];
	[tilespmem:s29+$0x42B0] =	vst v1  }
0x1c4: {  	v1 =	vld.idx.msk [tilespmem:v56+s28+$0x0], $0xffff  }
0x1c5: {  	v58 =	vld [tilespmem:s29+$0x3AD0]  }
0x1c6: {  	v3 =	vld.idx.msk [tilespmem:v57+s28+$0x0], $0xffff;
	_ =	sdelay $0x1  }
0x1c7: {  	v59 =	vld [tilespmem:s29+$0x50]  }
0x1c8: {  	v1 =	vmul.f32 v1, v2;
	_ =	sdelay $0x1  }
0x1c9: {  	v1 =	vmul.f32 v3, v1;
	_ =	sdelay $0x1  }
0x1ca: {  	v2 =	vld [tilespmem:s29+$0x850];
	[tilespmem:s29+$0x42C0] =	vst v1  }
0x1cb: {  	v1 =	vld.idx.msk [tilespmem:v58+s28+$0x0], $0xffff  }
0x1cc: {  	v60 =	vld [tilespmem:s29+$0x3AE0]  }
0x1cd: {  	v3 =	vld.idx.msk [tilespmem:v59+s28+$0x0], $0xffff;
	_ =	sdelay $0x1  }
0x1ce: {  	v61 =	vld [tilespmem:s29+$0x60]  }
0x1cf: {  	v1 =	vmul.f32 v1, v2;
	_ =	sdelay $0x1  }
0x1d0: {  	v1 =	vmul.f32 v3, v1;
	_ =	sdelay $0x1  }
0x1d1: {  	[tilespmem:s29+$0x42D0] =	vst v1;
	v1 =	vld [tilespmem:s29+$0x860]  }
0x1d2: {  	v2 =	vld.idx.msk [tilespmem:v60+s28+$0x0], $0xffff  }
0x1d3: {  	v62 =	vld [tilespmem:s29+$0x3AF0]  }
0x1d4: {  	v3 =	vld.idx.msk [tilespmem:v61+s28+$0x0], $0xffff;
	_ =	sdelay $0x1  }
0x1d5: {  	v63 =	vld [tilespmem:s29+$0x70]  }
0x1d6: {  	v1 =	vmul.f32 v2, v1;
	_ =	sdelay $0x1  }
0x1d7: {  	v1 =	vmul.f32 v3, v1;
	_ =	sdelay $0x1  }
0x1d8: {  	[tilespmem:s29+$0x42E0] =	vst v1;
	v1 =	vld [tilespmem:s29+$0x870]  }
0x1d9: {  	v2 =	vld.idx.msk [tilespmem:v62+s28+$0x0], $0xffff;
	_ =	sdelay $0x1  }
0x1da: {  	v3 =	vld.idx.msk [tilespmem:v63+s28+$0x0], $0xffff;
	_ =	sdelay $0x2  }
0x1db: {  	v1 =	vmul.f32 v2, v1;
	_ =	sdelay $0x1  }
0x1dc: {  	s10 =	sadd.s32 $0x1, s10;
	v1 =	vmul.f32 v3, v1  }
0x1dd: {  	p0 =	sne.s32 s10, $0x5  }
.Ltmp3:
0x1de: {  	s31 =	sadd.s32 s6, s11;
	[tilespmem:s29+$0x42F0] =	vst v1;
	(pc) =	sbr.rel @p0 .LBB2_6-.Ltmp3, $4  }
0x1df: {  	[hbm4b:s31+s3] =	stream.linear.scatter [tilespmem:s30], [sflag:$0x1], $0x800, $0x38;
	[tilespmem:$0x4D00] =	vst v63  }
0x1e0: {  	_ =	swait.ge [sflag:s12], $0x800  }
0x1e1: {  	[sflag:s12] =	ssyncset.done $0x0  }
0x1e2: {  	[sflag:s12] =	ssyncadd.s32 $0xFFFFF800  }
0x1e3: {  	s8 =	rddreg [dreg:$0x18]  }
0x1e4: {  	s0 =	rddreg [dreg:$0x17];
	s8 =	sadd.s32 $0x1, s8  }
0x1e5: {  	p0 =	sne.s32 s8, s0  }
.Ltmp4:
0x1e6: {  	_ = 	snop;
	(pc) =	sbr.rel @p0 .LBB2_1-.Ltmp4, $2  }
0x1e7: {  	_ =	sdelay $0x2  }
0x1e8: {  	s29 =	rddreg [dreg:$0x16];
	s31 =	simm.s32 $0x1000  }
0x1e9: {  	_ =	sfence.sel $0x180000  }
0x1ea: {  	[bflag:$0x0] =	sbarrier.arrive $0xFFFF  }
0x1eb: {  	_ =	strace $0x90000047  }
0x1ec: {  	[bflag:$0x2] =	sbarrier.arrive $0xFFFF  }
0x1ed: {  	p0 =	sne.s32 s7, $0x0;
	s0 =	rddreg [dreg:$0x3]  }
0x1ee: {  	s0 =	sadd.s32 @!p0 $0x100000, s0  }
0x1ef: {  	[sflag:s0] =	ssyncadd.tile.s32 @!p0 $0x1;
	_ =	shalt  }
.Lfunc_end2:
_tile_overlayer_lowered:
.L_overlay_start_2:
0x1f0: {  	(tag) =	ssettag $0x2  }
0x1f1: {  	s0 =	rddreg [dreg:$0x0];
	s2 =	stileid.u32  }
0x1f2: {  	s1 =	rddreg [dreg:$0x1];
	p0 =	sne.s32 s2, $0x0  }
0x1f3: {  	s3 =	rddreg [dreg:$0x2];
	[bflag:$0x3] =	sbarrier.arrive $0xFFFF;
	s2 =	simm.s32 @!p0 $0x1C01  }
0x1f4: {  	[timem:s3], [sflag:s2] =	dma.local @!p0 [hbm:s0], s1  }
0x1f5: {  	s0 =	simm.s32 @!p0 $0x1  }
0x1f6: {  	_ =	swait.ge @!p0 [sflag:s0], s1  }
0x1f7: {  	s1 =	ssub.s32 @!p0 $0x0, s1;
	[sflag:s0] =	ssyncset.done @!p0 $0x0  }
0x1f8: {  	[sflag:s0] =	ssyncadd.s32 @!p0 s1  }
0x1f9: {  	[bflag:$0x3] =	sbarrier.arrive $0xFFFF  }
0x1fa: {  	_ =	shalt  }

// kernel: kernel.8.cloned.1.call-start
scs
__scs_entry_jumppad:
0x0: {  	(pc) =	sbr.rel $0x88, $3  }
0x1: {  	(tag) =	ssettag $0x0;
	lr =	simm.s32 $0x1  }
0x2: {  	[smem:$0x3F96] =	sst lr;
	_ =	strace $0xD0000000  }
0x3: {  	_ = 	snop  }
0x4: {  	_ = 	snop  }
0x5: {  	_ = 	snop  }
0x6: {  	_ = 	snop  }
0x7: {  	_ = 	snop  }
__scs_overlays_trampoline_lowered:
0x8: {  	[smem:$0x3FA5] =	sst s0  }
0x9: {  	[smem:$0x3FA6] =	sst s1  }
0xa: {  	[smem:$0x3FA7] =	sst s2  }
0xb: {  	[smem:$0x3FA8] =	sst s3  }
0xc: {  	[smem:$0x3FA9] =	sst s4  }
0xd: {  	[smem:$0x3FAA] =	sst s5  }
0xe: {  	[smem:$0x3FAB] =	sst s6  }
0xf: {  	[smem:$0x3FAC] =	sst s7  }
0x10: {  	[smem:$0x3FAD] =	sst s8  }
0x11: {  	[smem:$0x3FAE] =	sst s9;
	s0 =	simm.s32 @!p0 $0x0  }
0x12: {  	s1 =	sld [smem:$0x3F94];
	s0 =	simm.s32 @p0 $0x1  }
0x13: {  	[smem:$0x3FAF] =	sst s0;
	s0 =	simm.s32 @!p1 $0x0  }
0x14: {  	s2 =	sld [smem:$0x3F93];
	s0 =	simm.s32 @p1 $0x1  }
0x15: {  	[smem:$0x3FB0] =	sst s0;
	s0 =	simm.s32 @!p2 $0x0  }
0x16: {  	s3 =	sld [smem:$0x3FDB];
	s0 =	simm.s32 @p2 $0x1  }
0x17: {  	s4 =	simm.s32 $0x1BF5;
	[smem:$0x3FB2] =	sst s0  }
0x18: {  	s0 =	sld [smem:$0x3F95];
	_ =	swait.ge [sflag:s4], $0x0  }
0x19: {  	s7 =	sld [smem:$0x3F96]  }
0x1a: {  	s8 =	sadd.s32 $0xFFFFE003, lr  }
0x1b: {  	s9 =	sadd.s32 $0xFFFFFEF7, lr;
	s5 =	simm.s32 $0xFFFFFFFF;
	p2 =	slt.u32 s8, $0xFFFFF086  }
0x1c: {  	p1 =	slt.u32 s9, $0xF7A;
	s5 =	simm.s32 @!p2 $0x0  }
0x1d: {  	s5 =	simm.s32 @p1 $0x1;
	p0 =	seq.s32 s7, s2  }
0x1e: {  	s7 =	smul.u32 @!p0 $0xF7A, s2;
	p2 =	seq.s32 @!p0 s5, $0x0  }
0x1f: {  	s9 =	smul.u32 $0xF7A, s1;
	s8 =	simm.s32 @!p0 $0x1BF5;
	p2 =	por !p2, p0  }
0x20: {  	[sflag:s8] =	ssyncset.s32 @!p0 $0xFFFFF086;
	s6 =	sadd.s32 @!p0 s3, s7;
	s7 =	simm.s32 @!p0 $0x108  }
0x21: {  	s3 =	sadd.s32 s3, s9;
	s6 =	sadd.s32 @!p0 $0x88, s6;
	s7 =	simm.s32 @p2 $0x1082  }
0x22: {  	[simem:s7], [sflag:s8] =	dma.local @!p0 [hbm:s6], $0xF7A  }
0x23: {  	s9 =	sor.u32 $0xD0000000, s2;
	s6 =	simm.s32 $0x108;
	_ =	swait.ge @!p0 [sflag:s8], $0x0  }
0x24: {  	s3 =	sadd.s32 $0x88, s3;
	s6 =	simm.s32 @!p1 $0x1082;
	[sflag:s4] =	ssyncset.s32 $0xFFFFF086  }
0x25: {  	[simem:s6], [sflag:s4] =	dma.local [hbm:s3], $0xF7A  }
0x26: {  	[smem:$0x3F96] =	sst s1;
	(tag) =	ssettag s2;
	_ =	strace s9  }
0x27: {  	s1 =	sld [smem:$0x3FA6]  }
0x28: {  	s2 =	sld [smem:$0x3FA7]  }
0x29: {  	s4 =	sld [smem:$0x3FA9]  }
0x2a: {  	p0 =	seq.s32 s5, $0x0;
	s5 =	sld [smem:$0x3FAA]  }
0x2b: {  	s6 =	sld [smem:$0x3FAB]  }
0x2c: {  	s7 =	sld [smem:$0x3FAC]  }
0x2d: {  	s3 =	simm.s32 $0x108;
	s8 =	sld [smem:$0x3FAD]  }
0x2e: {  	s3 =	simm.s32 @!p0 $0x1082;
	s9 =	sld [smem:$0x3FAE]  }
0x2f: {  	lr =	sadd.s32 s0, s3;
	s0 =	sld [smem:$0x3FA5]  }
0x30: {  	s3 =	sld [smem:$0x3FA8]  }
0x31: {  	[smem:$0x3FB1] =	sst s10  }
0x32: {  	s10 =	sld [smem:$0x3FAF];
	_ =	sdelay $0x3  }
0x33: {  	p0 =	seq.s32 s10, $0x1;
	s10 =	sld [smem:$0x3FB1];
	_ =	sdelay $0x3  }
0x34: {  	[smem:$0x3FB1] =	sst s10  }
0x35: {  	s10 =	sld [smem:$0x3FB0];
	_ =	sdelay $0x3  }
0x36: {  	p1 =	seq.s32 s10, $0x1;
	s10 =	sld [smem:$0x3FB1];
	_ =	sdelay $0x3  }
0x37: {  	[smem:$0x3FB1] =	sst s10  }
0x38: {  	s10 =	sld [smem:$0x3FB2]  }
0x39: {  	_ = 	snop;
	(pc) =	sbr.ind lr, $3  }
0x3a: {  	_ = 	snop  }
0x3b: {  	_ = 	snop  }
0x3c: {  	p2 =	seq.s32 s10, $0x1;
	s10 =	sld [smem:$0x3FB1]  }
0x3d: {  	_ =	shalt  }
0x3e: {  	_ =	shalt  }
0x3f: {  	_ =	shalt  }
0x40: {  	_ =	shalt  }
0x41: {  	_ =	shalt  }
0x42: {  	_ =	shalt  }
0x43: {  	_ =	shalt  }
0x44: {  	_ =	shalt  }
0x45: {  	_ =	shalt  }
0x46: {  	_ =	shalt  }
0x47: {  	_ =	shalt  }
0x48: {  	_ =	shalt  }
0x49: {  	_ =	shalt  }
0x4a: {  	_ =	shalt  }
0x4b: {  	_ =	shalt  }
0x4c: {  	_ =	shalt  }
0x4d: {  	_ =	shalt  }
0x4e: {  	_ =	shalt  }
0x4f: {  	_ =	shalt  }
0x50: {  	_ =	shalt  }
0x51: {  	_ =	shalt  }
0x52: {  	_ =	shalt  }
0x53: {  	_ =	shalt  }
0x54: {  	_ =	shalt  }
0x55: {  	_ =	shalt  }
0x56: {  	_ =	shalt  }
0x57: {  	_ =	shalt  }
0x58: {  	_ =	shalt  }
0x59: {  	_ =	shalt  }
0x5a: {  	_ =	shalt  }
0x5b: {  	_ =	shalt  }
0x5c: {  	_ =	shalt  }
0x5d: {  	_ =	shalt  }
0x5e: {  	_ =	shalt  }
0x5f: {  	_ =	shalt  }
0x60: {  	_ =	shalt  }
0x61: {  	_ =	shalt  }
0x62: {  	_ =	shalt  }
0x63: {  	_ =	shalt  }
0x64: {  	_ =	shalt  }
0x65: {  	_ =	shalt  }
0x66: {  	_ =	shalt  }
0x67: {  	_ =	shalt  }
0x68: {  	_ =	shalt  }
0x69: {  	_ =	shalt  }
0x6a: {  	_ =	shalt  }
0x6b: {  	_ =	shalt  }
0x6c: {  	_ =	shalt  }
0x6d: {  	_ =	shalt  }
0x6e: {  	_ =	shalt  }
0x6f: {  	_ =	shalt  }
0x70: {  	_ =	shalt  }
0x71: {  	_ =	shalt  }
0x72: {  	_ =	shalt  }
0x73: {  	_ =	shalt  }
0x74: {  	_ =	shalt  }
0x75: {  	_ =	shalt  }
0x76: {  	_ =	shalt  }
0x77: {  	_ =	shalt  }
0x78: {  	_ =	shalt  }
0x79: {  	_ =	shalt  }
0x7a: {  	_ =	shalt  }
0x7b: {  	_ =	shalt  }
0x7c: {  	_ =	shalt  }
0x7d: {  	_ =	shalt  }
0x7e: {  	_ =	shalt  }
0x7f: {  	_ =	shalt  }
0x80: {  	_ =	shalt  }
0x81: {  	_ =	shalt  }
0x82: {  	_ =	shalt  }
0x83: {  	_ =	shalt  }
0x84: {  	_ =	shalt  }
0x85: {  	_ =	shalt  }
0x86: {  	_ =	shalt  }
0x87: {  	_ =	shalt  }
.Lfunc_end0:
.L_simem_size_0:
called_computation.1_lowered:
.L_overlay_start_0:
0x88: {  	s2 =	sld [smem:$0x3FD9]  }
0x89: {  	s3 =	sld [smem:$0x3FFE];
	_ =	sdelay $0x1  }
0x8a: {  	s1 =	srdreg.scid  }
0x8b: {  	s0 =	sand.u32 $0x1, s1  }
0x8c: {  	s17 =	sshll.u32 s0, $0xA;
	s2 =	sadd.s32 s3, s2  }
0x8d: {  	s2 =	sadd.s32 s2, s17  }
0x8e: {  	[smem:$0x3FBD] =	sst s2  }
0x8f: {  	_ = 	snop  }
0x90: {  	s2 =	sld [smem:$0x3FC9];
	(tm) =	ssettm $0x1  }
0x91: {  	s18 =	sld [smem:$0x3FFB];
	_ =	sdelay $0x3  }
0x92: {  	_ =	strace s18  }
0x93: {  	s3 =	sld [smem:$0x3FFC];
	_ =	sdelay $0x3  }
0x94: {  	_ =	strace s3  }
0x95: {  	s3 =	sld [smem:$0x3FFD];
	_ =	sdelay $0x3  }
0x96: {  	_ =	strace s3  }
0x97: {  	_ =	strace $0x8FFFFFFF  }
0x98: {  	s19 =	sld [smem:$0x3FDB];
	_ =	sdelay $0x1  }
0x99: {  	s4 =	simm.s32 $_scs_section_size  }
0x9a: {  	s5 =	simm.s32 $_size__tile_overlayer_lowered;
	s6 =	simm.s32 $_tile_overlayer_lowered  }
0x9b: {  	s22 =	simm.s32 $0x1BFF;
	s21 =	sshll.u32 s6, $0x1;
	s3 =	sadd.s32 s4, s19  }
0x9c: {  	s7 =	simm.s32 $0x0;
	s20 =	sshll.u32 s5, $0x1;
	s5 =	sadd.s32 s21, s3  }
0x9d: {  	[timem:s7], [sflag:s22] =	dma.local [hbm:s5], s20  }
0x9e: {  	_ =	swait.ge [sflag:s22], s20  }
0x9f: {  	s4 =	ssub.s32 $0x0, s20;
	[sflag:s22] =	ssyncset.done $0x0  }
0xa0: {  	[sflag:s22] =	ssyncadd.s32 s4;
	_ =	sdelay $0x1  }
0xa1: {  	s23 =	simm.s32 $0x1B8B  }
0xa2: {  	_ =	swait.ge [sflag:s23], $0x1  }
0xa3: {  	[sflag:s23] =	ssyncset.done $0x0  }
0xa4: {  	s25 =	simm.s32 $0x1B8E;
	s24 =	sld [smem:$0x3FFE];
	[sflag:s23] =	ssyncadd.s32 $0xFFFFFFFF  }
0xa5: {  	s26 =	simm.s32 $execute0_lowered;
	[smem:$0x3FD2] =	sst s25  }
0xa6: {  	s5 =	sshll.u32 s26, $0x1;
	_ =	strace $0x80000049;
	[dreg:$0x1] =	wrdreg $0xFFFFFFFF  }
0xa7: {  	s28 =	simm.s32 $_size_execute0_lowered;
	s3 =	sadd.s32 s3, s5;
	[dreg:$0x0] =	wrdreg $0x0  }
0xa8: {  	s5 =	sshll.u32 s28, $0x1;
	[dreg:$0x2] =	wrdreg s3  }
0xa9: {  	[dreg:$0x3] =	wrdreg s5  }
0xaa: {  	[dreg:$0x4] =	wrdreg $0xC0  }
0xab: {  	_ =	task [dreg:s7], $0x5FFFF  }
0xac: {  	[dreg:$0x1] =	wrdreg $0xFFFFFFFF  }
0xad: {  	[dreg:$0x0] =	wrdreg $0x60  }
0xae: {  	[dreg:$0x2] =	wrdreg s24  }
0xaf: {  	[dreg:$0x3] =	wrdreg s2  }
0xb0: {  	[dreg:$0x4] =	wrdreg $0xB0000  }
0xb1: {  	[dreg:$0x5] =	wrdreg $0x9  }
0xb2: {  	_ =	task.clear_ibuf [dreg:s7], $0x6FFFF;
	_ =	strace $0x90000049  }
0xb3: {  	s29 =	simm.s32 $0x9;
	_ =	strace $0x8000004B  }
0xb4: {  	_ =	swait.ge [sflag:s29], $0x1  }
0xb5: {  	[sflag:s29] =	ssyncadd.s32 $0xFFFFFFFF  }
0xb6: {  	_ =	strace $0x9000004B  }
0xb7: {  	_ =	sfence  }
0xb8: {  	s30 =	sld [smem:$0x0];
	_ =	sdelay $0x2  }
0xb9: {  	s31 =	sshll.u32 s1, $0xD;
	s1 =	sshrl.u32 s1, $0x2  }
0xba: {  	s3 =	sand.u32 $0x4000, s31;
	s1 =	sadd.s32 s1, s30  }
0xbb: {  	s0 =	sor.u32 s3, s0;
	s1 =	sshll.u32 s1, $0x11  }
0xbc: {  	s0 =	sor.u32 s1, s0  }
0xbd: {  	s0 =	sadd.s32 $0x8F2B, s0  }
0xbe: {  	[sflag:s0] =	ssyncadd.remote.s32 $0x1  }
0xbf: {  	_ =	sfence.sel $0xFFFF  }
0xc0: {  	[dreg:$0x0] =	wrdreg $0xFFFFFFFF;
	(pc) =	sbr.abs _section_cstart, $3  }
0xc1: {  	[dreg:$0x1] =	wrdreg $0xFFFFFFFF  }
0xc2: {  	_ =	task.clear_ibuf [dreg:s7], $0x2FFFF;
	_ =	strace $0x9FFFFFFF  }
0xc3: {  	(tm) =	ssettm $0x7FFFFFFF  }
tec
execute0_lowered:
.L_overlay_start_1:
0x0: {  	(tag) =	ssettag $0x1  }
0x1: {  	s0 =	rddreg [dreg:$0x0]  }
0x2: {  	s1 =	rddreg [dreg:$0x1]  }
0x3: {  	s2 =	rddreg [dreg:$0x2];
	s3 =	srdreg.scid  }
0x4: {  	s4 =	simm.s32 $0x0;
	s12 =	stileid.u32;
	s28 =	simm.s32 $0x1  }
0x5: {  	s29 =	simm.s32 $0x2;
	s30 =	simm.s32 $0x3;
	s31 =	simm.s32 $0x7000  }
0x6: {  	s3 =	sand.u32 $0x1, s3;
	[smem:$0x7FF] =	sst s4;
	s8 =	smul.u32 $0x14000, s12  }
0x7: {  	s5 =	sadd.s32 $0x1FE00, s0;
	s6 =	sadd.s32 $0x15E00, s0;
	s10 =	smul.u32 $0x50000, s12  }
0x8: {  	s19 =	sshll.u32 s12, $0x4;
	s7 =	smul.u32 $0x140000, s3;
	_ =	strace $0x8000004A  }
0x9: {  	s9 =	ssub.s32 $0x2, s3;
	p0 =	seq.s32 s3, $0x0;
	s3 =	smul.u32 $0x90, s12  }
0xa: {  	s12 =	sor.u32 $0x900, s19;
	s18 =	sshrl.u32 s9, $0x1;
	s10 =	sshrl.u32 s10, $0x2  }
0xb: {  	s8 =	sadd.s32 s8, s7;
	s11 =	ssub.s32 s9, s18;
	s9 =	sadd.s32 s10, s2  }
0xc: {  	s7 =	sadd.s32 $0x29E00, s0;
	s12 =	smov.u32 @p0 s3;
	s20 =	sadd.s32 $0x4000, s9  }
0xd: {  	s8 =	sshrl.u32 s8, $0x3;
	s21 =	sadd.s32 $0x8000, s9;
	[dreg:$0x4] =	wrdreg s20  }
0xe: {  	s22 =	sadd.s32 $0xC000, s9;
	s23 =	sshll.u32 s12, $0x4;
	[dreg:$0x5] =	wrdreg s21  }
0xf: {  	s13 =	sadd.s32 $0x10000, s9;
	s19 =	sshll.u32 s12, $0x7;
	[dreg:$0x6] =	wrdreg s22  }
0x10: {  	s26 =	smax.u32 s11, $0x1;
	s0 =	sadd.s32 s8, s0;
	[dreg:$0x7] =	wrdreg s13  }
0x11: {  	s8 =	simm.s32 $0x90;
	s24 =	sadd.s32 s5, s23;
	[dreg:$0xc] =	wrdreg s26  }
0x12: {  	s25 =	sadd.s32 s6, s23;
	s3 =	sadd.s32 s7, s23;
	[dreg:$0x8] =	wrdreg s24  }
0x13: {  	s22 =	simm.s32 $0x3000;
	s23 =	simm.s32 $0x6;
	[dreg:$0x9] =	wrdreg s25  }
0x14: {  	s26 =	simm.s32 $0x80;
	s8 =	simm.s32 @!p0 $0x10;
	[dreg:$0xa] =	wrdreg s3  }
0x15: {  	s0 =	sadd.s32 $0x33E00, s0;
	s25 =	simm.s32 $0x2000;
	s24 =	simm.s32 $0x0  }
0x16: {  	v0 =	vimm.f32 $0.0e+00;
	s10 =	sshrl.u32 s8, $0x4;
	s18 =	sshrl.u32 s8, $0x1;
	[dreg:$0xb] =	wrdreg s0  }
.LBB2_1:
0x17: {  	s3 =	simm.s32 $0x0;
	s11 =	simm.s32 $0x200  }
.LBB2_2:
0x18: {  	p0 =	sne.s32 s11, $0xFE00;
	[tilespmem:s3+$0x3070] =	vst v0  }
0x19: {  	[tilespmem:s3+$0x3000] =	vst v0  }
0x1a: {  	[tilespmem:s3+$0x3010] =	vst v0  }
.Ltmp0:
0x1b: {  	[tilespmem:s3+$0x3020] =	vst v0;
	(pc) =	sbr.rel @p0 .LBB2_2-.Ltmp0, $4  }
0x1c: {  	[tilespmem:s3+$0x3030] =	vst v0  }
0x1d: {  	[tilespmem:s3+$0x3040] =	vst v0  }
0x1e: {  	[tilespmem:s3+$0x3050] =	vst v0  }
0x1f: {  	[tilespmem:s3+$0x3060] =	vst v0;
	s3 =	sshra.s32 s11, $0x2;
	s11 =	sadd.s32 $0x200, s11  }
0x20: {  	[tilespmem:s3+$0x3070] =	vst v0  }
0x21: {  	[tilespmem:s3+$0x3000] =	vst v0  }
0x22: {  	[tilespmem:s3+$0x3010] =	vst v0  }
0x23: {  	[tilespmem:s3+$0x3020] =	vst v0  }
0x24: {  	[tilespmem:s3+$0x3030] =	vst v0  }
0x25: {  	[tilespmem:s3+$0x3040] =	vst v0  }
0x26: {  	[tilespmem:s3+$0x3050] =	vst v0  }
0x27: {  	[tilespmem:s3+$0x3060] =	vst v0  }
0x28: {  	[spmem:s9] =	stream.linear.scatter [tilespmem:s22], [sflag:$0x6], $0x4000, $0x38;
	[tilespmem:$0x1F000] =	vst v63  }
0x29: {  	_ =	swait.ge [sflag:s23], $0x4000  }
0x2a: {  	[sflag:s23] =	ssyncset.done $0x0  }
0x2b: {  	s0 =	rddreg [dreg:$0x4];
	[sflag:s23] =	ssyncadd.s32 $0xFFFFC000  }
0x2c: {  	[spmem:s0] =	stream.linear.scatter [tilespmem:s22], [sflag:$0x6], $0x4000, $0x38;
	[tilespmem:$0x1F000] =	vst v63  }
0x2d: {  	_ =	swait.ge [sflag:s23], $0x4000  }
0x2e: {  	[sflag:s23] =	ssyncset.done $0x0  }
0x2f: {  	s13 =	rddreg [dreg:$0x5];
	[sflag:s23] =	ssyncadd.s32 $0xFFFFC000  }
0x30: {  	[spmem:s13] =	stream.linear.scatter [tilespmem:s22], [sflag:$0x6], $0x4000, $0x38;
	[tilespmem:$0x1F000] =	vst v63  }
0x31: {  	_ =	swait.ge [sflag:s23], $0x4000  }
0x32: {  	[sflag:s23] =	ssyncset.done $0x0  }
0x33: {  	s14 =	rddreg [dreg:$0x6];
	[sflag:s23] =	ssyncadd.s32 $0xFFFFC000  }
0x34: {  	[spmem:s14] =	stream.linear.scatter [tilespmem:s22], [sflag:$0x6], $0x4000, $0x38;
	[tilespmem:$0x1F000] =	vst v63  }
0x35: {  	_ =	swait.ge [sflag:s23], $0x4000  }
0x36: {  	[sflag:s23] =	ssyncset.done $0x0  }
0x37: {  	s15 =	rddreg [dreg:$0x7];
	[sflag:s23] =	ssyncadd.s32 $0xFFFFC000  }
0x38: {  	[spmem:s15] =	stream.linear.scatter [tilespmem:s22], [sflag:$0x6], $0x4000, $0x38;
	[tilespmem:$0x1F000] =	vst v63  }
0x39: {  	_ =	swait.ge [sflag:s23], $0x4000  }
0x3a: {  	[sflag:s23] =	ssyncset.done $0x0  }
0x3b: {  	s16 =	rddreg [dreg:$0x8];
	[sflag:s23] =	ssyncadd.s32 $0xFFFFC000  }
0x3c: {  	[tilespmem:s24], [sflag:$0x6] =	stream.linear.gather [hbm4b:s16+s24], $0x800, $0x38;
	[tilespmem:$0x1F000] =	vst v63  }
0x3d: {  	_ =	swait.ge [sflag:s23], $0x800  }
0x3e: {  	[sflag:s23] =	ssyncset.done $0x0  }
0x3f: {  	s20 =	simm.s32 $0x1000;
	s17 =	rddreg [dreg:$0x9];
	[sflag:s23] =	ssyncadd.s32 $0xFFFFF800  }
0x40: {  	[tilespmem:s20], [sflag:$0x6] =	stream.linear.gather [hbm4b:s17+s24], $0x800, $0x38;
	[tilespmem:$0x1F000] =	vst v63  }
0x41: {  	_ =	swait.ge [sflag:s23], $0x800  }
0x42: {  	[sflag:s23] =	ssyncset.done $0x0  }
0x43: {  	s21 =	rddreg [dreg:$0xa];
	[sflag:s23] =	ssyncadd.s32 $0xFFFFF800  }
0x44: {  	[tilespmem:s25], [sflag:$0x6] =	stream.linear.gather [hbm4b:s21+s24], $0x800, $0x38;
	[tilespmem:$0x1F000] =	vst v63  }
0x45: {  	_ =	swait.ge [sflag:s23], $0x800  }
0x46: {  	[sflag:s23] =	ssyncset.done $0x0  }
0x47: {  	[sflag:s23] =	ssyncadd.s32 $0xFFFFF800  }
0x48: {  	[tilespmem:s22], [sflag:$0x1] =	stream.indirect.gather [hbm4b:s1+s26], $0x80, s24, s26, $0xb8;
	[tilespmem:$0x1F000] =	vst v63  }
0x49: {  	s3 =	simm.s32 $0x0;
	[bflag:$0x0] =	sbarrier.arrive $0xFFFF  }
.LBB2_4:
0x4a: {  	s13 =	sshll.u32 s3, $0x1;
	p0 =	sne.s32 s3, $0x0;
	s12 =	simm.s32 $0x1  }
0x4b: {  	s12 =	simm.s32 @!p0 $0x0;
	s11 =	sshra.s32 s13, $0x1F  }
0x4c: {  	s15 =	sand.u32 $0xE, s13;
	s12 =	sadd.s32 s12, s11  }
0x4d: {  	p0 =	sne.s32 s15, $0x0;
	p1 =	sne.s32 s12, $0x1  }
0x4e: {  	p1 =	por !p0, !p1  }
0x4f: {  	s14 =	simm.s32 $0x1;
	p1 =	por !p1, !p1  }
0x50: {  	s12 =	sshrl.u32 s3, $0x3;
	s14 =	simm.s32 @!p1 $0x0  }
0x51: {  	s16 =	ssub.s32 s12, s14  }
0x52: {  	_ =	swait.ge [sflag:s28], $0x4000;
	s14 =	sadd.s32 $0x1, s16  }
0x53: {  	[sflag:s28] =	ssyncset.done $0x0;
	p1 =	seq.s32 s3, $0x0;
	p2 =	sge.s32 @!p0 s14, s10  }
0x54: {  	[sflag:s28] =	ssyncadd.s32 $0xFFFFC000;
	s17 =	simm.s32 @!p1 $0x4;
	p0 =	por p2, p0  }
0x55: {  	_ =	swait.ge @!p1 [sflag:s17], $0x4000;
	s14 =	sshll.u32 @!p0 s14, $0xB  }
0x56: {  	[sflag:s17] =	ssyncset.done @!p1 $0x0;
	s20 =	sadd.s32 @!p0 s19, s14  }
0x57: {  	[sflag:s17] =	ssyncadd.s32 @!p1 $0xFFFFC000;
	s17 =	sshrl.u32 @!p0 s20, $0x3  }
0x58: {  	s21 =	simm.s32 @!p0 $0x0;
	s14 =	sand.u32 @!p0 $0x800, s14;
	s20 =	sadd.s32 @!p0 s5, s17  }
0x59: {  	[tilespmem:s14], [sflag:$0x5] =	stream.linear.gather @!p0 [hbm4b:s20+s21], $0x800, $0x38;
	[tilespmem:$0x1F000] =	vst v63  }
0x5a: {  	s0 =	sadd.s32 @!p0 s6, s17;
	s20 =	sor.u32 @!p0 $0x1000, s14  }
0x5b: {  	[tilespmem:s20], [sflag:$0x5] =	stream.linear.gather @!p0 [hbm4b:s0+s21], $0x800, $0x38;
	[tilespmem:$0x1F000] =	vst v63  }
0x5c: {  	s16 =	sand.u32 $0x1, s16;
	s0 =	sor.u32 @!p0 $0x2000, s14;
	s14 =	sadd.s32 @!p0 s7, s17  }
0x5d: {  	[tilespmem:s0], [sflag:$0x5] =	stream.linear.gather @!p0 [hbm4b:s14+s21], $0x800, $0x38;
	[tilespmem:$0x1F000] =	vst v63  }
0x5e: {  	s15 =	sshll.u32 s15, $0x7;
	s20 =	sshll.u32 s16, $0xB;
	s14 =	sor.u32 $0x1, s13  }
0x5f: {  	v2 =	vmov s24;
	s15 =	sor.u32 s15, s20;
	p0 =	sge.u32 s14, s8  }
0x60: {  	v2 =	vand.u32 $0x7E, v2;
	v1 =	vmov s15;
	s0 =	sand.u32 @!p0 $0x1, s12  }
0x61: {  	v2 =	vor.u32 v1, v2;
	p1 =	seq.s32 @!p0 s11, $0xFFFFFFFF;
	p2 =	seq.s32 @!p0 s0, $0x1  }
0x62: {  	v4 =	vbroadcast v2, $0x0;
	p1 =	por !p1, p0;
	p3 =	por @!p0 !p2, !p2  }
0x63: {  	p2 =	por @!p1 p3, p3  }
0x64: {  	s16 =	sshll.u32 @!p0 s14, $0x7;
	s0 =	simm.s32 @!p0 $0x800;
	p1 =	por !p2, p0  }
0x65: {  	s16 =	sand.u32 @!p0 $0x780, s16;
	s0 =	simm.s32 @p1 $0x0  }
0x66: {  	s17 =	simm.s32 @!p0 $0x7000;
	s0 =	sor.u32 @!p0 s16, s0;
	s16 =	simm.s32 @!p0 $0x80  }
0x67: {  	[tilespmem:s17], [sflag:$0x2] =	stream.indirect.gather @!p0 [hbm4b:s1+s16], $0x80, s0, s16, $0xb8;
	[tilespmem:$0x1F000] =	vst v63  }
0x68: {  	s16 =	simm.s32 $0x3080;
	v4 =	vld.idx.msk [tilespmem:v4+s25+$0x0], $0xffff  }
0x69: {  	v5 =	vld [tilespmem:s16+$0xFFFFFF80]  }
0x6a: {  	v6 =	vld [tilespmem:s16+$0xFFFFFFF0]  }
0x6b: {  	v7 =	vld [tilespmem:s16+$0xFFFFFFD0]  }
0x6c: {  	v8 =	vld [tilespmem:s16+$0xFFFFFFA0]  }
0x6d: {  	v9 =	vld [tilespmem:s16+$0xFFFFFFB0]  }
0x6e: {  	s21 =	simm.s32 $0x1;
	v11 =	vld [tilespmem:s16+$0xFFFFFF90];
	v5 =	vmul.f32 v5, v4  }
0x6f: {  	v12 =	vmov s21;
	v10 =	vld [tilespmem:s16+$0xFFFFFFE0];
	v6 =	vmul.f32 v6, v4  }
0x70: {  	v13 =	vld [tilespmem:s16+$0xFFFFFFC0];
	v7 =	vmul.f32 v7, v4;
	[tilespmem:s16+$0xFFFFFF80] =	vst v5;
	v5 =	vand.u32 $0x7F, v12  }
0x71: {  	v8 =	vmul.f32 v8, v4;
	[tilespmem:s16+$0xFFFFFFF0] =	vst v6;
	v5 =	vor.u32 v1, v5  }
0x72: {  	v6 =	vmul.f32 v9, v4;
	[tilespmem:s16+$0xFFFFFFD0] =	vst v7;
	v7 =	vbroadcast v5, $0x0  }
0x73: {  	[tilespmem:s16+$0xFFFFFFA0] =	vst v8;
	v8 =	vmul.f32 v11, v4  }
0x74: {  	v2 =	vld [tilespmem:s16+$0x0];
	v5 =	vmul.f32 v10, v4;
	[tilespmem:s16+$0xFFFFFFB0] =	vst v6  }
0x75: {  	v3 =	vld [tilespmem:s16+$0x10];
	v4 =	vmul.f32 v13, v4;
	[tilespmem:s16+$0xFFFFFF90] =	vst v8  }
0x76: {  	v6 =	vld [tilespmem:s16+$0x20];
	[tilespmem:s16+$0xFFFFFFE0] =	vst v5  }
0x77: {  	[tilespmem:s16+$0xFFFFFFC0] =	vst v4;
	v5 =	vld [tilespmem:s16+$0x50]  }
0x78: {  	s20 =	simm.s32 $0x3080;
	s17 =	simm.s32 $0x2;
	v4 =	vld.idx.msk [tilespmem:v7+s25+$0x0], $0xffff  }
.LBB2_5:
0x79: {  	p0 =	sne.s32 s17, $0x7E  }
0x7a: {  	v7 =	vld [tilespmem:s16+$0x70];
	s20 =	sadd.s32 $0x100, s20;
	s0 =	smov.u32 s17;
	s17 =	sadd.s32 $0x2, s17  }
0x7b: {  	v8 =	vld [tilespmem:s16+$0x30]  }
0x7c: {  	v9 =	vld [tilespmem:s16+$0x40]  }
0x7d: {  	v10 =	vld [tilespmem:s16+$0x60];
	_ =	sdelay $0x1  }
0x7e: {  	v2 =	vmul.f32 v2, v4;
	v3 =	vmul.f32 v3, v4  }
0x7f: {  	v11 =	vmov s0;
	v6 =	vmul.f32 v6, v4;
	v8 =	vmul.f32 v8, v4  }
0x80: {  	v11 =	vand.u32 $0x7E, v11;
	v5 =	vmul.f32 v5, v4;
	[tilespmem:s16+$0x0] =	vst v2;
	v9 =	vmul.f32 v9, v4  }
0x81: {  	v11 =	vor.u32 v1, v11;
	v2 =	vld [tilespmem:s20+$0x0];
	[tilespmem:s16+$0x20] =	vst v6;
	v6 =	vmul.f32 v10, v4;
	v4 =	vmul.f32 v7, v4  }
0x82: {  	v7 =	vbroadcast v11, $0x0;
	[tilespmem:s16+$0x10] =	vst v3  }
0x83: {  	v3 =	vld [tilespmem:s20+$0x10];
	[tilespmem:s16+$0x50] =	vst v5  }
0x84: {  	v5 =	vld [tilespmem:s20+$0xFFFFFFE0];
	[tilespmem:s16+$0x70] =	vst v4  }
0x85: {  	v4 =	vld [tilespmem:s20+$0xFFFFFFB0];
	[tilespmem:s16+$0x30] =	vst v8  }
0x86: {  	v8 =	vld [tilespmem:s20+$0xFFFFFFD0];
	[tilespmem:s16+$0x60] =	vst v6  }
0x87: {  	v6 =	vld [tilespmem:s20+$0xFFFFFFF0];
	[tilespmem:s16+$0x40] =	vst v9;
	s16 =	smov.u32 s20  }
0x88: {  	v7 =	vld.idx.msk [tilespmem:v7+s25+$0x0], $0xffff  }
0x89: {  	v9 =	vld [tilespmem:s20+$0xFFFFFF80]  }
0x8a: {  	v10 =	vld [tilespmem:s20+$0xFFFFFFA0]  }
0x8b: {  	v11 =	vld [tilespmem:s20+$0xFFFFFF90]  }
0x8c: {  	v12 =	vld [tilespmem:s20+$0xFFFFFFC0];
	_ =	sdelay $0x1  }
0x8d: {  	s0 =	sadd.s32 $0x1, s0;
	v6 =	vmul.f32 v6, v7;
	v9 =	vmul.f32 v9, v7  }
0x8e: {  	v13 =	vmov s0;
	v8 =	vmul.f32 v8, v7;
	v10 =	vmul.f32 v10, v7  }
0x8f: {  	v4 =	vmul.f32 v4, v7;
	[tilespmem:s20+$0xFFFFFF80] =	vst v9;
	v9 =	vmul.f32 v11, v7;
	v11 =	vand.u32 $0x7F, v13  }
0x90: {  	v5 =	vmul.f32 v5, v7;
	v12 =	vmul.f32 v12, v7;
	[tilespmem:s20+$0xFFFFFFF0] =	vst v6;
	v6 =	vor.u32 v1, v11  }
0x91: {  	[tilespmem:s20+$0xFFFFFFD0] =	vst v8;
	v7 =	vbroadcast v6, $0x0  }
0x92: {  	[tilespmem:s20+$0xFFFFFFA0] =	vst v10  }
.Ltmp1:
0x93: {  	[tilespmem:s20+$0xFFFFFFB0] =	vst v4;
	(pc) =	sbr.rel @p0 .LBB2_5-.Ltmp1, $4  }
0x94: {  	[tilespmem:s20+$0xFFFFFFE0] =	vst v5  }
0x95: {  	[tilespmem:s20+$0xFFFFFF90] =	vst v9;
	v6 =	vld [tilespmem:s20+$0x20]  }
0x96: {  	[tilespmem:s20+$0xFFFFFFC0] =	vst v12;
	v5 =	vld [tilespmem:s20+$0x50]  }
0x97: {  	v4 =	vld.idx.msk [tilespmem:v7+s25+$0x0], $0xffff  }
0x98: {  	_ =	sdelay $0x1  }
0x99: {  	v1 =	vld [tilespmem:s16+$0x70];
	_ =	sdelay $0x1  }
0x9a: {  	v7 =	vld [tilespmem:s16+$0x30];
	v2 =	vmul.f32 v2, v4  }
0x9b: {  	v9 =	vld [tilespmem:s16+$0x40];
	v6 =	vmul.f32 v6, v4  }
0x9c: {  	v8 =	vld [tilespmem:s16+$0x60];
	v3 =	vmul.f32 v3, v4;
	[tilespmem:s16+$0x0] =	vst v2  }
0x9d: {  	v1 =	vmul.f32 v1, v4;
	[tilespmem:s16+$0x20] =	vst v6  }
0x9e: {  	v2 =	vmul.f32 v5, v4;
	[tilespmem:s16+$0x10] =	vst v3  }
0x9f: {  	v3 =	vmul.f32 v7, v4;
	[tilespmem:s16+$0x70] =	vst v1  }
0xa0: {  	v1 =	vmul.f32 v9, v4;
	[tilespmem:s16+$0x50] =	vst v2  }
0xa1: {  	v2 =	vmul.f32 v8, v4;
	[tilespmem:s16+$0x30] =	vst v3  }
0xa2: {  	[tilespmem:s16+$0x40] =	vst v1  }
0xa3: {  	s0 =	sor.u32 $0x1000, s15;
	[tilespmem:s16+$0x60] =	vst v2  }
0xa4: {  	[spmem:s2] =	stream.indirect.scatter.add.f32 [tilespmem:s22], [sflag:$0x3], $0x80, s0, s26, $0xb8;
	[tilespmem:$0x1F000] =	vst v63  }
0xa5: {  	s0 =	sadd.s32 $0x2, s13;
	_ =	swait.ge [sflag:s29], $0x4000  }
0xa6: {  	p1 =	sge.u32 s0, s8;
	[sflag:s29] =	ssyncset.done $0x0  }
0xa7: {  	s13 =	sand.u32 @!p1 $0xE, s0;
	[sflag:s29] =	ssyncadd.s32 $0xFFFFC000  }
0xa8: {  	p0 =	sne.s32 @!p1 s13, $0x0;
	_ =	swait.ge [sflag:s30], $0x4000  }
0xa9: {  	p2 =	por p0, p1;
	[sflag:s30] =	ssyncset.done $0x0  }
0xaa: {  	s15 =	simm.s32 @!p2 $0x5;
	[sflag:s30] =	ssyncadd.s32 $0xFFFFC000  }
0xab: {  	s12 =	sand.u32 $0x1, s12;
	p4 =	seq.s32 s11, $0xFFFFFFFF;
	_ =	swait.ge @!p2 [sflag:s15], $0x800  }
0xac: {  	s11 =	simm.s32 $0x1;
	p3 =	seq.s32 s12, $0x1;
	[sflag:s15] =	ssyncset.done @!p2 $0x0  }
0xad: {  	s17 =	sand.u32 $0xF, s14;
	p0 =	por !p3, !p3;
	[sflag:s15] =	ssyncadd.s32 @!p2 $0xFFFFF800  }
0xae: {  	s21 =	simm.s32 $0x0;
	p0 =	por @!p4 p3, p3;
	_ =	swait.ge @!p2 [sflag:s15], $0x800  }
0xaf: {  	s0 =	sshll.u32 @!p1 s0, $0x7;
	s11 =	simm.s32 @!p0 $0x0;
	[sflag:s15] =	ssyncset.done @!p2 $0x0  }
0xb0: {  	s20 =	sshll.u32 s11, $0xB;
	s11 =	sshll.u32 s17, $0x7;
	[sflag:s15] =	ssyncadd.s32 @!p2 $0xFFFFF800  }
0xb1: {  	v2 =	vmov s21;
	s0 =	sand.u32 @!p1 $0x800, s0;
	s14 =	sor.u32 s11, s20;
	_ =	swait.ge @!p2 [sflag:s15], $0x800  }
0xb2: {  	v2 =	vand.u32 $0x7E, v2;
	s12 =	sshll.u32 @!p1 s13, $0x7;
	s13 =	simm.s32 @!p1 $0x3000;
	v1 =	vmov s14;
	[sflag:s15] =	ssyncset.done @!p2 $0x0  }
0xb3: {  	s0 =	sor.u32 @!p1 s12, s0;
	s12 =	simm.s32 @!p1 $0x80;
	v2 =	vor.u32 v1, v2;
	[sflag:s15] =	ssyncadd.s32 @!p2 $0xFFFFF800  }
0xb4: {  	v2 =	vbroadcast v2, $0x0;
	[tilespmem:s13], [sflag:$0x1] =	stream.indirect.gather @!p1 [hbm4b:s1+s12], $0x80, s0, s12, $0xb8;
	[tilespmem:$0x1F000] =	vst v63  }
0xb5: {  	s12 =	simm.s32 $0x0  }
0xb6: {  	v6 =	vld [tilespmem:s12+$0x7060]  }
0xb7: {  	v3 =	vld [tilespmem:s12+$0x7050]  }
0xb8: {  	v4 =	vld [tilespmem:s12+$0x7040]  }
0xb9: {  	v5 =	vld [tilespmem:s12+$0x7000]  }
0xba: {  	v8 =	vld.idx.msk [tilespmem:v2+s25+$0x0], $0xffff  }
0xbb: {  	v7 =	vld [tilespmem:s12+$0x7010]  }
0xbc: {  	v9 =	vld [tilespmem:s12+$0x7020]  }
0xbd: {  	v10 =	vld [tilespmem:s12+$0x7030]  }
0xbe: {  	v11 =	vld [tilespmem:s12+$0x7070];
	_ =	sdelay $0x1  }
0xbf: {  	s13 =	simm.s32 $0x1;
	v2 =	vmul.f32 v5, v8;
	v7 =	vmul.f32 v7, v8  }
0xc0: {  	v12 =	vmov s13;
	v5 =	vmul.f32 v9, v8;
	v9 =	vmul.f32 v4, v8  }
0xc1: {  	v4 =	vmul.f32 v10, v8;
	v3 =	vmul.f32 v3, v8;
	v10 =	vand.u32 $0x7F, v12;
	[tilespmem:s12+$0x7010] =	vst v7  }
0xc2: {  	s14 =	simm.s32 $0x400;
	[tilespmem:s12+$0x7040] =	vst v9;
	v7 =	vmul.f32 v6, v8;
	v6 =	vmul.f32 v11, v8;
	v8 =	vor.u32 v1, v10  }
.LBB2_7:
0xc3: {  	p1 =	sne.s32 s14, $0xFC00  }
0xc4: {  	[tilespmem:s12+$0x7020] =	vst v5;
	v5 =	vbroadcast v8, $0x0;
	s13 =	sadd.s32 $0x2, s13;
	s0 =	smov.u32 s14;
	s14 =	sadd.s32 $0x400, s14  }
0xc5: {  	[tilespmem:s12+$0x7060] =	vst v7  }
0xc6: {  	[tilespmem:s12+$0x7070] =	vst v6;
	v6 =	vld [tilespmem:s12+$0x70E0]  }
0xc7: {  	[tilespmem:s12+$0x7000] =	vst v2;
	v2 =	vld [tilespmem:s12+$0x70C0]  }
0xc8: {  	[tilespmem:s12+$0x7030] =	vst v4;
	v4 =	vld [tilespmem:s12+$0x70D0]  }
0xc9: {  	s15 =	sadd.s32 $0xFFFFFFFF, s13;
	[tilespmem:s12+$0x7050] =	vst v3;
	v3 =	vld [tilespmem:s12+$0x70F0]  }
0xca: {  	v7 =	vmov s15;
	v5 =	vld.idx.msk [tilespmem:v5+s25+$0x0], $0xffff  }
0xcb: {  	v7 =	vand.u32 $0x7E, v7;
	v8 =	vld [tilespmem:s12+$0x7080]  }
0xcc: {  	v7 =	vor.u32 v1, v7;
	v9 =	vld [tilespmem:s12+$0x70A0]  }
0xcd: {  	v7 =	vbroadcast v7, $0x0;
	v10 =	vld [tilespmem:s12+$0x7090]  }
0xce: {  	v11 =	vld [tilespmem:s12+$0x70B0];
	_ =	sdelay $0x1  }
0xcf: {  	v3 =	vmul.f32 v3, v5;
	v8 =	vmul.f32 v8, v5  }
0xd0: {  	v4 =	vmul.f32 v4, v5;
	v9 =	vmul.f32 v9, v5  }
0xd1: {  	v2 =	vmul.f32 v2, v5;
	v10 =	vmul.f32 v10, v5;
	[tilespmem:s12+$0x70F0] =	vst v3  }
0xd2: {  	s0 =	sshra.s32 s0, $0x2;
	[tilespmem:s12+$0x7080] =	vst v8;
	v3 =	vmul.f32 v11, v5;
	v5 =	vmul.f32 v6, v5  }
0xd3: {  	v6 =	vld [tilespmem:s0+$0x7060];
	[tilespmem:s12+$0x70D0] =	vst v4  }
0xd4: {  	[tilespmem:s12+$0x70C0] =	vst v2  }
0xd5: {  	[tilespmem:s12+$0x70E0] =	vst v5  }
0xd6: {  	v8 =	vld [tilespmem:s0+$0x7050];
	[tilespmem:s12+$0x70A0] =	vst v9  }
0xd7: {  	v4 =	vld [tilespmem:s0+$0x7040];
	[tilespmem:s12+$0x70B0] =	vst v3  }
0xd8: {  	v2 =	vld [tilespmem:s0+$0x7000];
	[tilespmem:s12+$0x7090] =	vst v10;
	s12 =	smov.u32 s0  }
0xd9: {  	v9 =	vld.idx.msk [tilespmem:v7+s25+$0x0], $0xffff  }
0xda: {  	v3 =	vld [tilespmem:s12+$0x7010]  }
0xdb: {  	v5 =	vld [tilespmem:s12+$0x7020]  }
0xdc: {  	v7 =	vld [tilespmem:s12+$0x7030]  }
0xdd: {  	v10 =	vld [tilespmem:s12+$0x7070]  }
.Ltmp2:
0xde: {  	(pc) =	sbr.rel @p1 .LBB2_7-.Ltmp2, $4  }
0xdf: {  	v2 =	vmul.f32 v2, v9;
	v3 =	vmul.f32 v3, v9  }
0xe0: {  	v12 =	vmov s13;
	v11 =	vmul.f32 v4, v9;
	v5 =	vmul.f32 v5, v9  }
0xe1: {  	[tilespmem:s12+$0x7010] =	vst v3;
	v4 =	vmul.f32 v7, v9;
	v3 =	vmul.f32 v8, v9;
	v8 =	vand.u32 $0x7F, v12  }
0xe2: {  	v7 =	vmul.f32 v6, v9;
	[tilespmem:s12+$0x7040] =	vst v11;
	v6 =	vmul.f32 v10, v9;
	v8 =	vor.u32 v1, v8  }
0xe3: {  	[tilespmem:s12+$0x7020] =	vst v5;
	v59 =	vbroadcast v8, $0x0  }
0xe4: {  	[tilespmem:s12+$0x7000] =	vst v2  }
0xe5: {  	[tilespmem:s12+$0x7030] =	vst v4  }
0xe6: {  	[tilespmem:s12+$0x7050] =	vst v3  }
0xe7: {  	[tilespmem:s12+$0x7060] =	vst v7  }
0xe8: {  	v3 =	vld [tilespmem:s12+$0x70F0];
	[tilespmem:s12+$0x7070] =	vst v6  }
0xe9: {  	v5 =	vld.idx.msk [tilespmem:v59+s25+$0x0], $0xffff  }
0xea: {  	v61 =	vld [tilespmem:s12+$0x7080]  }
0xeb: {  	v60 =	vld [tilespmem:s12+$0x70D0]  }
0xec: {  	v2 =	vld [tilespmem:s12+$0x70C0]  }
0xed: {  	v1 =	vld [tilespmem:s12+$0x70E0]  }
0xee: {  	v62 =	vld [tilespmem:s12+$0x70A0];
	v3 =	vmul.f32 v3, v5  }
0xef: {  	v9 =	vld [tilespmem:s12+$0x70B0];
	v6 =	vmul.f32 v61, v5  }
0xf0: {  	v63 =	vld [tilespmem:s12+$0x7090];
	v4 =	vmul.f32 v60, v5;
	[tilespmem:s12+$0x70F0] =	vst v3  }
0xf1: {  	v2 =	vmul.f32 v2, v5;
	[tilespmem:s12+$0x7080] =	vst v6  }
0xf2: {  	s0 =	simm.s32 $0x800;
	s3 =	sadd.s32 $0x1, s3;
	v1 =	vmul.f32 v1, v5;
	[tilespmem:s12+$0x70D0] =	vst v4  }
0xf3: {  	s0 =	simm.s32 @!p0 $0x0;
	p0 =	sne.s32 s3, s18;
	v3 =	vmul.f32 v62, v5;
	[tilespmem:s12+$0x70C0] =	vst v2  }
.Ltmp3:
0xf4: {  	v2 =	vmul.f32 v9, v5;
	[tilespmem:s12+$0x70E0] =	vst v1;
	(pc) =	sbr.rel @p0 .LBB2_4-.Ltmp3, $4  }
0xf5: {  	v1 =	vmul.f32 v63, v5;
	[tilespmem:s12+$0x70A0] =	vst v3  }
0xf6: {  	s0 =	sor.u32 s11, s0;
	[tilespmem:s12+$0x70B0] =	vst v2  }
0xf7: {  	s0 =	sor.u32 $0x1000, s0;
	[tilespmem:s12+$0x7090] =	vst v1  }
0xf8: {  	[spmem:s2] =	stream.indirect.scatter.add.f32 [tilespmem:s31], [sflag:$0x4], $0x80, s0, s26, $0xb8;
	[tilespmem:$0x1F000] =	vst v63  }
0xf9: {  	s0 =	simm.s32 $0x4  }
0xfa: {  	_ =	swait.ge [sflag:s0], $0x4000  }
0xfb: {  	[sflag:s0] =	ssyncset.done $0x0  }
0xfc: {  	s20 =	stileid.u32;
	[sflag:s0] =	ssyncadd.s32 $0xFFFFC000  }
0xfd: {  	s0 =	sshll.u32 s20, $0x6;
	[bflag:$0x0] =	sbarrier.arrive $0xFFFF  }
0xfe: {  	s3 =	sshrl.u32 s9, $0x3;
	s0 =	sor.u32 $0x1C06, s0;
	s11 =	rddreg [dreg:$0xb]  }
0xff: {  	[hbm:s11], [sflag:s0] =	dma.local [spmem:s3], $0x2800  }
0x100: {  	_ =	swait.ge [sflag:s23], $0x2800  }
0x101: {  	s4 =	sadd.s32 $0x1, s4;
	s21 =	rddreg [dreg:$0xc]  }
0x102: {  	p0 =	sne.s32 s4, s21  }
.Ltmp4:
0x103: {  	_ = 	snop;
	(pc) =	sbr.rel @p0 .LBB2_1-.Ltmp4, $3  }
0x104: {  	_ =	sdelay $0x1  }
0x105: {  	[sflag:s23] =	ssyncset.done $0x0  }
0x106: {  	[sflag:s23] =	ssyncadd.s32 $0xFFFFD800  }
0x107: {  	_ =	sfence.sel $0x180000  }
0x108: {  	[bflag:$0x0] =	sbarrier.arrive $0xFFFF  }
0x109: {  	_ =	strace $0x9000004A  }
0x10a: {  	s0 =	stileid.u32;
	[bflag:$0x2] =	sbarrier.arrive $0xFFFF  }
0x10b: {  	p0 =	sne.s32 s0, $0x0;
	s0 =	rddreg [dreg:$0x3]  }
0x10c: {  	s0 =	sadd.s32 @!p0 $0x100000, s0  }
0x10d: {  	[sflag:s0] =	ssyncadd.tile.s32 @!p0 $0x1;
	_ =	shalt  }
.Lfunc_end2:
_tile_overlayer_lowered:
.L_overlay_start_2:
0x10e: {  	(tag) =	ssettag $0x2  }
0x10f: {  	s0 =	rddreg [dreg:$0x0];
	s2 =	stileid.u32  }
0x110: {  	s1 =	rddreg [dreg:$0x1];
	p0 =	sne.s32 s2, $0x0  }
0x111: {  	s3 =	rddreg [dreg:$0x2];
	[bflag:$0x3] =	sbarrier.arrive $0xFFFF;
	s2 =	simm.s32 @!p0 $0x1C06  }
0x112: {  	[timem:s3], [sflag:s2] =	dma.local @!p0 [hbm:s0], s1  }
0x113: {  	s0 =	simm.s32 @!p0 $0x6  }
0x114: {  	_ =	swait.ge @!p0 [sflag:s0], s1  }
0x115: {  	s1 =	ssub.s32 @!p0 $0x0, s1;
	[sflag:s0] =	ssyncset.done @!p0 $0x0  }
0x116: {  	[sflag:s0] =	ssyncadd.s32 @!p0 s1  }
0x117: {  	[bflag:$0x3] =	sbarrier.arrive $0xFFFF  }
0x118: {  	_ =	shalt  }

</sc_bundles>
